<compile_context>
chip_gen: v7x
topology: tpu7x:2x2x1
jax: 0.10.2.dev20260603
libtpu: 0.0.44.dev20260713+nightly
codegen_flags: <defaults>
</compile_context>

<pallas_src>
import functools

import jax
import jax.numpy as jnp
from jax import lax
from jax.experimental import pallas as pl
from jax.experimental.pallas import tpu as pltpu
from jax.experimental.pallas import tpu_sc as plsc

_E = 8
_K = 2
_T = 2048
_D = 1024
_F = 512
_BLK = 256
_NT = (_T * _K) // _BLK + _E - 1
_NPAD = 6144
_NC, _NS = 2, 16
_NW = _NC * _NS
_GCH = 32
_CCH = 32


def _cumsum0(a, n):
    k = 1
    while k < n:
        a = a + jnp.concatenate(
            [jnp.zeros((k, a.shape[1]), a.dtype), a[:-k]], axis=0)
        k *= 2
    return a


def _bf16_bits(xf):
    u = lax.bitcast_convert_type(xf, jnp.int32)
    return u + 0x7FFF + jnp.bitwise_and(lax.shift_right_logical(u, 16), 1)


def _gate_body(x_ref, wg_ref, dst1_ref, dst2_ref, s1_ref, s2_ref, sched_ref,
               xb_ref):
    x = x_ref[...]
    rl = _bf16_bits(x[:, :_D // 2])
    rh = _bf16_bits(x[:, _D // 2:])
    xb_ref[...] = jnp.bitwise_or(
        jnp.bitwise_and(rh, jnp.int32(-65536)),
        jnp.bitwise_and(lax.shift_right_logical(rl, 16), 0xFFFF))
    logits = lax.dot_general(x, wg_ref[...], (((1,), (1,)), ((), ())),
                             preferred_element_type=jnp.float32)
    cols = lax.broadcasted_iota(jnp.int32, logits.shape, 1)
    m1 = jnp.max(logits, axis=1, keepdims=True)
    i1 = jnp.min(jnp.where(logits == m1, cols, _E), axis=1, keepdims=True)
    oh1 = (cols == i1).astype(jnp.float32)
    rest = jnp.where(cols == i1, -jnp.inf, logits)
    m2 = jnp.max(rest, axis=1, keepdims=True)
    i2 = jnp.min(jnp.where(rest == m2, cols, _E), axis=1, keepdims=True)
    oh2 = (cols == i2).astype(jnp.float32)
    s1 = 1.0 / (1.0 + jnp.exp(m2 - m1))

    c0 = _cumsum0(oh1, _T)
    tot0 = c0[_T - 1:_T, :]
    c1 = _cumsum0(oh2, _T)
    tot1 = c1[_T - 1:_T, :]
    rank1 = jnp.sum((c0 - oh1) * oh1, axis=1, keepdims=True)
    rank2 = jnp.sum((c1 - oh2 + tot0) * oh2, axis=1, keepdims=True)
    cnt = tot0 + tot1
    cap = jnp.floor((cnt + (_BLK - 1)) / _BLK) * _BLK
    ei = lax.broadcasted_iota(jnp.int32, (_E, _E), 0)
    ej = lax.broadcasted_iota(jnp.int32, (_E, _E), 1)
    ltm = (ei < ej).astype(jnp.float32)
    off = lax.dot_general(cap, ltm, (((1,), (0,)), ((), ())),
                          preferred_element_type=jnp.float32)
    dst1_ref[...] = (jnp.sum(off * oh1, axis=1, keepdims=True)
                     + rank1).astype(jnp.int32)
    dst2_ref[...] = (jnp.sum(off * oh2, axis=1, keepdims=True)
                     + rank2).astype(jnp.int32)
    s1_ref[...] = s1
    s2_ref[...] = 1.0 - s1
    tiles = cap * (1.0 / _BLK)
    cum = lax.dot_general(tiles, (ei <= ej).astype(jnp.float32),
                          (((1,), (0,)), ((), ())),
                          preferred_element_type=jnp.float32)
    at = jnp.sum(tiles, axis=1, keepdims=True).astype(jnp.int32)
    jr = lax.broadcasted_iota(jnp.int32, (1, _NT), 1)
    jcl = jnp.minimum(jr, at - 1)
    exps = jnp.zeros((1, _NT), jnp.int32)
    for e in range(_E):
        exps = exps + (cum[:, e:e + 1].astype(jnp.int32) <= jcl)
    sched_ref[0:1, :] = jcl
    sched_ref[1:2, :] = exps
    sched_ref[2:3, :] = (jr < at).astype(jnp.int32)


def _gate_call(x, w_gate):
    return pl.pallas_call(
        _gate_body,
        out_shape=(
            jax.ShapeDtypeStruct((_T, 1), jnp.int32),
            jax.ShapeDtypeStruct((_T, 1), jnp.int32),
            jax.ShapeDtypeStruct((_T, 1), jnp.float32),
            jax.ShapeDtypeStruct((_T, 1), jnp.float32),
            jax.ShapeDtypeStruct((3, _NT), jnp.int32),
            jax.ShapeDtypeStruct((_T, _D // 2), jnp.int32),
        ),
    )(x, w_gate)


def _mesh():
    return plsc.VectorSubcoreMesh(core_axis_name="c", subcore_axis_name="s",
                                  num_cores=_NC, num_subcores=_NS)


@functools.cache
def _dispatch_call():
    return functools.partial(
        pl.kernel,
        out_type=(jax.ShapeDtypeStruct((_NPAD, _D // 2), jnp.int32),
                  jax.ShapeDtypeStruct((_NPAD,), jnp.float32)),
        mesh=_mesh(),
        scratch_types=[
            pltpu.VMEM((_NPAD,), jnp.int32),
            pltpu.VMEM((_NPAD,), jnp.float32),
            pltpu.VMEM((_T,), jnp.int32),
            pltpu.VMEM((_T,), jnp.int32),
            pltpu.VMEM((_T,), jnp.float32),
            pltpu.VMEM((_T,), jnp.float32),
            pltpu.VMEM((_GCH, _D // 2), jnp.int32),
            pltpu.VMEM((_GCH, _D // 2), jnp.int32),
            pltpu.SemaphoreType.DMA,
            pltpu.SemaphoreType.DMA,
        ],
        compiler_params=pltpu.CompilerParams(needs_layout_passes=False),
    )(_dispatch)


def _dispatch(xb_hbm, dst1_hbm, dst2_hbm, s1_hbm, s2_hbm, xs_hbm, ws_hbm,
              tok_loc, w_loc, dst1_loc, dst2_loc, s1_loc, s2_loc,
              rows0, rows1, sem0, sem1):
    wid = lax.axis_index("s") * _NC + lax.axis_index("c")
    pltpu.sync_copy(dst1_hbm, dst1_loc)
    pltpu.sync_copy(dst2_hbm, dst2_loc)
    pltpu.sync_copy(s1_hbm, s1_loc)
    pltpu.sync_copy(s2_hbm, s2_loc)

    def _zero(i, _):
        tok_loc[pl.ds(i * 16, 16)] = jnp.bitwise_and(
            lax.iota(jnp.int32, 16) + i * 16, _T - 1)
        w_loc[pl.ds(i * 16, 16)] = jnp.zeros((16,), jnp.float32)
        return ()
    lax.fori_loop(0, _NPAD // 16, _zero, (), unroll=4)

    def _scatter1(i, _):
        sl = pl.ds(i * 16, 16)
        tv = lax.iota(jnp.int32, 16) + i * 16
        plsc.store_scatter(tok_loc, [dst1_loc[sl]], tv)
        plsc.store_scatter(w_loc, [dst1_loc[sl]], s1_loc[sl])
        return ()
    lax.fori_loop(0, _T // 16, _scatter1, (), unroll=4)

    def _scatter2(i, _):
        sl = pl.ds(i * 16, 16)
        tv = lax.iota(jnp.int32, 16) + i * 16
        plsc.store_scatter(tok_loc, [dst2_loc[sl]], tv)
        plsc.store_scatter(w_loc, [dst2_loc[sl]], s2_loc[sl])
        return ()
    lax.fori_loop(0, _T // 16, _scatter2, (), unroll=4)

    span = _NPAD // _NW
    base = wid * span
    pltpu.sync_copy(w_loc.at[pl.ds(base, span)],
                    ws_hbm.at[pl.ds(base, span)])

    nch = span // _GCH
    rows = (rows0, rows1)
    sems = (sem0, sem1)
    cps = [None, None]
    cps[0] = pltpu.async_copy(
        xb_hbm.at[tok_loc.at[pl.ds(base, _GCH)]], rows0, sem0)
    for c in range(nch):
        if c + 1 < nch:
            cps[(c + 1) % 2] = pltpu.async_copy(
                xb_hbm.at[tok_loc.at[pl.ds(base + (c + 1) * _GCH, _GCH)]],
                rows[(c + 1) % 2], sems[(c + 1) % 2])
        cps[c % 2].wait()
        pltpu.sync_copy(rows[c % 2],
                        xs_hbm.at[pl.ds(base + c * _GCH, _GCH)])


def _ffn_body(sched_ref, xs_ref, w1_ref, w2_ref, w3_ref, ws_ref, ys_ref):
    j = pl.program_id(0)

    @pl.when(sched_ref[2, j] == 1)
    def _():
        w = xs_ref[...]
        xlo = lax.bitcast_convert_type(
            lax.shift_left(w, 16), jnp.float32).astype(jnp.bfloat16)
        xhi = lax.bitcast_convert_type(
            jnp.bitwise_and(w, jnp.int32(-65536)),
            jnp.float32).astype(jnp.bfloat16)
        w1 = w1_ref[0].astype(jnp.bfloat16)
        w3 = w3_ref[0].astype(jnp.bfloat16)
        w2 = w2_ref[0].astype(jnp.bfloat16)
        dn = (((1,), (1,)), ((), ()))
        a = (lax.dot_general(xlo, w1[:, :_D // 2], dn,
                             preferred_element_type=jnp.float32)
             + lax.dot_general(xhi, w1[:, _D // 2:], dn,
                               preferred_element_type=jnp.float32))
        b = (lax.dot_general(xlo, w3[:, :_D // 2], dn,
                             preferred_element_type=jnp.float32)
             + lax.dot_general(xhi, w3[:, _D // 2:], dn,
                               preferred_element_type=jnp.float32))
        h = (a * lax.logistic(a) * b).astype(jnp.bfloat16)
        oe = lax.dot_general(h, w2, (((1,), (0,)), ((), ())),
                             preferred_element_type=jnp.float32)
        y = oe * ws_ref[...]
        rl = _bf16_bits(y[:, :_D // 2])
        rh = _bf16_bits(y[:, _D // 2:])
        ys_ref[...] = jnp.bitwise_or(
            jnp.bitwise_and(rh, jnp.int32(-65536)),
            jnp.bitwise_and(lax.shift_right_logical(rl, 16), 0xFFFF))


def _ffn_call(sched, xs, w1, w2, w3, ws):
    grid_spec = pltpu.PrefetchScalarGridSpec(
        num_scalar_prefetch=1,
        grid=(_NT,),
        in_specs=[
            pl.BlockSpec((_BLK, _D // 2), lambda j, s: (s[0, j], 0)),
            pl.BlockSpec((1, _F, _D), lambda j, s: (s[1, j], 0, 0)),
            pl.BlockSpec((1, _F, _D), lambda j, s: (s[1, j], 0, 0)),
            pl.BlockSpec((1, _F, _D), lambda j, s: (s[1, j], 0, 0)),
            pl.BlockSpec((_BLK, 1), lambda j, s: (s[0, j], 0)),
        ],
        out_specs=pl.BlockSpec((_BLK, _D // 2), lambda j, s: (s[0, j], 0)),
    )
    return pl.pallas_call(
        _ffn_body,
        grid_spec=grid_spec,
        out_shape=jax.ShapeDtypeStruct((_NPAD, _D // 2), jnp.int32),
        compiler_params=pltpu.CompilerParams(
            dimension_semantics=("arbitrary",)),
    )(sched, xs, w1, w2, w3, ws)


@functools.cache
def _combine_call():
    return functools.partial(
        pl.kernel,
        out_type=jax.ShapeDtypeStruct((_T, _D), jnp.float32),
        mesh=_mesh(),
        scratch_types=[
            pltpu.VMEM((_T // _NW,), jnp.int32),
            pltpu.VMEM((_T // _NW,), jnp.int32),
            pltpu.VMEM((_CCH, _D // 2), jnp.int32),
            pltpu.VMEM((_CCH, _D // 2), jnp.int32),
            pltpu.VMEM((_CCH, _D), jnp.float32),
            pltpu.SemaphoreType.DMA,
            pltpu.SemaphoreType.DMA,
        ],
        compiler_params=pltpu.CompilerParams(needs_layout_passes=False),
    )(_combine)


def _combine(ys_hbm, dst1_hbm, dst2_hbm, out_hbm,
             idx1, idx2, buf1, buf2, obuf, sem1, sem2):
    wid = lax.axis_index("s") * _NC + lax.axis_index("c")
    span = _T // _NW
    base = wid * span
    pltpu.sync_copy(dst1_hbm.at[pl.ds(base, span)], idx1)
    pltpu.sync_copy(dst2_hbm.at[pl.ds(base, span)], idx2)
    himask = jnp.full((16,), -65536, jnp.int32)
    for c in range(span // _CCH):
        a1 = pltpu.async_copy(ys_hbm.at[idx1.at[pl.ds(c * _CCH, _CCH)]],
                              buf1, sem1)
        a2 = pltpu.async_copy(ys_hbm.at[idx2.at[pl.ds(c * _CCH, _CCH)]],
                              buf2, sem2)
        a1.wait()
        a2.wait()

        def _add(r, _):
            for cc in range(_D // 32):
                sl = pl.ds(cc * 16, 16)
                w1v = buf1[r, sl]
                w2v = buf2[r, sl]
                lo = (lax.bitcast_convert_type(
                          lax.shift_left(w1v, 16), jnp.float32)
                      + lax.bitcast_convert_type(
                          lax.shift_left(w2v, 16), jnp.float32))
                hi = (lax.bitcast_convert_type(
                          jnp.bitwise_and(w1v, himask), jnp.float32)
                      + lax.bitcast_convert_type(
                          jnp.bitwise_and(w2v, himask), jnp.float32))
                obuf[r, sl] = lo
                obuf[r, pl.ds(_D // 2 + cc * 16, 16)] = hi
            return ()
        lax.fori_loop(0, _CCH, _add, ())
        pltpu.sync_copy(obuf, out_hbm.at[pl.ds(base + c * _CCH, _CCH)])


def kernel(x, w_gate, w1, w2, w3):
    dst1, dst2, s1, s2, sched, xb_i = _gate_call(x, w_gate)
    d1 = dst1.reshape(_T)
    d2 = dst2.reshape(_T)
    xs_i, ws = _dispatch_call()(xb_i, d1, d2, s1.reshape(_T), s2.reshape(_T))
    ys = _ffn_call(sched, xs_i, w1, w2, w3, ws.reshape(_NPAD, 1))
    return _combine_call()(ys, d1, d2)

# --- scband reference (transcript-rebuilt; emitter-appended) ---
"""Pipeline reference for scband-transformer-76905684402189 (READ-ONLY COPY).

The authoritative reference and input builder live on the scoring server;
editing this copy changes nothing except your own understanding.
"""

import jax, jax.numpy as jnp
import numpy as np

E = 8      # num_experts
K = 2      # num_experts_per_tok
D = 1024   # d_model
F = 512    # expert hidden dim (d_ff)
T = 2048   # tokens = batch * seq_len


def setup_inputs(seed: int = 0) -> dict:
    key = jax.random.key(seed)
    ks = jax.random.split(key, 5)
    x = jax.random.normal(ks[0], (T, D), dtype=jnp.float32)
    # gate: nn.Linear(d_model, num_experts, bias=False) -> weight [E, D]
    w_gate = jax.random.normal(ks[1], (E, D), dtype=jnp.float32) * 0.02
    # experts ws: w1, w3 stored [F, D] (used as x @ w.T), w2 stored [F, D] (used as h @ w2)
    w1 = jax.random.normal(ks[2], (E, F, D), dtype=jnp.float32) * 0.02
    w2 = jax.random.normal(ks[3], (E, F, D), dtype=jnp.float32) * 0.02
    w3 = jax.random.normal(ks[4], (E, F, D), dtype=jnp.float32) * 0.02
    return {"x": x, "w_gate": w_gate, "w1": w1, "w2": w2, "w3": w3}


def reference(x, w_gate, w1, w2, w3):
    # --- MoeLayer.prep_ins ---
    gate_logits = x @ w_gate.T                                  # [T, E]
    topk_weight, topk_ids = jax.lax.top_k(gate_logits, K)       # [T, K]
    topk_weight = jax.nn.softmax(topk_weight.astype(jnp.float32), axis=1).astype(x.dtype)
    # per-token combine weights, scattered into dense [T, E] (one-hot scatter-add)
    row_idx = jnp.arange(T)[:, None]                            # [T, 1]
    combine = jnp.zeros((T, E), dtype=x.dtype).at[row_idx, topk_ids].add(topk_weight)
    # --- MoeLayer.experts_infer (math-equivalent dense dispatch) ---
    # torch code gathers routed tokens per expert, runs silu(x@w1.T)*(x@w3.T)@w2,
    # multiplies by topk softmax weight and scatter-adds back into next_r.
    # Equivalent: sum_e combine[:, e] * expert_e(x)
    out = jnp.zeros((T, D), dtype=x.dtype)
    for e in range(E):
        h = jax.nn.silu(x @ w1[e].T) * (x @ w3[e].T)            # [T, F]
        oe = h @ w2[e]                                          # [T, D]
        out = out + oe * combine[:, e:e + 1]
    return out


if False:  # reference __main__ guard neutralized (emitter)
    inp = setup_inputs()
    y = reference(**inp)
    print(y.shape, y.dtype)

if __name__ == "__main__":
    import jax
    _d = setup_inputs()
    print(jax.jit(kernel)(*tuple(_d.values())))

</pallas_src>

<mosaic_0001>
#map = affine_map<(d0, d1) -> (0, 0)>
#map1 = affine_map<(d0, d1) -> (0)>
module attributes {stable_mosaic.version = 14 : i64} {
  func.func @_dispatch(%arg0: i32, %arg1: i32, %arg2: memref<2048x512xi32, #tpu.memory_space<hbm>>, %arg3: memref<2048xi32, #tpu.memory_space<hbm>>, %arg4: memref<2048xi32, #tpu.memory_space<hbm>>, %arg5: memref<2048xf32, #tpu.memory_space<hbm>>, %arg6: memref<2048xf32, #tpu.memory_space<hbm>>, %arg7: memref<6144x512xi32, #tpu.memory_space<hbm>>, %arg8: memref<6144xf32, #tpu.memory_space<hbm>>, %arg9: memref<6144xi32, #tpu.memory_space<vmem>>, %arg10: memref<6144xf32, #tpu.memory_space<vmem>>, %arg11: memref<2048xi32, #tpu.memory_space<vmem>>, %arg12: memref<2048xi32, #tpu.memory_space<vmem>>, %arg13: memref<2048xf32, #tpu.memory_space<vmem>>, %arg14: memref<2048xf32, #tpu.memory_space<vmem>>, %arg15: memref<32x512xi32, #tpu.memory_space<vmem>>, %arg16: memref<32x512xi32, #tpu.memory_space<vmem>>, %arg17: memref<!tpu.dma_semaphore, #tpu.memory_space<semaphore_mem>>, %arg18: memref<!tpu.dma_semaphore, #tpu.memory_space<semaphore_mem>>) attributes {dimension_semantics = [#tpu.dimension_semantics<core_parallel>, #tpu.dimension_semantics<subcore_parallel>], iteration_bounds = array<i64: 2, 16>, scalar_prefetch = 0 : i64, scratch_operands = 10 : i64, tpu.core_type = #tpu.core_type<sc_vector_subcore>, window_params = [{transform_indices = #map}, {transform_indices = #map1}, {transform_indices = #map1}, {transform_indices = #map1}, {transform_indices = #map1}, {transform_indices = #map}, {transform_indices = #map1}]} {
    %mul3A = arith.constant 2 : i32
    %mul3A_0 = arith.muli %arg1, %mul3A : i32
    %add3A = arith.addi %mul3A_0, %arg0 : i32
    "tpu.region"() ({
      %run_scoped3A = tpu.sem_alloc : memref<!tpu.dma_semaphore, #tpu.memory_space<semaphore_mem>>
      tpu.enqueue_dma source(%arg3 : memref<2048xi32, #tpu.memory_space<hbm>>) target(%arg11 : memref<2048xi32, #tpu.memory_space<vmem>>) target_semaphore(%run_scoped3A : memref<!tpu.dma_semaphore, #tpu.memory_space<semaphore_mem>>)
      tpu.wait_dma2 semaphore(%run_scoped3A : memref<!tpu.dma_semaphore, #tpu.memory_space<semaphore_mem>>) src(%arg3 : memref<2048xi32, #tpu.memory_space<hbm>>) dst(%arg11 : memref<2048xi32, #tpu.memory_space<vmem>>)
      tpu.yield
    }) : () -> ()
    "tpu.region"() ({
      %run_scoped3A = tpu.sem_alloc : memref<!tpu.dma_semaphore, #tpu.memory_space<semaphore_mem>>
      tpu.enqueue_dma source(%arg4 : memref<2048xi32, #tpu.memory_space<hbm>>) target(%arg12 : memref<2048xi32, #tpu.memory_space<vmem>>) target_semaphore(%run_scoped3A : memref<!tpu.dma_semaphore, #tpu.memory_space<semaphore_mem>>)
      tpu.wait_dma2 semaphore(%run_scoped3A : memref<!tpu.dma_semaphore, #tpu.memory_space<semaphore_mem>>) src(%arg4 : memref<2048xi32, #tpu.memory_space<hbm>>) dst(%arg12 : memref<2048xi32, #tpu.memory_space<vmem>>)
      tpu.yield
    }) : () -> ()
    "tpu.region"() ({
      %run_scoped3A = tpu.sem_alloc : memref<!tpu.dma_semaphore, #tpu.memory_space<semaphore_mem>>
      tpu.enqueue_dma source(%arg5 : memref<2048xf32, #tpu.memory_space<hbm>>) target(%arg13 : memref<2048xf32, #tpu.memory_space<vmem>>) target_semaphore(%run_scoped3A : memref<!tpu.dma_semaphore, #tpu.memory_space<semaphore_mem>>)
      tpu.wait_dma2 semaphore(%run_scoped3A : memref<!tpu.dma_semaphore, #tpu.memory_space<semaphore_mem>>) src(%arg5 : memref<2048xf32, #tpu.memory_space<hbm>>) dst(%arg13 : memref<2048xf32, #tpu.memory_space<vmem>>)
      tpu.yield
    }) : () -> ()
    "tpu.region"() ({
      %run_scoped3A = tpu.sem_alloc : memref<!tpu.dma_semaphore, #tpu.memory_space<semaphore_mem>>
      tpu.enqueue_dma source(%arg6 : memref<2048xf32, #tpu.memory_space<hbm>>) target(%arg14 : memref<2048xf32, #tpu.memory_space<vmem>>) target_semaphore(%run_scoped3A : memref<!tpu.dma_semaphore, #tpu.memory_space<semaphore_mem>>)
      tpu.wait_dma2 semaphore(%run_scoped3A : memref<!tpu.dma_semaphore, #tpu.memory_space<semaphore_mem>>) src(%arg6 : memref<2048xf32, #tpu.memory_space<hbm>>) dst(%arg14 : memref<2048xf32, #tpu.memory_space<vmem>>)
      tpu.yield
    }) : () -> ()
    %scan3A = arith.constant 0 : i32
    %scan3A_1 = arith.constant 384 : i32
    %scan3A_2 = arith.addi %scan3A, %scan3A_1 : i32
    %scan3A_3 = arith.constant 4 : i32
    scf.for %scan3A_85 = %scan3A to %scan3A_2 step %scan3A_3  : i32 {
      %iota3A = tpu.iota {dimensions = array<i32: 0>} : vector<16xi32>
      %mul3A_86 = arith.constant 16 : i32
      %mul3A_87 = arith.muli %scan3A_85, %mul3A_86 : i32
      %add3A_88 = vector.broadcast %mul3A_87 : i32 to vector<16xi32>
      %add3A_89 = arith.addi %iota3A, %add3A_88 : vector<16xi32>
      %and3A = arith.constant 2047 : i32
      %and3A_90 = vector.broadcast %and3A : i32 to vector<16xi32>
      %and3A_91 = arith.andi %add3A_89, %and3A_90 : vector<16xi32>
      %mul3A_92 = arith.constant 16 : i32
      %mul3A_93 = arith.muli %scan3A_85, %mul3A_92 : i32
      %swap3A = arith.index_cast %mul3A_93 : i32 to index
      %swap3A_94 = tpu.vector_load %arg9[%swap3A] {strides = array<i32>} : memref<6144xi32, #tpu.memory_space<vmem>>, vector<16xi32>,
      tpu.vector_store %arg9[%swap3A], %and3A_91 {strides = array<i32>} : memref<6144xi32, #tpu.memory_space<vmem>>, vector<16xi32>,
      %broadcast_in_dim3A = arith.constant 0.000000e+00 : f32
      %broadcast_in_dim3A_95 = vector.broadcast %broadcast_in_dim3A : f32 to vector<16xf32>
      %mul3A_96 = arith.constant 16 : i32
      %mul3A_97 = arith.muli %scan3A_85, %mul3A_96 : i32
      %swap3A_98 = arith.index_cast %mul3A_97 : i32 to index
      %swap3A_99 = tpu.vector_load %arg10[%swap3A_98] {strides = array<i32>} : memref<6144xf32, #tpu.memory_space<vmem>>, vector<16xf32>,
      tpu.vector_store %arg10[%swap3A_98], %broadcast_in_dim3A_95 {strides = array<i32>} : memref<6144xf32, #tpu.memory_space<vmem>>, vector<16xf32>,
      %scan3A_100 = arith.constant 1 : i32
      %scan3A_101 = arith.addi %scan3A_85, %scan3A_100 : i32
      %iota3A_102 = tpu.iota {dimensions = array<i32: 0>} : vector<16xi32>
      %mul3A_103 = arith.constant 16 : i32
      %mul3A_104 = arith.muli %scan3A_101, %mul3A_103 : i32
      %add3A_105 = vector.broadcast %mul3A_104 : i32 to vector<16xi32>
      %add3A_106 = arith.addi %iota3A_102, %add3A_105 : vector<16xi32>
      %and3A_107 = arith.constant 2047 : i32
      %and3A_108 = vector.broadcast %and3A_107 : i32 to vector<16xi32>
      %and3A_109 = arith.andi %add3A_106, %and3A_108 : vector<16xi32>
      %mul3A_110 = arith.constant 16 : i32
      %mul3A_111 = arith.muli %scan3A_101, %mul3A_110 : i32
      %swap3A_112 = arith.index_cast %mul3A_111 : i32 to index
      %swap3A_113 = tpu.vector_load %arg9[%swap3A_112] {strides = array<i32>} : memref<6144xi32, #tpu.memory_space<vmem>>, vector<16xi32>,
      tpu.vector_store %arg9[%swap3A_112], %and3A_109 {strides = array<i32>} : memref<6144xi32, #tpu.memory_space<vmem>>, vector<16xi32>,
      %broadcast_in_dim3A_114 = arith.constant 0.000000e+00 : f32
      %broadcast_in_dim3A_115 = vector.broadcast %broadcast_in_dim3A_114 : f32 to vector<16xf32>
      %mul3A_116 = arith.constant 16 : i32
      %mul3A_117 = arith.muli %scan3A_101, %mul3A_116 : i32
      %swap3A_118 = arith.index_cast %mul3A_117 : i32 to index
      %swap3A_119 = tpu.vector_load %arg10[%swap3A_118] {strides = array<i32>} : memref<6144xf32, #tpu.memory_space<vmem>>, vector<16xf32>,
      tpu.vector_store %arg10[%swap3A_118], %broadcast_in_dim3A_115 {strides = array<i32>} : memref<6144xf32, #tpu.memory_space<vmem>>, vector<16xf32>,
      %scan3A_120 = arith.constant 2 : i32
      %scan3A_121 = arith.addi %scan3A_85, %scan3A_120 : i32
      %iota3A_122 = tpu.iota {dimensions = array<i32: 0>} : vector<16xi32>
      %mul3A_123 = arith.constant 16 : i32
      %mul3A_124 = arith.muli %scan3A_121, %mul3A_123 : i32
      %add3A_125 = vector.broadcast %mul3A_124 : i32 to vector<16xi32>
      %add3A_126 = arith.addi %iota3A_122, %add3A_125 : vector<16xi32>
      %and3A_127 = arith.constant 2047 : i32
      %and3A_128 = vector.broadcast %and3A_127 : i32 to vector<16xi32>
      %and3A_129 = arith.andi %add3A_126, %and3A_128 : vector<16xi32>
      %mul3A_130 = arith.constant 16 : i32
      %mul3A_131 = arith.muli %scan3A_121, %mul3A_130 : i32
      %swap3A_132 = arith.index_cast %mul3A_131 : i32 to index
      %swap3A_133 = tpu.vector_load %arg9[%swap3A_132] {strides = array<i32>} : memref<6144xi32, #tpu.memory_space<vmem>>, vector<16xi32>,
      tpu.vector_store %arg9[%swap3A_132], %and3A_129 {strides = array<i32>} : memref<6144xi32, #tpu.memory_space<vmem>>, vector<16xi32>,
      %broadcast_in_dim3A_134 = arith.constant 0.000000e+00 : f32
      %broadcast_in_dim3A_135 = vector.broadcast %broadcast_in_dim3A_134 : f32 to vector<16xf32>
      %mul3A_136 = arith.constant 16 : i32
      %mul3A_137 = arith.muli %scan3A_121, %mul3A_136 : i32
      %swap3A_138 = arith.index_cast %mul3A_137 : i32 to index
      %swap3A_139 = tpu.vector_load %arg10[%swap3A_138] {strides = array<i32>} : memref<6144xf32, #tpu.memory_space<vmem>>, vector<16xf32>,
      tpu.vector_store %arg10[%swap3A_138], %broadcast_in_dim3A_135 {strides = array<i32>} : memref<6144xf32, #tpu.memory_space<vmem>>, vector<16xf32>,
      %scan3A_140 = arith.constant 3 : i32
      %scan3A_141 = arith.addi %scan3A_85, %scan3A_140 : i32
      %iota3A_142 = tpu.iota {dimensions = array<i32: 0>} : vector<16xi32>
      %mul3A_143 = arith.constant 16 : i32
      %mul3A_144 = arith.muli %scan3A_141, %mul3A_143 : i32
      %add3A_145 = vector.broadcast %mul3A_144 : i32 to vector<16xi32>
      %add3A_146 = arith.addi %iota3A_142, %add3A_145 : vector<16xi32>
      %and3A_147 = arith.constant 2047 : i32
      %and3A_148 = vector.broadcast %and3A_147 : i32 to vector<16xi32>
      %and3A_149 = arith.andi %add3A_146, %and3A_148 : vector<16xi32>
      %mul3A_150 = arith.constant 16 : i32
      %mul3A_151 = arith.muli %scan3A_141, %mul3A_150 : i32
      %swap3A_152 = arith.index_cast %mul3A_151 : i32 to index
      %swap3A_153 = tpu.vector_load %arg9[%swap3A_152] {strides = array<i32>} : memref<6144xi32, #tpu.memory_space<vmem>>, vector<16xi32>,
      tpu.vector_store %arg9[%swap3A_152], %and3A_149 {strides = array<i32>} : memref<6144xi32, #tpu.memory_space<vmem>>, vector<16xi32>,
      %broadcast_in_dim3A_154 = arith.constant 0.000000e+00 : f32
      %broadcast_in_dim3A_155 = vector.broadcast %broadcast_in_dim3A_154 : f32 to vector<16xf32>
      %mul3A_156 = arith.constant 16 : i32
      %mul3A_157 = arith.muli %scan3A_141, %mul3A_156 : i32
      %swap3A_158 = arith.index_cast %mul3A_157 : i32 to index
      %swap3A_159 = tpu.vector_load %arg10[%swap3A_158] {strides = array<i32>} : memref<6144xf32, #tpu.memory_space<vmem>>, vector<16xf32>,
      tpu.vector_store %arg10[%swap3A_158], %broadcast_in_dim3A_155 {strides = array<i32>} : memref<6144xf32, #tpu.memory_space<vmem>>, vector<16xf32>,
    }
    %scan3A_4 = arith.constant 384 : i32
    %scan3A_5 = arith.constant 0 : i32
    %scan3A_6 = arith.constant 128 : i32
    %scan3A_7 = arith.addi %scan3A_5, %scan3A_6 : i32
    %scan3A_8 = arith.constant 4 : i32
    scf.for %scan3A_85 = %scan3A_5 to %scan3A_7 step %scan3A_8  : i32 {
      %mul3A_86 = arith.constant 16 : i32
      %mul3A_87 = arith.muli %scan3A_85, %mul3A_86 : i32
      %iota3A = tpu.iota {dimensions = array<i32: 0>} : vector<16xi32>
      %mul3A_88 = arith.constant 16 : i32
      %mul3A_89 = arith.muli %scan3A_85, %mul3A_88 : i32
      %add3A_90 = vector.broadcast %mul3A_89 : i32 to vector<16xi32>
      %add3A_91 = arith.addi %iota3A, %add3A_90 : vector<16xi32>
      %get3A = arith.index_cast %mul3A_87 : i32 to index
      %get3A_92 = tpu.vector_load %arg11[%get3A] {strides = array<i32>} : memref<2048xi32, #tpu.memory_space<vmem>>, vector<16xi32>,
      tpu.vector_store_idx %arg9[%get3A_92], %add3A_91 : memref<6144xi32, #tpu.memory_space<vmem>>[vector<16xi32>], vector<16xi32>,
      %get3A_93 = arith.index_cast %mul3A_87 : i32 to index
      %get3A_94 = tpu.vector_load %arg11[%get3A_93] {strides = array<i32>} : memref<2048xi32, #tpu.memory_space<vmem>>, vector<16xi32>,
      %get3A_95 = arith.index_cast %mul3A_87 : i32 to index
      %get3A_96 = tpu.vector_load %arg13[%get3A_95] {strides = array<i32>} : memref<2048xf32, #tpu.memory_space<vmem>>, vector<16xf32>,
      tpu.vector_store_idx %arg10[%get3A_94], %get3A_96 : memref<6144xf32, #tpu.memory_space<vmem>>[vector<16xi32>], vector<16xf32>,
      %scan3A_97 = arith.constant 1 : i32
      %scan3A_98 = arith.addi %scan3A_85, %scan3A_97 : i32
      %mul3A_99 = arith.constant 16 : i32
      %mul3A_100 = arith.muli %scan3A_98, %mul3A_99 : i32
      %iota3A_101 = tpu.iota {dimensions = array<i32: 0>} : vector<16xi32>
      %mul3A_102 = arith.constant 16 : i32
      %mul3A_103 = arith.muli %scan3A_98, %mul3A_102 : i32
      %add3A_104 = vector.broadcast %mul3A_103 : i32 to vector<16xi32>
      %add3A_105 = arith.addi %iota3A_101, %add3A_104 : vector<16xi32>
      %get3A_106 = arith.index_cast %mul3A_100 : i32 to index
      %get3A_107 = tpu.vector_load %arg11[%get3A_106] {strides = array<i32>} : memref<2048xi32, #tpu.memory_space<vmem>>, vector<16xi32>,
      tpu.vector_store_idx %arg9[%get3A_107], %add3A_105 : memref<6144xi32, #tpu.memory_space<vmem>>[vector<16xi32>], vector<16xi32>,
      %get3A_108 = arith.index_cast %mul3A_100 : i32 to index
      %get3A_109 = tpu.vector_load %arg11[%get3A_108] {strides = array<i32>} : memref<2048xi32, #tpu.memory_space<vmem>>, vector<16xi32>,
      %get3A_110 = arith.index_cast %mul3A_100 : i32 to index
      %get3A_111 = tpu.vector_load %arg13[%get3A_110] {strides = array<i32>} : memref<2048xf32, #tpu.memory_space<vmem>>, vector<16xf32>,
      tpu.vector_store_idx %arg10[%get3A_109], %get3A_111 : memref<6144xf32, #tpu.memory_space<vmem>>[vector<16xi32>], vector<16xf32>,
      %scan3A_112 = arith.constant 2 : i32
      %scan3A_113 = arith.addi %scan3A_85, %scan3A_112 : i32
      %mul3A_114 = arith.constant 16 : i32
      %mul3A_115 = arith.muli %scan3A_113, %mul3A_114 : i32
      %iota3A_116 = tpu.iota {dimensions = array<i32: 0>} : vector<16xi32>
      %mul3A_117 = arith.constant 16 : i32
      %mul3A_118 = arith.muli %scan3A_113, %mul3A_117 : i32
      %add3A_119 = vector.broadcast %mul3A_118 : i32 to vector<16xi32>
      %add3A_120 = arith.addi %iota3A_116, %add3A_119 : vector<16xi32>
      %get3A_121 = arith.index_cast %mul3A_115 : i32 to index
      %get3A_122 = tpu.vector_load %arg11[%get3A_121] {strides = array<i32>} : memref<2048xi32, #tpu.memory_space<vmem>>, vector<16xi32>,
      tpu.vector_store_idx %arg9[%get3A_122], %add3A_120 : memref<6144xi32, #tpu.memory_space<vmem>>[vector<16xi32>], vector<16xi32>,
      %get3A_123 = arith.index_cast %mul3A_115 : i32 to index
      %get3A_124 = tpu.vector_load %arg11[%get3A_123] {strides = array<i32>} : memref<2048xi32, #tpu.memory_space<vmem>>, vector<16xi32>,
      %get3A_125 = arith.index_cast %mul3A_115 : i32 to index
      %get3A_126 = tpu.vector_load %arg13[%get3A_125] {strides = array<i32>} : memref<2048xf32, #tpu.memory_space<vmem>>, vector<16xf32>,
      tpu.vector_store_idx %arg10[%get3A_124], %get3A_126 : memref<6144xf32, #tpu.memory_space<vmem>>[vector<16xi32>], vector<16xf32>,
      %scan3A_127 = arith.constant 3 : i32
      %scan3A_128 = arith.addi %scan3A_85, %scan3A_127 : i32
      %mul3A_129 = arith.constant 16 : i32
      %mul3A_130 = arith.muli %scan3A_128, %mul3A_129 : i32
      %iota3A_131 = tpu.iota {dimensions = array<i32: 0>} : vector<16xi32>
      %mul3A_132 = arith.constant 16 : i32
      %mul3A_133 = arith.muli %scan3A_128, %mul3A_132 : i32
      %add3A_134 = vector.broadcast %mul3A_133 : i32 to vector<16xi32>
      %add3A_135 = arith.addi %iota3A_131, %add3A_134 : vector<16xi32>
      %get3A_136 = arith.index_cast %mul3A_130 : i32 to index
      %get3A_137 = tpu.vector_load %arg11[%get3A_136] {strides = array<i32>} : memref<2048xi32, #tpu.memory_space<vmem>>, vector<16xi32>,
      tpu.vector_store_idx %arg9[%get3A_137], %add3A_135 : memref<6144xi32, #tpu.memory_space<vmem>>[vector<16xi32>], vector<16xi32>,
      %get3A_138 = arith.index_cast %mul3A_130 : i32 to index
      %get3A_139 = tpu.vector_load %arg11[%get3A_138] {strides = array<i32>} : memref<2048xi32, #tpu.memory_space<vmem>>, vector<16xi32>,
      %get3A_140 = arith.index_cast %mul3A_130 : i32 to index
      %get3A_141 = tpu.vector_load %arg13[%get3A_140] {strides = array<i32>} : memref<2048xf32, #tpu.memory_space<vmem>>, vector<16xf32>,
      tpu.vector_store_idx %arg10[%get3A_139], %get3A_141 : memref<6144xf32, #tpu.memory_space<vmem>>[vector<16xi32>], vector<16xf32>,
    }
    %scan3A_9 = arith.constant 128 : i32
    %scan3A_10 = arith.constant 0 : i32
    %scan3A_11 = arith.constant 128 : i32
    %scan3A_12 = arith.addi %scan3A_10, %scan3A_11 : i32
    %scan3A_13 = arith.constant 4 : i32
    scf.for %scan3A_85 = %scan3A_10 to %scan3A_12 step %scan3A_13  : i32 {
      %mul3A_86 = arith.constant 16 : i32
      %mul3A_87 = arith.muli %scan3A_85, %mul3A_86 : i32
      %iota3A = tpu.iota {dimensions = array<i32: 0>} : vector<16xi32>
      %mul3A_88 = arith.constant 16 : i32
      %mul3A_89 = arith.muli %scan3A_85, %mul3A_88 : i32
      %add3A_90 = vector.broadcast %mul3A_89 : i32 to vector<16xi32>
      %add3A_91 = arith.addi %iota3A, %add3A_90 : vector<16xi32>
      %get3A = arith.index_cast %mul3A_87 : i32 to index
      %get3A_92 = tpu.vector_load %arg12[%get3A] {strides = array<i32>} : memref<2048xi32, #tpu.memory_space<vmem>>, vector<16xi32>,
      tpu.vector_store_idx %arg9[%get3A_92], %add3A_91 : memref<6144xi32, #tpu.memory_space<vmem>>[vector<16xi32>], vector<16xi32>,
      %get3A_93 = arith.index_cast %mul3A_87 : i32 to index
      %get3A_94 = tpu.vector_load %arg12[%get3A_93] {strides = array<i32>} : memref<2048xi32, #tpu.memory_space<vmem>>, vector<16xi32>,
      %get3A_95 = arith.index_cast %mul3A_87 : i32 to index
      %get3A_96 = tpu.vector_load %arg14[%get3A_95] {strides = array<i32>} : memref<2048xf32, #tpu.memory_space<vmem>>, vector<16xf32>,
      tpu.vector_store_idx %arg10[%get3A_94], %get3A_96 : memref<6144xf32, #tpu.memory_space<vmem>>[vector<16xi32>], vector<16xf32>,
      %scan3A_97 = arith.constant 1 : i32
      %scan3A_98 = arith.addi %scan3A_85, %scan3A_97 : i32
      %mul3A_99 = arith.constant 16 : i32
      %mul3A_100 = arith.muli %scan3A_98, %mul3A_99 : i32
      %iota3A_101 = tpu.iota {dimensions = array<i32: 0>} : vector<16xi32>
      %mul3A_102 = arith.constant 16 : i32
      %mul3A_103 = arith.muli %scan3A_98, %mul3A_102 : i32
      %add3A_104 = vector.broadcast %mul3A_103 : i32 to vector<16xi32>
      %add3A_105 = arith.addi %iota3A_101, %add3A_104 : vector<16xi32>
      %get3A_106 = arith.index_cast %mul3A_100 : i32 to index
      %get3A_107 = tpu.vector_load %arg12[%get3A_106] {strides = array<i32>} : memref<2048xi32, #tpu.memory_space<vmem>>, vector<16xi32>,
      tpu.vector_store_idx %arg9[%get3A_107], %add3A_105 : memref<6144xi32, #tpu.memory_space<vmem>>[vector<16xi32>], vector<16xi32>,
      %get3A_108 = arith.index_cast %mul3A_100 : i32 to index
      %get3A_109 = tpu.vector_load %arg12[%get3A_108] {strides = array<i32>} : memref<2048xi32, #tpu.memory_space<vmem>>, vector<16xi32>,
      %get3A_110 = arith.index_cast %mul3A_100 : i32 to index
      %get3A_111 = tpu.vector_load %arg14[%get3A_110] {strides = array<i32>} : memref<2048xf32, #tpu.memory_space<vmem>>, vector<16xf32>,
      tpu.vector_store_idx %arg10[%get3A_109], %get3A_111 : memref<6144xf32, #tpu.memory_space<vmem>>[vector<16xi32>], vector<16xf32>,
      %scan3A_112 = arith.constant 2 : i32
      %scan3A_113 = arith.addi %scan3A_85, %scan3A_112 : i32
      %mul3A_114 = arith.constant 16 : i32
      %mul3A_115 = arith.muli %scan3A_113, %mul3A_114 : i32
      %iota3A_116 = tpu.iota {dimensions = array<i32: 0>} : vector<16xi32>
      %mul3A_117 = arith.constant 16 : i32
      %mul3A_118 = arith.muli %scan3A_113, %mul3A_117 : i32
      %add3A_119 = vector.broadcast %mul3A_118 : i32 to vector<16xi32>
      %add3A_120 = arith.addi %iota3A_116, %add3A_119 : vector<16xi32>
      %get3A_121 = arith.index_cast %mul3A_115 : i32 to index
      %get3A_122 = tpu.vector_load %arg12[%get3A_121] {strides = array<i32>} : memref<2048xi32, #tpu.memory_space<vmem>>, vector<16xi32>,
      tpu.vector_store_idx %arg9[%get3A_122], %add3A_120 : memref<6144xi32, #tpu.memory_space<vmem>>[vector<16xi32>], vector<16xi32>,
      %get3A_123 = arith.index_cast %mul3A_115 : i32 to index
      %get3A_124 = tpu.vector_load %arg12[%get3A_123] {strides = array<i32>} : memref<2048xi32, #tpu.memory_space<vmem>>, vector<16xi32>,
      %get3A_125 = arith.index_cast %mul3A_115 : i32 to index
      %get3A_126 = tpu.vector_load %arg14[%get3A_125] {strides = array<i32>} : memref<2048xf32, #tpu.memory_space<vmem>>, vector<16xf32>,
      tpu.vector_store_idx %arg10[%get3A_124], %get3A_126 : memref<6144xf32, #tpu.memory_space<vmem>>[vector<16xi32>], vector<16xf32>,
      %scan3A_127 = arith.constant 3 : i32
      %scan3A_128 = arith.addi %scan3A_85, %scan3A_127 : i32
      %mul3A_129 = arith.constant 16 : i32
      %mul3A_130 = arith.muli %scan3A_128, %mul3A_129 : i32
      %iota3A_131 = tpu.iota {dimensions = array<i32: 0>} : vector<16xi32>
      %mul3A_132 = arith.constant 16 : i32
      %mul3A_133 = arith.muli %scan3A_128, %mul3A_132 : i32
      %add3A_134 = vector.broadcast %mul3A_133 : i32 to vector<16xi32>
      %add3A_135 = arith.addi %iota3A_131, %add3A_134 : vector<16xi32>
      %get3A_136 = arith.index_cast %mul3A_130 : i32 to index
      %get3A_137 = tpu.vector_load %arg12[%get3A_136] {strides = array<i32>} : memref<2048xi32, #tpu.memory_space<vmem>>, vector<16xi32>,
      tpu.vector_store_idx %arg9[%get3A_137], %add3A_135 : memref<6144xi32, #tpu.memory_space<vmem>>[vector<16xi32>], vector<16xi32>,
      %get3A_138 = arith.index_cast %mul3A_130 : i32 to index
      %get3A_139 = tpu.vector_load %arg12[%get3A_138] {strides = array<i32>} : memref<2048xi32, #tpu.memory_space<vmem>>, vector<16xi32>,
      %get3A_140 = arith.index_cast %mul3A_130 : i32 to index
      %get3A_141 = tpu.vector_load %arg14[%get3A_140] {strides = array<i32>} : memref<2048xf32, #tpu.memory_space<vmem>>, vector<16xf32>,
      tpu.vector_store_idx %arg10[%get3A_139], %get3A_141 : memref<6144xf32, #tpu.memory_space<vmem>>[vector<16xi32>], vector<16xf32>,
    }
    %scan3A_14 = arith.constant 128 : i32
    %mul3A_15 = arith.constant 192 : i32
    %mul3A_16 = arith.muli %add3A, %mul3A_15 : i32
    "tpu.region"() ({
      %run_scoped3A = tpu.sem_alloc : memref<!tpu.dma_semaphore, #tpu.memory_space<semaphore_mem>>
      %dma_start3A_85 = tpu.memref_slice %arg10[%mul3A_16] : memref<6144xf32, #tpu.memory_space<vmem>> -> memref<192xf32, #tpu.memory_space<vmem>>
      %dma_start3A_86 = tpu.memref_slice %arg8[%mul3A_16] : memref<6144xf32, #tpu.memory_space<hbm>> -> memref<192xf32, #tpu.memory_space<hbm>>
      %dma_start3A_87 = tpu.memref_slice %arg8[%mul3A_16] : memref<6144xf32, #tpu.memory_space<hbm>> -> memref<192xf32, #tpu.memory_space<hbm>>
      %dma_start3A_88 = tpu.memref_slice %arg10[%mul3A_16] : memref<6144xf32, #tpu.memory_space<vmem>> -> memref<192xf32, #tpu.memory_space<vmem>>
      tpu.enqueue_dma source(%dma_start3A_88 : memref<192xf32, #tpu.memory_space<vmem>>) target(%dma_start3A_87 : memref<192xf32, #tpu.memory_space<hbm>>) target_semaphore(%run_scoped3A : memref<!tpu.dma_semaphore, #tpu.memory_space<semaphore_mem>>)
      %dma_wait3A_89 = tpu.memref_slice %arg10[%mul3A_16] : memref<6144xf32, #tpu.memory_space<vmem>> -> memref<192xf32, #tpu.memory_space<vmem>>
      %dma_wait3A_90 = tpu.memref_slice %arg8[%mul3A_16] : memref<6144xf32, #tpu.memory_space<hbm>> -> memref<192xf32, #tpu.memory_space<hbm>>
      %dma_wait3A_91 = tpu.memref_slice %arg8[%mul3A_16] : memref<6144xf32, #tpu.memory_space<hbm>> -> memref<192xf32, #tpu.memory_space<hbm>>
      %dma_wait3A_92 = tpu.memref_slice %arg10[%mul3A_16] : memref<6144xf32, #tpu.memory_space<vmem>> -> memref<192xf32, #tpu.memory_space<vmem>>
      tpu.wait_dma2 semaphore(%run_scoped3A : memref<!tpu.dma_semaphore, #tpu.memory_space<semaphore_mem>>) src(%dma_wait3A_92 : memref<192xf32, #tpu.memory_space<vmem>>) dst(%dma_wait3A_91 : memref<192xf32, #tpu.memory_space<hbm>>)
      tpu.yield
    }) : () -> ()
    %dma_start3A = tpu.memref_slice %arg9[%mul3A_16] : memref<6144xi32, #tpu.memory_space<vmem>> -> memref<32xi32, #tpu.memory_space<vmem>>
    %dma_start3A_17 = arith.constant 0 : i32
    %dma_start3A_18 = arith.constant 0 : i32
    %dma_start3A_19 = tpu.memref_slice %arg2[%dma_start3A_17, %dma_start3A_18] : memref<2048x512xi32, #tpu.memory_space<hbm>> -> memref<2048x512xi32, #tpu.memory_space<hbm>>
    tpu.enqueue_indirect_dma source(%dma_start3A_19 : memref<2048x512xi32, #tpu.memory_space<hbm>>) target(%arg15 : memref<32x512xi32, #tpu.memory_space<vmem>>) offsets(%dma_start3A : memref<32xi32, #tpu.memory_space<vmem>>) semaphore(%arg17 : memref<!tpu.dma_semaphore, #tpu.memory_space<semaphore_mem>>)
    %add3A_20 = arith.constant 32 : i32
    %add3A_21 = arith.addi %mul3A_16, %add3A_20 : i32
    %dma_start3A_22 = tpu.memref_slice %arg9[%add3A_21] : memref<6144xi32, #tpu.memory_space<vmem>> -> memref<32xi32, #tpu.memory_space<vmem>>
    %dma_start3A_23 = arith.constant 0 : i32
    %dma_start3A_24 = arith.constant 0 : i32
    %dma_start3A_25 = tpu.memref_slice %arg2[%dma_start3A_23, %dma_start3A_24] : memref<2048x512xi32, #tpu.memory_space<hbm>> -> memref<2048x512xi32, #tpu.memory_space<hbm>>
    tpu.enqueue_indirect_dma source(%dma_start3A_25 : memref<2048x512xi32, #tpu.memory_space<hbm>>) target(%arg16 : memref<32x512xi32, #tpu.memory_space<vmem>>) offsets(%dma_start3A_22 : memref<32xi32, #tpu.memory_space<vmem>>) semaphore(%arg18 : memref<!tpu.dma_semaphore, #tpu.memory_space<semaphore_mem>>)
    %dma_wait3A = tpu.memref_slice %arg9[%mul3A_16] : memref<6144xi32, #tpu.memory_space<vmem>> -> memref<32xi32, #tpu.memory_space<vmem>>
    %dma_wait3A_26 = arith.constant 0 : i32
    %dma_wait3A_27 = arith.constant 0 : i32
    %dma_wait3A_28 = tpu.memref_slice %arg2[%dma_wait3A_26, %dma_wait3A_27] : memref<2048x512xi32, #tpu.memory_space<hbm>> -> memref<2048x512xi32, #tpu.memory_space<hbm>>
    tpu.wait_indirect_dma semaphore(%arg17 : memref<!tpu.dma_semaphore, #tpu.memory_space<semaphore_mem>>) src(%dma_wait3A_28 : memref<2048x512xi32, #tpu.memory_space<hbm>>) dst(%arg15 : memref<32x512xi32, #tpu.memory_space<vmem>>)
    %add3A_29 = arith.constant 0 : i32
    %add3A_30 = arith.addi %mul3A_16, %add3A_29 : i32
    "tpu.region"() ({
      %run_scoped3A = tpu.sem_alloc : memref<!tpu.dma_semaphore, #tpu.memory_space<semaphore_mem>>
      %dma_start3A_85 = arith.constant 0 : i32
      %dma_start3A_86 = tpu.memref_slice %arg7[%add3A_30, %dma_start3A_85] : memref<6144x512xi32, #tpu.memory_space<hbm>> -> memref<32x512xi32, #tpu.memory_space<hbm>>
      %dma_start3A_87 = arith.constant 0 : i32
      %dma_start3A_88 = tpu.memref_slice %arg7[%add3A_30, %dma_start3A_87] : memref<6144x512xi32, #tpu.memory_space<hbm>> -> memref<32x512xi32, #tpu.memory_space<hbm>>
      tpu.enqueue_dma source(%arg15 : memref<32x512xi32, #tpu.memory_space<vmem>>) target(%dma_start3A_88 : memref<32x512xi32, #tpu.memory_space<hbm>>) target_semaphore(%run_scoped3A : memref<!tpu.dma_semaphore, #tpu.memory_space<semaphore_mem>>)
      %dma_wait3A_89 = arith.constant 0 : i32
      %dma_wait3A_90 = tpu.memref_slice %arg7[%add3A_30, %dma_wait3A_89] : memref<6144x512xi32, #tpu.memory_space<hbm>> -> memref<32x512xi32, #tpu.memory_space<hbm>>
      %dma_wait3A_91 = arith.constant 0 : i32
      %dma_wait3A_92 = tpu.memref_slice %arg7[%add3A_30, %dma_wait3A_91] : memref<6144x512xi32, #tpu.memory_space<hbm>> -> memref<32x512xi32, #tpu.memory_space<hbm>>
      tpu.wait_dma2 semaphore(%run_scoped3A : memref<!tpu.dma_semaphore, #tpu.memory_space<semaphore_mem>>) src(%arg15 : memref<32x512xi32, #tpu.memory_space<vmem>>) dst(%dma_wait3A_92 : memref<32x512xi32, #tpu.memory_space<hbm>>)
      tpu.yield
    }) : () -> ()
    %add3A_31 = arith.constant 64 : i32
    %add3A_32 = arith.addi %mul3A_16, %add3A_31 : i32
    %dma_start3A_33 = tpu.memref_slice %arg9[%add3A_32] : memref<6144xi32, #tpu.memory_space<vmem>> -> memref<32xi32, #tpu.memory_space<vmem>>
    %dma_start3A_34 = arith.constant 0 : i32
    %dma_start3A_35 = arith.constant 0 : i32
    %dma_start3A_36 = tpu.memref_slice %arg2[%dma_start3A_34, %dma_start3A_35] : memref<2048x512xi32, #tpu.memory_space<hbm>> -> memref<2048x512xi32, #tpu.memory_space<hbm>>
    tpu.enqueue_indirect_dma source(%dma_start3A_36 : memref<2048x512xi32, #tpu.memory_space<hbm>>) target(%arg15 : memref<32x512xi32, #tpu.memory_space<vmem>>) offsets(%dma_start3A_33 : memref<32xi32, #tpu.memory_space<vmem>>) semaphore(%arg17 : memref<!tpu.dma_semaphore, #tpu.memory_space<semaphore_mem>>)
    %dma_wait3A_37 = tpu.memref_slice %arg9[%add3A_21] : memref<6144xi32, #tpu.memory_space<vmem>> -> memref<32xi32, #tpu.memory_space<vmem>>
    %dma_wait3A_38 = arith.constant 0 : i32
    %dma_wait3A_39 = arith.constant 0 : i32
    %dma_wait3A_40 = tpu.memref_slice %arg2[%dma_wait3A_38, %dma_wait3A_39] : memref<2048x512xi32, #tpu.memory_space<hbm>> -> memref<2048x512xi32, #tpu.memory_space<hbm>>
    tpu.wait_indirect_dma semaphore(%arg18 : memref<!tpu.dma_semaphore, #tpu.memory_space<semaphore_mem>>) src(%dma_wait3A_40 : memref<2048x512xi32, #tpu.memory_space<hbm>>) dst(%arg16 : memref<32x512xi32, #tpu.memory_space<vmem>>)
    %add3A_41 = arith.constant 32 : i32
    %add3A_42 = arith.addi %mul3A_16, %add3A_41 : i32
    "tpu.region"() ({
      %run_scoped3A = tpu.sem_alloc : memref<!tpu.dma_semaphore, #tpu.memory_space<semaphore_mem>>
      %dma_start3A_85 = arith.constant 0 : i32
      %dma_start3A_86 = tpu.memref_slice %arg7[%add3A_42, %dma_start3A_85] : memref<6144x512xi32, #tpu.memory_space<hbm>> -> memref<32x512xi32, #tpu.memory_space<hbm>>
      %dma_start3A_87 = arith.constant 0 : i32
      %dma_start3A_88 = tpu.memref_slice %arg7[%add3A_42, %dma_start3A_87] : memref<6144x512xi32, #tpu.memory_space<hbm>> -> memref<32x512xi32, #tpu.memory_space<hbm>>
      tpu.enqueue_dma source(%arg16 : memref<32x512xi32, #tpu.memory_space<vmem>>) target(%dma_start3A_88 : memref<32x512xi32, #tpu.memory_space<hbm>>) target_semaphore(%run_scoped3A : memref<!tpu.dma_semaphore, #tpu.memory_space<semaphore_mem>>)
      %dma_wait3A_89 = arith.constant 0 : i32
      %dma_wait3A_90 = tpu.memref_slice %arg7[%add3A_42, %dma_wait3A_89] : memref<6144x512xi32, #tpu.memory_space<hbm>> -> memref<32x512xi32, #tpu.memory_space<hbm>>
      %dma_wait3A_91 = arith.constant 0 : i32
      %dma_wait3A_92 = tpu.memref_slice %arg7[%add3A_42, %dma_wait3A_91] : memref<6144x512xi32, #tpu.memory_space<hbm>> -> memref<32x512xi32, #tpu.memory_space<hbm>>
      tpu.wait_dma2 semaphore(%run_scoped3A : memref<!tpu.dma_semaphore, #tpu.memory_space<semaphore_mem>>) src(%arg16 : memref<32x512xi32, #tpu.memory_space<vmem>>) dst(%dma_wait3A_92 : memref<32x512xi32, #tpu.memory_space<hbm>>)
      tpu.yield
    }) : () -> ()
    %add3A_43 = arith.constant 96 : i32
    %add3A_44 = arith.addi %mul3A_16, %add3A_43 : i32
    %dma_start3A_45 = tpu.memref_slice %arg9[%add3A_44] : memref<6144xi32, #tpu.memory_space<vmem>> -> memref<32xi32, #tpu.memory_space<vmem>>
    %dma_start3A_46 = arith.constant 0 : i32
    %dma_start3A_47 = arith.constant 0 : i32
    %dma_start3A_48 = tpu.memref_slice %arg2[%dma_start3A_46, %dma_start3A_47] : memref<2048x512xi32, #tpu.memory_space<hbm>> -> memref<2048x512xi32, #tpu.memory_space<hbm>>
    tpu.enqueue_indirect_dma source(%dma_start3A_48 : memref<2048x512xi32, #tpu.memory_space<hbm>>) target(%arg16 : memref<32x512xi32, #tpu.memory_space<vmem>>) offsets(%dma_start3A_45 : memref<32xi32, #tpu.memory_space<vmem>>) semaphore(%arg18 : memref<!tpu.dma_semaphore, #tpu.memory_space<semaphore_mem>>)
    %dma_wait3A_49 = tpu.memref_slice %arg9[%add3A_32] : memref<6144xi32, #tpu.memory_space<vmem>> -> memref<32xi32, #tpu.memory_space<vmem>>
    %dma_wait3A_50 = arith.constant 0 : i32
    %dma_wait3A_51 = arith.constant 0 : i32
    %dma_wait3A_52 = tpu.memref_slice %arg2[%dma_wait3A_50, %dma_wait3A_51] : memref<2048x512xi32, #tpu.memory_space<hbm>> -> memref<2048x512xi32, #tpu.memory_space<hbm>>
    tpu.wait_indirect_dma semaphore(%arg17 : memref<!tpu.dma_semaphore, #tpu.memory_space<semaphore_mem>>) src(%dma_wait3A_52 : memref<2048x512xi32, #tpu.memory_space<hbm>>) dst(%arg15 : memref<32x512xi32, #tpu.memory_space<vmem>>)
    %add3A_53 = arith.constant 64 : i32
    %add3A_54 = arith.addi %mul3A_16, %add3A_53 : i32
    "tpu.region"() ({
      %run_scoped3A = tpu.sem_alloc : memref<!tpu.dma_semaphore, #tpu.memory_space<semaphore_mem>>
      %dma_start3A_85 = arith.constant 0 : i32
      %dma_start3A_86 = tpu.memref_slice %arg7[%add3A_54, %dma_start3A_85] : memref<6144x512xi32, #tpu.memory_space<hbm>> -> memref<32x512xi32, #tpu.memory_space<hbm>>
      %dma_start3A_87 = arith.constant 0 : i32
      %dma_start3A_88 = tpu.memref_slice %arg7[%add3A_54, %dma_start3A_87] : memref<6144x512xi32, #tpu.memory_space<hbm>> -> memref<32x512xi32, #tpu.memory_space<hbm>>
      tpu.enqueue_dma source(%arg15 : memref<32x512xi32, #tpu.memory_space<vmem>>) target(%dma_start3A_88 : memref<32x512xi32, #tpu.memory_space<hbm>>) target_semaphore(%run_scoped3A : memref<!tpu.dma_semaphore, #tpu.memory_space<semaphore_mem>>)
      %dma_wait3A_89 = arith.constant 0 : i32
      %dma_wait3A_90 = tpu.memref_slice %arg7[%add3A_54, %dma_wait3A_89] : memref<6144x512xi32, #tpu.memory_space<hbm>> -> memref<32x512xi32, #tpu.memory_space<hbm>>
      %dma_wait3A_91 = arith.constant 0 : i32
      %dma_wait3A_92 = tpu.memref_slice %arg7[%add3A_54, %dma_wait3A_91] : memref<6144x512xi32, #tpu.memory_space<hbm>> -> memref<32x512xi32, #tpu.memory_space<hbm>>
      tpu.wait_dma2 semaphore(%run_scoped3A : memref<!tpu.dma_semaphore, #tpu.memory_space<semaphore_mem>>) src(%arg15 : memref<32x512xi32, #tpu.memory_space<vmem>>) dst(%dma_wait3A_92 : memref<32x512xi32, #tpu.memory_space<hbm>>)
      tpu.yield
    }) : () -> ()
    %add3A_55 = arith.constant 128 : i32
    %add3A_56 = arith.addi %mul3A_16, %add3A_55 : i32
    %dma_start3A_57 = tpu.memref_slice %arg9[%add3A_56] : memref<6144xi32, #tpu.memory_space<vmem>> -> memref<32xi32, #tpu.memory_space<vmem>>
    %dma_start3A_58 = arith.constant 0 : i32
    %dma_start3A_59 = arith.constant 0 : i32
    %dma_start3A_60 = tpu.memref_slice %arg2[%dma_start3A_58, %dma_start3A_59] : memref<2048x512xi32, #tpu.memory_space<hbm>> -> memref<2048x512xi32, #tpu.memory_space<hbm>>
    tpu.enqueue_indirect_dma source(%dma_start3A_60 : memref<2048x512xi32, #tpu.memory_space<hbm>>) target(%arg15 : memref<32x512xi32, #tpu.memory_space<vmem>>) offsets(%dma_start3A_57 : memref<32xi32, #tpu.memory_space<vmem>>) semaphore(%arg17 : memref<!tpu.dma_semaphore, #tpu.memory_space<semaphore_mem>>)
    %dma_wait3A_61 = tpu.memref_slice %arg9[%add3A_44] : memref<6144xi32, #tpu.memory_space<vmem>> -> memref<32xi32, #tpu.memory_space<vmem>>
    %dma_wait3A_62 = arith.constant 0 : i32
    %dma_wait3A_63 = arith.constant 0 : i32
    %dma_wait3A_64 = tpu.memref_slice %arg2[%dma_wait3A_62, %dma_wait3A_63] : memref<2048x512xi32, #tpu.memory_space<hbm>> -> memref<2048x512xi32, #tpu.memory_space<hbm>>
    tpu.wait_indirect_dma semaphore(%arg18 : memref<!tpu.dma_semaphore, #tpu.memory_space<semaphore_mem>>) src(%dma_wait3A_64 : memref<2048x512xi32, #tpu.memory_space<hbm>>) dst(%arg16 : memref<32x512xi32, #tpu.memory_space<vmem>>)
    %add3A_65 = arith.constant 96 : i32
    %add3A_66 = arith.addi %mul3A_16, %add3A_65 : i32
    "tpu.region"() ({
      %run_scoped3A = tpu.sem_alloc : memref<!tpu.dma_semaphore, #tpu.memory_space<semaphore_mem>>
      %dma_start3A_85 = arith.constant 0 : i32
      %dma_start3A_86 = tpu.memref_slice %arg7[%add3A_66, %dma_start3A_85] : memref<6144x512xi32, #tpu.memory_space<hbm>> -> memref<32x512xi32, #tpu.memory_space<hbm>>
      %dma_start3A_87 = arith.constant 0 : i32
      %dma_start3A_88 = tpu.memref_slice %arg7[%add3A_66, %dma_start3A_87] : memref<6144x512xi32, #tpu.memory_space<hbm>> -> memref<32x512xi32, #tpu.memory_space<hbm>>
      tpu.enqueue_dma source(%arg16 : memref<32x512xi32, #tpu.memory_space<vmem>>) target(%dma_start3A_88 : memref<32x512xi32, #tpu.memory_space<hbm>>) target_semaphore(%run_scoped3A : memref<!tpu.dma_semaphore, #tpu.memory_space<semaphore_mem>>)
      %dma_wait3A_89 = arith.constant 0 : i32
      %dma_wait3A_90 = tpu.memref_slice %arg7[%add3A_66, %dma_wait3A_89] : memref<6144x512xi32, #tpu.memory_space<hbm>> -> memref<32x512xi32, #tpu.memory_space<hbm>>
      %dma_wait3A_91 = arith.constant 0 : i32
      %dma_wait3A_92 = tpu.memref_slice %arg7[%add3A_66, %dma_wait3A_91] : memref<6144x512xi32, #tpu.memory_space<hbm>> -> memref<32x512xi32, #tpu.memory_space<hbm>>
      tpu.wait_dma2 semaphore(%run_scoped3A : memref<!tpu.dma_semaphore, #tpu.memory_space<semaphore_mem>>) src(%arg16 : memref<32x512xi32, #tpu.memory_space<vmem>>) dst(%dma_wait3A_92 : memref<32x512xi32, #tpu.memory_space<hbm>>)
      tpu.yield
    }) : () -> ()
    %add3A_67 = arith.constant 160 : i32
    %add3A_68 = arith.addi %mul3A_16, %add3A_67 : i32
    %dma_start3A_69 = tpu.memref_slice %arg9[%add3A_68] : memref<6144xi32, #tpu.memory_space<vmem>> -> memref<32xi32, #tpu.memory_space<vmem>>
    %dma_start3A_70 = arith.constant 0 : i32
    %dma_start3A_71 = arith.constant 0 : i32
    %dma_start3A_72 = tpu.memref_slice %arg2[%dma_start3A_70, %dma_start3A_71] : memref<2048x512xi32, #tpu.memory_space<hbm>> -> memref<2048x512xi32, #tpu.memory_space<hbm>>
    tpu.enqueue_indirect_dma source(%dma_start3A_72 : memref<2048x512xi32, #tpu.memory_space<hbm>>) target(%arg16 : memref<32x512xi32, #tpu.memory_space<vmem>>) offsets(%dma_start3A_69 : memref<32xi32, #tpu.memory_space<vmem>>) semaphore(%arg18 : memref<!tpu.dma_semaphore, #tpu.memory_space<semaphore_mem>>)
    %dma_wait3A_73 = tpu.memref_slice %arg9[%add3A_56] : memref<6144xi32, #tpu.memory_space<vmem>> -> memref<32xi32, #tpu.memory_space<vmem>>
    %dma_wait3A_74 = arith.constant 0 : i32
    %dma_wait3A_75 = arith.constant 0 : i32
    %dma_wait3A_76 = tpu.memref_slice %arg2[%dma_wait3A_74, %dma_wait3A_75] : memref<2048x512xi32, #tpu.memory_space<hbm>> -> memref<2048x512xi32, #tpu.memory_space<hbm>>
    tpu.wait_indirect_dma semaphore(%arg17 : memref<!tpu.dma_semaphore, #tpu.memory_space<semaphore_mem>>) src(%dma_wait3A_76 : memref<2048x512xi32, #tpu.memory_space<hbm>>) dst(%arg15 : memref<32x512xi32, #tpu.memory_space<vmem>>)
    %add3A_77 = arith.constant 128 : i32
    %add3A_78 = arith.addi %mul3A_16, %add3A_77 : i32
    "tpu.region"() ({
      %run_scoped3A = tpu.sem_alloc : memref<!tpu.dma_semaphore, #tpu.memory_space<semaphore_mem>>
      %dma_start3A_85 = arith.constant 0 : i32
      %dma_start3A_86 = tpu.memref_slice %arg7[%add3A_78, %dma_start3A_85] : memref<6144x512xi32, #tpu.memory_space<hbm>> -> memref<32x512xi32, #tpu.memory_space<hbm>>
      %dma_start3A_87 = arith.constant 0 : i32
      %dma_start3A_88 = tpu.memref_slice %arg7[%add3A_78, %dma_start3A_87] : memref<6144x512xi32, #tpu.memory_space<hbm>> -> memref<32x512xi32, #tpu.memory_space<hbm>>
      tpu.enqueue_dma source(%arg15 : memref<32x512xi32, #tpu.memory_space<vmem>>) target(%dma_start3A_88 : memref<32x512xi32, #tpu.memory_space<hbm>>) target_semaphore(%run_scoped3A : memref<!tpu.dma_semaphore, #tpu.memory_space<semaphore_mem>>)
      %dma_wait3A_89 = arith.constant 0 : i32
      %dma_wait3A_90 = tpu.memref_slice %arg7[%add3A_78, %dma_wait3A_89] : memref<6144x512xi32, #tpu.memory_space<hbm>> -> memref<32x512xi32, #tpu.memory_space<hbm>>
      %dma_wait3A_91 = arith.constant 0 : i32
      %dma_wait3A_92 = tpu.memref_slice %arg7[%add3A_78, %dma_wait3A_91] : memref<6144x512xi32, #tpu.memory_space<hbm>> -> memref<32x512xi32, #tpu.memory_space<hbm>>
      tpu.wait_dma2 semaphore(%run_scoped3A : memref<!tpu.dma_semaphore, #tpu.memory_space<semaphore_mem>>) src(%arg15 : memref<32x512xi32, #tpu.memory_space<vmem>>) dst(%dma_wait3A_92 : memref<32x512xi32, #tpu.memory_space<hbm>>)
      tpu.yield
    }) : () -> ()
    %dma_wait3A_79 = tpu.memref_slice %arg9[%add3A_68] : memref<6144xi32, #tpu.memory_space<vmem>> -> memref<32xi32, #tpu.memory_space<vmem>>
    %dma_wait3A_80 = arith.constant 0 : i32
    %dma_wait3A_81 = arith.constant 0 : i32
    %dma_wait3A_82 = tpu.memref_slice %arg2[%dma_wait3A_80, %dma_wait3A_81] : memref<2048x512xi32, #tpu.memory_space<hbm>> -> memref<2048x512xi32, #tpu.memory_space<hbm>>
    tpu.wait_indirect_dma semaphore(%arg18 : memref<!tpu.dma_semaphore, #tpu.memory_space<semaphore_mem>>) src(%dma_wait3A_82 : memref<2048x512xi32, #tpu.memory_space<hbm>>) dst(%arg16 : memref<32x512xi32, #tpu.memory_space<vmem>>)
    %add3A_83 = arith.constant 160 : i32
    %add3A_84 = arith.addi %mul3A_16, %add3A_83 : i32
    "tpu.region"() ({
      %run_scoped3A = tpu.sem_alloc : memref<!tpu.dma_semaphore, #tpu.memory_space<semaphore_mem>>
      %dma_start3A_85 = arith.constant 0 : i32
      %dma_start3A_86 = tpu.memref_slice %arg7[%add3A_84, %dma_start3A_85] : memref<6144x512xi32, #tpu.memory_space<hbm>> -> memref<32x512xi32, #tpu.memory_space<hbm>>
      %dma_start3A_87 = arith.constant 0 : i32
      %dma_start3A_88 = tpu.memref_slice %arg7[%add3A_84, %dma_start3A_87] : memref<6144x512xi32, #tpu.memory_space<hbm>> -> memref<32x512xi32, #tpu.memory_space<hbm>>
      tpu.enqueue_dma source(%arg16 : memref<32x512xi32, #tpu.memory_space<vmem>>) target(%dma_start3A_88 : memref<32x512xi32, #tpu.memory_space<hbm>>) target_semaphore(%run_scoped3A : memref<!tpu.dma_semaphore, #tpu.memory_space<semaphore_mem>>)
      %dma_wait3A_89 = arith.constant 0 : i32
      %dma_wait3A_90 = tpu.memref_slice %arg7[%add3A_84, %dma_wait3A_89] : memref<6144x512xi32, #tpu.memory_space<hbm>> -> memref<32x512xi32, #tpu.memory_space<hbm>>
      %dma_wait3A_91 = arith.constant 0 : i32
      %dma_wait3A_92 = tpu.memref_slice %arg7[%add3A_84, %dma_wait3A_91] : memref<6144x512xi32, #tpu.memory_space<hbm>> -> memref<32x512xi32, #tpu.memory_space<hbm>>
      tpu.wait_dma2 semaphore(%run_scoped3A : memref<!tpu.dma_semaphore, #tpu.memory_space<semaphore_mem>>) src(%arg16 : memref<32x512xi32, #tpu.memory_space<vmem>>) dst(%dma_wait3A_92 : memref<32x512xi32, #tpu.memory_space<hbm>>)
      tpu.yield
    }) : () -> ()
    return
  }
}

#map = affine_map<(d0, d1) -> (0, 0)>
#map1 = affine_map<(d0, d1) -> (0)>
module attributes {stable_mosaic.version = 14 : i64} {
  func.func @_combine(%arg0: i32, %arg1: i32, %arg2: memref<6144x512xi32, #tpu.memory_space<hbm>>, %arg3: memref<2048xi32, #tpu.memory_space<hbm>>, %arg4: memref<2048xi32, #tpu.memory_space<hbm>>, %arg5: memref<2048x1024xf32, #tpu.memory_space<hbm>>, %arg6: memref<64xi32, #tpu.memory_space<vmem>>, %arg7: memref<64xi32, #tpu.memory_space<vmem>>, %arg8: memref<32x512xi32, #tpu.memory_space<vmem>>, %arg9: memref<32x512xi32, #tpu.memory_space<vmem>>, %arg10: memref<32x1024xf32, #tpu.memory_space<vmem>>, %arg11: memref<!tpu.dma_semaphore, #tpu.memory_space<semaphore_mem>>, %arg12: memref<!tpu.dma_semaphore, #tpu.memory_space<semaphore_mem>>) attributes {dimension_semantics = [#tpu.dimension_semantics<core_parallel>, #tpu.dimension_semantics<subcore_parallel>], iteration_bounds = array<i64: 2, 16>, scalar_prefetch = 0 : i64, scratch_operands = 7 : i64, tpu.core_type = #tpu.core_type<sc_vector_subcore>, window_params = [{transform_indices = #map}, {transform_indices = #map1}, {transform_indices = #map1}, {transform_indices = #map}]} {
    %mul3A = arith.constant 2 : i32
    %mul3A_0 = arith.muli %arg1, %mul3A : i32
    %add3A = arith.addi %mul3A_0, %arg0 : i32
    %mul3A_1 = arith.constant 64 : i32
    %mul3A_2 = arith.muli %add3A, %mul3A_1 : i32
    "tpu.region"() ({
      %run_scoped3A = tpu.sem_alloc : memref<!tpu.dma_semaphore, #tpu.memory_space<semaphore_mem>>
      %dma_start3A_55 = tpu.memref_slice %arg3[%mul3A_2] : memref<2048xi32, #tpu.memory_space<hbm>> -> memref<64xi32, #tpu.memory_space<hbm>>
      %dma_start3A_56 = tpu.memref_slice %arg3[%mul3A_2] : memref<2048xi32, #tpu.memory_space<hbm>> -> memref<64xi32, #tpu.memory_space<hbm>>
      tpu.enqueue_dma source(%dma_start3A_56 : memref<64xi32, #tpu.memory_space<hbm>>) target(%arg6 : memref<64xi32, #tpu.memory_space<vmem>>) target_semaphore(%run_scoped3A : memref<!tpu.dma_semaphore, #tpu.memory_space<semaphore_mem>>)
      %dma_wait3A_57 = tpu.memref_slice %arg3[%mul3A_2] : memref<2048xi32, #tpu.memory_space<hbm>> -> memref<64xi32, #tpu.memory_space<hbm>>
      %dma_wait3A_58 = tpu.memref_slice %arg3[%mul3A_2] : memref<2048xi32, #tpu.memory_space<hbm>> -> memref<64xi32, #tpu.memory_space<hbm>>
      tpu.wait_dma2 semaphore(%run_scoped3A : memref<!tpu.dma_semaphore, #tpu.memory_space<semaphore_mem>>) src(%dma_wait3A_58 : memref<64xi32, #tpu.memory_space<hbm>>) dst(%arg6 : memref<64xi32, #tpu.memory_space<vmem>>)
      tpu.yield
    }) : () -> ()
    "tpu.region"() ({
      %run_scoped3A = tpu.sem_alloc : memref<!tpu.dma_semaphore, #tpu.memory_space<semaphore_mem>>
      %dma_start3A_55 = tpu.memref_slice %arg4[%mul3A_2] : memref<2048xi32, #tpu.memory_space<hbm>> -> memref<64xi32, #tpu.memory_space<hbm>>
      %dma_start3A_56 = tpu.memref_slice %arg4[%mul3A_2] : memref<2048xi32, #tpu.memory_space<hbm>> -> memref<64xi32, #tpu.memory_space<hbm>>
      tpu.enqueue_dma source(%dma_start3A_56 : memref<64xi32, #tpu.memory_space<hbm>>) target(%arg7 : memref<64xi32, #tpu.memory_space<vmem>>) target_semaphore(%run_scoped3A : memref<!tpu.dma_semaphore, #tpu.memory_space<semaphore_mem>>)
      %dma_wait3A_57 = tpu.memref_slice %arg4[%mul3A_2] : memref<2048xi32, #tpu.memory_space<hbm>> -> memref<64xi32, #tpu.memory_space<hbm>>
      %dma_wait3A_58 = tpu.memref_slice %arg4[%mul3A_2] : memref<2048xi32, #tpu.memory_space<hbm>> -> memref<64xi32, #tpu.memory_space<hbm>>
      tpu.wait_dma2 semaphore(%run_scoped3A : memref<!tpu.dma_semaphore, #tpu.memory_space<semaphore_mem>>) src(%dma_wait3A_58 : memref<64xi32, #tpu.memory_space<hbm>>) dst(%arg7 : memref<64xi32, #tpu.memory_space<vmem>>)
      tpu.yield
    }) : () -> ()
    %broadcast_in_dim3A = arith.constant -65536 : i32
    %broadcast_in_dim3A_3 = vector.broadcast %broadcast_in_dim3A : i32 to vector<16xi32>
    %dma_start3A = arith.constant 0 : i32
    %dma_start3A_4 = tpu.memref_slice %arg6[%dma_start3A] : memref<64xi32, #tpu.memory_space<vmem>> -> memref<32xi32, #tpu.memory_space<vmem>>
    %dma_start3A_5 = arith.constant 0 : i32
    %dma_start3A_6 = arith.constant 0 : i32
    %dma_start3A_7 = tpu.memref_slice %arg2[%dma_start3A_5, %dma_start3A_6] : memref<6144x512xi32, #tpu.memory_space<hbm>> -> memref<6144x512xi32, #tpu.memory_space<hbm>>
    tpu.enqueue_indirect_dma source(%dma_start3A_7 : memref<6144x512xi32, #tpu.memory_space<hbm>>) target(%arg8 : memref<32x512xi32, #tpu.memory_space<vmem>>) offsets(%dma_start3A_4 : memref<32xi32, #tpu.memory_space<vmem>>) semaphore(%arg11 : memref<!tpu.dma_semaphore, #tpu.memory_space<semaphore_mem>>)
    %dma_start3A_8 = arith.constant 0 : i32
    %dma_start3A_9 = tpu.memref_slice %arg7[%dma_start3A_8] : memref<64xi32, #tpu.memory_space<vmem>> -> memref<32xi32, #tpu.memory_space<vmem>>
    %dma_start3A_10 = arith.constant 0 : i32
    %dma_start3A_11 = arith.constant 0 : i32
    %dma_start3A_12 = tpu.memref_slice %arg2[%dma_start3A_10, %dma_start3A_11] : memref<6144x512xi32, #tpu.memory_space<hbm>> -> memref<6144x512xi32, #tpu.memory_space<hbm>>
    tpu.enqueue_indirect_dma source(%dma_start3A_12 : memref<6144x512xi32, #tpu.memory_space<hbm>>) target(%arg9 : memref<32x512xi32, #tpu.memory_space<vmem>>) offsets(%dma_start3A_9 : memref<32xi32, #tpu.memory_space<vmem>>) semaphore(%arg12 : memref<!tpu.dma_semaphore, #tpu.memory_space<semaphore_mem>>)
    %dma_wait3A = arith.constant 0 : i32
    %dma_wait3A_13 = tpu.memref_slice %arg6[%dma_wait3A] : memref<64xi32, #tpu.memory_space<vmem>> -> memref<32xi32, #tpu.memory_space<vmem>>
    %dma_wait3A_14 = arith.constant 0 : i32
    %dma_wait3A_15 = arith.constant 0 : i32
    %dma_wait3A_16 = tpu.memref_slice %arg2[%dma_wait3A_14, %dma_wait3A_15] : memref<6144x512xi32, #tpu.memory_space<hbm>> -> memref<6144x512xi32, #tpu.memory_space<hbm>>
    tpu.wait_indirect_dma semaphore(%arg11 : memref<!tpu.dma_semaphore, #tpu.memory_space<semaphore_mem>>) src(%dma_wait3A_16 : memref<6144x512xi32, #tpu.memory_space<hbm>>) dst(%arg8 : memref<32x512xi32, #tpu.memory_space<vmem>>)
    %dma_wait3A_17 = arith.constant 0 : i32
    %dma_wait3A_18 = tpu.memref_slice %arg7[%dma_wait3A_17] : memref<64xi32, #tpu.memory_space<vmem>> -> memref<32xi32, #tpu.memory_space<vmem>>
    %dma_wait3A_19 = arith.constant 0 : i32
    %dma_wait3A_20 = arith.constant 0 : i32
    %dma_wait3A_21 = tpu.memref_slice %arg2[%dma_wait3A_19, %dma_wait3A_20] : memref<6144x512xi32, #tpu.memory_space<hbm>> -> memref<6144x512xi32, #tpu.memory_space<hbm>>
    tpu.wait_indirect_dma semaphore(%arg12 : memref<!tpu.dma_semaphore, #tpu.memory_space<semaphore_mem>>) src(%dma_wait3A_21 : memref<6144x512xi32, #tpu.memory_space<hbm>>) dst(%arg9 : memref<32x512xi32, #tpu.memory_space<vmem>>)
    %scan3A = arith.constant 0 : i32
    %scan3A_22 = arith.constant 32 : i32
    %scan3A_23 = arith.addi %scan3A, %scan3A_22 : i32
    %scan3A_24 = arith.constant 1 : i32
    scf.for %scan3A_55 = %scan3A to %scan3A_23 step %scan3A_24  : i32 {
      %get3A = arith.index_cast %scan3A_55 : i32 to index
      %get3A_56 = arith.constant 0 : index
      %get3A_57 = tpu.vector_load %arg8[%get3A, %get3A_56] {strides = array<i32>} : memref<32x512xi32, #tpu.memory_space<vmem>>, vector<16xi32>,
      %get3A_58 = arith.index_cast %scan3A_55 : i32 to index
      %get3A_59 = arith.constant 0 : index
      %get3A_60 = tpu.vector_load %arg9[%get3A_58, %get3A_59] {strides = array<i32>} : memref<32x512xi32, #tpu.memory_space<vmem>>, vector<16xi32>,
      %shift_left3A = arith.constant 16 : i32
      %shift_left3A_61 = vector.broadcast %shift_left3A : i32 to vector<16xi32>
      %shift_left3A_62 = arith.shli %get3A_57, %shift_left3A_61 : vector<16xi32>
      %bitcast_convert_type3A = tpu.bitcast %shift_left3A_62 : vector<16xi32> -> vector<16xf32>
      %shift_left3A_63 = arith.constant 16 : i32
      %shift_left3A_64 = vector.broadcast %shift_left3A_63 : i32 to vector<16xi32>
      %shift_left3A_65 = arith.shli %get3A_60, %shift_left3A_64 : vector<16xi32>
      %bitcast_convert_type3A_66 = tpu.bitcast %shift_left3A_65 : vector<16xi32> -> vector<16xf32>
      %add3A_67 = arith.addf %bitcast_convert_type3A, %bitcast_convert_type3A_66 : vector<16xf32>
      %and3A = arith.andi %get3A_57, %broadcast_in_dim3A_3 : vector<16xi32>
      %bitcast_convert_type3A_68 = tpu.bitcast %and3A : vector<16xi32> -> vector<16xf32>
      %and3A_69 = arith.andi %get3A_60, %broadcast_in_dim3A_3 : vector<16xi32>
      %bitcast_convert_type3A_70 = tpu.bitcast %and3A_69 : vector<16xi32> -> vector<16xf32>
      %add3A_71 = arith.addf %bitcast_convert_type3A_68, %bitcast_convert_type3A_70 : vector<16xf32>
      %swap3A = arith.index_cast %scan3A_55 : i32 to index
      %swap3A_72 = arith.constant 0 : index
      %swap3A_73 = tpu.vector_load %arg10[%swap3A, %swap3A_72] {strides = array<i32>} : memref<32x1024xf32, #tpu.memory_space<vmem>>, vector<16xf32>,
      tpu.vector_store %arg10[%swap3A, %swap3A_72], %add3A_67 {strides = array<i32>} : memref<32x1024xf32, #tpu.memory_space<vmem>>, vector<16xf32>,
      %swap3A_74 = arith.index_cast %scan3A_55 : i32 to index
      %swap3A_75 = arith.constant 512 : index
      %swap3A_76 = tpu.vector_load %arg10[%swap3A_74, %swap3A_75] {strides = array<i32>} : memref<32x1024xf32, #tpu.memory_space<vmem>>, vector<16xf32>,
      tpu.vector_store %arg10[%swap3A_74, %swap3A_75], %add3A_71 {strides = array<i32>} : memref<32x1024xf32, #tpu.memory_space<vmem>>, vector<16xf32>,
      %get3A_77 = arith.index_cast %scan3A_55 : i32 to index
      %get3A_78 = arith.constant 16 : index
      %get3A_79 = tpu.vector_load %arg8[%get3A_77, %get3A_78] {strides = array<i32>} : memref<32x512xi32, #tpu.memory_space<vmem>>, vector<16xi32>,
      %get3A_80 = arith.index_cast %scan3A_55 : i32 to index
      %get3A_81 = arith.constant 16 : index
      %get3A_82 = tpu.vector_load %arg9[%get3A_80, %get3A_81] {strides = array<i32>} : memref<32x512xi32, #tpu.memory_space<vmem>>, vector<16xi32>,
      %shift_left3A_83 = arith.constant 16 : i32
      %shift_left3A_84 = vector.broadcast %shift_left3A_83 : i32 to vector<16xi32>
      %shift_left3A_85 = arith.shli %get3A_79, %shift_left3A_84 : vector<16xi32>
      %bitcast_convert_type3A_86 = tpu.bitcast %shift_left3A_85 : vector<16xi32> -> vector<16xf32>
      %shift_left3A_87 = arith.constant 16 : i32
      %shift_left3A_88 = vector.broadcast %shift_left3A_87 : i32 to vector<16xi32>
      %shift_left3A_89 = arith.shli %get3A_82, %shift_left3A_88 : vector<16xi32>
      %bitcast_convert_type3A_90 = tpu.bitcast %shift_left3A_89 : vector<16xi32> -> vector<16xf32>
      %add3A_91 = arith.addf %bitcast_convert_type3A_86, %bitcast_convert_type3A_90 : vector<16xf32>
      %and3A_92 = arith.andi %get3A_79, %broadcast_in_dim3A_3 : vector<16xi32>
      %bitcast_convert_type3A_93 = tpu.bitcast %and3A_92 : vector<16xi32> -> vector<16xf32>
      %and3A_94 = arith.andi %get3A_82, %broadcast_in_dim3A_3 : vector<16xi32>
      %bitcast_convert_type3A_95 = tpu.bitcast %and3A_94 : vector<16xi32> -> vector<16xf32>
      %add3A_96 = arith.addf %bitcast_convert_type3A_93, %bitcast_convert_type3A_95 : vector<16xf32>
      %swap3A_97 = arith.index_cast %scan3A_55 : i32 to index
      %swap3A_98 = arith.constant 16 : index
      %swap3A_99 = tpu.vector_load %arg10[%swap3A_97, %swap3A_98] {strides = array<i32>} : memref<32x1024xf32, #tpu.memory_space<vmem>>, vector<16xf32>,
      tpu.vector_store %arg10[%swap3A_97, %swap3A_98], %add3A_91 {strides = array<i32>} : memref<32x1024xf32, #tpu.memory_space<vmem>>, vector<16xf32>,
      %swap3A_100 = arith.index_cast %scan3A_55 : i32 to index
      %swap3A_101 = arith.constant 528 : index
      %swap3A_102 = tpu.vector_load %arg10[%swap3A_100, %swap3A_101] {strides = array<i32>} : memref<32x1024xf32, #tpu.memory_space<vmem>>, vector<16xf32>,
      tpu.vector_store %arg10[%swap3A_100, %swap3A_101], %add3A_96 {strides = array<i32>} : memref<32x1024xf32, #tpu.memory_space<vmem>>, vector<16xf32>,
      %get3A_103 = arith.index_cast %scan3A_55 : i32 to index
      %get3A_104 = arith.constant 32 : index
      %get3A_105 = tpu.vector_load %arg8[%get3A_103, %get3A_104] {strides = array<i32>} : memref<32x512xi32, #tpu.memory_space<vmem>>, vector<16xi32>,
      %get3A_106 = arith.index_cast %scan3A_55 : i32 to index
      %get3A_107 = arith.constant 32 : index
      %get3A_108 = tpu.vector_load %arg9[%get3A_106, %get3A_107] {strides = array<i32>} : memref<32x512xi32, #tpu.memory_space<vmem>>, vector<16xi32>,
      %shift_left3A_109 = arith.constant 16 : i32
      %shift_left3A_110 = vector.broadcast %shift_left3A_109 : i32 to vector<16xi32>
      %shift_left3A_111 = arith.shli %get3A_105, %shift_left3A_110 : vector<16xi32>
      %bitcast_convert_type3A_112 = tpu.bitcast %shift_left3A_111 : vector<16xi32> -> vector<16xf32>
      %shift_left3A_113 = arith.constant 16 : i32
      %shift_left3A_114 = vector.broadcast %shift_left3A_113 : i32 to vector<16xi32>
      %shift_left3A_115 = arith.shli %get3A_108, %shift_left3A_114 : vector<16xi32>
      %bitcast_convert_type3A_116 = tpu.bitcast %shift_left3A_115 : vector<16xi32> -> vector<16xf32>
      %add3A_117 = arith.addf %bitcast_convert_type3A_112, %bitcast_convert_type3A_116 : vector<16xf32>
      %and3A_118 = arith.andi %get3A_105, %broadcast_in_dim3A_3 : vector<16xi32>
      %bitcast_convert_type3A_119 = tpu.bitcast %and3A_118 : vector<16xi32> -> vector<16xf32>
      %and3A_120 = arith.andi %get3A_108, %broadcast_in_dim3A_3 : vector<16xi32>
      %bitcast_convert_type3A_121 = tpu.bitcast %and3A_120 : vector<16xi32> -> vector<16xf32>
      %add3A_122 = arith.addf %bitcast_convert_type3A_119, %bitcast_convert_type3A_121 : vector<16xf32>
      %swap3A_123 = arith.index_cast %scan3A_55 : i32 to index
      %swap3A_124 = arith.constant 32 : index
      %swap3A_125 = tpu.vector_load %arg10[%swap3A_123, %swap3A_124] {strides = array<i32>} : memref<32x1024xf32, #tpu.memory_space<vmem>>, vector<16xf32>,
      tpu.vector_store %arg10[%swap3A_123, %swap3A_124], %add3A_117 {strides = array<i32>} : memref<32x1024xf32, #tpu.memory_space<vmem>>, vector<16xf32>,
      %swap3A_126 = arith.index_cast %scan3A_55 : i32 to index
      %swap3A_127 = arith.constant 544 : index
      %swap3A_128 = tpu.vector_load %arg10[%swap3A_126, %swap3A_127] {strides = array<i32>} : memref<32x1024xf32, #tpu.memory_space<vmem>>, vector<16xf32>,
      tpu.vector_store %arg10[%swap3A_126, %swap3A_127], %add3A_122 {strides = array<i32>} : memref<32x1024xf32, #tpu.memory_space<vmem>>, vector<16xf32>,
      %get3A_129 = arith.index_cast %scan3A_55 : i32 to index
      %get3A_130 = arith.constant 48 : index
      %get3A_131 = tpu.vector_load %arg8[%get3A_129, %get3A_130] {strides = array<i32>} : memref<32x512xi32, #tpu.memory_space<vmem>>, vector<16xi32>,
      %get3A_132 = arith.index_cast %scan3A_55 : i32 to index
      %get3A_133 = arith.constant 48 : index
      %get3A_134 = tpu.vector_load %arg9[%get3A_132, %get3A_133] {strides = array<i32>} : memref<32x512xi32, #tpu.memory_space<vmem>>, vector<16xi32>,
      %shift_left3A_135 = arith.constant 16 : i32
      %shift_left3A_136 = vector.broadcast %shift_left3A_135 : i32 to vector<16xi32>
      %shift_left3A_137 = arith.shli %get3A_131, %shift_left3A_136 : vector<16xi32>
      %bitcast_convert_type3A_138 = tpu.bitcast %shift_left3A_137 : vector<16xi32> -> vector<16xf32>
      %shift_left3A_139 = arith.constant 16 : i32
      %shift_left3A_140 = vector.broadcast %shift_left3A_139 : i32 to vector<16xi32>
      %shift_left3A_141 = arith.shli %get3A_134, %shift_left3A_140 : vector<16xi32>
      %bitcast_convert_type3A_142 = tpu.bitcast %shift_left3A_141 : vector<16xi32> -> vector<16xf32>
      %add3A_143 = arith.addf %bitcast_convert_type3A_138, %bitcast_convert_type3A_142 : vector<16xf32>
      %and3A_144 = arith.andi %get3A_131, %broadcast_in_dim3A_3 : vector<16xi32>
      %bitcast_convert_type3A_145 = tpu.bitcast %and3A_144 : vector<16xi32> -> vector<16xf32>
      %and3A_146 = arith.andi %get3A_134, %broadcast_in_dim3A_3 : vector<16xi32>
      %bitcast_convert_type3A_147 = tpu.bitcast %and3A_146 : vector<16xi32> -> vector<16xf32>
      %add3A_148 = arith.addf %bitcast_convert_type3A_145, %bitcast_convert_type3A_147 : vector<16xf32>
      %swap3A_149 = arith.index_cast %scan3A_55 : i32 to index
      %swap3A_150 = arith.constant 48 : index
      %swap3A_151 = tpu.vector_load %arg10[%swap3A_149, %swap3A_150] {strides = array<i32>} : memref<32x1024xf32, #tpu.memory_space<vmem>>, vector<16xf32>,
      tpu.vector_store %arg10[%swap3A_149, %swap3A_150], %add3A_143 {strides = array<i32>} : memref<32x1024xf32, #tpu.memory_space<vmem>>, vector<16xf32>,
      %swap3A_152 = arith.index_cast %scan3A_55 : i32 to index
      %swap3A_153 = arith.constant 560 : index
      %swap3A_154 = tpu.vector_load %arg10[%swap3A_152, %swap3A_153] {strides = array<i32>} : memref<32x1024xf32, #tpu.memory_space<vmem>>, vector<16xf32>,
      tpu.vector_store %arg10[%swap3A_152, %swap3A_153], %add3A_148 {strides = array<i32>} : memref<32x1024xf32, #tpu.memory_space<vmem>>, vector<16xf32>,
      %get3A_155 = arith.index_cast %scan3A_55 : i32 to index
      %get3A_156 = arith.constant 64 : index
      %get3A_157 = tpu.vector_load %arg8[%get3A_155, %get3A_156] {strides = array<i32>} : memref<32x512xi32, #tpu.memory_space<vmem>>, vector<16xi32>,
      %get3A_158 = arith.index_cast %scan3A_55 : i32 to index
      %get3A_159 = arith.constant 64 : index
      %get3A_160 = tpu.vector_load %arg9[%get3A_158, %get3A_159] {strides = array<i32>} : memref<32x512xi32, #tpu.memory_space<vmem>>, vector<16xi32>,
      %shift_left3A_161 = arith.constant 16 : i32
      %shift_left3A_162 = vector.broadcast %shift_left3A_161 : i32 to vector<16xi32>
      %shift_left3A_163 = arith.shli %get3A_157, %shift_left3A_162 : vector<16xi32>
      %bitcast_convert_type3A_164 = tpu.bitcast %shift_left3A_163 : vector<16xi32> -> vector<16xf32>
      %shift_left3A_165 = arith.constant 16 : i32
      %shift_left3A_166 = vector.broadcast %shift_left3A_165 : i32 to vector<16xi32>
      %shift_left3A_167 = arith.shli %get3A_160, %shift_left3A_166 : vector<16xi32>
      %bitcast_convert_type3A_168 = tpu.bitcast %shift_left3A_167 : vector<16xi32> -> vector<16xf32>
      %add3A_169 = arith.addf %bitcast_convert_type3A_164, %bitcast_convert_type3A_168 : vector<16xf32>
      %and3A_170 = arith.andi %get3A_157, %broadcast_in_dim3A_3 : vector<16xi32>
      %bitcast_convert_type3A_171 = tpu.bitcast %and3A_170 : vector<16xi32> -> vector<16xf32>
      %and3A_172 = arith.andi %get3A_160, %broadcast_in_dim3A_3 : vector<16xi32>
      %bitcast_convert_type3A_173 = tpu.bitcast %and3A_172 : vector<16xi32> -> vector<16xf32>
      %add3A_174 = arith.addf %bitcast_convert_type3A_171, %bitcast_convert_type3A_173 : vector<16xf32>
      %swap3A_175 = arith.index_cast %scan3A_55 : i32 to index
      %swap3A_176 = arith.constant 64 : index
      %swap3A_177 = tpu.vector_load %arg10[%swap3A_175, %swap3A_176] {strides = array<i32>} : memref<32x1024xf32, #tpu.memory_space<vmem>>, vector<16xf32>,
      tpu.vector_store %arg10[%swap3A_175, %swap3A_176], %add3A_169 {strides = array<i32>} : memref<32x1024xf32, #tpu.memory_space<vmem>>, vector<16xf32>,
      %swap3A_178 = arith.index_cast %scan3A_55 : i32 to index
      %swap3A_179 = arith.constant 576 : index
      %swap3A_180 = tpu.vector_load %arg10[%swap3A_178, %swap3A_179] {strides = array<i32>} : memref<32x1024xf32, #tpu.memory_space<vmem>>, vector<16xf32>,
      tpu.vector_store %arg10[%swap3A_178, %swap3A_179], %add3A_174 {strides = array<i32>} : memref<32x1024xf32, #tpu.memory_space<vmem>>, vector<16xf32>,
      %get3A_181 = arith.index_cast %scan3A_55 : i32 to index
      %get3A_182 = arith.constant 80 : index
      %get3A_183 = tpu.vector_load %arg8[%get3A_181, %get3A_182] {strides = array<i32>} : memref<32x512xi32, #tpu.memory_space<vmem>>, vector<16xi32>,
      %get3A_184 = arith.index_cast %scan3A_55 : i32 to index
      %get3A_185 = arith.constant 80 : index
      %get3A_186 = tpu.vector_load %arg9[%get3A_184, %get3A_185] {strides = array<i32>} : memref<32x512xi32, #tpu.memory_space<vmem>>, vector<16xi32>,
      %shift_left3A_187 = arith.constant 16 : i32
      %shift_left3A_188 = vector.broadcast %shift_left3A_187 : i32 to vector<16xi32>
      %shift_left3A_189 = arith.shli %get3A_183, %shift_left3A_188 : vector<16xi32>
      %bitcast_convert_type3A_190 = tpu.bitcast %shift_left3A_189 : vector<16xi32> -> vector<16xf32>
      %shift_left3A_191 = arith.constant 16 : i32
      %shift_left3A_192 = vector.broadcast %shift_left3A_191 : i32 to vector<16xi32>
      %shift_left3A_193 = arith.shli %get3A_186, %shift_left3A_192 : vector<16xi32>
      %bitcast_convert_type3A_194 = tpu.bitcast %shift_left3A_193 : vector<16xi32> -> vector<16xf32>
      %add3A_195 = arith.addf %bitcast_convert_type3A_190, %bitcast_convert_type3A_194 : vector<16xf32>
      %and3A_196 = arith.andi %get3A_183, %broadcast_in_dim3A_3 : vector<16xi32>
      %bitcast_convert_type3A_197 = tpu.bitcast %and3A_196 : vector<16xi32> -> vector<16xf32>
      %and3A_198 = arith.andi %get3A_186, %broadcast_in_dim3A_3 : vector<16xi32>
      %bitcast_convert_type3A_199 = tpu.bitcast %and3A_198 : vector<16xi32> -> vector<16xf32>
      %add3A_200 = arith.addf %bitcast_convert_type3A_197, %bitcast_convert_type3A_199 : vector<16xf32>
      %swap3A_201 = arith.index_cast %scan3A_55 : i32 to index
      %swap3A_202 = arith.constant 80 : index
      %swap3A_203 = tpu.vector_load %arg10[%swap3A_201, %swap3A_202] {strides = array<i32>} : memref<32x1024xf32, #tpu.memory_space<vmem>>, vector<16xf32>,
      tpu.vector_store %arg10[%swap3A_201, %swap3A_202], %add3A_195 {strides = array<i32>} : memref<32x1024xf32, #tpu.memory_space<vmem>>, vector<16xf32>,
      %swap3A_204 = arith.index_cast %scan3A_55 : i32 to index
      %swap3A_205 = arith.constant 592 : index
      %swap3A_206 = tpu.vector_load %arg10[%swap3A_204, %swap3A_205] {strides = array<i32>} : memref<32x1024xf32, #tpu.memory_space<vmem>>, vector<16xf32>,
      tpu.vector_store %arg10[%swap3A_204, %swap3A_205], %add3A_200 {strides = array<i32>} : memref<32x1024xf32, #tpu.memory_space<vmem>>, vector<16xf32>,
      %get3A_207 = arith.index_cast %scan3A_55 : i32 to index
      %get3A_208 = arith.constant 96 : index
      %get3A_209 = tpu.vector_load %arg8[%get3A_207, %get3A_208] {strides = array<i32>} : memref<32x512xi32, #tpu.memory_space<vmem>>, vector<16xi32>,
      %get3A_210 = arith.index_cast %scan3A_55 : i32 to index
      %get3A_211 = arith.constant 96 : index
      %get3A_212 = tpu.vector_load %arg9[%get3A_210, %get3A_211] {strides = array<i32>} : memref<32x512xi32, #tpu.memory_space<vmem>>, vector<16xi32>,
      %shift_left3A_213 = arith.constant 16 : i32
      %shift_left3A_214 = vector.broadcast %shift_left3A_213 : i32 to vector<16xi32>
      %shift_left3A_215 = arith.shli %get3A_209, %shift_left3A_214 : vector<16xi32>
      %bitcast_convert_type3A_216 = tpu.bitcast %shift_left3A_215 : vector<16xi32> -> vector<16xf32>
      %shift_left3A_217 = arith.constant 16 : i32
      %shift_left3A_218 = vector.broadcast %shift_left3A_217 : i32 to vector<16xi32>
      %shift_left3A_219 = arith.shli %get3A_212, %shift_left3A_218 : vector<16xi32>
      %bitcast_convert_type3A_220 = tpu.bitcast %shift_left3A_219 : vector<16xi32> -> vector<16xf32>
      %add3A_221 = arith.addf %bitcast_convert_type3A_216, %bitcast_convert_type3A_220 : vector<16xf32>
      %and3A_222 = arith.andi %get3A_209, %broadcast_in_dim3A_3 : vector<16xi32>
      %bitcast_convert_type3A_223 = tpu.bitcast %and3A_222 : vector<16xi32> -> vector<16xf32>
      %and3A_224 = arith.andi %get3A_212, %broadcast_in_dim3A_3 : vector<16xi32>
      %bitcast_convert_type3A_225 = tpu.bitcast %and3A_224 : vector<16xi32> -> vector<16xf32>
      %add3A_226 = arith.addf %bitcast_convert_type3A_223, %bitcast_convert_type3A_225 : vector<16xf32>
      %swap3A_227 = arith.index_cast %scan3A_55 : i32 to index
      %swap3A_228 = arith.constant 96 : index
      %swap3A_229 = tpu.vector_load %arg10[%swap3A_227, %swap3A_228] {strides = array<i32>} : memref<32x1024xf32, #tpu.memory_space<vmem>>, vector<16xf32>,
      tpu.vector_store %arg10[%swap3A_227, %swap3A_228], %add3A_221 {strides = array<i32>} : memref<32x1024xf32, #tpu.memory_space<vmem>>, vector<16xf32>,
      %swap3A_230 = arith.index_cast %scan3A_55 : i32 to index
      %swap3A_231 = arith.constant 608 : index
      %swap3A_232 = tpu.vector_load %arg10[%swap3A_230, %swap3A_231] {strides = array<i32>} : memref<32x1024xf32, #tpu.memory_space<vmem>>, vector<16xf32>,
      tpu.vector_store %arg10[%swap3A_230, %swap3A_231], %add3A_226 {strides = array<i32>} : memref<32x1024xf32, #tpu.memory_space<vmem>>, vector<16xf32>,
      %get3A_233 = arith.index_cast %scan3A_55 : i32 to index
      %get3A_234 = arith.constant 112 : index
      %get3A_235 = tpu.vector_load %arg8[%get3A_233, %get3A_234] {strides = array<i32>} : memref<32x512xi32, #tpu.memory_space<vmem>>, vector<16xi32>,
      %get3A_236 = arith.index_cast %scan3A_55 : i32 to index
      %get3A_237 = arith.constant 112 : index
      %get3A_238 = tpu.vector_load %arg9[%get3A_236, %get3A_237] {strides = array<i32>} : memref<32x512xi32, #tpu.memory_space<vmem>>, vector<16xi32>,
      %shift_left3A_239 = arith.constant 16 : i32
      %shift_left3A_240 = vector.broadcast %shift_left3A_239 : i32 to vector<16xi32>
      %shift_left3A_241 = arith.shli %get3A_235, %shift_left3A_240 : vector<16xi32>
      %bitcast_convert_type3A_242 = tpu.bitcast %shift_left3A_241 : vector<16xi32> -> vector<16xf32>
      %shift_left3A_243 = arith.constant 16 : i32
      %shift_left3A_244 = vector.broadcast %shift_left3A_243 : i32 to vector<16xi32>
      %shift_left3A_245 = arith.shli %get3A_238, %shift_left3A_244 : vector<16xi32>
      %bitcast_convert_type3A_246 = tpu.bitcast %shift_left3A_245 : vector<16xi32> -> vector<16xf32>
      %add3A_247 = arith.addf %bitcast_convert_type3A_242, %bitcast_convert_type3A_246 : vector<16xf32>
      %and3A_248 = arith.andi %get3A_235, %broadcast_in_dim3A_3 : vector<16xi32>
      %bitcast_convert_type3A_249 = tpu.bitcast %and3A_248 : vector<16xi32> -> vector<16xf32>
      %and3A_250 = arith.andi %get3A_238, %broadcast_in_dim3A_3 : vector<16xi32>
      %bitcast_convert_type3A_251 = tpu.bitcast %and3A_250 : vector<16xi32> -> vector<16xf32>
      %add3A_252 = arith.addf %bitcast_convert_type3A_249, %bitcast_convert_type3A_251 : vector<16xf32>
      %swap3A_253 = arith.index_cast %scan3A_55 : i32 to index
      %swap3A_254 = arith.constant 112 : index
      %swap3A_255 = tpu.vector_load %arg10[%swap3A_253, %swap3A_254] {strides = array<i32>} : memref<32x1024xf32, #tpu.memory_space<vmem>>, vector<16xf32>,
      tpu.vector_store %arg10[%swap3A_253, %swap3A_254], %add3A_247 {strides = array<i32>} : memref<32x1024xf32, #tpu.memory_space<vmem>>, vector<16xf32>,
      %swap3A_256 = arith.index_cast %scan3A_55 : i32 to index
      %swap3A_257 = arith.constant 624 : index
      %swap3A_258 = tpu.vector_load %arg10[%swap3A_256, %swap3A_257] {strides = array<i32>} : memref<32x1024xf32, #tpu.memory_space<vmem>>, vector<16xf32>,
      tpu.vector_store %arg10[%swap3A_256, %swap3A_257], %add3A_252 {strides = array<i32>} : memref<32x1024xf32, #tpu.memory_space<vmem>>, vector<16xf32>,
      %get3A_259 = arith.index_cast %scan3A_55 : i32 to index
      %get3A_260 = arith.constant 128 : index
      %get3A_261 = tpu.vector_load %arg8[%get3A_259, %get3A_260] {strides = array<i32>} : memref<32x512xi32, #tpu.memory_space<vmem>>, vector<16xi32>,
      %get3A_262 = arith.index_cast %scan3A_55 : i32 to index
      %get3A_263 = arith.constant 128 : index
      %get3A_264 = tpu.vector_load %arg9[%get3A_262, %get3A_263] {strides = array<i32>} : memref<32x512xi32, #tpu.memory_space<vmem>>, vector<16xi32>,
      %shift_left3A_265 = arith.constant 16 : i32
      %shift_left3A_266 = vector.broadcast %shift_left3A_265 : i32 to vector<16xi32>
      %shift_left3A_267 = arith.shli %get3A_261, %shift_left3A_266 : vector<16xi32>
      %bitcast_convert_type3A_268 = tpu.bitcast %shift_left3A_267 : vector<16xi32> -> vector<16xf32>
      %shift_left3A_269 = arith.constant 16 : i32
      %shift_left3A_270 = vector.broadcast %shift_left3A_269 : i32 to vector<16xi32>
      %shift_left3A_271 = arith.shli %get3A_264, %shift_left3A_270 : vector<16xi32>
      %bitcast_convert_type3A_272 = tpu.bitcast %shift_left3A_271 : vector<16xi32> -> vector<16xf32>
      %add3A_273 = arith.addf %bitcast_convert_type3A_268, %bitcast_convert_type3A_272 : vector<16xf32>
      %and3A_274 = arith.andi %get3A_261, %broadcast_in_dim3A_3 : vector<16xi32>
      %bitcast_convert_type3A_275 = tpu.bitcast %and3A_274 : vector<16xi32> -> vector<16xf32>
      %and3A_276 = arith.andi %get3A_264, %broadcast_in_dim3A_3 : vector<16xi32>
      %bitcast_convert_type3A_277 = tpu.bitcast %and3A_276 : vector<16xi32> -> vector<16xf32>
      %add3A_278 = arith.addf %bitcast_convert_type3A_275, %bitcast_convert_type3A_277 : vector<16xf32>
      %swap3A_279 = arith.index_cast %scan3A_55 : i32 to index
      %swap3A_280 = arith.constant 128 : index
      %swap3A_281 = tpu.vector_load %arg10[%swap3A_279, %swap3A_280] {strides = array<i32>} : memref<32x1024xf32, #tpu.memory_space<vmem>>, vector<16xf32>,
      tpu.vector_store %arg10[%swap3A_279, %swap3A_280], %add3A_273 {strides = array<i32>} : memref<32x1024xf32, #tpu.memory_space<vmem>>, vector<16xf32>,
      %swap3A_282 = arith.index_cast %scan3A_55 : i32 to index
      %swap3A_283 = arith.constant 640 : index
      %swap3A_284 = tpu.vector_load %arg10[%swap3A_282, %swap3A_283] {strides = array<i32>} : memref<32x1024xf32, #tpu.memory_space<vmem>>, vector<16xf32>,
      tpu.vector_store %arg10[%swap3A_282, %swap3A_283], %add3A_278 {strides = array<i32>} : memref<32x1024xf32, #tpu.memory_space<vmem>>, vector<16xf32>,
      %get3A_285 = arith.index_cast %scan3A_55 : i32 to index
      %get3A_286 = arith.constant 144 : index
      %get3A_287 = tpu.vector_load %arg8[%get3A_285, %get3A_286] {strides = array<i32>} : memref<32x512xi32, #tpu.memory_space<vmem>>, vector<16xi32>,
      %get3A_288 = arith.index_cast %scan3A_55 : i32 to index
      %get3A_289 = arith.constant 144 : index
      %get3A_290 = tpu.vector_load %arg9[%get3A_288, %get3A_289] {strides = array<i32>} : memref<32x512xi32, #tpu.memory_space<vmem>>, vector<16xi32>,
      %shift_left3A_291 = arith.constant 16 : i32
      %shift_left3A_292 = vector.broadcast %shift_left3A_291 : i32 to vector<16xi32>
      %shift_left3A_293 = arith.shli %get3A_287, %shift_left3A_292 : vector<16xi32>
      %bitcast_convert_type3A_294 = tpu.bitcast %shift_left3A_293 : vector<16xi32> -> vector<16xf32>
      %shift_left3A_295 = arith.constant 16 : i32
      %shift_left3A_296 = vector.broadcast %shift_left3A_295 : i32 to vector<16xi32>
      %shift_left3A_297 = arith.shli %get3A_290, %shift_left3A_296 : vector<16xi32>
      %bitcast_convert_type3A_298 = tpu.bitcast %shift_left3A_297 : vector<16xi32> -> vector<16xf32>
      %add3A_299 = arith.addf %bitcast_convert_type3A_294, %bitcast_convert_type3A_298 : vector<16xf32>
      %and3A_300 = arith.andi %get3A_287, %broadcast_in_dim3A_3 : vector<16xi32>
      %bitcast_convert_type3A_301 = tpu.bitcast %and3A_300 : vector<16xi32> -> vector<16xf32>
      %and3A_302 = arith.andi %get3A_290, %broadcast_in_dim3A_3 : vector<16xi32>
      %bitcast_convert_type3A_303 = tpu.bitcast %and3A_302 : vector<16xi32> -> vector<16xf32>
      %add3A_304 = arith.addf %bitcast_convert_type3A_301, %bitcast_convert_type3A_303 : vector<16xf32>
      %swap3A_305 = arith.index_cast %scan3A_55 : i32 to index
      %swap3A_306 = arith.constant 144 : index
      %swap3A_307 = tpu.vector_load %arg10[%swap3A_305, %swap3A_306] {strides = array<i32>} : memref<32x1024xf32, #tpu.memory_space<vmem>>, vector<16xf32>,
      tpu.vector_store %arg10[%swap3A_305, %swap3A_306], %add3A_299 {strides = array<i32>} : memref<32x1024xf32, #tpu.memory_space<vmem>>, vector<16xf32>,
      %swap3A_308 = arith.index_cast %scan3A_55 : i32 to index
      %swap3A_309 = arith.constant 656 : index
      %swap3A_310 = tpu.vector_load %arg10[%swap3A_308, %swap3A_309] {strides = array<i32>} : memref<32x1024xf32, #tpu.memory_space<vmem>>, vector<16xf32>,
      tpu.vector_store %arg10[%swap3A_308, %swap3A_309], %add3A_304 {strides = array<i32>} : memref<32x1024xf32, #tpu.memory_space<vmem>>, vector<16xf32>,
      %get3A_311 = arith.index_cast %scan3A_55 : i32 to index
      %get3A_312 = arith.constant 160 : index
      %get3A_313 = tpu.vector_load %arg8[%get3A_311, %get3A_312] {strides = array<i32>} : memref<32x512xi32, #tpu.memory_space<vmem>>, vector<16xi32>,
      %get3A_314 = arith.index_cast %scan3A_55 : i32 to index
      %get3A_315 = arith.constant 160 : index
      %get3A_316 = tpu.vector_load %arg9[%get3A_314, %get3A_315] {strides = array<i32>} : memref<32x512xi32, #tpu.memory_space<vmem>>, vector<16xi32>,
      %shift_left3A_317 = arith.constant 16 : i32
      %shift_left3A_318 = vector.broadcast %shift_left3A_317 : i32 to vector<16xi32>
      %shift_left3A_319 = arith.shli %get3A_313, %shift_left3A_318 : vector<16xi32>
      %bitcast_convert_type3A_320 = tpu.bitcast %shift_left3A_319 : vector<16xi32> -> vector<16xf32>
      %shift_left3A_321 = arith.constant 16 : i32
      %shift_left3A_322 = vector.broadcast %shift_left3A_321 : i32 to vector<16xi32>
      %shift_left3A_323 = arith.shli %get3A_316, %shift_left3A_322 : vector<16xi32>
      %bitcast_convert_type3A_324 = tpu.bitcast %shift_left3A_323 : vector<16xi32> -> vector<16xf32>
      %add3A_325 = arith.addf %bitcast_convert_type3A_320, %bitcast_convert_type3A_324 : vector<16xf32>
      %and3A_326 = arith.andi %get3A_313, %broadcast_in_dim3A_3 : vector<16xi32>
      %bitcast_convert_type3A_327 = tpu.bitcast %and3A_326 : vector<16xi32> -> vector<16xf32>
      %and3A_328 = arith.andi %get3A_316, %broadcast_in_dim3A_3 : vector<16xi32>
      %bitcast_convert_type3A_329 = tpu.bitcast %and3A_328 : vector<16xi32> -> vector<16xf32>
      %add3A_330 = arith.addf %bitcast_convert_type3A_327, %bitcast_convert_type3A_329 : vector<16xf32>
      %swap3A_331 = arith.index_cast %scan3A_55 : i32 to index
      %swap3A_332 = arith.constant 160 : index
      %swap3A_333 = tpu.vector_load %arg10[%swap3A_331, %swap3A_332] {strides = array<i32>} : memref<32x1024xf32, #tpu.memory_space<vmem>>, vector<16xf32>,
      tpu.vector_store %arg10[%swap3A_331, %swap3A_332], %add3A_325 {strides = array<i32>} : memref<32x1024xf32, #tpu.memory_space<vmem>>, vector<16xf32>,
      %swap3A_334 = arith.index_cast %scan3A_55 : i32 to index
      %swap3A_335 = arith.constant 672 : index
      %swap3A_336 = tpu.vector_load %arg10[%swap3A_334, %swap3A_335] {strides = array<i32>} : memref<32x1024xf32, #tpu.memory_space<vmem>>, vector<16xf32>,
      tpu.vector_store %arg10[%swap3A_334, %swap3A_335], %add3A_330 {strides = array<i32>} : memref<32x1024xf32, #tpu.memory_space<vmem>>, vector<16xf32>,
      %get3A_337 = arith.index_cast %scan3A_55 : i32 to index
      %get3A_338 = arith.constant 176 : index
      %get3A_339 = tpu.vector_load %arg8[%get3A_337, %get3A_338] {strides = array<i32>} : memref<32x512xi32, #tpu.memory_space<vmem>>, vector<16xi32>,
      %get3A_340 = arith.index_cast %scan3A_55 : i32 to index
      %get3A_341 = arith.constant 176 : index
      %get3A_342 = tpu.vector_load %arg9[%get3A_340, %get3A_341] {strides = array<i32>} : memref<32x512xi32, #tpu.memory_space<vmem>>, vector<16xi32>,
      %shift_left3A_343 = arith.constant 16 : i32
      %shift_left3A_344 = vector.broadcast %shift_left3A_343 : i32 to vector<16xi32>
      %shift_left3A_345 = arith.shli %get3A_339, %shift_left3A_344 : vector<16xi32>
      %bitcast_convert_type3A_346 = tpu.bitcast %shift_left3A_345 : vector<16xi32> -> vector<16xf32>
      %shift_left3A_347 = arith.constant 16 : i32
      %shift_left3A_348 = vector.broadcast %shift_left3A_347 : i32 to vector<16xi32>
      %shift_left3A_349 = arith.shli %get3A_342, %shift_left3A_348 : vector<16xi32>
      %bitcast_convert_type3A_350 = tpu.bitcast %shift_left3A_349 : vector<16xi32> -> vector<16xf32>
      %add3A_351 = arith.addf %bitcast_convert_type3A_346, %bitcast_convert_type3A_350 : vector<16xf32>
      %and3A_352 = arith.andi %get3A_339, %broadcast_in_dim3A_3 : vector<16xi32>
      %bitcast_convert_type3A_353 = tpu.bitcast %and3A_352 : vector<16xi32> -> vector<16xf32>
      %and3A_354 = arith.andi %get3A_342, %broadcast_in_dim3A_3 : vector<16xi32>
      %bitcast_convert_type3A_355 = tpu.bitcast %and3A_354 : vector<16xi32> -> vector<16xf32>
      %add3A_356 = arith.addf %bitcast_convert_type3A_353, %bitcast_convert_type3A_355 : vector<16xf32>
      %swap3A_357 = arith.index_cast %scan3A_55 : i32 to index
      %swap3A_358 = arith.constant 176 : index
      %swap3A_359 = tpu.vector_load %arg10[%swap3A_357, %swap3A_358] {strides = array<i32>} : memref<32x1024xf32, #tpu.memory_space<vmem>>, vector<16xf32>,
      tpu.vector_store %arg10[%swap3A_357, %swap3A_358], %add3A_351 {strides = array<i32>} : memref<32x1024xf32, #tpu.memory_space<vmem>>, vector<16xf32>,
      %swap3A_360 = arith.index_cast %scan3A_55 : i32 to index
      %swap3A_361 = arith.constant 688 : index
      %swap3A_362 = tpu.vector_load %arg10[%swap3A_360, %swap3A_361] {strides = array<i32>} : memref<32x1024xf32, #tpu.memory_space<vmem>>, vector<16xf32>,
      tpu.vector_store %arg10[%swap3A_360, %swap3A_361], %add3A_356 {strides = array<i32>} : memref<32x1024xf32, #tpu.memory_space<vmem>>, vector<16xf32>,
      %get3A_363 = arith.index_cast %scan3A_55 : i32 to index
      %get3A_364 = arith.constant 192 : index
      %get3A_365 = tpu.vector_load %arg8[%get3A_363, %get3A_364] {strides = array<i32>} : memref<32x512xi32, #tpu.memory_space<vmem>>, vector<16xi32>,
      %get3A_366 = arith.index_cast %scan3A_55 : i32 to index
      %get3A_367 = arith.constant 192 : index
      %get3A_368 = tpu.vector_load %arg9[%get3A_366, %get3A_367] {strides = array<i32>} : memref<32x512xi32, #tpu.memory_space<vmem>>, vector<16xi32>,
      %shift_left3A_369 = arith.constant 16 : i32
      %shift_left3A_370 = vector.broadcast %shift_left3A_369 : i32 to vector<16xi32>
      %shift_left3A_371 = arith.shli %get3A_365, %shift_left3A_370 : vector<16xi32>
      %bitcast_convert_type3A_372 = tpu.bitcast %shift_left3A_371 : vector<16xi32> -> vector<16xf32>
      %shift_left3A_373 = arith.constant 16 : i32
      %shift_left3A_374 = vector.broadcast %shift_left3A_373 : i32 to vector<16xi32>
      %shift_left3A_375 = arith.shli %get3A_368, %shift_left3A_374 : vector<16xi32>
      %bitcast_convert_type3A_376 = tpu.bitcast %shift_left3A_375 : vector<16xi32> -> vector<16xf32>
      %add3A_377 = arith.addf %bitcast_convert_type3A_372, %bitcast_convert_type3A_376 : vector<16xf32>
      %and3A_378 = arith.andi %get3A_365, %broadcast_in_dim3A_3 : vector<16xi32>
      %bitcast_convert_type3A_379 = tpu.bitcast %and3A_378 : vector<16xi32> -> vector<16xf32>
      %and3A_380 = arith.andi %get3A_368, %broadcast_in_dim3A_3 : vector<16xi32>
      %bitcast_convert_type3A_381 = tpu.bitcast %and3A_380 : vector<16xi32> -> vector<16xf32>
      %add3A_382 = arith.addf %bitcast_convert_type3A_379, %bitcast_convert_type3A_381 : vector<16xf32>
      %swap3A_383 = arith.index_cast %scan3A_55 : i32 to index
      %swap3A_384 = arith.constant 192 : index
      %swap3A_385 = tpu.vector_load %arg10[%swap3A_383, %swap3A_384] {strides = array<i32>} : memref<32x1024xf32, #tpu.memory_space<vmem>>, vector<16xf32>,
      tpu.vector_store %arg10[%swap3A_383, %swap3A_384], %add3A_377 {strides = array<i32>} : memref<32x1024xf32, #tpu.memory_space<vmem>>, vector<16xf32>,
      %swap3A_386 = arith.index_cast %scan3A_55 : i32 to index
      %swap3A_387 = arith.constant 704 : index
      %swap3A_388 = tpu.vector_load %arg10[%swap3A_386, %swap3A_387] {strides = array<i32>} : memref<32x1024xf32, #tpu.memory_space<vmem>>, vector<16xf32>,
      tpu.vector_store %arg10[%swap3A_386, %swap3A_387], %add3A_382 {strides = array<i32>} : memref<32x1024xf32, #tpu.memory_space<vmem>>, vector<16xf32>,
      %get3A_389 = arith.index_cast %scan3A_55 : i32 to index
      %get3A_390 = arith.constant 208 : index
      %get3A_391 = tpu.vector_load %arg8[%get3A_389, %get3A_390] {strides = array<i32>} : memref<32x512xi32, #tpu.memory_space<vmem>>, vector<16xi32>,
      %get3A_392 = arith.index_cast %scan3A_55 : i32 to index
      %get3A_393 = arith.constant 208 : index
      %get3A_394 = tpu.vector_load %arg9[%get3A_392, %get3A_393] {strides = array<i32>} : memref<32x512xi32, #tpu.memory_space<vmem>>, vector<16xi32>,
      %shift_left3A_395 = arith.constant 16 : i32
      %shift_left3A_396 = vector.broadcast %shift_left3A_395 : i32 to vector<16xi32>
      %shift_left3A_397 = arith.shli %get3A_391, %shift_left3A_396 : vector<16xi32>
      %bitcast_convert_type3A_398 = tpu.bitcast %shift_left3A_397 : vector<16xi32> -> vector<16xf32>
      %shift_left3A_399 = arith.constant 16 : i32
      %shift_left3A_400 = vector.broadcast %shift_left3A_399 : i32 to vector<16xi32>
      %shift_left3A_401 = arith.shli %get3A_394, %shift_left3A_400 : vector<16xi32>
      %bitcast_convert_type3A_402 = tpu.bitcast %shift_left3A_401 : vector<16xi32> -> vector<16xf32>
      %add3A_403 = arith.addf %bitcast_convert_type3A_398, %bitcast_convert_type3A_402 : vector<16xf32>
      %and3A_404 = arith.andi %get3A_391, %broadcast_in_dim3A_3 : vector<16xi32>
      %bitcast_convert_type3A_405 = tpu.bitcast %and3A_404 : vector<16xi32> -> vector<16xf32>
      %and3A_406 = arith.andi %get3A_394, %broadcast_in_dim3A_3 : vector<16xi32>
      %bitcast_convert_type3A_407 = tpu.bitcast %and3A_406 : vector<16xi32> -> vector<16xf32>
      %add3A_408 = arith.addf %bitcast_convert_type3A_405, %bitcast_convert_type3A_407 : vector<16xf32>
      %swap3A_409 = arith.index_cast %scan3A_55 : i32 to index
      %swap3A_410 = arith.constant 208 : index
      %swap3A_411 = tpu.vector_load %arg10[%swap3A_409, %swap3A_410] {strides = array<i32>} : memref<32x1024xf32, #tpu.memory_space<vmem>>, vector<16xf32>,
      tpu.vector_store %arg10[%swap3A_409, %swap3A_410], %add3A_403 {strides = array<i32>} : memref<32x1024xf32, #tpu.memory_space<vmem>>, vector<16xf32>,
      %swap3A_412 = arith.index_cast %scan3A_55 : i32 to index
      %swap3A_413 = arith.constant 720 : index
      %swap3A_414 = tpu.vector_load %arg10[%swap3A_412, %swap3A_413] {strides = array<i32>} : memref<32x1024xf32, #tpu.memory_space<vmem>>, vector<16xf32>,
      tpu.vector_store %arg10[%swap3A_412, %swap3A_413], %add3A_408 {strides = array<i32>} : memref<32x1024xf32, #tpu.memory_space<vmem>>, vector<16xf32>,
      %get3A_415 = arith.index_cast %scan3A_55 : i32 to index
      %get3A_416 = arith.constant 224 : index
      %get3A_417 = tpu.vector_load %arg8[%get3A_415, %get3A_416] {strides = array<i32>} : memref<32x512xi32, #tpu.memory_space<vmem>>, vector<16xi32>,
      %get3A_418 = arith.index_cast %scan3A_55 : i32 to index
      %get3A_419 = arith.constant 224 : index
      %get3A_420 = tpu.vector_load %arg9[%get3A_418, %get3A_419] {strides = array<i32>} : memref<32x512xi32, #tpu.memory_space<vmem>>, vector<16xi32>,
      %shift_left3A_421 = arith.constant 16 : i32
      %shift_left3A_422 = vector.broadcast %shift_left3A_421 : i32 to vector<16xi32>
      %shift_left3A_423 = arith.shli %get3A_417, %shift_left3A_422 : vector<16xi32>
      %bitcast_convert_type3A_424 = tpu.bitcast %shift_left3A_423 : vector<16xi32> -> vector<16xf32>
      %shift_left3A_425 = arith.constant 16 : i32
      %shift_left3A_426 = vector.broadcast %shift_left3A_425 : i32 to vector<16xi32>
      %shift_left3A_427 = arith.shli %get3A_420, %shift_left3A_426 : vector<16xi32>
      %bitcast_convert_type3A_428 = tpu.bitcast %shift_left3A_427 : vector<16xi32> -> vector<16xf32>
      %add3A_429 = arith.addf %bitcast_convert_type3A_424, %bitcast_convert_type3A_428 : vector<16xf32>
      %and3A_430 = arith.andi %get3A_417, %broadcast_in_dim3A_3 : vector<16xi32>
      %bitcast_convert_type3A_431 = tpu.bitcast %and3A_430 : vector<16xi32> -> vector<16xf32>
      %and3A_432 = arith.andi %get3A_420, %broadcast_in_dim3A_3 : vector<16xi32>
      %bitcast_convert_type3A_433 = tpu.bitcast %and3A_432 : vector<16xi32> -> vector<16xf32>
      %add3A_434 = arith.addf %bitcast_convert_type3A_431, %bitcast_convert_type3A_433 : vector<16xf32>
      %swap3A_435 = arith.index_cast %scan3A_55 : i32 to index
      %swap3A_436 = arith.constant 224 : index
      %swap3A_437 = tpu.vector_load %arg10[%swap3A_435, %swap3A_436] {strides = array<i32>} : memref<32x1024xf32, #tpu.memory_space<vmem>>, vector<16xf32>,
      tpu.vector_store %arg10[%swap3A_435, %swap3A_436], %add3A_429 {strides = array<i32>} : memref<32x1024xf32, #tpu.memory_space<vmem>>, vector<16xf32>,
      %swap3A_438 = arith.index_cast %scan3A_55 : i32 to index
      %swap3A_439 = arith.constant 736 : index
      %swap3A_440 = tpu.vector_load %arg10[%swap3A_438, %swap3A_439] {strides = array<i32>} : memref<32x1024xf32, #tpu.memory_space<vmem>>, vector<16xf32>,
      tpu.vector_store %arg10[%swap3A_438, %swap3A_439], %add3A_434 {strides = array<i32>} : memref<32x1024xf32, #tpu.memory_space<vmem>>, vector<16xf32>,
      %get3A_441 = arith.index_cast %scan3A_55 : i32 to index
      %get3A_442 = arith.constant 240 : index
      %get3A_443 = tpu.vector_load %arg8[%get3A_441, %get3A_442] {strides = array<i32>} : memref<32x512xi32, #tpu.memory_space<vmem>>, vector<16xi32>,
      %get3A_444 = arith.index_cast %scan3A_55 : i32 to index
      %get3A_445 = arith.constant 240 : index
      %get3A_446 = tpu.vector_load %arg9[%get3A_444, %get3A_445] {strides = array<i32>} : memref<32x512xi32, #tpu.memory_space<vmem>>, vector<16xi32>,
      %shift_left3A_447 = arith.constant 16 : i32
      %shift_left3A_448 = vector.broadcast %shift_left3A_447 : i32 to vector<16xi32>
      %shift_left3A_449 = arith.shli %get3A_443, %shift_left3A_448 : vector<16xi32>
      %bitcast_convert_type3A_450 = tpu.bitcast %shift_left3A_449 : vector<16xi32> -> vector<16xf32>
      %shift_left3A_451 = arith.constant 16 : i32
      %shift_left3A_452 = vector.broadcast %shift_left3A_451 : i32 to vector<16xi32>
      %shift_left3A_453 = arith.shli %get3A_446, %shift_left3A_452 : vector<16xi32>
      %bitcast_convert_type3A_454 = tpu.bitcast %shift_left3A_453 : vector<16xi32> -> vector<16xf32>
      %add3A_455 = arith.addf %bitcast_convert_type3A_450, %bitcast_convert_type3A_454 : vector<16xf32>
      %and3A_456 = arith.andi %get3A_443, %broadcast_in_dim3A_3 : vector<16xi32>
      %bitcast_convert_type3A_457 = tpu.bitcast %and3A_456 : vector<16xi32> -> vector<16xf32>
      %and3A_458 = arith.andi %get3A_446, %broadcast_in_dim3A_3 : vector<16xi32>
      %bitcast_convert_type3A_459 = tpu.bitcast %and3A_458 : vector<16xi32> -> vector<16xf32>
      %add3A_460 = arith.addf %bitcast_convert_type3A_457, %bitcast_convert_type3A_459 : vector<16xf32>
      %swap3A_461 = arith.index_cast %scan3A_55 : i32 to index
      %swap3A_462 = arith.constant 240 : index
      %swap3A_463 = tpu.vector_load %arg10[%swap3A_461, %swap3A_462] {strides = array<i32>} : memref<32x1024xf32, #tpu.memory_space<vmem>>, vector<16xf32>,
      tpu.vector_store %arg10[%swap3A_461, %swap3A_462], %add3A_455 {strides = array<i32>} : memref<32x1024xf32, #tpu.memory_space<vmem>>, vector<16xf32>,
      %swap3A_464 = arith.index_cast %scan3A_55 : i32 to index
      %swap3A_465 = arith.constant 752 : index
      %swap3A_466 = tpu.vector_load %arg10[%swap3A_464, %swap3A_465] {strides = array<i32>} : memref<32x1024xf32, #tpu.memory_space<vmem>>, vector<16xf32>,
      tpu.vector_store %arg10[%swap3A_464, %swap3A_465], %add3A_460 {strides = array<i32>} : memref<32x1024xf32, #tpu.memory_space<vmem>>, vector<16xf32>,
      %get3A_467 = arith.index_cast %scan3A_55 : i32 to index
      %get3A_468 = arith.constant 256 : index
      %get3A_469 = tpu.vector_load %arg8[%get3A_467, %get3A_468] {strides = array<i32>} : memref<32x512xi32, #tpu.memory_space<vmem>>, vector<16xi32>,
      %get3A_470 = arith.index_cast %scan3A_55 : i32 to index
      %get3A_471 = arith.constant 256 : index
      %get3A_472 = tpu.vector_load %arg9[%get3A_470, %get3A_471] {strides = array<i32>} : memref<32x512xi32, #tpu.memory_space<vmem>>, vector<16xi32>,
      %shift_left3A_473 = arith.constant 16 : i32
      %shift_left3A_474 = vector.broadcast %shift_left3A_473 : i32 to vector<16xi32>
      %shift_left3A_475 = arith.shli %get3A_469, %shift_left3A_474 : vector<16xi32>
      %bitcast_convert_type3A_476 = tpu.bitcast %shift_left3A_475 : vector<16xi32> -> vector<16xf32>
      %shift_left3A_477 = arith.constant 16 : i32
      %shift_left3A_478 = vector.broadcast %shift_left3A_477 : i32 to vector<16xi32>
      %shift_left3A_479 = arith.shli %get3A_472, %shift_left3A_478 : vector<16xi32>
      %bitcast_convert_type3A_480 = tpu.bitcast %shift_left3A_479 : vector<16xi32> -> vector<16xf32>
      %add3A_481 = arith.addf %bitcast_convert_type3A_476, %bitcast_convert_type3A_480 : vector<16xf32>
      %and3A_482 = arith.andi %get3A_469, %broadcast_in_dim3A_3 : vector<16xi32>
      %bitcast_convert_type3A_483 = tpu.bitcast %and3A_482 : vector<16xi32> -> vector<16xf32>
      %and3A_484 = arith.andi %get3A_472, %broadcast_in_dim3A_3 : vector<16xi32>
      %bitcast_convert_type3A_485 = tpu.bitcast %and3A_484 : vector<16xi32> -> vector<16xf32>
      %add3A_486 = arith.addf %bitcast_convert_type3A_483, %bitcast_convert_type3A_485 : vector<16xf32>
      %swap3A_487 = arith.index_cast %scan3A_55 : i32 to index
      %swap3A_488 = arith.constant 256 : index
      %swap3A_489 = tpu.vector_load %arg10[%swap3A_487, %swap3A_488] {strides = array<i32>} : memref<32x1024xf32, #tpu.memory_space<vmem>>, vector<16xf32>,
      tpu.vector_store %arg10[%swap3A_487, %swap3A_488], %add3A_481 {strides = array<i32>} : memref<32x1024xf32, #tpu.memory_space<vmem>>, vector<16xf32>,
      %swap3A_490 = arith.index_cast %scan3A_55 : i32 to index
      %swap3A_491 = arith.constant 768 : index
      %swap3A_492 = tpu.vector_load %arg10[%swap3A_490, %swap3A_491] {strides = array<i32>} : memref<32x1024xf32, #tpu.memory_space<vmem>>, vector<16xf32>,
      tpu.vector_store %arg10[%swap3A_490, %swap3A_491], %add3A_486 {strides = array<i32>} : memref<32x1024xf32, #tpu.memory_space<vmem>>, vector<16xf32>,
      %get3A_493 = arith.index_cast %scan3A_55 : i32 to index
      %get3A_494 = arith.constant 272 : index
      %get3A_495 = tpu.vector_load %arg8[%get3A_493, %get3A_494] {strides = array<i32>} : memref<32x512xi32, #tpu.memory_space<vmem>>, vector<16xi32>,
      %get3A_496 = arith.index_cast %scan3A_55 : i32 to index
      %get3A_497 = arith.constant 272 : index
      %get3A_498 = tpu.vector_load %arg9[%get3A_496, %get3A_497] {strides = array<i32>} : memref<32x512xi32, #tpu.memory_space<vmem>>, vector<16xi32>,
      %shift_left3A_499 = arith.constant 16 : i32
      %shift_left3A_500 = vector.broadcast %shift_left3A_499 : i32 to vector<16xi32>
      %shift_left3A_501 = arith.shli %get3A_495, %shift_left3A_500 : vector<16xi32>
      %bitcast_convert_type3A_502 = tpu.bitcast %shift_left3A_501 : vector<16xi32> -> vector<16xf32>
      %shift_left3A_503 = arith.constant 16 : i32
      %shift_left3A_504 = vector.broadcast %shift_left3A_503 : i32 to vector<16xi32>
      %shift_left3A_505 = arith.shli %get3A_498, %shift_left3A_504 : vector<16xi32>
      %bitcast_convert_type3A_506 = tpu.bitcast %shift_left3A_505 : vector<16xi32> -> vector<16xf32>
      %add3A_507 = arith.addf %bitcast_convert_type3A_502, %bitcast_convert_type3A_506 : vector<16xf32>
      %and3A_508 = arith.andi %get3A_495, %broadcast_in_dim3A_3 : vector<16xi32>
      %bitcast_convert_type3A_509 = tpu.bitcast %and3A_508 : vector<16xi32> -> vector<16xf32>
      %and3A_510 = arith.andi %get3A_498, %broadcast_in_dim3A_3 : vector<16xi32>
      %bitcast_convert_type3A_511 = tpu.bitcast %and3A_510 : vector<16xi32> -> vector<16xf32>
      %add3A_512 = arith.addf %bitcast_convert_type3A_509, %bitcast_convert_type3A_511 : vector<16xf32>
      %swap3A_513 = arith.index_cast %scan3A_55 : i32 to index
      %swap3A_514 = arith.constant 272 : index
      %swap3A_515 = tpu.vector_load %arg10[%swap3A_513, %swap3A_514] {strides = array<i32>} : memref<32x1024xf32, #tpu.memory_space<vmem>>, vector<16xf32>,
      tpu.vector_store %arg10[%swap3A_513, %swap3A_514], %add3A_507 {strides = array<i32>} : memref<32x1024xf32, #tpu.memory_space<vmem>>, vector<16xf32>,
      %swap3A_516 = arith.index_cast %scan3A_55 : i32 to index
      %swap3A_517 = arith.constant 784 : index
      %swap3A_518 = tpu.vector_load %arg10[%swap3A_516, %swap3A_517] {strides = array<i32>} : memref<32x1024xf32, #tpu.memory_space<vmem>>, vector<16xf32>,
      tpu.vector_store %arg10[%swap3A_516, %swap3A_517], %add3A_512 {strides = array<i32>} : memref<32x1024xf32, #tpu.memory_space<vmem>>, vector<16xf32>,
      %get3A_519 = arith.index_cast %scan3A_55 : i32 to index
      %get3A_520 = arith.constant 288 : index
      %get3A_521 = tpu.vector_load %arg8[%get3A_519, %get3A_520] {strides = array<i32>} : memref<32x512xi32, #tpu.memory_space<vmem>>, vector<16xi32>,
      %get3A_522 = arith.index_cast %scan3A_55 : i32 to index
      %get3A_523 = arith.constant 288 : index
      %get3A_524 = tpu.vector_load %arg9[%get3A_522, %get3A_523] {strides = array<i32>} : memref<32x512xi32, #tpu.memory_space<vmem>>, vector<16xi32>,
      %shift_left3A_525 = arith.constant 16 : i32
      %shift_left3A_526 = vector.broadcast %shift_left3A_525 : i32 to vector<16xi32>
      %shift_left3A_527 = arith.shli %get3A_521, %shift_left3A_526 : vector<16xi32>
      %bitcast_convert_type3A_528 = tpu.bitcast %shift_left3A_527 : vector<16xi32> -> vector<16xf32>
      %shift_left3A_529 = arith.constant 16 : i32
      %shift_left3A_530 = vector.broadcast %shift_left3A_529 : i32 to vector<16xi32>
      %shift_left3A_531 = arith.shli %get3A_524, %shift_left3A_530 : vector<16xi32>
      %bitcast_convert_type3A_532 = tpu.bitcast %shift_left3A_531 : vector<16xi32> -> vector<16xf32>
      %add3A_533 = arith.addf %bitcast_convert_type3A_528, %bitcast_convert_type3A_532 : vector<16xf32>
      %and3A_534 = arith.andi %get3A_521, %broadcast_in_dim3A_3 : vector<16xi32>
      %bitcast_convert_type3A_535 = tpu.bitcast %and3A_534 : vector<16xi32> -> vector<16xf32>
      %and3A_536 = arith.andi %get3A_524, %broadcast_in_dim3A_3 : vector<16xi32>
      %bitcast_convert_type3A_537 = tpu.bitcast %and3A_536 : vector<16xi32> -> vector<16xf32>
      %add3A_538 = arith.addf %bitcast_convert_type3A_535, %bitcast_convert_type3A_537 : vector<16xf32>
      %swap3A_539 = arith.index_cast %scan3A_55 : i32 to index
      %swap3A_540 = arith.constant 288 : index
      %swap3A_541 = tpu.vector_load %arg10[%swap3A_539, %swap3A_540] {strides = array<i32>} : memref<32x1024xf32, #tpu.memory_space<vmem>>, vector<16xf32>,
      tpu.vector_store %arg10[%swap3A_539, %swap3A_540], %add3A_533 {strides = array<i32>} : memref<32x1024xf32, #tpu.memory_space<vmem>>, vector<16xf32>,
      %swap3A_542 = arith.index_cast %scan3A_55 : i32 to index
      %swap3A_543 = arith.constant 800 : index
      %swap3A_544 = tpu.vector_load %arg10[%swap3A_542, %swap3A_543] {strides = array<i32>} : memref<32x1024xf32, #tpu.memory_space<vmem>>, vector<16xf32>,
      tpu.vector_store %arg10[%swap3A_542, %swap3A_543], %add3A_538 {strides = array<i32>} : memref<32x1024xf32, #tpu.memory_space<vmem>>, vector<16xf32>,
      %get3A_545 = arith.index_cast %scan3A_55 : i32 to index
      %get3A_546 = arith.constant 304 : index
      %get3A_547 = tpu.vector_load %arg8[%get3A_545, %get3A_546] {strides = array<i32>} : memref<32x512xi32, #tpu.memory_space<vmem>>, vector<16xi32>,
      %get3A_548 = arith.index_cast %scan3A_55 : i32 to index
      %get3A_549 = arith.constant 304 : index
      %get3A_550 = tpu.vector_load %arg9[%get3A_548, %get3A_549] {strides = array<i32>} : memref<32x512xi32, #tpu.memory_space<vmem>>, vector<16xi32>,
      %shift_left3A_551 = arith.constant 16 : i32
      %shift_left3A_552 = vector.broadcast %shift_left3A_551 : i32 to vector<16xi32>
      %shift_left3A_553 = arith.shli %get3A_547, %shift_left3A_552 : vector<16xi32>
      %bitcast_convert_type3A_554 = tpu.bitcast %shift_left3A_553 : vector<16xi32> -> vector<16xf32>
      %shift_left3A_555 = arith.constant 16 : i32
      %shift_left3A_556 = vector.broadcast %shift_left3A_555 : i32 to vector<16xi32>
      %shift_left3A_557 = arith.shli %get3A_550, %shift_left3A_556 : vector<16xi32>
      %bitcast_convert_type3A_558 = tpu.bitcast %shift_left3A_557 : vector<16xi32> -> vector<16xf32>
      %add3A_559 = arith.addf %bitcast_convert_type3A_554, %bitcast_convert_type3A_558 : vector<16xf32>
      %and3A_560 = arith.andi %get3A_547, %broadcast_in_dim3A_3 : vector<16xi32>
      %bitcast_convert_type3A_561 = tpu.bitcast %and3A_560 : vector<16xi32> -> vector<16xf32>
      %and3A_562 = arith.andi %get3A_550, %broadcast_in_dim3A_3 : vector<16xi32>
      %bitcast_convert_type3A_563 = tpu.bitcast %and3A_562 : vector<16xi32> -> vector<16xf32>
      %add3A_564 = arith.addf %bitcast_convert_type3A_561, %bitcast_convert_type3A_563 : vector<16xf32>
      %swap3A_565 = arith.index_cast %scan3A_55 : i32 to index
      %swap3A_566 = arith.constant 304 : index
      %swap3A_567 = tpu.vector_load %arg10[%swap3A_565, %swap3A_566] {strides = array<i32>} : memref<32x1024xf32, #tpu.memory_space<vmem>>, vector<16xf32>,
      tpu.vector_store %arg10[%swap3A_565, %swap3A_566], %add3A_559 {strides = array<i32>} : memref<32x1024xf32, #tpu.memory_space<vmem>>, vector<16xf32>,
      %swap3A_568 = arith.index_cast %scan3A_55 : i32 to index
      %swap3A_569 = arith.constant 816 : index
      %swap3A_570 = tpu.vector_load %arg10[%swap3A_568, %swap3A_569] {strides = array<i32>} : memref<32x1024xf32, #tpu.memory_space<vmem>>, vector<16xf32>,
      tpu.vector_store %arg10[%swap3A_568, %swap3A_569], %add3A_564 {strides = array<i32>} : memref<32x1024xf32, #tpu.memory_space<vmem>>, vector<16xf32>,
      %get3A_571 = arith.index_cast %scan3A_55 : i32 to index
      %get3A_572 = arith.constant 320 : index
      %get3A_573 = tpu.vector_load %arg8[%get3A_571, %get3A_572] {strides = array<i32>} : memref<32x512xi32, #tpu.memory_space<vmem>>, vector<16xi32>,
      %get3A_574 = arith.index_cast %scan3A_55 : i32 to index
      %get3A_575 = arith.constant 320 : index
      %get3A_576 = tpu.vector_load %arg9[%get3A_574, %get3A_575] {strides = array<i32>} : memref<32x512xi32, #tpu.memory_space<vmem>>, vector<16xi32>,
      %shift_left3A_577 = arith.constant 16 : i32
      %shift_left3A_578 = vector.broadcast %shift_left3A_577 : i32 to vector<16xi32>
      %shift_left3A_579 = arith.shli %get3A_573, %shift_left3A_578 : vector<16xi32>
      %bitcast_convert_type3A_580 = tpu.bitcast %shift_left3A_579 : vector<16xi32> -> vector<16xf32>
      %shift_left3A_581 = arith.constant 16 : i32
      %shift_left3A_582 = vector.broadcast %shift_left3A_581 : i32 to vector<16xi32>
      %shift_left3A_583 = arith.shli %get3A_576, %shift_left3A_582 : vector<16xi32>
      %bitcast_convert_type3A_584 = tpu.bitcast %shift_left3A_583 : vector<16xi32> -> vector<16xf32>
      %add3A_585 = arith.addf %bitcast_convert_type3A_580, %bitcast_convert_type3A_584 : vector<16xf32>
      %and3A_586 = arith.andi %get3A_573, %broadcast_in_dim3A_3 : vector<16xi32>
      %bitcast_convert_type3A_587 = tpu.bitcast %and3A_586 : vector<16xi32> -> vector<16xf32>
      %and3A_588 = arith.andi %get3A_576, %broadcast_in_dim3A_3 : vector<16xi32>
      %bitcast_convert_type3A_589 = tpu.bitcast %and3A_588 : vector<16xi32> -> vector<16xf32>
      %add3A_590 = arith.addf %bitcast_convert_type3A_587, %bitcast_convert_type3A_589 : vector<16xf32>
      %swap3A_591 = arith.index_cast %scan3A_55 : i32 to index
      %swap3A_592 = arith.constant 320 : index
      %swap3A_593 = tpu.vector_load %arg10[%swap3A_591, %swap3A_592] {strides = array<i32>} : memref<32x1024xf32, #tpu.memory_space<vmem>>, vector<16xf32>,
      tpu.vector_store %arg10[%swap3A_591, %swap3A_592], %add3A_585 {strides = array<i32>} : memref<32x1024xf32, #tpu.memory_space<vmem>>, vector<16xf32>,
      %swap3A_594 = arith.index_cast %scan3A_55 : i32 to index
      %swap3A_595 = arith.constant 832 : index
      %swap3A_596 = tpu.vector_load %arg10[%swap3A_594, %swap3A_595] {strides = array<i32>} : memref<32x1024xf32, #tpu.memory_space<vmem>>, vector<16xf32>,
      tpu.vector_store %arg10[%swap3A_594, %swap3A_595], %add3A_590 {strides = array<i32>} : memref<32x1024xf32, #tpu.memory_space<vmem>>, vector<16xf32>,
      %get3A_597 = arith.index_cast %scan3A_55 : i32 to index
      %get3A_598 = arith.constant 336 : index
      %get3A_599 = tpu.vector_load %arg8[%get3A_597, %get3A_598] {strides = array<i32>} : memref<32x512xi32, #tpu.memory_space<vmem>>, vector<16xi32>,
      %get3A_600 = arith.index_cast %scan3A_55 : i32 to index
      %get3A_601 = arith.constant 336 : index
      %get3A_602 = tpu.vector_load %arg9[%get3A_600, %get3A_601] {strides = array<i32>} : memref<32x512xi32, #tpu.memory_space<vmem>>, vector<16xi32>,
      %shift_left3A_603 = arith.constant 16 : i32
      %shift_left3A_604 = vector.broadcast %shift_left3A_603 : i32 to vector<16xi32>
      %shift_left3A_605 = arith.shli %get3A_599, %shift_left3A_604 : vector<16xi32>
      %bitcast_convert_type3A_606 = tpu.bitcast %shift_left3A_605 : vector<16xi32> -> vector<16xf32>
      %shift_left3A_607 = arith.constant 16 : i32
      %shift_left3A_608 = vector.broadcast %shift_left3A_607 : i32 to vector<16xi32>
      %shift_left3A_609 = arith.shli %get3A_602, %shift_left3A_608 : vector<16xi32>
      %bitcast_convert_type3A_610 = tpu.bitcast %shift_left3A_609 : vector<16xi32> -> vector<16xf32>
      %add3A_611 = arith.addf %bitcast_convert_type3A_606, %bitcast_convert_type3A_610 : vector<16xf32>
      %and3A_612 = arith.andi %get3A_599, %broadcast_in_dim3A_3 : vector<16xi32>
      %bitcast_convert_type3A_613 = tpu.bitcast %and3A_612 : vector<16xi32> -> vector<16xf32>
      %and3A_614 = arith.andi %get3A_602, %broadcast_in_dim3A_3 : vector<16xi32>
      %bitcast_convert_type3A_615 = tpu.bitcast %and3A_614 : vector<16xi32> -> vector<16xf32>
      %add3A_616 = arith.addf %bitcast_convert_type3A_613, %bitcast_convert_type3A_615 : vector<16xf32>
      %swap3A_617 = arith.index_cast %scan3A_55 : i32 to index
      %swap3A_618 = arith.constant 336 : index
      %swap3A_619 = tpu.vector_load %arg10[%swap3A_617, %swap3A_618] {strides = array<i32>} : memref<32x1024xf32, #tpu.memory_space<vmem>>, vector<16xf32>,
      tpu.vector_store %arg10[%swap3A_617, %swap3A_618], %add3A_611 {strides = array<i32>} : memref<32x1024xf32, #tpu.memory_space<vmem>>, vector<16xf32>,
      %swap3A_620 = arith.index_cast %scan3A_55 : i32 to index
      %swap3A_621 = arith.constant 848 : index
      %swap3A_622 = tpu.vector_load %arg10[%swap3A_620, %swap3A_621] {strides = array<i32>} : memref<32x1024xf32, #tpu.memory_space<vmem>>, vector<16xf32>,
      tpu.vector_store %arg10[%swap3A_620, %swap3A_621], %add3A_616 {strides = array<i32>} : memref<32x1024xf32, #tpu.memory_space<vmem>>, vector<16xf32>,
      %get3A_623 = arith.index_cast %scan3A_55 : i32 to index
      %get3A_624 = arith.constant 352 : index
      %get3A_625 = tpu.vector_load %arg8[%get3A_623, %get3A_624] {strides = array<i32>} : memref<32x512xi32, #tpu.memory_space<vmem>>, vector<16xi32>,
      %get3A_626 = arith.index_cast %scan3A_55 : i32 to index
      %get3A_627 = arith.constant 352 : index
      %get3A_628 = tpu.vector_load %arg9[%get3A_626, %get3A_627] {strides = array<i32>} : memref<32x512xi32, #tpu.memory_space<vmem>>, vector<16xi32>,
      %shift_left3A_629 = arith.constant 16 : i32
      %shift_left3A_630 = vector.broadcast %shift_left3A_629 : i32 to vector<16xi32>
      %shift_left3A_631 = arith.shli %get3A_625, %shift_left3A_630 : vector<16xi32>
      %bitcast_convert_type3A_632 = tpu.bitcast %shift_left3A_631 : vector<16xi32> -> vector<16xf32>
      %shift_left3A_633 = arith.constant 16 : i32
      %shift_left3A_634 = vector.broadcast %shift_left3A_633 : i32 to vector<16xi32>
      %shift_left3A_635 = arith.shli %get3A_628, %shift_left3A_634 : vector<16xi32>
      %bitcast_convert_type3A_636 = tpu.bitcast %shift_left3A_635 : vector<16xi32> -> vector<16xf32>
      %add3A_637 = arith.addf %bitcast_convert_type3A_632, %bitcast_convert_type3A_636 : vector<16xf32>
      %and3A_638 = arith.andi %get3A_625, %broadcast_in_dim3A_3 : vector<16xi32>
      %bitcast_convert_type3A_639 = tpu.bitcast %and3A_638 : vector<16xi32> -> vector<16xf32>
      %and3A_640 = arith.andi %get3A_628, %broadcast_in_dim3A_3 : vector<16xi32>
      %bitcast_convert_type3A_641 = tpu.bitcast %and3A_640 : vector<16xi32> -> vector<16xf32>
      %add3A_642 = arith.addf %bitcast_convert_type3A_639, %bitcast_convert_type3A_641 : vector<16xf32>
      %swap3A_643 = arith.index_cast %scan3A_55 : i32 to index
      %swap3A_644 = arith.constant 352 : index
      %swap3A_645 = tpu.vector_load %arg10[%swap3A_643, %swap3A_644] {strides = array<i32>} : memref<32x1024xf32, #tpu.memory_space<vmem>>, vector<16xf32>,
      tpu.vector_store %arg10[%swap3A_643, %swap3A_644], %add3A_637 {strides = array<i32>} : memref<32x1024xf32, #tpu.memory_space<vmem>>, vector<16xf32>,
      %swap3A_646 = arith.index_cast %scan3A_55 : i32 to index
      %swap3A_647 = arith.constant 864 : index
      %swap3A_648 = tpu.vector_load %arg10[%swap3A_646, %swap3A_647] {strides = array<i32>} : memref<32x1024xf32, #tpu.memory_space<vmem>>, vector<16xf32>,
      tpu.vector_store %arg10[%swap3A_646, %swap3A_647], %add3A_642 {strides = array<i32>} : memref<32x1024xf32, #tpu.memory_space<vmem>>, vector<16xf32>,
      %get3A_649 = arith.index_cast %scan3A_55 : i32 to index
      %get3A_650 = arith.constant 368 : index
      %get3A_651 = tpu.vector_load %arg8[%get3A_649, %get3A_650] {strides = array<i32>} : memref<32x512xi32, #tpu.memory_space<vmem>>, vector<16xi32>,
      %get3A_652 = arith.index_cast %scan3A_55 : i32 to index
      %get3A_653 = arith.constant 368 : index
      %get3A_654 = tpu.vector_load %arg9[%get3A_652, %get3A_653] {strides = array<i32>} : memref<32x512xi32, #tpu.memory_space<vmem>>, vector<16xi32>,
      %shift_left3A_655 = arith.constant 16 : i32
      %shift_left3A_656 = vector.broadcast %shift_left3A_655 : i32 to vector<16xi32>
      %shift_left3A_657 = arith.shli %get3A_651, %shift_left3A_656 : vector<16xi32>
      %bitcast_convert_type3A_658 = tpu.bitcast %shift_left3A_657 : vector<16xi32> -> vector<16xf32>
      %shift_left3A_659 = arith.constant 16 : i32
      %shift_left3A_660 = vector.broadcast %shift_left3A_659 : i32 to vector<16xi32>
      %shift_left3A_661 = arith.shli %get3A_654, %shift_left3A_660 : vector<16xi32>
      %bitcast_convert_type3A_662 = tpu.bitcast %shift_left3A_661 : vector<16xi32> -> vector<16xf32>
      %add3A_663 = arith.addf %bitcast_convert_type3A_658, %bitcast_convert_type3A_662 : vector<16xf32>
      %and3A_664 = arith.andi %get3A_651, %broadcast_in_dim3A_3 : vector<16xi32>
      %bitcast_convert_type3A_665 = tpu.bitcast %and3A_664 : vector<16xi32> -> vector<16xf32>
      %and3A_666 = arith.andi %get3A_654, %broadcast_in_dim3A_3 : vector<16xi32>
      %bitcast_convert_type3A_667 = tpu.bitcast %and3A_666 : vector<16xi32> -> vector<16xf32>
      %add3A_668 = arith.addf %bitcast_convert_type3A_665, %bitcast_convert_type3A_667 : vector<16xf32>
      %swap3A_669 = arith.index_cast %scan3A_55 : i32 to index
      %swap3A_670 = arith.constant 368 : index
      %swap3A_671 = tpu.vector_load %arg10[%swap3A_669, %swap3A_670] {strides = array<i32>} : memref<32x1024xf32, #tpu.memory_space<vmem>>, vector<16xf32>,
      tpu.vector_store %arg10[%swap3A_669, %swap3A_670], %add3A_663 {strides = array<i32>} : memref<32x1024xf32, #tpu.memory_space<vmem>>, vector<16xf32>,
      %swap3A_672 = arith.index_cast %scan3A_55 : i32 to index
      %swap3A_673 = arith.constant 880 : index
      %swap3A_674 = tpu.vector_load %arg10[%swap3A_672, %swap3A_673] {strides = array<i32>} : memref<32x1024xf32, #tpu.memory_space<vmem>>, vector<16xf32>,
      tpu.vector_store %arg10[%swap3A_672, %swap3A_673], %add3A_668 {strides = array<i32>} : memref<32x1024xf32, #tpu.memory_space<vmem>>, vector<16xf32>,
      %get3A_675 = arith.index_cast %scan3A_55 : i32 to index
      %get3A_676 = arith.constant 384 : index
      %get3A_677 = tpu.vector_load %arg8[%get3A_675, %get3A_676] {strides = array<i32>} : memref<32x512xi32, #tpu.memory_space<vmem>>, vector<16xi32>,
      %get3A_678 = arith.index_cast %scan3A_55 : i32 to index
      %get3A_679 = arith.constant 384 : index
      %get3A_680 = tpu.vector_load %arg9[%get3A_678, %get3A_679] {strides = array<i32>} : memref<32x512xi32, #tpu.memory_space<vmem>>, vector<16xi32>,
      %shift_left3A_681 = arith.constant 16 : i32
      %shift_left3A_682 = vector.broadcast %shift_left3A_681 : i32 to vector<16xi32>
      %shift_left3A_683 = arith.shli %get3A_677, %shift_left3A_682 : vector<16xi32>
      %bitcast_convert_type3A_684 = tpu.bitcast %shift_left3A_683 : vector<16xi32> -> vector<16xf32>
      %shift_left3A_685 = arith.constant 16 : i32
      %shift_left3A_686 = vector.broadcast %shift_left3A_685 : i32 to vector<16xi32>
      %shift_left3A_687 = arith.shli %get3A_680, %shift_left3A_686 : vector<16xi32>
      %bitcast_convert_type3A_688 = tpu.bitcast %shift_left3A_687 : vector<16xi32> -> vector<16xf32>
      %add3A_689 = arith.addf %bitcast_convert_type3A_684, %bitcast_convert_type3A_688 : vector<16xf32>
      %and3A_690 = arith.andi %get3A_677, %broadcast_in_dim3A_3 : vector<16xi32>
      %bitcast_convert_type3A_691 = tpu.bitcast %and3A_690 : vector<16xi32> -> vector<16xf32>
      %and3A_692 = arith.andi %get3A_680, %broadcast_in_dim3A_3 : vector<16xi32>
      %bitcast_convert_type3A_693 = tpu.bitcast %and3A_692 : vector<16xi32> -> vector<16xf32>
      %add3A_694 = arith.addf %bitcast_convert_type3A_691, %bitcast_convert_type3A_693 : vector<16xf32>
      %swap3A_695 = arith.index_cast %scan3A_55 : i32 to index
      %swap3A_696 = arith.constant 384 : index
      %swap3A_697 = tpu.vector_load %arg10[%swap3A_695, %swap3A_696] {strides = array<i32>} : memref<32x1024xf32, #tpu.memory_space<vmem>>, vector<16xf32>,
      tpu.vector_store %arg10[%swap3A_695, %swap3A_696], %add3A_689 {strides = array<i32>} : memref<32x1024xf32, #tpu.memory_space<vmem>>, vector<16xf32>,
      %swap3A_698 = arith.index_cast %scan3A_55 : i32 to index
      %swap3A_699 = arith.constant 896 : index
      %swap3A_700 = tpu.vector_load %arg10[%swap3A_698, %swap3A_699] {strides = array<i32>} : memref<32x1024xf32, #tpu.memory_space<vmem>>, vector<16xf32>,
      tpu.vector_store %arg10[%swap3A_698, %swap3A_699], %add3A_694 {strides = array<i32>} : memref<32x1024xf32, #tpu.memory_space<vmem>>, vector<16xf32>,
      %get3A_701 = arith.index_cast %scan3A_55 : i32 to index
      %get3A_702 = arith.constant 400 : index
      %get3A_703 = tpu.vector_load %arg8[%get3A_701, %get3A_702] {strides = array<i32>} : memref<32x512xi32, #tpu.memory_space<vmem>>, vector<16xi32>,
      %get3A_704 = arith.index_cast %scan3A_55 : i32 to index
      %get3A_705 = arith.constant 400 : index
      %get3A_706 = tpu.vector_load %arg9[%get3A_704, %get3A_705] {strides = array<i32>} : memref<32x512xi32, #tpu.memory_space<vmem>>, vector<16xi32>,
      %shift_left3A_707 = arith.constant 16 : i32
      %shift_left3A_708 = vector.broadcast %shift_left3A_707 : i32 to vector<16xi32>
      %shift_left3A_709 = arith.shli %get3A_703, %shift_left3A_708 : vector<16xi32>
      %bitcast_convert_type3A_710 = tpu.bitcast %shift_left3A_709 : vector<16xi32> -> vector<16xf32>
      %shift_left3A_711 = arith.constant 16 : i32
      %shift_left3A_712 = vector.broadcast %shift_left3A_711 : i32 to vector<16xi32>
      %shift_left3A_713 = arith.shli %get3A_706, %shift_left3A_712 : vector<16xi32>
      %bitcast_convert_type3A_714 = tpu.bitcast %shift_left3A_713 : vector<16xi32> -> vector<16xf32>
      %add3A_715 = arith.addf %bitcast_convert_type3A_710, %bitcast_convert_type3A_714 : vector<16xf32>
      %and3A_716 = arith.andi %get3A_703, %broadcast_in_dim3A_3 : vector<16xi32>
      %bitcast_convert_type3A_717 = tpu.bitcast %and3A_716 : vector<16xi32> -> vector<16xf32>
      %and3A_718 = arith.andi %get3A_706, %broadcast_in_dim3A_3 : vector<16xi32>
      %bitcast_convert_type3A_719 = tpu.bitcast %and3A_718 : vector<16xi32> -> vector<16xf32>
      %add3A_720 = arith.addf %bitcast_convert_type3A_717, %bitcast_convert_type3A_719 : vector<16xf32>
      %swap3A_721 = arith.index_cast %scan3A_55 : i32 to index
      %swap3A_722 = arith.constant 400 : index
      %swap3A_723 = tpu.vector_load %arg10[%swap3A_721, %swap3A_722] {strides = array<i32>} : memref<32x1024xf32, #tpu.memory_space<vmem>>, vector<16xf32>,
      tpu.vector_store %arg10[%swap3A_721, %swap3A_722], %add3A_715 {strides = array<i32>} : memref<32x1024xf32, #tpu.memory_space<vmem>>, vector<16xf32>,
      %swap3A_724 = arith.index_cast %scan3A_55 : i32 to index
      %swap3A_725 = arith.constant 912 : index
      %swap3A_726 = tpu.vector_load %arg10[%swap3A_724, %swap3A_725] {strides = array<i32>} : memref<32x1024xf32, #tpu.memory_space<vmem>>, vector<16xf32>,
      tpu.vector_store %arg10[%swap3A_724, %swap3A_725], %add3A_720 {strides = array<i32>} : memref<32x1024xf32, #tpu.memory_space<vmem>>, vector<16xf32>,
      %get3A_727 = arith.index_cast %scan3A_55 : i32 to index
      %get3A_728 = arith.constant 416 : index
      %get3A_729 = tpu.vector_load %arg8[%get3A_727, %get3A_728] {strides = array<i32>} : memref<32x512xi32, #tpu.memory_space<vmem>>, vector<16xi32>,
      %get3A_730 = arith.index_cast %scan3A_55 : i32 to index
      %get3A_731 = arith.constant 416 : index
      %get3A_732 = tpu.vector_load %arg9[%get3A_730, %get3A_731] {strides = array<i32>} : memref<32x512xi32, #tpu.memory_space<vmem>>, vector<16xi32>,
      %shift_left3A_733 = arith.constant 16 : i32
      %shift_left3A_734 = vector.broadcast %shift_left3A_733 : i32 to vector<16xi32>
      %shift_left3A_735 = arith.shli %get3A_729, %shift_left3A_734 : vector<16xi32>
      %bitcast_convert_type3A_736 = tpu.bitcast %shift_left3A_735 : vector<16xi32> -> vector<16xf32>
      %shift_left3A_737 = arith.constant 16 : i32
      %shift_left3A_738 = vector.broadcast %shift_left3A_737 : i32 to vector<16xi32>
      %shift_left3A_739 = arith.shli %get3A_732, %shift_left3A_738 : vector<16xi32>
      %bitcast_convert_type3A_740 = tpu.bitcast %shift_left3A_739 : vector<16xi32> -> vector<16xf32>
      %add3A_741 = arith.addf %bitcast_convert_type3A_736, %bitcast_convert_type3A_740 : vector<16xf32>
      %and3A_742 = arith.andi %get3A_729, %broadcast_in_dim3A_3 : vector<16xi32>
      %bitcast_convert_type3A_743 = tpu.bitcast %and3A_742 : vector<16xi32> -> vector<16xf32>
      %and3A_744 = arith.andi %get3A_732, %broadcast_in_dim3A_3 : vector<16xi32>
      %bitcast_convert_type3A_745 = tpu.bitcast %and3A_744 : vector<16xi32> -> vector<16xf32>
      %add3A_746 = arith.addf %bitcast_convert_type3A_743, %bitcast_convert_type3A_745 : vector<16xf32>
      %swap3A_747 = arith.index_cast %scan3A_55 : i32 to index
      %swap3A_748 = arith.constant 416 : index
      %swap3A_749 = tpu.vector_load %arg10[%swap3A_747, %swap3A_748] {strides = array<i32>} : memref<32x1024xf32, #tpu.memory_space<vmem>>, vector<16xf32>,
      tpu.vector_store %arg10[%swap3A_747, %swap3A_748], %add3A_741 {strides = array<i32>} : memref<32x1024xf32, #tpu.memory_space<vmem>>, vector<16xf32>,
      %swap3A_750 = arith.index_cast %scan3A_55 : i32 to index
      %swap3A_751 = arith.constant 928 : index
      %swap3A_752 = tpu.vector_load %arg10[%swap3A_750, %swap3A_751] {strides = array<i32>} : memref<32x1024xf32, #tpu.memory_space<vmem>>, vector<16xf32>,
      tpu.vector_store %arg10[%swap3A_750, %swap3A_751], %add3A_746 {strides = array<i32>} : memref<32x1024xf32, #tpu.memory_space<vmem>>, vector<16xf32>,
      %get3A_753 = arith.index_cast %scan3A_55 : i32 to index
      %get3A_754 = arith.constant 432 : index
      %get3A_755 = tpu.vector_load %arg8[%get3A_753, %get3A_754] {strides = array<i32>} : memref<32x512xi32, #tpu.memory_space<vmem>>, vector<16xi32>,
      %get3A_756 = arith.index_cast %scan3A_55 : i32 to index
      %get3A_757 = arith.constant 432 : index
      %get3A_758 = tpu.vector_load %arg9[%get3A_756, %get3A_757] {strides = array<i32>} : memref<32x512xi32, #tpu.memory_space<vmem>>, vector<16xi32>,
      %shift_left3A_759 = arith.constant 16 : i32
      %shift_left3A_760 = vector.broadcast %shift_left3A_759 : i32 to vector<16xi32>
      %shift_left3A_761 = arith.shli %get3A_755, %shift_left3A_760 : vector<16xi32>
      %bitcast_convert_type3A_762 = tpu.bitcast %shift_left3A_761 : vector<16xi32> -> vector<16xf32>
      %shift_left3A_763 = arith.constant 16 : i32
      %shift_left3A_764 = vector.broadcast %shift_left3A_763 : i32 to vector<16xi32>
      %shift_left3A_765 = arith.shli %get3A_758, %shift_left3A_764 : vector<16xi32>
      %bitcast_convert_type3A_766 = tpu.bitcast %shift_left3A_765 : vector<16xi32> -> vector<16xf32>
      %add3A_767 = arith.addf %bitcast_convert_type3A_762, %bitcast_convert_type3A_766 : vector<16xf32>
      %and3A_768 = arith.andi %get3A_755, %broadcast_in_dim3A_3 : vector<16xi32>
      %bitcast_convert_type3A_769 = tpu.bitcast %and3A_768 : vector<16xi32> -> vector<16xf32>
      %and3A_770 = arith.andi %get3A_758, %broadcast_in_dim3A_3 : vector<16xi32>
      %bitcast_convert_type3A_771 = tpu.bitcast %and3A_770 : vector<16xi32> -> vector<16xf32>
      %add3A_772 = arith.addf %bitcast_convert_type3A_769, %bitcast_convert_type3A_771 : vector<16xf32>
      %swap3A_773 = arith.index_cast %scan3A_55 : i32 to index
      %swap3A_774 = arith.constant 432 : index
      %swap3A_775 = tpu.vector_load %arg10[%swap3A_773, %swap3A_774] {strides = array<i32>} : memref<32x1024xf32, #tpu.memory_space<vmem>>, vector<16xf32>,
      tpu.vector_store %arg10[%swap3A_773, %swap3A_774], %add3A_767 {strides = array<i32>} : memref<32x1024xf32, #tpu.memory_space<vmem>>, vector<16xf32>,
      %swap3A_776 = arith.index_cast %scan3A_55 : i32 to index
      %swap3A_777 = arith.constant 944 : index
      %swap3A_778 = tpu.vector_load %arg10[%swap3A_776, %swap3A_777] {strides = array<i32>} : memref<32x1024xf32, #tpu.memory_space<vmem>>, vector<16xf32>,
      tpu.vector_store %arg10[%swap3A_776, %swap3A_777], %add3A_772 {strides = array<i32>} : memref<32x1024xf32, #tpu.memory_space<vmem>>, vector<16xf32>,
      %get3A_779 = arith.index_cast %scan3A_55 : i32 to index
      %get3A_780 = arith.constant 448 : index
      %get3A_781 = tpu.vector_load %arg8[%get3A_779, %get3A_780] {strides = array<i32>} : memref<32x512xi32, #tpu.memory_space<vmem>>, vector<16xi32>,
      %get3A_782 = arith.index_cast %scan3A_55 : i32 to index
      %get3A_783 = arith.constant 448 : index
      %get3A_784 = tpu.vector_load %arg9[%get3A_782, %get3A_783] {strides = array<i32>} : memref<32x512xi32, #tpu.memory_space<vmem>>, vector<16xi32>,
      %shift_left3A_785 = arith.constant 16 : i32
      %shift_left3A_786 = vector.broadcast %shift_left3A_785 : i32 to vector<16xi32>
      %shift_left3A_787 = arith.shli %get3A_781, %shift_left3A_786 : vector<16xi32>
      %bitcast_convert_type3A_788 = tpu.bitcast %shift_left3A_787 : vector<16xi32> -> vector<16xf32>
      %shift_left3A_789 = arith.constant 16 : i32
      %shift_left3A_790 = vector.broadcast %shift_left3A_789 : i32 to vector<16xi32>
      %shift_left3A_791 = arith.shli %get3A_784, %shift_left3A_790 : vector<16xi32>
      %bitcast_convert_type3A_792 = tpu.bitcast %shift_left3A_791 : vector<16xi32> -> vector<16xf32>
      %add3A_793 = arith.addf %bitcast_convert_type3A_788, %bitcast_convert_type3A_792 : vector<16xf32>
      %and3A_794 = arith.andi %get3A_781, %broadcast_in_dim3A_3 : vector<16xi32>
      %bitcast_convert_type3A_795 = tpu.bitcast %and3A_794 : vector<16xi32> -> vector<16xf32>
      %and3A_796 = arith.andi %get3A_784, %broadcast_in_dim3A_3 : vector<16xi32>
      %bitcast_convert_type3A_797 = tpu.bitcast %and3A_796 : vector<16xi32> -> vector<16xf32>
      %add3A_798 = arith.addf %bitcast_convert_type3A_795, %bitcast_convert_type3A_797 : vector<16xf32>
      %swap3A_799 = arith.index_cast %scan3A_55 : i32 to index
      %swap3A_800 = arith.constant 448 : index
      %swap3A_801 = tpu.vector_load %arg10[%swap3A_799, %swap3A_800] {strides = array<i32>} : memref<32x1024xf32, #tpu.memory_space<vmem>>, vector<16xf32>,
      tpu.vector_store %arg10[%swap3A_799, %swap3A_800], %add3A_793 {strides = array<i32>} : memref<32x1024xf32, #tpu.memory_space<vmem>>, vector<16xf32>,
      %swap3A_802 = arith.index_cast %scan3A_55 : i32 to index
      %swap3A_803 = arith.constant 960 : index
      %swap3A_804 = tpu.vector_load %arg10[%swap3A_802, %swap3A_803] {strides = array<i32>} : memref<32x1024xf32, #tpu.memory_space<vmem>>, vector<16xf32>,
      tpu.vector_store %arg10[%swap3A_802, %swap3A_803], %add3A_798 {strides = array<i32>} : memref<32x1024xf32, #tpu.memory_space<vmem>>, vector<16xf32>,
      %get3A_805 = arith.index_cast %scan3A_55 : i32 to index
      %get3A_806 = arith.constant 464 : index
      %get3A_807 = tpu.vector_load %arg8[%get3A_805, %get3A_806] {strides = array<i32>} : memref<32x512xi32, #tpu.memory_space<vmem>>, vector<16xi32>,
      %get3A_808 = arith.index_cast %scan3A_55 : i32 to index
      %get3A_809 = arith.constant 464 : index
      %get3A_810 = tpu.vector_load %arg9[%get3A_808, %get3A_809] {strides = array<i32>} : memref<32x512xi32, #tpu.memory_space<vmem>>, vector<16xi32>,
      %shift_left3A_811 = arith.constant 16 : i32
      %shift_left3A_812 = vector.broadcast %shift_left3A_811 : i32 to vector<16xi32>
      %shift_left3A_813 = arith.shli %get3A_807, %shift_left3A_812 : vector<16xi32>
      %bitcast_convert_type3A_814 = tpu.bitcast %shift_left3A_813 : vector<16xi32> -> vector<16xf32>
      %shift_left3A_815 = arith.constant 16 : i32
      %shift_left3A_816 = vector.broadcast %shift_left3A_815 : i32 to vector<16xi32>
      %shift_left3A_817 = arith.shli %get3A_810, %shift_left3A_816 : vector<16xi32>
      %bitcast_convert_type3A_818 = tpu.bitcast %shift_left3A_817 : vector<16xi32> -> vector<16xf32>
      %add3A_819 = arith.addf %bitcast_convert_type3A_814, %bitcast_convert_type3A_818 : vector<16xf32>
      %and3A_820 = arith.andi %get3A_807, %broadcast_in_dim3A_3 : vector<16xi32>
      %bitcast_convert_type3A_821 = tpu.bitcast %and3A_820 : vector<16xi32> -> vector<16xf32>
      %and3A_822 = arith.andi %get3A_810, %broadcast_in_dim3A_3 : vector<16xi32>
      %bitcast_convert_type3A_823 = tpu.bitcast %and3A_822 : vector<16xi32> -> vector<16xf32>
      %add3A_824 = arith.addf %bitcast_convert_type3A_821, %bitcast_convert_type3A_823 : vector<16xf32>
      %swap3A_825 = arith.index_cast %scan3A_55 : i32 to index
      %swap3A_826 = arith.constant 464 : index
      %swap3A_827 = tpu.vector_load %arg10[%swap3A_825, %swap3A_826] {strides = array<i32>} : memref<32x1024xf32, #tpu.memory_space<vmem>>, vector<16xf32>,
      tpu.vector_store %arg10[%swap3A_825, %swap3A_826], %add3A_819 {strides = array<i32>} : memref<32x1024xf32, #tpu.memory_space<vmem>>, vector<16xf32>,
      %swap3A_828 = arith.index_cast %scan3A_55 : i32 to index
      %swap3A_829 = arith.constant 976 : index
      %swap3A_830 = tpu.vector_load %arg10[%swap3A_828, %swap3A_829] {strides = array<i32>} : memref<32x1024xf32, #tpu.memory_space<vmem>>, vector<16xf32>,
      tpu.vector_store %arg10[%swap3A_828, %swap3A_829], %add3A_824 {strides = array<i32>} : memref<32x1024xf32, #tpu.memory_space<vmem>>, vector<16xf32>,
      %get3A_831 = arith.index_cast %scan3A_55 : i32 to index
      %get3A_832 = arith.constant 480 : index
      %get3A_833 = tpu.vector_load %arg8[%get3A_831, %get3A_832] {strides = array<i32>} : memref<32x512xi32, #tpu.memory_space<vmem>>, vector<16xi32>,
      %get3A_834 = arith.index_cast %scan3A_55 : i32 to index
      %get3A_835 = arith.constant 480 : index
      %get3A_836 = tpu.vector_load %arg9[%get3A_834, %get3A_835] {strides = array<i32>} : memref<32x512xi32, #tpu.memory_space<vmem>>, vector<16xi32>,
      %shift_left3A_837 = arith.constant 16 : i32
      %shift_left3A_838 = vector.broadcast %shift_left3A_837 : i32 to vector<16xi32>
      %shift_left3A_839 = arith.shli %get3A_833, %shift_left3A_838 : vector<16xi32>
      %bitcast_convert_type3A_840 = tpu.bitcast %shift_left3A_839 : vector<16xi32> -> vector<16xf32>
      %shift_left3A_841 = arith.constant 16 : i32
      %shift_left3A_842 = vector.broadcast %shift_left3A_841 : i32 to vector<16xi32>
      %shift_left3A_843 = arith.shli %get3A_836, %shift_left3A_842 : vector<16xi32>
      %bitcast_convert_type3A_844 = tpu.bitcast %shift_left3A_843 : vector<16xi32> -> vector<16xf32>
      %add3A_845 = arith.addf %bitcast_convert_type3A_840, %bitcast_convert_type3A_844 : vector<16xf32>
      %and3A_846 = arith.andi %get3A_833, %broadcast_in_dim3A_3 : vector<16xi32>
      %bitcast_convert_type3A_847 = tpu.bitcast %and3A_846 : vector<16xi32> -> vector<16xf32>
      %and3A_848 = arith.andi %get3A_836, %broadcast_in_dim3A_3 : vector<16xi32>
      %bitcast_convert_type3A_849 = tpu.bitcast %and3A_848 : vector<16xi32> -> vector<16xf32>
      %add3A_850 = arith.addf %bitcast_convert_type3A_847, %bitcast_convert_type3A_849 : vector<16xf32>
      %swap3A_851 = arith.index_cast %scan3A_55 : i32 to index
      %swap3A_852 = arith.constant 480 : index
      %swap3A_853 = tpu.vector_load %arg10[%swap3A_851, %swap3A_852] {strides = array<i32>} : memref<32x1024xf32, #tpu.memory_space<vmem>>, vector<16xf32>,
      tpu.vector_store %arg10[%swap3A_851, %swap3A_852], %add3A_845 {strides = array<i32>} : memref<32x1024xf32, #tpu.memory_space<vmem>>, vector<16xf32>,
      %swap3A_854 = arith.index_cast %scan3A_55 : i32 to index
      %swap3A_855 = arith.constant 992 : index
      %swap3A_856 = tpu.vector_load %arg10[%swap3A_854, %swap3A_855] {strides = array<i32>} : memref<32x1024xf32, #tpu.memory_space<vmem>>, vector<16xf32>,
      tpu.vector_store %arg10[%swap3A_854, %swap3A_855], %add3A_850 {strides = array<i32>} : memref<32x1024xf32, #tpu.memory_space<vmem>>, vector<16xf32>,
      %get3A_857 = arith.index_cast %scan3A_55 : i32 to index
      %get3A_858 = arith.constant 496 : index
      %get3A_859 = tpu.vector_load %arg8[%get3A_857, %get3A_858] {strides = array<i32>} : memref<32x512xi32, #tpu.memory_space<vmem>>, vector<16xi32>,
      %get3A_860 = arith.index_cast %scan3A_55 : i32 to index
      %get3A_861 = arith.constant 496 : index
      %get3A_862 = tpu.vector_load %arg9[%get3A_860, %get3A_861] {strides = array<i32>} : memref<32x512xi32, #tpu.memory_space<vmem>>, vector<16xi32>,
      %shift_left3A_863 = arith.constant 16 : i32
      %shift_left3A_864 = vector.broadcast %shift_left3A_863 : i32 to vector<16xi32>
      %shift_left3A_865 = arith.shli %get3A_859, %shift_left3A_864 : vector<16xi32>
      %bitcast_convert_type3A_866 = tpu.bitcast %shift_left3A_865 : vector<16xi32> -> vector<16xf32>
      %shift_left3A_867 = arith.constant 16 : i32
      %shift_left3A_868 = vector.broadcast %shift_left3A_867 : i32 to vector<16xi32>
      %shift_left3A_869 = arith.shli %get3A_862, %shift_left3A_868 : vector<16xi32>
      %bitcast_convert_type3A_870 = tpu.bitcast %shift_left3A_869 : vector<16xi32> -> vector<16xf32>
      %add3A_871 = arith.addf %bitcast_convert_type3A_866, %bitcast_convert_type3A_870 : vector<16xf32>
      %and3A_872 = arith.andi %get3A_859, %broadcast_in_dim3A_3 : vector<16xi32>
      %bitcast_convert_type3A_873 = tpu.bitcast %and3A_872 : vector<16xi32> -> vector<16xf32>
      %and3A_874 = arith.andi %get3A_862, %broadcast_in_dim3A_3 : vector<16xi32>
      %bitcast_convert_type3A_875 = tpu.bitcast %and3A_874 : vector<16xi32> -> vector<16xf32>
      %add3A_876 = arith.addf %bitcast_convert_type3A_873, %bitcast_convert_type3A_875 : vector<16xf32>
      %swap3A_877 = arith.index_cast %scan3A_55 : i32 to index
      %swap3A_878 = arith.constant 496 : index
      %swap3A_879 = tpu.vector_load %arg10[%swap3A_877, %swap3A_878] {strides = array<i32>} : memref<32x1024xf32, #tpu.memory_space<vmem>>, vector<16xf32>,
      tpu.vector_store %arg10[%swap3A_877, %swap3A_878], %add3A_871 {strides = array<i32>} : memref<32x1024xf32, #tpu.memory_space<vmem>>, vector<16xf32>,
      %swap3A_880 = arith.index_cast %scan3A_55 : i32 to index
      %swap3A_881 = arith.constant 1008 : index
      %swap3A_882 = tpu.vector_load %arg10[%swap3A_880, %swap3A_881] {strides = array<i32>} : memref<32x1024xf32, #tpu.memory_space<vmem>>, vector<16xf32>,
      tpu.vector_store %arg10[%swap3A_880, %swap3A_881], %add3A_876 {strides = array<i32>} : memref<32x1024xf32, #tpu.memory_space<vmem>>, vector<16xf32>,
    }
    %scan3A_25 = arith.constant 32 : i32
    %add3A_26 = arith.constant 0 : i32
    %add3A_27 = arith.addi %mul3A_2, %add3A_26 : i32
    "tpu.region"() ({
      %run_scoped3A = tpu.sem_alloc : memref<!tpu.dma_semaphore, #tpu.memory_space<semaphore_mem>>
      %dma_start3A_55 = arith.constant 0 : i32
      %dma_start3A_56 = tpu.memref_slice %arg5[%add3A_27, %dma_start3A_55] : memref<2048x1024xf32, #tpu.memory_space<hbm>> -> memref<32x1024xf32, #tpu.memory_space<hbm>>
      %dma_start3A_57 = arith.constant 0 : i32
      %dma_start3A_58 = tpu.memref_slice %arg5[%add3A_27, %dma_start3A_57] : memref<2048x1024xf32, #tpu.memory_space<hbm>> -> memref<32x1024xf32, #tpu.memory_space<hbm>>
      tpu.enqueue_dma source(%arg10 : memref<32x1024xf32, #tpu.memory_space<vmem>>) target(%dma_start3A_58 : memref<32x1024xf32, #tpu.memory_space<hbm>>) target_semaphore(%run_scoped3A : memref<!tpu.dma_semaphore, #tpu.memory_space<semaphore_mem>>)
      %dma_wait3A_59 = arith.constant 0 : i32
      %dma_wait3A_60 = tpu.memref_slice %arg5[%add3A_27, %dma_wait3A_59] : memref<2048x1024xf32, #tpu.memory_space<hbm>> -> memref<32x1024xf32, #tpu.memory_space<hbm>>
      %dma_wait3A_61 = arith.constant 0 : i32
      %dma_wait3A_62 = tpu.memref_slice %arg5[%add3A_27, %dma_wait3A_61] : memref<2048x1024xf32, #tpu.memory_space<hbm>> -> memref<32x1024xf32, #tpu.memory_space<hbm>>
      tpu.wait_dma2 semaphore(%run_scoped3A : memref<!tpu.dma_semaphore, #tpu.memory_space<semaphore_mem>>) src(%arg10 : memref<32x1024xf32, #tpu.memory_space<vmem>>) dst(%dma_wait3A_62 : memref<32x1024xf32, #tpu.memory_space<hbm>>)
      tpu.yield
    }) : () -> ()
    %dma_start3A_28 = arith.constant 32 : i32
    %dma_start3A_29 = tpu.memref_slice %arg6[%dma_start3A_28] : memref<64xi32, #tpu.memory_space<vmem>> -> memref<32xi32, #tpu.memory_space<vmem>>
    %dma_start3A_30 = arith.constant 0 : i32
    %dma_start3A_31 = arith.constant 0 : i32
    %dma_start3A_32 = tpu.memref_slice %arg2[%dma_start3A_30, %dma_start3A_31] : memref<6144x512xi32, #tpu.memory_space<hbm>> -> memref<6144x512xi32, #tpu.memory_space<hbm>>
    tpu.enqueue_indirect_dma source(%dma_start3A_32 : memref<6144x512xi32, #tpu.memory_space<hbm>>) target(%arg8 : memref<32x512xi32, #tpu.memory_space<vmem>>) offsets(%dma_start3A_29 : memref<32xi32, #tpu.memory_space<vmem>>) semaphore(%arg11 : memref<!tpu.dma_semaphore, #tpu.memory_space<semaphore_mem>>)
    %dma_start3A_33 = arith.constant 32 : i32
    %dma_start3A_34 = tpu.memref_slice %arg7[%dma_start3A_33] : memref<64xi32, #tpu.memory_space<vmem>> -> memref<32xi32, #tpu.memory_space<vmem>>
    %dma_start3A_35 = arith.constant 0 : i32
    %dma_start3A_36 = arith.constant 0 : i32
    %dma_start3A_37 = tpu.memref_slice %arg2[%dma_start3A_35, %dma_start3A_36] : memref<6144x512xi32, #tpu.memory_space<hbm>> -> memref<6144x512xi32, #tpu.memory_space<hbm>>
    tpu.enqueue_indirect_dma source(%dma_start3A_37 : memref<6144x512xi32, #tpu.memory_space<hbm>>) target(%arg9 : memref<32x512xi32, #tpu.memory_space<vmem>>) offsets(%dma_start3A_34 : memref<32xi32, #tpu.memory_space<vmem>>) semaphore(%arg12 : memref<!tpu.dma_semaphore, #tpu.memory_space<semaphore_mem>>)
    %dma_wait3A_38 = arith.constant 32 : i32
    %dma_wait3A_39 = tpu.memref_slice %arg6[%dma_wait3A_38] : memref<64xi32, #tpu.memory_space<vmem>> -> memref<32xi32, #tpu.memory_space<vmem>>
    %dma_wait3A_40 = arith.constant 0 : i32
    %dma_wait3A_41 = arith.constant 0 : i32
    %dma_wait3A_42 = tpu.memref_slice %arg2[%dma_wait3A_40, %dma_wait3A_41] : memref<6144x512xi32, #tpu.memory_space<hbm>> -> memref<6144x512xi32, #tpu.memory_space<hbm>>
    tpu.wait_indirect_dma semaphore(%arg11 : memref<!tpu.dma_semaphore, #tpu.memory_space<semaphore_mem>>) src(%dma_wait3A_42 : memref<6144x512xi32, #tpu.memory_space<hbm>>) dst(%arg8 : memref<32x512xi32, #tpu.memory_space<vmem>>)
    %dma_wait3A_43 = arith.constant 32 : i32
    %dma_wait3A_44 = tpu.memref_slice %arg7[%dma_wait3A_43] : memref<64xi32, #tpu.memory_space<vmem>> -> memref<32xi32, #tpu.memory_space<vmem>>
    %dma_wait3A_45 = arith.constant 0 : i32
    %dma_wait3A_46 = arith.constant 0 : i32
    %dma_wait3A_47 = tpu.memref_slice %arg2[%dma_wait3A_45, %dma_wait3A_46] : memref<6144x512xi32, #tpu.memory_space<hbm>> -> memref<6144x512xi32, #tpu.memory_space<hbm>>
    tpu.wait_indirect_dma semaphore(%arg12 : memref<!tpu.dma_semaphore, #tpu.memory_space<semaphore_mem>>) src(%dma_wait3A_47 : memref<6144x512xi32, #tpu.memory_space<hbm>>) dst(%arg9 : memref<32x512xi32, #tpu.memory_space<vmem>>)
    %scan3A_48 = arith.constant 0 : i32
    %scan3A_49 = arith.constant 32 : i32
    %scan3A_50 = arith.addi %scan3A_48, %scan3A_49 : i32
    %scan3A_51 = arith.constant 1 : i32
    scf.for %scan3A_55 = %scan3A_48 to %scan3A_50 step %scan3A_51  : i32 {
      %get3A = arith.index_cast %scan3A_55 : i32 to index
      %get3A_56 = arith.constant 0 : index
      %get3A_57 = tpu.vector_load %arg8[%get3A, %get3A_56] {strides = array<i32>} : memref<32x512xi32, #tpu.memory_space<vmem>>, vector<16xi32>,
      %get3A_58 = arith.index_cast %scan3A_55 : i32 to index
      %get3A_59 = arith.constant 0 : index
      %get3A_60 = tpu.vector_load %arg9[%get3A_58, %get3A_59] {strides = array<i32>} : memref<32x512xi32, #tpu.memory_space<vmem>>, vector<16xi32>,
      %shift_left3A = arith.constant 16 : i32
      %shift_left3A_61 = vector.broadcast %shift_left3A : i32 to vector<16xi32>
      %shift_left3A_62 = arith.shli %get3A_57, %shift_left3A_61 : vector<16xi32>
      %bitcast_convert_type3A = tpu.bitcast %shift_left3A_62 : vector<16xi32> -> vector<16xf32>
      %shift_left3A_63 = arith.constant 16 : i32
      %shift_left3A_64 = vector.broadcast %shift_left3A_63 : i32 to vector<16xi32>
      %shift_left3A_65 = arith.shli %get3A_60, %shift_left3A_64 : vector<16xi32>
      %bitcast_convert_type3A_66 = tpu.bitcast %shift_left3A_65 : vector<16xi32> -> vector<16xf32>
      %add3A_67 = arith.addf %bitcast_convert_type3A, %bitcast_convert_type3A_66 : vector<16xf32>
      %and3A = arith.andi %get3A_57, %broadcast_in_dim3A_3 : vector<16xi32>
      %bitcast_convert_type3A_68 = tpu.bitcast %and3A : vector<16xi32> -> vector<16xf32>
      %and3A_69 = arith.andi %get3A_60, %broadcast_in_dim3A_3 : vector<16xi32>
      %bitcast_convert_type3A_70 = tpu.bitcast %and3A_69 : vector<16xi32> -> vector<16xf32>
      %add3A_71 = arith.addf %bitcast_convert_type3A_68, %bitcast_convert_type3A_70 : vector<16xf32>
      %swap3A = arith.index_cast %scan3A_55 : i32 to index
      %swap3A_72 = arith.constant 0 : index
      %swap3A_73 = tpu.vector_load %arg10[%swap3A, %swap3A_72] {strides = array<i32>} : memref<32x1024xf32, #tpu.memory_space<vmem>>, vector<16xf32>,
      tpu.vector_store %arg10[%swap3A, %swap3A_72], %add3A_67 {strides = array<i32>} : memref<32x1024xf32, #tpu.memory_space<vmem>>, vector<16xf32>,
      %swap3A_74 = arith.index_cast %scan3A_55 : i32 to index
      %swap3A_75 = arith.constant 512 : index
      %swap3A_76 = tpu.vector_load %arg10[%swap3A_74, %swap3A_75] {strides = array<i32>} : memref<32x1024xf32, #tpu.memory_space<vmem>>, vector<16xf32>,
      tpu.vector_store %arg10[%swap3A_74, %swap3A_75], %add3A_71 {strides = array<i32>} : memref<32x1024xf32, #tpu.memory_space<vmem>>, vector<16xf32>,
      %get3A_77 = arith.index_cast %scan3A_55 : i32 to index
      %get3A_78 = arith.constant 16 : index
      %get3A_79 = tpu.vector_load %arg8[%get3A_77, %get3A_78] {strides = array<i32>} : memref<32x512xi32, #tpu.memory_space<vmem>>, vector<16xi32>,
      %get3A_80 = arith.index_cast %scan3A_55 : i32 to index
      %get3A_81 = arith.constant 16 : index
      %get3A_82 = tpu.vector_load %arg9[%get3A_80, %get3A_81] {strides = array<i32>} : memref<32x512xi32, #tpu.memory_space<vmem>>, vector<16xi32>,
      %shift_left3A_83 = arith.constant 16 : i32
      %shift_left3A_84 = vector.broadcast %shift_left3A_83 : i32 to vector<16xi32>
      %shift_left3A_85 = arith.shli %get3A_79, %shift_left3A_84 : vector<16xi32>
      %bitcast_convert_type3A_86 = tpu.bitcast %shift_left3A_85 : vector<16xi32> -> vector<16xf32>
      %shift_left3A_87 = arith.constant 16 : i32
      %shift_left3A_88 = vector.broadcast %shift_left3A_87 : i32 to vector<16xi32>
      %shift_left3A_89 = arith.shli %get3A_82, %shift_left3A_88 : vector<16xi32>
      %bitcast_convert_type3A_90 = tpu.bitcast %shift_left3A_89 : vector<16xi32> -> vector<16xf32>
      %add3A_91 = arith.addf %bitcast_convert_type3A_86, %bitcast_convert_type3A_90 : vector<16xf32>
      %and3A_92 = arith.andi %get3A_79, %broadcast_in_dim3A_3 : vector<16xi32>
      %bitcast_convert_type3A_93 = tpu.bitcast %and3A_92 : vector<16xi32> -> vector<16xf32>
      %and3A_94 = arith.andi %get3A_82, %broadcast_in_dim3A_3 : vector<16xi32>
      %bitcast_convert_type3A_95 = tpu.bitcast %and3A_94 : vector<16xi32> -> vector<16xf32>
      %add3A_96 = arith.addf %bitcast_convert_type3A_93, %bitcast_convert_type3A_95 : vector<16xf32>
      %swap3A_97 = arith.index_cast %scan3A_55 : i32 to index
      %swap3A_98 = arith.constant 16 : index
      %swap3A_99 = tpu.vector_load %arg10[%swap3A_97, %swap3A_98] {strides = array<i32>} : memref<32x1024xf32, #tpu.memory_space<vmem>>, vector<16xf32>,
      tpu.vector_store %arg10[%swap3A_97, %swap3A_98], %add3A_91 {strides = array<i32>} : memref<32x1024xf32, #tpu.memory_space<vmem>>, vector<16xf32>,
      %swap3A_100 = arith.index_cast %scan3A_55 : i32 to index
      %swap3A_101 = arith.constant 528 : index
      %swap3A_102 = tpu.vector_load %arg10[%swap3A_100, %swap3A_101] {strides = array<i32>} : memref<32x1024xf32, #tpu.memory_space<vmem>>, vector<16xf32>,
      tpu.vector_store %arg10[%swap3A_100, %swap3A_101], %add3A_96 {strides = array<i32>} : memref<32x1024xf32, #tpu.memory_space<vmem>>, vector<16xf32>,
      %get3A_103 = arith.index_cast %scan3A_55 : i32 to index
      %get3A_104 = arith.constant 32 : index
      %get3A_105 = tpu.vector_load %arg8[%get3A_103, %get3A_104] {strides = array<i32>} : memref<32x512xi32, #tpu.memory_space<vmem>>, vector<16xi32>,
      %get3A_106 = arith.index_cast %scan3A_55 : i32 to index
      %get3A_107 = arith.constant 32 : index
      %get3A_108 = tpu.vector_load %arg9[%get3A_106, %get3A_107] {strides = array<i32>} : memref<32x512xi32, #tpu.memory_space<vmem>>, vector<16xi32>,
      %shift_left3A_109 = arith.constant 16 : i32
      %shift_left3A_110 = vector.broadcast %shift_left3A_109 : i32 to vector<16xi32>
      %shift_left3A_111 = arith.shli %get3A_105, %shift_left3A_110 : vector<16xi32>
      %bitcast_convert_type3A_112 = tpu.bitcast %shift_left3A_111 : vector<16xi32> -> vector<16xf32>
      %shift_left3A_113 = arith.constant 16 : i32
      %shift_left3A_114 = vector.broadcast %shift_left3A_113 : i32 to vector<16xi32>
      %shift_left3A_115 = arith.shli %get3A_108, %shift_left3A_114 : vector<16xi32>
      %bitcast_convert_type3A_116 = tpu.bitcast %shift_left3A_115 : vector<16xi32> -> vector<16xf32>
      %add3A_117 = arith.addf %bitcast_convert_type3A_112, %bitcast_convert_type3A_116 : vector<16xf32>
      %and3A_118 = arith.andi %get3A_105, %broadcast_in_dim3A_3 : vector<16xi32>
      %bitcast_convert_type3A_119 = tpu.bitcast %and3A_118 : vector<16xi32> -> vector<16xf32>
      %and3A_120 = arith.andi %get3A_108, %broadcast_in_dim3A_3 : vector<16xi32>
      %bitcast_convert_type3A_121 = tpu.bitcast %and3A_120 : vector<16xi32> -> vector<16xf32>
      %add3A_122 = arith.addf %bitcast_convert_type3A_119, %bitcast_convert_type3A_121 : vector<16xf32>
      %swap3A_123 = arith.index_cast %scan3A_55 : i32 to index
      %swap3A_124 = arith.constant 32 : index
      %swap3A_125 = tpu.vector_load %arg10[%swap3A_123, %swap3A_124] {strides = array<i32>} : memref<32x1024xf32, #tpu.memory_space<vmem>>, vector<16xf32>,
      tpu.vector_store %arg10[%swap3A_123, %swap3A_124], %add3A_117 {strides = array<i32>} : memref<32x1024xf32, #tpu.memory_space<vmem>>, vector<16xf32>,
      %swap3A_126 = arith.index_cast %scan3A_55 : i32 to index
      %swap3A_127 = arith.constant 544 : index
      %swap3A_128 = tpu.vector_load %arg10[%swap3A_126, %swap3A_127] {strides = array<i32>} : memref<32x1024xf32, #tpu.memory_space<vmem>>, vector<16xf32>,
      tpu.vector_store %arg10[%swap3A_126, %swap3A_127], %add3A_122 {strides = array<i32>} : memref<32x1024xf32, #tpu.memory_space<vmem>>, vector<16xf32>,
      %get3A_129 = arith.index_cast %scan3A_55 : i32 to index
      %get3A_130 = arith.constant 48 : index
      %get3A_131 = tpu.vector_load %arg8[%get3A_129, %get3A_130] {strides = array<i32>} : memref<32x512xi32, #tpu.memory_space<vmem>>, vector<16xi32>,
      %get3A_132 = arith.index_cast %scan3A_55 : i32 to index
      %get3A_133 = arith.constant 48 : index
      %get3A_134 = tpu.vector_load %arg9[%get3A_132, %get3A_133] {strides = array<i32>} : memref<32x512xi32, #tpu.memory_space<vmem>>, vector<16xi32>,
      %shift_left3A_135 = arith.constant 16 : i32
      %shift_left3A_136 = vector.broadcast %shift_left3A_135 : i32 to vector<16xi32>
      %shift_left3A_137 = arith.shli %get3A_131, %shift_left3A_136 : vector<16xi32>
      %bitcast_convert_type3A_138 = tpu.bitcast %shift_left3A_137 : vector<16xi32> -> vector<16xf32>
      %shift_left3A_139 = arith.constant 16 : i32
      %shift_left3A_140 = vector.broadcast %shift_left3A_139 : i32 to vector<16xi32>
      %shift_left3A_141 = arith.shli %get3A_134, %shift_left3A_140 : vector<16xi32>
      %bitcast_convert_type3A_142 = tpu.bitcast %shift_left3A_141 : vector<16xi32> -> vector<16xf32>
      %add3A_143 = arith.addf %bitcast_convert_type3A_138, %bitcast_convert_type3A_142 : vector<16xf32>
      %and3A_144 = arith.andi %get3A_131, %broadcast_in_dim3A_3 : vector<16xi32>
      %bitcast_convert_type3A_145 = tpu.bitcast %and3A_144 : vector<16xi32> -> vector<16xf32>
      %and3A_146 = arith.andi %get3A_134, %broadcast_in_dim3A_3 : vector<16xi32>
      %bitcast_convert_type3A_147 = tpu.bitcast %and3A_146 : vector<16xi32> -> vector<16xf32>
      %add3A_148 = arith.addf %bitcast_convert_type3A_145, %bitcast_convert_type3A_147 : vector<16xf32>
      %swap3A_149 = arith.index_cast %scan3A_55 : i32 to index
      %swap3A_150 = arith.constant 48 : index
      %swap3A_151 = tpu.vector_load %arg10[%swap3A_149, %swap3A_150] {strides = array<i32>} : memref<32x1024xf32, #tpu.memory_space<vmem>>, vector<16xf32>,
      tpu.vector_store %arg10[%swap3A_149, %swap3A_150], %add3A_143 {strides = array<i32>} : memref<32x1024xf32, #tpu.memory_space<vmem>>, vector<16xf32>,
      %swap3A_152 = arith.index_cast %scan3A_55 : i32 to index
      %swap3A_153 = arith.constant 560 : index
      %swap3A_154 = tpu.vector_load %arg10[%swap3A_152, %swap3A_153] {strides = array<i32>} : memref<32x1024xf32, #tpu.memory_space<vmem>>, vector<16xf32>,
      tpu.vector_store %arg10[%swap3A_152, %swap3A_153], %add3A_148 {strides = array<i32>} : memref<32x1024xf32, #tpu.memory_space<vmem>>, vector<16xf32>,
      %get3A_155 = arith.index_cast %scan3A_55 : i32 to index
      %get3A_156 = arith.constant 64 : index
      %get3A_157 = tpu.vector_load %arg8[%get3A_155, %get3A_156] {strides = array<i32>} : memref<32x512xi32, #tpu.memory_space<vmem>>, vector<16xi32>,
      %get3A_158 = arith.index_cast %scan3A_55 : i32 to index
      %get3A_159 = arith.constant 64 : index
      %get3A_160 = tpu.vector_load %arg9[%get3A_158, %get3A_159] {strides = array<i32>} : memref<32x512xi32, #tpu.memory_space<vmem>>, vector<16xi32>,
      %shift_left3A_161 = arith.constant 16 : i32
      %shift_left3A_162 = vector.broadcast %shift_left3A_161 : i32 to vector<16xi32>
      %shift_left3A_163 = arith.shli %get3A_157, %shift_left3A_162 : vector<16xi32>
      %bitcast_convert_type3A_164 = tpu.bitcast %shift_left3A_163 : vector<16xi32> -> vector<16xf32>
      %shift_left3A_165 = arith.constant 16 : i32
      %shift_left3A_166 = vector.broadcast %shift_left3A_165 : i32 to vector<16xi32>
      %shift_left3A_167 = arith.shli %get3A_160, %shift_left3A_166 : vector<16xi32>
      %bitcast_convert_type3A_168 = tpu.bitcast %shift_left3A_167 : vector<16xi32> -> vector<16xf32>
      %add3A_169 = arith.addf %bitcast_convert_type3A_164, %bitcast_convert_type3A_168 : vector<16xf32>
      %and3A_170 = arith.andi %get3A_157, %broadcast_in_dim3A_3 : vector<16xi32>
      %bitcast_convert_type3A_171 = tpu.bitcast %and3A_170 : vector<16xi32> -> vector<16xf32>
      %and3A_172 = arith.andi %get3A_160, %broadcast_in_dim3A_3 : vector<16xi32>
      %bitcast_convert_type3A_173 = tpu.bitcast %and3A_172 : vector<16xi32> -> vector<16xf32>
      %add3A_174 = arith.addf %bitcast_convert_type3A_171, %bitcast_convert_type3A_173 : vector<16xf32>
      %swap3A_175 = arith.index_cast %scan3A_55 : i32 to index
      %swap3A_176 = arith.constant 64 : index
      %swap3A_177 = tpu.vector_load %arg10[%swap3A_175, %swap3A_176] {strides = array<i32>} : memref<32x1024xf32, #tpu.memory_space<vmem>>, vector<16xf32>,
      tpu.vector_store %arg10[%swap3A_175, %swap3A_176], %add3A_169 {strides = array<i32>} : memref<32x1024xf32, #tpu.memory_space<vmem>>, vector<16xf32>,
      %swap3A_178 = arith.index_cast %scan3A_55 : i32 to index
      %swap3A_179 = arith.constant 576 : index
      %swap3A_180 = tpu.vector_load %arg10[%swap3A_178, %swap3A_179] {strides = array<i32>} : memref<32x1024xf32, #tpu.memory_space<vmem>>, vector<16xf32>,
      tpu.vector_store %arg10[%swap3A_178, %swap3A_179], %add3A_174 {strides = array<i32>} : memref<32x1024xf32, #tpu.memory_space<vmem>>, vector<16xf32>,
      %get3A_181 = arith.index_cast %scan3A_55 : i32 to index
      %get3A_182 = arith.constant 80 : index
      %get3A_183 = tpu.vector_load %arg8[%get3A_181, %get3A_182] {strides = array<i32>} : memref<32x512xi32, #tpu.memory_space<vmem>>, vector<16xi32>,
      %get3A_184 = arith.index_cast %scan3A_55 : i32 to index
      %get3A_185 = arith.constant 80 : index
      %get3A_186 = tpu.vector_load %arg9[%get3A_184, %get3A_185] {strides = array<i32>} : memref<32x512xi32, #tpu.memory_space<vmem>>, vector<16xi32>,
      %shift_left3A_187 = arith.constant 16 : i32
      %shift_left3A_188 = vector.broadcast %shift_left3A_187 : i32 to vector<16xi32>
      %shift_left3A_189 = arith.shli %get3A_183, %shift_left3A_188 : vector<16xi32>
      %bitcast_convert_type3A_190 = tpu.bitcast %shift_left3A_189 : vector<16xi32> -> vector<16xf32>
      %shift_left3A_191 = arith.constant 16 : i32
      %shift_left3A_192 = vector.broadcast %shift_left3A_191 : i32 to vector<16xi32>
      %shift_left3A_193 = arith.shli %get3A_186, %shift_left3A_192 : vector<16xi32>
      %bitcast_convert_type3A_194 = tpu.bitcast %shift_left3A_193 : vector<16xi32> -> vector<16xf32>
      %add3A_195 = arith.addf %bitcast_convert_type3A_190, %bitcast_convert_type3A_194 : vector<16xf32>
      %and3A_196 = arith.andi %get3A_183, %broadcast_in_dim3A_3 : vector<16xi32>
      %bitcast_convert_type3A_197 = tpu.bitcast %and3A_196 : vector<16xi32> -> vector<16xf32>
      %and3A_198 = arith.andi %get3A_186, %broadcast_in_dim3A_3 : vector<16xi32>
      %bitcast_convert_type3A_199 = tpu.bitcast %and3A_198 : vector<16xi32> -> vector<16xf32>
      %add3A_200 = arith.addf %bitcast_convert_type3A_197, %bitcast_convert_type3A_199 : vector<16xf32>
      %swap3A_201 = arith.index_cast %scan3A_55 : i32 to index
      %swap3A_202 = arith.constant 80 : index
      %swap3A_203 = tpu.vector_load %arg10[%swap3A_201, %swap3A_202] {strides = array<i32>} : memref<32x1024xf32, #tpu.memory_space<vmem>>, vector<16xf32>,
      tpu.vector_store %arg10[%swap3A_201, %swap3A_202], %add3A_195 {strides = array<i32>} : memref<32x1024xf32, #tpu.memory_space<vmem>>, vector<16xf32>,
      %swap3A_204 = arith.index_cast %scan3A_55 : i32 to index
      %swap3A_205 = arith.constant 592 : index
      %swap3A_206 = tpu.vector_load %arg10[%swap3A_204, %swap3A_205] {strides = array<i32>} : memref<32x1024xf32, #tpu.memory_space<vmem>>, vector<16xf32>,
      tpu.vector_store %arg10[%swap3A_204, %swap3A_205], %add3A_200 {strides = array<i32>} : memref<32x1024xf32, #tpu.memory_space<vmem>>, vector<16xf32>,
      %get3A_207 = arith.index_cast %scan3A_55 : i32 to index
      %get3A_208 = arith.constant 96 : index
      %get3A_209 = tpu.vector_load %arg8[%get3A_207, %get3A_208] {strides = array<i32>} : memref<32x512xi32, #tpu.memory_space<vmem>>, vector<16xi32>,
      %get3A_210 = arith.index_cast %scan3A_55 : i32 to index
      %get3A_211 = arith.constant 96 : index
      %get3A_212 = tpu.vector_load %arg9[%get3A_210, %get3A_211] {strides = array<i32>} : memref<32x512xi32, #tpu.memory_space<vmem>>, vector<16xi32>,
      %shift_left3A_213 = arith.constant 16 : i32
      %shift_left3A_214 = vector.broadcast %shift_left3A_213 : i32 to vector<16xi32>
      %shift_left3A_215 = arith.shli %get3A_209, %shift_left3A_214 : vector<16xi32>
      %bitcast_convert_type3A_216 = tpu.bitcast %shift_left3A_215 : vector<16xi32> -> vector<16xf32>
      %shift_left3A_217 = arith.constant 16 : i32
      %shift_left3A_218 = vector.broadcast %shift_left3A_217 : i32 to vector<16xi32>
      %shift_left3A_219 = arith.shli %get3A_212, %shift_left3A_218 : vector<16xi32>
      %bitcast_convert_type3A_220 = tpu.bitcast %shift_left3A_219 : vector<16xi32> -> vector<16xf32>
      %add3A_221 = arith.addf %bitcast_convert_type3A_216, %bitcast_convert_type3A_220 : vector<16xf32>
      %and3A_222 = arith.andi %get3A_209, %broadcast_in_dim3A_3 : vector<16xi32>
      %bitcast_convert_type3A_223 = tpu.bitcast %and3A_222 : vector<16xi32> -> vector<16xf32>
      %and3A_224 = arith.andi %get3A_212, %broadcast_in_dim3A_3 : vector<16xi32>
      %bitcast_convert_type3A_225 = tpu.bitcast %and3A_224 : vector<16xi32> -> vector<16xf32>
      %add3A_226 = arith.addf %bitcast_convert_type3A_223, %bitcast_convert_type3A_225 : vector<16xf32>
      %swap3A_227 = arith.index_cast %scan3A_55 : i32 to index
      %swap3A_228 = arith.constant 96 : index
      %swap3A_229 = tpu.vector_load %arg10[%swap3A_227, %swap3A_228] {strides = array<i32>} : memref<32x1024xf32, #tpu.memory_space<vmem>>, vector<16xf32>,
      tpu.vector_store %arg10[%swap3A_227, %swap3A_228], %add3A_221 {strides = array<i32>} : memref<32x1024xf32, #tpu.memory_space<vmem>>, vector<16xf32>,
      %swap3A_230 = arith.index_cast %scan3A_55 : i32 to index
      %swap3A_231 = arith.constant 608 : index
      %swap3A_232 = tpu.vector_load %arg10[%swap3A_230, %swap3A_231] {strides = array<i32>} : memref<32x1024xf32, #tpu.memory_space<vmem>>, vector<16xf32>,
      tpu.vector_store %arg10[%swap3A_230, %swap3A_231], %add3A_226 {strides = array<i32>} : memref<32x1024xf32, #tpu.memory_space<vmem>>, vector<16xf32>,
      %get3A_233 = arith.index_cast %scan3A_55 : i32 to index
      %get3A_234 = arith.constant 112 : index
      %get3A_235 = tpu.vector_load %arg8[%get3A_233, %get3A_234] {strides = array<i32>} : memref<32x512xi32, #tpu.memory_space<vmem>>, vector<16xi32>,
      %get3A_236 = arith.index_cast %scan3A_55 : i32 to index
      %get3A_237 = arith.constant 112 : index
      %get3A_238 = tpu.vector_load %arg9[%get3A_236, %get3A_237] {strides = array<i32>} : memref<32x512xi32, #tpu.memory_space<vmem>>, vector<16xi32>,
      %shift_left3A_239 = arith.constant 16 : i32
      %shift_left3A_240 = vector.broadcast %shift_left3A_239 : i32 to vector<16xi32>
      %shift_left3A_241 = arith.shli %get3A_235, %shift_left3A_240 : vector<16xi32>
      %bitcast_convert_type3A_242 = tpu.bitcast %shift_left3A_241 : vector<16xi32> -> vector<16xf32>
      %shift_left3A_243 = arith.constant 16 : i32
      %shift_left3A_244 = vector.broadcast %shift_left3A_243 : i32 to vector<16xi32>
      %shift_left3A_245 = arith.shli %get3A_238, %shift_left3A_244 : vector<16xi32>
      %bitcast_convert_type3A_246 = tpu.bitcast %shift_left3A_245 : vector<16xi32> -> vector<16xf32>
      %add3A_247 = arith.addf %bitcast_convert_type3A_242, %bitcast_convert_type3A_246 : vector<16xf32>
      %and3A_248 = arith.andi %get3A_235, %broadcast_in_dim3A_3 : vector<16xi32>
      %bitcast_convert_type3A_249 = tpu.bitcast %and3A_248 : vector<16xi32> -> vector<16xf32>
      %and3A_250 = arith.andi %get3A_238, %broadcast_in_dim3A_3 : vector<16xi32>
      %bitcast_convert_type3A_251 = tpu.bitcast %and3A_250 : vector<16xi32> -> vector<16xf32>
      %add3A_252 = arith.addf %bitcast_convert_type3A_249, %bitcast_convert_type3A_251 : vector<16xf32>
      %swap3A_253 = arith.index_cast %scan3A_55 : i32 to index
      %swap3A_254 = arith.constant 112 : index
      %swap3A_255 = tpu.vector_load %arg10[%swap3A_253, %swap3A_254] {strides = array<i32>} : memref<32x1024xf32, #tpu.memory_space<vmem>>, vector<16xf32>,
      tpu.vector_store %arg10[%swap3A_253, %swap3A_254], %add3A_247 {strides = array<i32>} : memref<32x1024xf32, #tpu.memory_space<vmem>>, vector<16xf32>,
      %swap3A_256 = arith.index_cast %scan3A_55 : i32 to index
      %swap3A_257 = arith.constant 624 : index
      %swap3A_258 = tpu.vector_load %arg10[%swap3A_256, %swap3A_257] {strides = array<i32>} : memref<32x1024xf32, #tpu.memory_space<vmem>>, vector<16xf32>,
      tpu.vector_store %arg10[%swap3A_256, %swap3A_257], %add3A_252 {strides = array<i32>} : memref<32x1024xf32, #tpu.memory_space<vmem>>, vector<16xf32>,
      %get3A_259 = arith.index_cast %scan3A_55 : i32 to index
      %get3A_260 = arith.constant 128 : index
      %get3A_261 = tpu.vector_load %arg8[%get3A_259, %get3A_260] {strides = array<i32>} : memref<32x512xi32, #tpu.memory_space<vmem>>, vector<16xi32>,
      %get3A_262 = arith.index_cast %scan3A_55 : i32 to index
      %get3A_263 = arith.constant 128 : index
      %get3A_264 = tpu.vector_load %arg9[%get3A_262, %get3A_263] {strides = array<i32>} : memref<32x512xi32, #tpu.memory_space<vmem>>, vector<16xi32>,
      %shift_left3A_265 = arith.constant 16 : i32
      %shift_left3A_266 = vector.broadcast %shift_left3A_265 : i32 to vector<16xi32>
      %shift_left3A_267 = arith.shli %get3A_261, %shift_left3A_266 : vector<16xi32>
      %bitcast_convert_type3A_268 = tpu.bitcast %shift_left3A_267 : vector<16xi32> -> vector<16xf32>
      %shift_left3A_269 = arith.constant 16 : i32
      %shift_left3A_270 = vector.broadcast %shift_left3A_269 : i32 to vector<16xi32>
      %shift_left3A_271 = arith.shli %get3A_264, %shift_left3A_270 : vector<16xi32>
      %bitcast_convert_type3A_272 = tpu.bitcast %shift_left3A_271 : vector<16xi32> -> vector<16xf32>
      %add3A_273 = arith.addf %bitcast_convert_type3A_268, %bitcast_convert_type3A_272 : vector<16xf32>
      %and3A_274 = arith.andi %get3A_261, %broadcast_in_dim3A_3 : vector<16xi32>
      %bitcast_convert_type3A_275 = tpu.bitcast %and3A_274 : vector<16xi32> -> vector<16xf32>
      %and3A_276 = arith.andi %get3A_264, %broadcast_in_dim3A_3 : vector<16xi32>
      %bitcast_convert_type3A_277 = tpu.bitcast %and3A_276 : vector<16xi32> -> vector<16xf32>
      %add3A_278 = arith.addf %bitcast_convert_type3A_275, %bitcast_convert_type3A_277 : vector<16xf32>
      %swap3A_279 = arith.index_cast %scan3A_55 : i32 to index
      %swap3A_280 = arith.constant 128 : index
      %swap3A_281 = tpu.vector_load %arg10[%swap3A_279, %swap3A_280] {strides = array<i32>} : memref<32x1024xf32, #tpu.memory_space<vmem>>, vector<16xf32>,
      tpu.vector_store %arg10[%swap3A_279, %swap3A_280], %add3A_273 {strides = array<i32>} : memref<32x1024xf32, #tpu.memory_space<vmem>>, vector<16xf32>,
      %swap3A_282 = arith.index_cast %scan3A_55 : i32 to index
      %swap3A_283 = arith.constant 640 : index
      %swap3A_284 = tpu.vector_load %arg10[%swap3A_282, %swap3A_283] {strides = array<i32>} : memref<32x1024xf32, #tpu.memory_space<vmem>>, vector<16xf32>,
      tpu.vector_store %arg10[%swap3A_282, %swap3A_283], %add3A_278 {strides = array<i32>} : memref<32x1024xf32, #tpu.memory_space<vmem>>, vector<16xf32>,
      %get3A_285 = arith.index_cast %scan3A_55 : i32 to index
      %get3A_286 = arith.constant 144 : index
      %get3A_287 = tpu.vector_load %arg8[%get3A_285, %get3A_286] {strides = array<i32>} : memref<32x512xi32, #tpu.memory_space<vmem>>, vector<16xi32>,
      %get3A_288 = arith.index_cast %scan3A_55 : i32 to index
      %get3A_289 = arith.constant 144 : index
      %get3A_290 = tpu.vector_load %arg9[%get3A_288, %get3A_289] {strides = array<i32>} : memref<32x512xi32, #tpu.memory_space<vmem>>, vector<16xi32>,
      %shift_left3A_291 = arith.constant 16 : i32
      %shift_left3A_292 = vector.broadcast %shift_left3A_291 : i32 to vector<16xi32>
      %shift_left3A_293 = arith.shli %get3A_287, %shift_left3A_292 : vector<16xi32>
      %bitcast_convert_type3A_294 = tpu.bitcast %shift_left3A_293 : vector<16xi32> -> vector<16xf32>
      %shift_left3A_295 = arith.constant 16 : i32
      %shift_left3A_296 = vector.broadcast %shift_left3A_295 : i32 to vector<16xi32>
      %shift_left3A_297 = arith.shli %get3A_290, %shift_left3A_296 : vector<16xi32>
      %bitcast_convert_type3A_298 = tpu.bitcast %shift_left3A_297 : vector<16xi32> -> vector<16xf32>
      %add3A_299 = arith.addf %bitcast_convert_type3A_294, %bitcast_convert_type3A_298 : vector<16xf32>
      %and3A_300 = arith.andi %get3A_287, %broadcast_in_dim3A_3 : vector<16xi32>
      %bitcast_convert_type3A_301 = tpu.bitcast %and3A_300 : vector<16xi32> -> vector<16xf32>
      %and3A_302 = arith.andi %get3A_290, %broadcast_in_dim3A_3 : vector<16xi32>
      %bitcast_convert_type3A_303 = tpu.bitcast %and3A_302 : vector<16xi32> -> vector<16xf32>
      %add3A_304 = arith.addf %bitcast_convert_type3A_301, %bitcast_convert_type3A_303 : vector<16xf32>
      %swap3A_305 = arith.index_cast %scan3A_55 : i32 to index
      %swap3A_306 = arith.constant 144 : index
      %swap3A_307 = tpu.vector_load %arg10[%swap3A_305, %swap3A_306] {strides = array<i32>} : memref<32x1024xf32, #tpu.memory_space<vmem>>, vector<16xf32>,
      tpu.vector_store %arg10[%swap3A_305, %swap3A_306], %add3A_299 {strides = array<i32>} : memref<32x1024xf32, #tpu.memory_space<vmem>>, vector<16xf32>,
      %swap3A_308 = arith.index_cast %scan3A_55 : i32 to index
      %swap3A_309 = arith.constant 656 : index
      %swap3A_310 = tpu.vector_load %arg10[%swap3A_308, %swap3A_309] {strides = array<i32>} : memref<32x1024xf32, #tpu.memory_space<vmem>>, vector<16xf32>,
      tpu.vector_store %arg10[%swap3A_308, %swap3A_309], %add3A_304 {strides = array<i32>} : memref<32x1024xf32, #tpu.memory_space<vmem>>, vector<16xf32>,
      %get3A_311 = arith.index_cast %scan3A_55 : i32 to index
      %get3A_312 = arith.constant 160 : index
      %get3A_313 = tpu.vector_load %arg8[%get3A_311, %get3A_312] {strides = array<i32>} : memref<32x512xi32, #tpu.memory_space<vmem>>, vector<16xi32>,
      %get3A_314 = arith.index_cast %scan3A_55 : i32 to index
      %get3A_315 = arith.constant 160 : index
      %get3A_316 = tpu.vector_load %arg9[%get3A_314, %get3A_315] {strides = array<i32>} : memref<32x512xi32, #tpu.memory_space<vmem>>, vector<16xi32>,
      %shift_left3A_317 = arith.constant 16 : i32
      %shift_left3A_318 = vector.broadcast %shift_left3A_317 : i32 to vector<16xi32>
      %shift_left3A_319 = arith.shli %get3A_313, %shift_left3A_318 : vector<16xi32>
      %bitcast_convert_type3A_320 = tpu.bitcast %shift_left3A_319 : vector<16xi32> -> vector<16xf32>
      %shift_left3A_321 = arith.constant 16 : i32
      %shift_left3A_322 = vector.broadcast %shift_left3A_321 : i32 to vector<16xi32>
      %shift_left3A_323 = arith.shli %get3A_316, %shift_left3A_322 : vector<16xi32>
      %bitcast_convert_type3A_324 = tpu.bitcast %shift_left3A_323 : vector<16xi32> -> vector<16xf32>
      %add3A_325 = arith.addf %bitcast_convert_type3A_320, %bitcast_convert_type3A_324 : vector<16xf32>
      %and3A_326 = arith.andi %get3A_313, %broadcast_in_dim3A_3 : vector<16xi32>
      %bitcast_convert_type3A_327 = tpu.bitcast %and3A_326 : vector<16xi32> -> vector<16xf32>
      %and3A_328 = arith.andi %get3A_316, %broadcast_in_dim3A_3 : vector<16xi32>
      %bitcast_convert_type3A_329 = tpu.bitcast %and3A_328 : vector<16xi32> -> vector<16xf32>
      %add3A_330 = arith.addf %bitcast_convert_type3A_327, %bitcast_convert_type3A_329 : vector<16xf32>
      %swap3A_331 = arith.index_cast %scan3A_55 : i32 to index
      %swap3A_332 = arith.constant 160 : index
      %swap3A_333 = tpu.vector_load %arg10[%swap3A_331, %swap3A_332] {strides = array<i32>} : memref<32x1024xf32, #tpu.memory_space<vmem>>, vector<16xf32>,
      tpu.vector_store %arg10[%swap3A_331, %swap3A_332], %add3A_325 {strides = array<i32>} : memref<32x1024xf32, #tpu.memory_space<vmem>>, vector<16xf32>,
      %swap3A_334 = arith.index_cast %scan3A_55 : i32 to index
      %swap3A_335 = arith.constant 672 : index
      %swap3A_336 = tpu.vector_load %arg10[%swap3A_334, %swap3A_335] {strides = array<i32>} : memref<32x1024xf32, #tpu.memory_space<vmem>>, vector<16xf32>,
      tpu.vector_store %arg10[%swap3A_334, %swap3A_335], %add3A_330 {strides = array<i32>} : memref<32x1024xf32, #tpu.memory_space<vmem>>, vector<16xf32>,
      %get3A_337 = arith.index_cast %scan3A_55 : i32 to index
      %get3A_338 = arith.constant 176 : index
      %get3A_339 = tpu.vector_load %arg8[%get3A_337, %get3A_338] {strides = array<i32>} : memref<32x512xi32, #tpu.memory_space<vmem>>, vector<16xi32>,
      %get3A_340 = arith.index_cast %scan3A_55 : i32 to index
      %get3A_341 = arith.constant 176 : index
      %get3A_342 = tpu.vector_load %arg9[%get3A_340, %get3A_341] {strides = array<i32>} : memref<32x512xi32, #tpu.memory_space<vmem>>, vector<16xi32>,
      %shift_left3A_343 = arith.constant 16 : i32
      %shift_left3A_344 = vector.broadcast %shift_left3A_343 : i32 to vector<16xi32>
      %shift_left3A_345 = arith.shli %get3A_339, %shift_left3A_344 : vector<16xi32>
      %bitcast_convert_type3A_346 = tpu.bitcast %shift_left3A_345 : vector<16xi32> -> vector<16xf32>
      %shift_left3A_347 = arith.constant 16 : i32
      %shift_left3A_348 = vector.broadcast %shift_left3A_347 : i32 to vector<16xi32>
      %shift_left3A_349 = arith.shli %get3A_342, %shift_left3A_348 : vector<16xi32>
      %bitcast_convert_type3A_350 = tpu.bitcast %shift_left3A_349 : vector<16xi32> -> vector<16xf32>
      %add3A_351 = arith.addf %bitcast_convert_type3A_346, %bitcast_convert_type3A_350 : vector<16xf32>
      %and3A_352 = arith.andi %get3A_339, %broadcast_in_dim3A_3 : vector<16xi32>
      %bitcast_convert_type3A_353 = tpu.bitcast %and3A_352 : vector<16xi32> -> vector<16xf32>
      %and3A_354 = arith.andi %get3A_342, %broadcast_in_dim3A_3 : vector<16xi32>
      %bitcast_convert_type3A_355 = tpu.bitcast %and3A_354 : vector<16xi32> -> vector<16xf32>
      %add3A_356 = arith.addf %bitcast_convert_type3A_353, %bitcast_convert_type3A_355 : vector<16xf32>
      %swap3A_357 = arith.index_cast %scan3A_55 : i32 to index
      %swap3A_358 = arith.constant 176 : index
      %swap3A_359 = tpu.vector_load %arg10[%swap3A_357, %swap3A_358] {strides = array<i32>} : memref<32x1024xf32, #tpu.memory_space<vmem>>, vector<16xf32>,
      tpu.vector_store %arg10[%swap3A_357, %swap3A_358], %add3A_351 {strides = array<i32>} : memref<32x1024xf32, #tpu.memory_space<vmem>>, vector<16xf32>,
      %swap3A_360 = arith.index_cast %scan3A_55 : i32 to index
      %swap3A_361 = arith.constant 688 : index
      %swap3A_362 = tpu.vector_load %arg10[%swap3A_360, %swap3A_361] {strides = array<i32>} : memref<32x1024xf32, #tpu.memory_space<vmem>>, vector<16xf32>,
      tpu.vector_store %arg10[%swap3A_360, %swap3A_361], %add3A_356 {strides = array<i32>} : memref<32x1024xf32, #tpu.memory_space<vmem>>, vector<16xf32>,
      %get3A_363 = arith.index_cast %scan3A_55 : i32 to index
      %get3A_364 = arith.constant 192 : index
      %get3A_365 = tpu.vector_load %arg8[%get3A_363, %get3A_364] {strides = array<i32>} : memref<32x512xi32, #tpu.memory_space<vmem>>, vector<16xi32>,
      %get3A_366 = arith.index_cast %scan3A_55 : i32 to index
      %get3A_367 = arith.constant 192 : index
      %get3A_368 = tpu.vector_load %arg9[%get3A_366, %get3A_367] {strides = array<i32>} : memref<32x512xi32, #tpu.memory_space<vmem>>, vector<16xi32>,
      %shift_left3A_369 = arith.constant 16 : i32
      %shift_left3A_370 = vector.broadcast %shift_left3A_369 : i32 to vector<16xi32>
      %shift_left3A_371 = arith.shli %get3A_365, %shift_left3A_370 : vector<16xi32>
      %bitcast_convert_type3A_372 = tpu.bitcast %shift_left3A_371 : vector<16xi32> -> vector<16xf32>
      %shift_left3A_373 = arith.constant 16 : i32
      %shift_left3A_374 = vector.broadcast %shift_left3A_373 : i32 to vector<16xi32>
      %shift_left3A_375 = arith.shli %get3A_368, %shift_left3A_374 : vector<16xi32>
      %bitcast_convert_type3A_376 = tpu.bitcast %shift_left3A_375 : vector<16xi32> -> vector<16xf32>
      %add3A_377 = arith.addf %bitcast_convert_type3A_372, %bitcast_convert_type3A_376 : vector<16xf32>
      %and3A_378 = arith.andi %get3A_365, %broadcast_in_dim3A_3 : vector<16xi32>
      %bitcast_convert_type3A_379 = tpu.bitcast %and3A_378 : vector<16xi32> -> vector<16xf32>
      %and3A_380 = arith.andi %get3A_368, %broadcast_in_dim3A_3 : vector<16xi32>
      %bitcast_convert_type3A_381 = tpu.bitcast %and3A_380 : vector<16xi32> -> vector<16xf32>
      %add3A_382 = arith.addf %bitcast_convert_type3A_379, %bitcast_convert_type3A_381 : vector<16xf32>
      %swap3A_383 = arith.index_cast %scan3A_55 : i32 to index
      %swap3A_384 = arith.constant 192 : index
      %swap3A_385 = tpu.vector_load %arg10[%swap3A_383, %swap3A_384] {strides = array<i32>} : memref<32x1024xf32, #tpu.memory_space<vmem>>, vector<16xf32>,
      tpu.vector_store %arg10[%swap3A_383, %swap3A_384], %add3A_377 {strides = array<i32>} : memref<32x1024xf32, #tpu.memory_space<vmem>>, vector<16xf32>,
      %swap3A_386 = arith.index_cast %scan3A_55 : i32 to index
      %swap3A_387 = arith.constant 704 : index
      %swap3A_388 = tpu.vector_load %arg10[%swap3A_386, %swap3A_387] {strides = array<i32>} : memref<32x1024xf32, #tpu.memory_space<vmem>>, vector<16xf32>,
      tpu.vector_store %arg10[%swap3A_386, %swap3A_387], %add3A_382 {strides = array<i32>} : memref<32x1024xf32, #tpu.memory_space<vmem>>, vector<16xf32>,
      %get3A_389 = arith.index_cast %scan3A_55 : i32 to index
      %get3A_390 = arith.constant 208 : index
      %get3A_391 = tpu.vector_load %arg8[%get3A_389, %get3A_390] {strides = array<i32>} : memref<32x512xi32, #tpu.memory_space<vmem>>, vector<16xi32>,
      %get3A_392 = arith.index_cast %scan3A_55 : i32 to index
      %get3A_393 = arith.constant 208 : index
      %get3A_394 = tpu.vector_load %arg9[%get3A_392, %get3A_393] {strides = array<i32>} : memref<32x512xi32, #tpu.memory_space<vmem>>, vector<16xi32>,
      %shift_left3A_395 = arith.constant 16 : i32
      %shift_left3A_396 = vector.broadcast %shift_left3A_395 : i32 to vector<16xi32>
      %shift_left3A_397 = arith.shli %get3A_391, %shift_left3A_396 : vector<16xi32>
      %bitcast_convert_type3A_398 = tpu.bitcast %shift_left3A_397 : vector<16xi32> -> vector<16xf32>
      %shift_left3A_399 = arith.constant 16 : i32
      %shift_left3A_400 = vector.broadcast %shift_left3A_399 : i32 to vector<16xi32>
      %shift_left3A_401 = arith.shli %get3A_394, %shift_left3A_400 : vector<16xi32>
      %bitcast_convert_type3A_402 = tpu.bitcast %shift_left3A_401 : vector<16xi32> -> vector<16xf32>
      %add3A_403 = arith.addf %bitcast_convert_type3A_398, %bitcast_convert_type3A_402 : vector<16xf32>
      %and3A_404 = arith.andi %get3A_391, %broadcast_in_dim3A_3 : vector<16xi32>
      %bitcast_convert_type3A_405 = tpu.bitcast %and3A_404 : vector<16xi32> -> vector<16xf32>
      %and3A_406 = arith.andi %get3A_394, %broadcast_in_dim3A_3 : vector<16xi32>
      %bitcast_convert_type3A_407 = tpu.bitcast %and3A_406 : vector<16xi32> -> vector<16xf32>
      %add3A_408 = arith.addf %bitcast_convert_type3A_405, %bitcast_convert_type3A_407 : vector<16xf32>
      %swap3A_409 = arith.index_cast %scan3A_55 : i32 to index
      %swap3A_410 = arith.constant 208 : index
      %swap3A_411 = tpu.vector_load %arg10[%swap3A_409, %swap3A_410] {strides = array<i32>} : memref<32x1024xf32, #tpu.memory_space<vmem>>, vector<16xf32>,
      tpu.vector_store %arg10[%swap3A_409, %swap3A_410], %add3A_403 {strides = array<i32>} : memref<32x1024xf32, #tpu.memory_space<vmem>>, vector<16xf32>,
      %swap3A_412 = arith.index_cast %scan3A_55 : i32 to index
      %swap3A_413 = arith.constant 720 : index
      %swap3A_414 = tpu.vector_load %arg10[%swap3A_412, %swap3A_413] {strides = array<i32>} : memref<32x1024xf32, #tpu.memory_space<vmem>>, vector<16xf32>,
      tpu.vector_store %arg10[%swap3A_412, %swap3A_413], %add3A_408 {strides = array<i32>} : memref<32x1024xf32, #tpu.memory_space<vmem>>, vector<16xf32>,
      %get3A_415 = arith.index_cast %scan3A_55 : i32 to index
      %get3A_416 = arith.constant 224 : index
      %get3A_417 = tpu.vector_load %arg8[%get3A_415, %get3A_416] {strides = array<i32>} : memref<32x512xi32, #tpu.memory_space<vmem>>, vector<16xi32>,
      %get3A_418 = arith.index_cast %scan3A_55 : i32 to index
      %get3A_419 = arith.constant 224 : index
      %get3A_420 = tpu.vector_load %arg9[%get3A_418, %get3A_419] {strides = array<i32>} : memref<32x512xi32, #tpu.memory_space<vmem>>, vector<16xi32>,
      %shift_left3A_421 = arith.constant 16 : i32
      %shift_left3A_422 = vector.broadcast %shift_left3A_421 : i32 to vector<16xi32>
      %shift_left3A_423 = arith.shli %get3A_417, %shift_left3A_422 : vector<16xi32>
      %bitcast_convert_type3A_424 = tpu.bitcast %shift_left3A_423 : vector<16xi32> -> vector<16xf32>
      %shift_left3A_425 = arith.constant 16 : i32
      %shift_left3A_426 = vector.broadcast %shift_left3A_425 : i32 to vector<16xi32>
      %shift_left3A_427 = arith.shli %get3A_420, %shift_left3A_426 : vector<16xi32>
      %bitcast_convert_type3A_428 = tpu.bitcast %shift_left3A_427 : vector<16xi32> -> vector<16xf32>
      %add3A_429 = arith.addf %bitcast_convert_type3A_424, %bitcast_convert_type3A_428 : vector<16xf32>
      %and3A_430 = arith.andi %get3A_417, %broadcast_in_dim3A_3 : vector<16xi32>
      %bitcast_convert_type3A_431 = tpu.bitcast %and3A_430 : vector<16xi32> -> vector<16xf32>
      %and3A_432 = arith.andi %get3A_420, %broadcast_in_dim3A_3 : vector<16xi32>
      %bitcast_convert_type3A_433 = tpu.bitcast %and3A_432 : vector<16xi32> -> vector<16xf32>
      %add3A_434 = arith.addf %bitcast_convert_type3A_431, %bitcast_convert_type3A_433 : vector<16xf32>
      %swap3A_435 = arith.index_cast %scan3A_55 : i32 to index
      %swap3A_436 = arith.constant 224 : index
      %swap3A_437 = tpu.vector_load %arg10[%swap3A_435, %swap3A_436] {strides = array<i32>} : memref<32x1024xf32, #tpu.memory_space<vmem>>, vector<16xf32>,
      tpu.vector_store %arg10[%swap3A_435, %swap3A_436], %add3A_429 {strides = array<i32>} : memref<32x1024xf32, #tpu.memory_space<vmem>>, vector<16xf32>,
      %swap3A_438 = arith.index_cast %scan3A_55 : i32 to index
      %swap3A_439 = arith.constant 736 : index
      %swap3A_440 = tpu.vector_load %arg10[%swap3A_438, %swap3A_439] {strides = array<i32>} : memref<32x1024xf32, #tpu.memory_space<vmem>>, vector<16xf32>,
      tpu.vector_store %arg10[%swap3A_438, %swap3A_439], %add3A_434 {strides = array<i32>} : memref<32x1024xf32, #tpu.memory_space<vmem>>, vector<16xf32>,
      %get3A_441 = arith.index_cast %scan3A_55 : i32 to index
      %get3A_442 = arith.constant 240 : index
      %get3A_443 = tpu.vector_load %arg8[%get3A_441, %get3A_442] {strides = array<i32>} : memref<32x512xi32, #tpu.memory_space<vmem>>, vector<16xi32>,
      %get3A_444 = arith.index_cast %scan3A_55 : i32 to index
      %get3A_445 = arith.constant 240 : index
      %get3A_446 = tpu.vector_load %arg9[%get3A_444, %get3A_445] {strides = array<i32>} : memref<32x512xi32, #tpu.memory_space<vmem>>, vector<16xi32>,
      %shift_left3A_447 = arith.constant 16 : i32
      %shift_left3A_448 = vector.broadcast %shift_left3A_447 : i32 to vector<16xi32>
      %shift_left3A_449 = arith.shli %get3A_443, %shift_left3A_448 : vector<16xi32>
      %bitcast_convert_type3A_450 = tpu.bitcast %shift_left3A_449 : vector<16xi32> -> vector<16xf32>
      %shift_left3A_451 = arith.constant 16 : i32
      %shift_left3A_452 = vector.broadcast %shift_left3A_451 : i32 to vector<16xi32>
      %shift_left3A_453 = arith.shli %get3A_446, %shift_left3A_452 : vector<16xi32>
      %bitcast_convert_type3A_454 = tpu.bitcast %shift_left3A_453 : vector<16xi32> -> vector<16xf32>
      %add3A_455 = arith.addf %bitcast_convert_type3A_450, %bitcast_convert_type3A_454 : vector<16xf32>
      %and3A_456 = arith.andi %get3A_443, %broadcast_in_dim3A_3 : vector<16xi32>
      %bitcast_convert_type3A_457 = tpu.bitcast %and3A_456 : vector<16xi32> -> vector<16xf32>
      %and3A_458 = arith.andi %get3A_446, %broadcast_in_dim3A_3 : vector<16xi32>
      %bitcast_convert_type3A_459 = tpu.bitcast %and3A_458 : vector<16xi32> -> vector<16xf32>
      %add3A_460 = arith.addf %bitcast_convert_type3A_457, %bitcast_convert_type3A_459 : vector<16xf32>
      %swap3A_461 = arith.index_cast %scan3A_55 : i32 to index
      %swap3A_462 = arith.constant 240 : index
      %swap3A_463 = tpu.vector_load %arg10[%swap3A_461, %swap3A_462] {strides = array<i32>} : memref<32x1024xf32, #tpu.memory_space<vmem>>, vector<16xf32>,
      tpu.vector_store %arg10[%swap3A_461, %swap3A_462], %add3A_455 {strides = array<i32>} : memref<32x1024xf32, #tpu.memory_space<vmem>>, vector<16xf32>,
      %swap3A_464 = arith.index_cast %scan3A_55 : i32 to index
      %swap3A_465 = arith.constant 752 : index
      %swap3A_466 = tpu.vector_load %arg10[%swap3A_464, %swap3A_465] {strides = array<i32>} : memref<32x1024xf32, #tpu.memory_space<vmem>>, vector<16xf32>,
      tpu.vector_store %arg10[%swap3A_464, %swap3A_465], %add3A_460 {strides = array<i32>} : memref<32x1024xf32, #tpu.memory_space<vmem>>, vector<16xf32>,
      %get3A_467 = arith.index_cast %scan3A_55 : i32 to index
      %get3A_468 = arith.constant 256 : index
      %get3A_469 = tpu.vector_load %arg8[%get3A_467, %get3A_468] {strides = array<i32>} : memref<32x512xi32, #tpu.memory_space<vmem>>, vector<16xi32>,
      %get3A_470 = arith.index_cast %scan3A_55 : i32 to index
      %get3A_471 = arith.constant 256 : index
      %get3A_472 = tpu.vector_load %arg9[%get3A_470, %get3A_471] {strides = array<i32>} : memref<32x512xi32, #tpu.memory_space<vmem>>, vector<16xi32>,
      %shift_left3A_473 = arith.constant 16 : i32
      %shift_left3A_474 = vector.broadcast %shift_left3A_473 : i32 to vector<16xi32>
      %shift_left3A_475 = arith.shli %get3A_469, %shift_left3A_474 : vector<16xi32>
      %bitcast_convert_type3A_476 = tpu.bitcast %shift_left3A_475 : vector<16xi32> -> vector<16xf32>
      %shift_left3A_477 = arith.constant 16 : i32
      %shift_left3A_478 = vector.broadcast %shift_left3A_477 : i32 to vector<16xi32>
      %shift_left3A_479 = arith.shli %get3A_472, %shift_left3A_478 : vector<16xi32>
      %bitcast_convert_type3A_480 = tpu.bitcast %shift_left3A_479 : vector<16xi32> -> vector<16xf32>
      %add3A_481 = arith.addf %bitcast_convert_type3A_476, %bitcast_convert_type3A_480 : vector<16xf32>
      %and3A_482 = arith.andi %get3A_469, %broadcast_in_dim3A_3 : vector<16xi32>
      %bitcast_convert_type3A_483 = tpu.bitcast %and3A_482 : vector<16xi32> -> vector<16xf32>
      %and3A_484 = arith.andi %get3A_472, %broadcast_in_dim3A_3 : vector<16xi32>
      %bitcast_convert_type3A_485 = tpu.bitcast %and3A_484 : vector<16xi32> -> vector<16xf32>
      %add3A_486 = arith.addf %bitcast_convert_type3A_483, %bitcast_convert_type3A_485 : vector<16xf32>
      %swap3A_487 = arith.index_cast %scan3A_55 : i32 to index
      %swap3A_488 = arith.constant 256 : index
      %swap3A_489 = tpu.vector_load %arg10[%swap3A_487, %swap3A_488] {strides = array<i32>} : memref<32x1024xf32, #tpu.memory_space<vmem>>, vector<16xf32>,
      tpu.vector_store %arg10[%swap3A_487, %swap3A_488], %add3A_481 {strides = array<i32>} : memref<32x1024xf32, #tpu.memory_space<vmem>>, vector<16xf32>,
      %swap3A_490 = arith.index_cast %scan3A_55 : i32 to index
      %swap3A_491 = arith.constant 768 : index
      %swap3A_492 = tpu.vector_load %arg10[%swap3A_490, %swap3A_491] {strides = array<i32>} : memref<32x1024xf32, #tpu.memory_space<vmem>>, vector<16xf32>,
      tpu.vector_store %arg10[%swap3A_490, %swap3A_491], %add3A_486 {strides = array<i32>} : memref<32x1024xf32, #tpu.memory_space<vmem>>, vector<16xf32>,
      %get3A_493 = arith.index_cast %scan3A_55 : i32 to index
      %get3A_494 = arith.constant 272 : index
      %get3A_495 = tpu.vector_load %arg8[%get3A_493, %get3A_494] {strides = array<i32>} : memref<32x512xi32, #tpu.memory_space<vmem>>, vector<16xi32>,
      %get3A_496 = arith.index_cast %scan3A_55 : i32 to index
      %get3A_497 = arith.constant 272 : index
      %get3A_498 = tpu.vector_load %arg9[%get3A_496, %get3A_497] {strides = array<i32>} : memref<32x512xi32, #tpu.memory_space<vmem>>, vector<16xi32>,
      %shift_left3A_499 = arith.constant 16 : i32
      %shift_left3A_500 = vector.broadcast %shift_left3A_499 : i32 to vector<16xi32>
      %shift_left3A_501 = arith.shli %get3A_495, %shift_left3A_500 : vector<16xi32>
      %bitcast_convert_type3A_502 = tpu.bitcast %shift_left3A_501 : vector<16xi32> -> vector<16xf32>
      %shift_left3A_503 = arith.constant 16 : i32
      %shift_left3A_504 = vector.broadcast %shift_left3A_503 : i32 to vector<16xi32>
      %shift_left3A_505 = arith.shli %get3A_498, %shift_left3A_504 : vector<16xi32>
      %bitcast_convert_type3A_506 = tpu.bitcast %shift_left3A_505 : vector<16xi32> -> vector<16xf32>
      %add3A_507 = arith.addf %bitcast_convert_type3A_502, %bitcast_convert_type3A_506 : vector<16xf32>
      %and3A_508 = arith.andi %get3A_495, %broadcast_in_dim3A_3 : vector<16xi32>
      %bitcast_convert_type3A_509 = tpu.bitcast %and3A_508 : vector<16xi32> -> vector<16xf32>
      %and3A_510 = arith.andi %get3A_498, %broadcast_in_dim3A_3 : vector<16xi32>
      %bitcast_convert_type3A_511 = tpu.bitcast %and3A_510 : vector<16xi32> -> vector<16xf32>
      %add3A_512 = arith.addf %bitcast_convert_type3A_509, %bitcast_convert_type3A_511 : vector<16xf32>
      %swap3A_513 = arith.index_cast %scan3A_55 : i32 to index
      %swap3A_514 = arith.constant 272 : index
      %swap3A_515 = tpu.vector_load %arg10[%swap3A_513, %swap3A_514] {strides = array<i32>} : memref<32x1024xf32, #tpu.memory_space<vmem>>, vector<16xf32>,
      tpu.vector_store %arg10[%swap3A_513, %swap3A_514], %add3A_507 {strides = array<i32>} : memref<32x1024xf32, #tpu.memory_space<vmem>>, vector<16xf32>,
      %swap3A_516 = arith.index_cast %scan3A_55 : i32 to index
      %swap3A_517 = arith.constant 784 : index
      %swap3A_518 = tpu.vector_load %arg10[%swap3A_516, %swap3A_517] {strides = array<i32>} : memref<32x1024xf32, #tpu.memory_space<vmem>>, vector<16xf32>,
      tpu.vector_store %arg10[%swap3A_516, %swap3A_517], %add3A_512 {strides = array<i32>} : memref<32x1024xf32, #tpu.memory_space<vmem>>, vector<16xf32>,
      %get3A_519 = arith.index_cast %scan3A_55 : i32 to index
      %get3A_520 = arith.constant 288 : index
      %get3A_521 = tpu.vector_load %arg8[%get3A_519, %get3A_520] {strides = array<i32>} : memref<32x512xi32, #tpu.memory_space<vmem>>, vector<16xi32>,
      %get3A_522 = arith.index_cast %scan3A_55 : i32 to index
      %get3A_523 = arith.constant 288 : index
      %get3A_524 = tpu.vector_load %arg9[%get3A_522, %get3A_523] {strides = array<i32>} : memref<32x512xi32, #tpu.memory_space<vmem>>, vector<16xi32>,
      %shift_left3A_525 = arith.constant 16 : i32
      %shift_left3A_526 = vector.broadcast %shift_left3A_525 : i32 to vector<16xi32>
      %shift_left3A_527 = arith.shli %get3A_521, %shift_left3A_526 : vector<16xi32>
      %bitcast_convert_type3A_528 = tpu.bitcast %shift_left3A_527 : vector<16xi32> -> vector<16xf32>
      %shift_left3A_529 = arith.constant 16 : i32
      %shift_left3A_530 = vector.broadcast %shift_left3A_529 : i32 to vector<16xi32>
      %shift_left3A_531 = arith.shli %get3A_524, %shift_left3A_530 : vector<16xi32>
      %bitcast_convert_type3A_532 = tpu.bitcast %shift_left3A_531 : vector<16xi32> -> vector<16xf32>
      %add3A_533 = arith.addf %bitcast_convert_type3A_528, %bitcast_convert_type3A_532 : vector<16xf32>
      %and3A_534 = arith.andi %get3A_521, %broadcast_in_dim3A_3 : vector<16xi32>
      %bitcast_convert_type3A_535 = tpu.bitcast %and3A_534 : vector<16xi32> -> vector<16xf32>
      %and3A_536 = arith.andi %get3A_524, %broadcast_in_dim3A_3 : vector<16xi32>
      %bitcast_convert_type3A_537 = tpu.bitcast %and3A_536 : vector<16xi32> -> vector<16xf32>
      %add3A_538 = arith.addf %bitcast_convert_type3A_535, %bitcast_convert_type3A_537 : vector<16xf32>
      %swap3A_539 = arith.index_cast %scan3A_55 : i32 to index
      %swap3A_540 = arith.constant 288 : index
      %swap3A_541 = tpu.vector_load %arg10[%swap3A_539, %swap3A_540] {strides = array<i32>} : memref<32x1024xf32, #tpu.memory_space<vmem>>, vector<16xf32>,
      tpu.vector_store %arg10[%swap3A_539, %swap3A_540], %add3A_533 {strides = array<i32>} : memref<32x1024xf32, #tpu.memory_space<vmem>>, vector<16xf32>,
      %swap3A_542 = arith.index_cast %scan3A_55 : i32 to index
      %swap3A_543 = arith.constant 800 : index
      %swap3A_544 = tpu.vector_load %arg10[%swap3A_542, %swap3A_543] {strides = array<i32>} : memref<32x1024xf32, #tpu.memory_space<vmem>>, vector<16xf32>,
      tpu.vector_store %arg10[%swap3A_542, %swap3A_543], %add3A_538 {strides = array<i32>} : memref<32x1024xf32, #tpu.memory_space<vmem>>, vector<16xf32>,
      %get3A_545 = arith.index_cast %scan3A_55 : i32 to index
      %get3A_546 = arith.constant 304 : index
      %get3A_547 = tpu.vector_load %arg8[%get3A_545, %get3A_546] {strides = array<i32>} : memref<32x512xi32, #tpu.memory_space<vmem>>, vector<16xi32>,
      %get3A_548 = arith.index_cast %scan3A_55 : i32 to index
      %get3A_549 = arith.constant 304 : index
      %get3A_550 = tpu.vector_load %arg9[%get3A_548, %get3A_549] {strides = array<i32>} : memref<32x512xi32, #tpu.memory_space<vmem>>, vector<16xi32>,
      %shift_left3A_551 = arith.constant 16 : i32
      %shift_left3A_552 = vector.broadcast %shift_left3A_551 : i32 to vector<16xi32>
      %shift_left3A_553 = arith.shli %get3A_547, %shift_left3A_552 : vector<16xi32>
      %bitcast_convert_type3A_554 = tpu.bitcast %shift_left3A_553 : vector<16xi32> -> vector<16xf32>
      %shift_left3A_555 = arith.constant 16 : i32
      %shift_left3A_556 = vector.broadcast %shift_left3A_555 : i32 to vector<16xi32>
      %shift_left3A_557 = arith.shli %get3A_550, %shift_left3A_556 : vector<16xi32>
      %bitcast_convert_type3A_558 = tpu.bitcast %shift_left3A_557 : vector<16xi32> -> vector<16xf32>
      %add3A_559 = arith.addf %bitcast_convert_type3A_554, %bitcast_convert_type3A_558 : vector<16xf32>
      %and3A_560 = arith.andi %get3A_547, %broadcast_in_dim3A_3 : vector<16xi32>
      %bitcast_convert_type3A_561 = tpu.bitcast %and3A_560 : vector<16xi32> -> vector<16xf32>
      %and3A_562 = arith.andi %get3A_550, %broadcast_in_dim3A_3 : vector<16xi32>
      %bitcast_convert_type3A_563 = tpu.bitcast %and3A_562 : vector<16xi32> -> vector<16xf32>
      %add3A_564 = arith.addf %bitcast_convert_type3A_561, %bitcast_convert_type3A_563 : vector<16xf32>
      %swap3A_565 = arith.index_cast %scan3A_55 : i32 to index
      %swap3A_566 = arith.constant 304 : index
      %swap3A_567 = tpu.vector_load %arg10[%swap3A_565, %swap3A_566] {strides = array<i32>} : memref<32x1024xf32, #tpu.memory_space<vmem>>, vector<16xf32>,
      tpu.vector_store %arg10[%swap3A_565, %swap3A_566], %add3A_559 {strides = array<i32>} : memref<32x1024xf32, #tpu.memory_space<vmem>>, vector<16xf32>,
      %swap3A_568 = arith.index_cast %scan3A_55 : i32 to index
      %swap3A_569 = arith.constant 816 : index
      %swap3A_570 = tpu.vector_load %arg10[%swap3A_568, %swap3A_569] {strides = array<i32>} : memref<32x1024xf32, #tpu.memory_space<vmem>>, vector<16xf32>,
      tpu.vector_store %arg10[%swap3A_568, %swap3A_569], %add3A_564 {strides = array<i32>} : memref<32x1024xf32, #tpu.memory_space<vmem>>, vector<16xf32>,
      %get3A_571 = arith.index_cast %scan3A_55 : i32 to index
      %get3A_572 = arith.constant 320 : index
      %get3A_573 = tpu.vector_load %arg8[%get3A_571, %get3A_572] {strides = array<i32>} : memref<32x512xi32, #tpu.memory_space<vmem>>, vector<16xi32>,
      %get3A_574 = arith.index_cast %scan3A_55 : i32 to index
      %get3A_575 = arith.constant 320 : index
      %get3A_576 = tpu.vector_load %arg9[%get3A_574, %get3A_575] {strides = array<i32>} : memref<32x512xi32, #tpu.memory_space<vmem>>, vector<16xi32>,
      %shift_left3A_577 = arith.constant 16 : i32
      %shift_left3A_578 = vector.broadcast %shift_left3A_577 : i32 to vector<16xi32>
      %shift_left3A_579 = arith.shli %get3A_573, %shift_left3A_578 : vector<16xi32>
      %bitcast_convert_type3A_580 = tpu.bitcast %shift_left3A_579 : vector<16xi32> -> vector<16xf32>
      %shift_left3A_581 = arith.constant 16 : i32
      %shift_left3A_582 = vector.broadcast %shift_left3A_581 : i32 to vector<16xi32>
      %shift_left3A_583 = arith.shli %get3A_576, %shift_left3A_582 : vector<16xi32>
      %bitcast_convert_type3A_584 = tpu.bitcast %shift_left3A_583 : vector<16xi32> -> vector<16xf32>
      %add3A_585 = arith.addf %bitcast_convert_type3A_580, %bitcast_convert_type3A_584 : vector<16xf32>
      %and3A_586 = arith.andi %get3A_573, %broadcast_in_dim3A_3 : vector<16xi32>
      %bitcast_convert_type3A_587 = tpu.bitcast %and3A_586 : vector<16xi32> -> vector<16xf32>
      %and3A_588 = arith.andi %get3A_576, %broadcast_in_dim3A_3 : vector<16xi32>
      %bitcast_convert_type3A_589 = tpu.bitcast %and3A_588 : vector<16xi32> -> vector<16xf32>
      %add3A_590 = arith.addf %bitcast_convert_type3A_587, %bitcast_convert_type3A_589 : vector<16xf32>
      %swap3A_591 = arith.index_cast %scan3A_55 : i32 to index
      %swap3A_592 = arith.constant 320 : index
      %swap3A_593 = tpu.vector_load %arg10[%swap3A_591, %swap3A_592] {strides = array<i32>} : memref<32x1024xf32, #tpu.memory_space<vmem>>, vector<16xf32>,
      tpu.vector_store %arg10[%swap3A_591, %swap3A_592], %add3A_585 {strides = array<i32>} : memref<32x1024xf32, #tpu.memory_space<vmem>>, vector<16xf32>,
      %swap3A_594 = arith.index_cast %scan3A_55 : i32 to index
      %swap3A_595 = arith.constant 832 : index
      %swap3A_596 = tpu.vector_load %arg10[%swap3A_594, %swap3A_595] {strides = array<i32>} : memref<32x1024xf32, #tpu.memory_space<vmem>>, vector<16xf32>,
      tpu.vector_store %arg10[%swap3A_594, %swap3A_595], %add3A_590 {strides = array<i32>} : memref<32x1024xf32, #tpu.memory_space<vmem>>, vector<16xf32>,
      %get3A_597 = arith.index_cast %scan3A_55 : i32 to index
      %get3A_598 = arith.constant 336 : index
      %get3A_599 = tpu.vector_load %arg8[%get3A_597, %get3A_598] {strides = array<i32>} : memref<32x512xi32, #tpu.memory_space<vmem>>, vector<16xi32>,
      %get3A_600 = arith.index_cast %scan3A_55 : i32 to index
      %get3A_601 = arith.constant 336 : index
      %get3A_602 = tpu.vector_load %arg9[%get3A_600, %get3A_601] {strides = array<i32>} : memref<32x512xi32, #tpu.memory_space<vmem>>, vector<16xi32>,
      %shift_left3A_603 = arith.constant 16 : i32
      %shift_left3A_604 = vector.broadcast %shift_left3A_603 : i32 to vector<16xi32>
      %shift_left3A_605 = arith.shli %get3A_599, %shift_left3A_604 : vector<16xi32>
      %bitcast_convert_type3A_606 = tpu.bitcast %shift_left3A_605 : vector<16xi32> -> vector<16xf32>
      %shift_left3A_607 = arith.constant 16 : i32
      %shift_left3A_608 = vector.broadcast %shift_left3A_607 : i32 to vector<16xi32>
      %shift_left3A_609 = arith.shli %get3A_602, %shift_left3A_608 : vector<16xi32>
      %bitcast_convert_type3A_610 = tpu.bitcast %shift_left3A_609 : vector<16xi32> -> vector<16xf32>
      %add3A_611 = arith.addf %bitcast_convert_type3A_606, %bitcast_convert_type3A_610 : vector<16xf32>
      %and3A_612 = arith.andi %get3A_599, %broadcast_in_dim3A_3 : vector<16xi32>
      %bitcast_convert_type3A_613 = tpu.bitcast %and3A_612 : vector<16xi32> -> vector<16xf32>
      %and3A_614 = arith.andi %get3A_602, %broadcast_in_dim3A_3 : vector<16xi32>
      %bitcast_convert_type3A_615 = tpu.bitcast %and3A_614 : vector<16xi32> -> vector<16xf32>
      %add3A_616 = arith.addf %bitcast_convert_type3A_613, %bitcast_convert_type3A_615 : vector<16xf32>
      %swap3A_617 = arith.index_cast %scan3A_55 : i32 to index
      %swap3A_618 = arith.constant 336 : index
      %swap3A_619 = tpu.vector_load %arg10[%swap3A_617, %swap3A_618] {strides = array<i32>} : memref<32x1024xf32, #tpu.memory_space<vmem>>, vector<16xf32>,
      tpu.vector_store %arg10[%swap3A_617, %swap3A_618], %add3A_611 {strides = array<i32>} : memref<32x1024xf32, #tpu.memory_space<vmem>>, vector<16xf32>,
      %swap3A_620 = arith.index_cast %scan3A_55 : i32 to index
      %swap3A_621 = arith.constant 848 : index
      %swap3A_622 = tpu.vector_load %arg10[%swap3A_620, %swap3A_621] {strides = array<i32>} : memref<32x1024xf32, #tpu.memory_space<vmem>>, vector<16xf32>,
      tpu.vector_store %arg10[%swap3A_620, %swap3A_621], %add3A_616 {strides = array<i32>} : memref<32x1024xf32, #tpu.memory_space<vmem>>, vector<16xf32>,
      %get3A_623 = arith.index_cast %scan3A_55 : i32 to index
      %get3A_624 = arith.constant 352 : index
      %get3A_625 = tpu.vector_load %arg8[%get3A_623, %get3A_624] {strides = array<i32>} : memref<32x512xi32, #tpu.memory_space<vmem>>, vector<16xi32>,
      %get3A_626 = arith.index_cast %scan3A_55 : i32 to index
      %get3A_627 = arith.constant 352 : index
      %get3A_628 = tpu.vector_load %arg9[%get3A_626, %get3A_627] {strides = array<i32>} : memref<32x512xi32, #tpu.memory_space<vmem>>, vector<16xi32>,
      %shift_left3A_629 = arith.constant 16 : i32
      %shift_left3A_630 = vector.broadcast %shift_left3A_629 : i32 to vector<16xi32>
      %shift_left3A_631 = arith.shli %get3A_625, %shift_left3A_630 : vector<16xi32>
      %bitcast_convert_type3A_632 = tpu.bitcast %shift_left3A_631 : vector<16xi32> -> vector<16xf32>
      %shift_left3A_633 = arith.constant 16 : i32
      %shift_left3A_634 = vector.broadcast %shift_left3A_633 : i32 to vector<16xi32>
      %shift_left3A_635 = arith.shli %get3A_628, %shift_left3A_634 : vector<16xi32>
      %bitcast_convert_type3A_636 = tpu.bitcast %shift_left3A_635 : vector<16xi32> -> vector<16xf32>
      %add3A_637 = arith.addf %bitcast_convert_type3A_632, %bitcast_convert_type3A_636 : vector<16xf32>
      %and3A_638 = arith.andi %get3A_625, %broadcast_in_dim3A_3 : vector<16xi32>
      %bitcast_convert_type3A_639 = tpu.bitcast %and3A_638 : vector<16xi32> -> vector<16xf32>
      %and3A_640 = arith.andi %get3A_628, %broadcast_in_dim3A_3 : vector<16xi32>
      %bitcast_convert_type3A_641 = tpu.bitcast %and3A_640 : vector<16xi32> -> vector<16xf32>
      %add3A_642 = arith.addf %bitcast_convert_type3A_639, %bitcast_convert_type3A_641 : vector<16xf32>
      %swap3A_643 = arith.index_cast %scan3A_55 : i32 to index
      %swap3A_644 = arith.constant 352 : index
      %swap3A_645 = tpu.vector_load %arg10[%swap3A_643, %swap3A_644] {strides = array<i32>} : memref<32x1024xf32, #tpu.memory_space<vmem>>, vector<16xf32>,
      tpu.vector_store %arg10[%swap3A_643, %swap3A_644], %add3A_637 {strides = array<i32>} : memref<32x1024xf32, #tpu.memory_space<vmem>>, vector<16xf32>,
      %swap3A_646 = arith.index_cast %scan3A_55 : i32 to index
      %swap3A_647 = arith.constant 864 : index
      %swap3A_648 = tpu.vector_load %arg10[%swap3A_646, %swap3A_647] {strides = array<i32>} : memref<32x1024xf32, #tpu.memory_space<vmem>>, vector<16xf32>,
      tpu.vector_store %arg10[%swap3A_646, %swap3A_647], %add3A_642 {strides = array<i32>} : memref<32x1024xf32, #tpu.memory_space<vmem>>, vector<16xf32>,
      %get3A_649 = arith.index_cast %scan3A_55 : i32 to index
      %get3A_650 = arith.constant 368 : index
      %get3A_651 = tpu.vector_load %arg8[%get3A_649, %get3A_650] {strides = array<i32>} : memref<32x512xi32, #tpu.memory_space<vmem>>, vector<16xi32>,
      %get3A_652 = arith.index_cast %scan3A_55 : i32 to index
      %get3A_653 = arith.constant 368 : index
      %get3A_654 = tpu.vector_load %arg9[%get3A_652, %get3A_653] {strides = array<i32>} : memref<32x512xi32, #tpu.memory_space<vmem>>, vector<16xi32>,
      %shift_left3A_655 = arith.constant 16 : i32
      %shift_left3A_656 = vector.broadcast %shift_left3A_655 : i32 to vector<16xi32>
      %shift_left3A_657 = arith.shli %get3A_651, %shift_left3A_656 : vector<16xi32>
      %bitcast_convert_type3A_658 = tpu.bitcast %shift_left3A_657 : vector<16xi32> -> vector<16xf32>
      %shift_left3A_659 = arith.constant 16 : i32
      %shift_left3A_660 = vector.broadcast %shift_left3A_659 : i32 to vector<16xi32>
      %shift_left3A_661 = arith.shli %get3A_654, %shift_left3A_660 : vector<16xi32>
      %bitcast_convert_type3A_662 = tpu.bitcast %shift_left3A_661 : vector<16xi32> -> vector<16xf32>
      %add3A_663 = arith.addf %bitcast_convert_type3A_658, %bitcast_convert_type3A_662 : vector<16xf32>
      %and3A_664 = arith.andi %get3A_651, %broadcast_in_dim3A_3 : vector<16xi32>
      %bitcast_convert_type3A_665 = tpu.bitcast %and3A_664 : vector<16xi32> -> vector<16xf32>
      %and3A_666 = arith.andi %get3A_654, %broadcast_in_dim3A_3 : vector<16xi32>
      %bitcast_convert_type3A_667 = tpu.bitcast %and3A_666 : vector<16xi32> -> vector<16xf32>
      %add3A_668 = arith.addf %bitcast_convert_type3A_665, %bitcast_convert_type3A_667 : vector<16xf32>
      %swap3A_669 = arith.index_cast %scan3A_55 : i32 to index
      %swap3A_670 = arith.constant 368 : index
      %swap3A_671 = tpu.vector_load %arg10[%swap3A_669, %swap3A_670] {strides = array<i32>} : memref<32x1024xf32, #tpu.memory_space<vmem>>, vector<16xf32>,
      tpu.vector_store %arg10[%swap3A_669, %swap3A_670], %add3A_663 {strides = array<i32>} : memref<32x1024xf32, #tpu.memory_space<vmem>>, vector<16xf32>,
      %swap3A_672 = arith.index_cast %scan3A_55 : i32 to index
      %swap3A_673 = arith.constant 880 : index
      %swap3A_674 = tpu.vector_load %arg10[%swap3A_672, %swap3A_673] {strides = array<i32>} : memref<32x1024xf32, #tpu.memory_space<vmem>>, vector<16xf32>,
      tpu.vector_store %arg10[%swap3A_672, %swap3A_673], %add3A_668 {strides = array<i32>} : memref<32x1024xf32, #tpu.memory_space<vmem>>, vector<16xf32>,
      %get3A_675 = arith.index_cast %scan3A_55 : i32 to index
      %get3A_676 = arith.constant 384 : index
      %get3A_677 = tpu.vector_load %arg8[%get3A_675, %get3A_676] {strides = array<i32>} : memref<32x512xi32, #tpu.memory_space<vmem>>, vector<16xi32>,
      %get3A_678 = arith.index_cast %scan3A_55 : i32 to index
      %get3A_679 = arith.constant 384 : index
      %get3A_680 = tpu.vector_load %arg9[%get3A_678, %get3A_679] {strides = array<i32>} : memref<32x512xi32, #tpu.memory_space<vmem>>, vector<16xi32>,
      %shift_left3A_681 = arith.constant 16 : i32
      %shift_left3A_682 = vector.broadcast %shift_left3A_681 : i32 to vector<16xi32>
      %shift_left3A_683 = arith.shli %get3A_677, %shift_left3A_682 : vector<16xi32>
      %bitcast_convert_type3A_684 = tpu.bitcast %shift_left3A_683 : vector<16xi32> -> vector<16xf32>
      %shift_left3A_685 = arith.constant 16 : i32
      %shift_left3A_686 = vector.broadcast %shift_left3A_685 : i32 to vector<16xi32>
      %shift_left3A_687 = arith.shli %get3A_680, %shift_left3A_686 : vector<16xi32>
      %bitcast_convert_type3A_688 = tpu.bitcast %shift_left3A_687 : vector<16xi32> -> vector<16xf32>
      %add3A_689 = arith.addf %bitcast_convert_type3A_684, %bitcast_convert_type3A_688 : vector<16xf32>
      %and3A_690 = arith.andi %get3A_677, %broadcast_in_dim3A_3 : vector<16xi32>
      %bitcast_convert_type3A_691 = tpu.bitcast %and3A_690 : vector<16xi32> -> vector<16xf32>
      %and3A_692 = arith.andi %get3A_680, %broadcast_in_dim3A_3 : vector<16xi32>
      %bitcast_convert_type3A_693 = tpu.bitcast %and3A_692 : vector<16xi32> -> vector<16xf32>
      %add3A_694 = arith.addf %bitcast_convert_type3A_691, %bitcast_convert_type3A_693 : vector<16xf32>
      %swap3A_695 = arith.index_cast %scan3A_55 : i32 to index
      %swap3A_696 = arith.constant 384 : index
      %swap3A_697 = tpu.vector_load %arg10[%swap3A_695, %swap3A_696] {strides = array<i32>} : memref<32x1024xf32, #tpu.memory_space<vmem>>, vector<16xf32>,
      tpu.vector_store %arg10[%swap3A_695, %swap3A_696], %add3A_689 {strides = array<i32>} : memref<32x1024xf32, #tpu.memory_space<vmem>>, vector<16xf32>,
      %swap3A_698 = arith.index_cast %scan3A_55 : i32 to index
      %swap3A_699 = arith.constant 896 : index
      %swap3A_700 = tpu.vector_load %arg10[%swap3A_698, %swap3A_699] {strides = array<i32>} : memref<32x1024xf32, #tpu.memory_space<vmem>>, vector<16xf32>,
      tpu.vector_store %arg10[%swap3A_698, %swap3A_699], %add3A_694 {strides = array<i32>} : memref<32x1024xf32, #tpu.memory_space<vmem>>, vector<16xf32>,
      %get3A_701 = arith.index_cast %scan3A_55 : i32 to index
      %get3A_702 = arith.constant 400 : index
      %get3A_703 = tpu.vector_load %arg8[%get3A_701, %get3A_702] {strides = array<i32>} : memref<32x512xi32, #tpu.memory_space<vmem>>, vector<16xi32>,
      %get3A_704 = arith.index_cast %scan3A_55 : i32 to index
      %get3A_705 = arith.constant 400 : index
      %get3A_706 = tpu.vector_load %arg9[%get3A_704, %get3A_705] {strides = array<i32>} : memref<32x512xi32, #tpu.memory_space<vmem>>, vector<16xi32>,
      %shift_left3A_707 = arith.constant 16 : i32
      %shift_left3A_708 = vector.broadcast %shift_left3A_707 : i32 to vector<16xi32>
      %shift_left3A_709 = arith.shli %get3A_703, %shift_left3A_708 : vector<16xi32>
      %bitcast_convert_type3A_710 = tpu.bitcast %shift_left3A_709 : vector<16xi32> -> vector<16xf32>
      %shift_left3A_711 = arith.constant 16 : i32
      %shift_left3A_712 = vector.broadcast %shift_left3A_711 : i32 to vector<16xi32>
      %shift_left3A_713 = arith.shli %get3A_706, %shift_left3A_712 : vector<16xi32>
      %bitcast_convert_type3A_714 = tpu.bitcast %shift_left3A_713 : vector<16xi32> -> vector<16xf32>
      %add3A_715 = arith.addf %bitcast_convert_type3A_710, %bitcast_convert_type3A_714 : vector<16xf32>
      %and3A_716 = arith.andi %get3A_703, %broadcast_in_dim3A_3 : vector<16xi32>
      %bitcast_convert_type3A_717 = tpu.bitcast %and3A_716 : vector<16xi32> -> vector<16xf32>
      %and3A_718 = arith.andi %get3A_706, %broadcast_in_dim3A_3 : vector<16xi32>
      %bitcast_convert_type3A_719 = tpu.bitcast %and3A_718 : vector<16xi32> -> vector<16xf32>
      %add3A_720 = arith.addf %bitcast_convert_type3A_717, %bitcast_convert_type3A_719 : vector<16xf32>
      %swap3A_721 = arith.index_cast %scan3A_55 : i32 to index
      %swap3A_722 = arith.constant 400 : index
      %swap3A_723 = tpu.vector_load %arg10[%swap3A_721, %swap3A_722] {strides = array<i32>} : memref<32x1024xf32, #tpu.memory_space<vmem>>, vector<16xf32>,
      tpu.vector_store %arg10[%swap3A_721, %swap3A_722], %add3A_715 {strides = array<i32>} : memref<32x1024xf32, #tpu.memory_space<vmem>>, vector<16xf32>,
      %swap3A_724 = arith.index_cast %scan3A_55 : i32 to index
      %swap3A_725 = arith.constant 912 : index
      %swap3A_726 = tpu.vector_load %arg10[%swap3A_724, %swap3A_725] {strides = array<i32>} : memref<32x1024xf32, #tpu.memory_space<vmem>>, vector<16xf32>,
      tpu.vector_store %arg10[%swap3A_724, %swap3A_725], %add3A_720 {strides = array<i32>} : memref<32x1024xf32, #tpu.memory_space<vmem>>, vector<16xf32>,
      %get3A_727 = arith.index_cast %scan3A_55 : i32 to index
      %get3A_728 = arith.constant 416 : index
      %get3A_729 = tpu.vector_load %arg8[%get3A_727, %get3A_728] {strides = array<i32>} : memref<32x512xi32, #tpu.memory_space<vmem>>, vector<16xi32>,
      %get3A_730 = arith.index_cast %scan3A_55 : i32 to index
      %get3A_731 = arith.constant 416 : index
      %get3A_732 = tpu.vector_load %arg9[%get3A_730, %get3A_731] {strides = array<i32>} : memref<32x512xi32, #tpu.memory_space<vmem>>, vector<16xi32>,
      %shift_left3A_733 = arith.constant 16 : i32
      %shift_left3A_734 = vector.broadcast %shift_left3A_733 : i32 to vector<16xi32>
      %shift_left3A_735 = arith.shli %get3A_729, %shift_left3A_734 : vector<16xi32>
      %bitcast_convert_type3A_736 = tpu.bitcast %shift_left3A_735 : vector<16xi32> -> vector<16xf32>
      %shift_left3A_737 = arith.constant 16 : i32
      %shift_left3A_738 = vector.broadcast %shift_left3A_737 : i32 to vector<16xi32>
      %shift_left3A_739 = arith.shli %get3A_732, %shift_left3A_738 : vector<16xi32>
      %bitcast_convert_type3A_740 = tpu.bitcast %shift_left3A_739 : vector<16xi32> -> vector<16xf32>
      %add3A_741 = arith.addf %bitcast_convert_type3A_736, %bitcast_convert_type3A_740 : vector<16xf32>
      %and3A_742 = arith.andi %get3A_729, %broadcast_in_dim3A_3 : vector<16xi32>
      %bitcast_convert_type3A_743 = tpu.bitcast %and3A_742 : vector<16xi32> -> vector<16xf32>
      %and3A_744 = arith.andi %get3A_732, %broadcast_in_dim3A_3 : vector<16xi32>
      %bitcast_convert_type3A_745 = tpu.bitcast %and3A_744 : vector<16xi32> -> vector<16xf32>
      %add3A_746 = arith.addf %bitcast_convert_type3A_743, %bitcast_convert_type3A_745 : vector<16xf32>
      %swap3A_747 = arith.index_cast %scan3A_55 : i32 to index
      %swap3A_748 = arith.constant 416 : index
      %swap3A_749 = tpu.vector_load %arg10[%swap3A_747, %swap3A_748] {strides = array<i32>} : memref<32x1024xf32, #tpu.memory_space<vmem>>, vector<16xf32>,
      tpu.vector_store %arg10[%swap3A_747, %swap3A_748], %add3A_741 {strides = array<i32>} : memref<32x1024xf32, #tpu.memory_space<vmem>>, vector<16xf32>,
      %swap3A_750 = arith.index_cast %scan3A_55 : i32 to index
      %swap3A_751 = arith.constant 928 : index
      %swap3A_752 = tpu.vector_load %arg10[%swap3A_750, %swap3A_751] {strides = array<i32>} : memref<32x1024xf32, #tpu.memory_space<vmem>>, vector<16xf32>,
      tpu.vector_store %arg10[%swap3A_750, %swap3A_751], %add3A_746 {strides = array<i32>} : memref<32x1024xf32, #tpu.memory_space<vmem>>, vector<16xf32>,
      %get3A_753 = arith.index_cast %scan3A_55 : i32 to index
      %get3A_754 = arith.constant 432 : index
      %get3A_755 = tpu.vector_load %arg8[%get3A_753, %get3A_754] {strides = array<i32>} : memref<32x512xi32, #tpu.memory_space<vmem>>, vector<16xi32>,
      %get3A_756 = arith.index_cast %scan3A_55 : i32 to index
      %get3A_757 = arith.constant 432 : index
      %get3A_758 = tpu.vector_load %arg9[%get3A_756, %get3A_757] {strides = array<i32>} : memref<32x512xi32, #tpu.memory_space<vmem>>, vector<16xi32>,
      %shift_left3A_759 = arith.constant 16 : i32
      %shift_left3A_760 = vector.broadcast %shift_left3A_759 : i32 to vector<16xi32>
      %shift_left3A_761 = arith.shli %get3A_755, %shift_left3A_760 : vector<16xi32>
      %bitcast_convert_type3A_762 = tpu.bitcast %shift_left3A_761 : vector<16xi32> -> vector<16xf32>
      %shift_left3A_763 = arith.constant 16 : i32
      %shift_left3A_764 = vector.broadcast %shift_left3A_763 : i32 to vector<16xi32>
      %shift_left3A_765 = arith.shli %get3A_758, %shift_left3A_764 : vector<16xi32>
      %bitcast_convert_type3A_766 = tpu.bitcast %shift_left3A_765 : vector<16xi32> -> vector<16xf32>
      %add3A_767 = arith.addf %bitcast_convert_type3A_762, %bitcast_convert_type3A_766 : vector<16xf32>
      %and3A_768 = arith.andi %get3A_755, %broadcast_in_dim3A_3 : vector<16xi32>
      %bitcast_convert_type3A_769 = tpu.bitcast %and3A_768 : vector<16xi32> -> vector<16xf32>
      %and3A_770 = arith.andi %get3A_758, %broadcast_in_dim3A_3 : vector<16xi32>
      %bitcast_convert_type3A_771 = tpu.bitcast %and3A_770 : vector<16xi32> -> vector<16xf32>
      %add3A_772 = arith.addf %bitcast_convert_type3A_769, %bitcast_convert_type3A_771 : vector<16xf32>
      %swap3A_773 = arith.index_cast %scan3A_55 : i32 to index
      %swap3A_774 = arith.constant 432 : index
      %swap3A_775 = tpu.vector_load %arg10[%swap3A_773, %swap3A_774] {strides = array<i32>} : memref<32x1024xf32, #tpu.memory_space<vmem>>, vector<16xf32>,
      tpu.vector_store %arg10[%swap3A_773, %swap3A_774], %add3A_767 {strides = array<i32>} : memref<32x1024xf32, #tpu.memory_space<vmem>>, vector<16xf32>,
      %swap3A_776 = arith.index_cast %scan3A_55 : i32 to index
      %swap3A_777 = arith.constant 944 : index
      %swap3A_778 = tpu.vector_load %arg10[%swap3A_776, %swap3A_777] {strides = array<i32>} : memref<32x1024xf32, #tpu.memory_space<vmem>>, vector<16xf32>,
      tpu.vector_store %arg10[%swap3A_776, %swap3A_777], %add3A_772 {strides = array<i32>} : memref<32x1024xf32, #tpu.memory_space<vmem>>, vector<16xf32>,
      %get3A_779 = arith.index_cast %scan3A_55 : i32 to index
      %get3A_780 = arith.constant 448 : index
      %get3A_781 = tpu.vector_load %arg8[%get3A_779, %get3A_780] {strides = array<i32>} : memref<32x512xi32, #tpu.memory_space<vmem>>, vector<16xi32>,
      %get3A_782 = arith.index_cast %scan3A_55 : i32 to index
      %get3A_783 = arith.constant 448 : index
      %get3A_784 = tpu.vector_load %arg9[%get3A_782, %get3A_783] {strides = array<i32>} : memref<32x512xi32, #tpu.memory_space<vmem>>, vector<16xi32>,
      %shift_left3A_785 = arith.constant 16 : i32
      %shift_left3A_786 = vector.broadcast %shift_left3A_785 : i32 to vector<16xi32>
      %shift_left3A_787 = arith.shli %get3A_781, %shift_left3A_786 : vector<16xi32>
      %bitcast_convert_type3A_788 = tpu.bitcast %shift_left3A_787 : vector<16xi32> -> vector<16xf32>
      %shift_left3A_789 = arith.constant 16 : i32
      %shift_left3A_790 = vector.broadcast %shift_left3A_789 : i32 to vector<16xi32>
      %shift_left3A_791 = arith.shli %get3A_784, %shift_left3A_790 : vector<16xi32>
      %bitcast_convert_type3A_792 = tpu.bitcast %shift_left3A_791 : vector<16xi32> -> vector<16xf32>
      %add3A_793 = arith.addf %bitcast_convert_type3A_788, %bitcast_convert_type3A_792 : vector<16xf32>
      %and3A_794 = arith.andi %get3A_781, %broadcast_in_dim3A_3 : vector<16xi32>
      %bitcast_convert_type3A_795 = tpu.bitcast %and3A_794 : vector<16xi32> -> vector<16xf32>
      %and3A_796 = arith.andi %get3A_784, %broadcast_in_dim3A_3 : vector<16xi32>
      %bitcast_convert_type3A_797 = tpu.bitcast %and3A_796 : vector<16xi32> -> vector<16xf32>
      %add3A_798 = arith.addf %bitcast_convert_type3A_795, %bitcast_convert_type3A_797 : vector<16xf32>
      %swap3A_799 = arith.index_cast %scan3A_55 : i32 to index
      %swap3A_800 = arith.constant 448 : index
      %swap3A_801 = tpu.vector_load %arg10[%swap3A_799, %swap3A_800] {strides = array<i32>} : memref<32x1024xf32, #tpu.memory_space<vmem>>, vector<16xf32>,
      tpu.vector_store %arg10[%swap3A_799, %swap3A_800], %add3A_793 {strides = array<i32>} : memref<32x1024xf32, #tpu.memory_space<vmem>>, vector<16xf32>,
      %swap3A_802 = arith.index_cast %scan3A_55 : i32 to index
      %swap3A_803 = arith.constant 960 : index
      %swap3A_804 = tpu.vector_load %arg10[%swap3A_802, %swap3A_803] {strides = array<i32>} : memref<32x1024xf32, #tpu.memory_space<vmem>>, vector<16xf32>,
      tpu.vector_store %arg10[%swap3A_802, %swap3A_803], %add3A_798 {strides = array<i32>} : memref<32x1024xf32, #tpu.memory_space<vmem>>, vector<16xf32>,
      %get3A_805 = arith.index_cast %scan3A_55 : i32 to index
      %get3A_806 = arith.constant 464 : index
      %get3A_807 = tpu.vector_load %arg8[%get3A_805, %get3A_806] {strides = array<i32>} : memref<32x512xi32, #tpu.memory_space<vmem>>, vector<16xi32>,
      %get3A_808 = arith.index_cast %scan3A_55 : i32 to index
      %get3A_809 = arith.constant 464 : index
      %get3A_810 = tpu.vector_load %arg9[%get3A_808, %get3A_809] {strides = array<i32>} : memref<32x512xi32, #tpu.memory_space<vmem>>, vector<16xi32>,
      %shift_left3A_811 = arith.constant 16 : i32
      %shift_left3A_812 = vector.broadcast %shift_left3A_811 : i32 to vector<16xi32>
      %shift_left3A_813 = arith.shli %get3A_807, %shift_left3A_812 : vector<16xi32>
      %bitcast_convert_type3A_814 = tpu.bitcast %shift_left3A_813 : vector<16xi32> -> vector<16xf32>
      %shift_left3A_815 = arith.constant 16 : i32
      %shift_left3A_816 = vector.broadcast %shift_left3A_815 : i32 to vector<16xi32>
      %shift_left3A_817 = arith.shli %get3A_810, %shift_left3A_816 : vector<16xi32>
      %bitcast_convert_type3A_818 = tpu.bitcast %shift_left3A_817 : vector<16xi32> -> vector<16xf32>
      %add3A_819 = arith.addf %bitcast_convert_type3A_814, %bitcast_convert_type3A_818 : vector<16xf32>
      %and3A_820 = arith.andi %get3A_807, %broadcast_in_dim3A_3 : vector<16xi32>
      %bitcast_convert_type3A_821 = tpu.bitcast %and3A_820 : vector<16xi32> -> vector<16xf32>
      %and3A_822 = arith.andi %get3A_810, %broadcast_in_dim3A_3 : vector<16xi32>
      %bitcast_convert_type3A_823 = tpu.bitcast %and3A_822 : vector<16xi32> -> vector<16xf32>
      %add3A_824 = arith.addf %bitcast_convert_type3A_821, %bitcast_convert_type3A_823 : vector<16xf32>
      %swap3A_825 = arith.index_cast %scan3A_55 : i32 to index
      %swap3A_826 = arith.constant 464 : index
      %swap3A_827 = tpu.vector_load %arg10[%swap3A_825, %swap3A_826] {strides = array<i32>} : memref<32x1024xf32, #tpu.memory_space<vmem>>, vector<16xf32>,
      tpu.vector_store %arg10[%swap3A_825, %swap3A_826], %add3A_819 {strides = array<i32>} : memref<32x1024xf32, #tpu.memory_space<vmem>>, vector<16xf32>,
      %swap3A_828 = arith.index_cast %scan3A_55 : i32 to index
      %swap3A_829 = arith.constant 976 : index
      %swap3A_830 = tpu.vector_load %arg10[%swap3A_828, %swap3A_829] {strides = array<i32>} : memref<32x1024xf32, #tpu.memory_space<vmem>>, vector<16xf32>,
      tpu.vector_store %arg10[%swap3A_828, %swap3A_829], %add3A_824 {strides = array<i32>} : memref<32x1024xf32, #tpu.memory_space<vmem>>, vector<16xf32>,
      %get3A_831 = arith.index_cast %scan3A_55 : i32 to index
      %get3A_832 = arith.constant 480 : index
      %get3A_833 = tpu.vector_load %arg8[%get3A_831, %get3A_832] {strides = array<i32>} : memref<32x512xi32, #tpu.memory_space<vmem>>, vector<16xi32>,
      %get3A_834 = arith.index_cast %scan3A_55 : i32 to index
      %get3A_835 = arith.constant 480 : index
      %get3A_836 = tpu.vector_load %arg9[%get3A_834, %get3A_835] {strides = array<i32>} : memref<32x512xi32, #tpu.memory_space<vmem>>, vector<16xi32>,
      %shift_left3A_837 = arith.constant 16 : i32
      %shift_left3A_838 = vector.broadcast %shift_left3A_837 : i32 to vector<16xi32>
      %shift_left3A_839 = arith.shli %get3A_833, %shift_left3A_838 : vector<16xi32>
      %bitcast_convert_type3A_840 = tpu.bitcast %shift_left3A_839 : vector<16xi32> -> vector<16xf32>
      %shift_left3A_841 = arith.constant 16 : i32
      %shift_left3A_842 = vector.broadcast %shift_left3A_841 : i32 to vector<16xi32>
      %shift_left3A_843 = arith.shli %get3A_836, %shift_left3A_842 : vector<16xi32>
      %bitcast_convert_type3A_844 = tpu.bitcast %shift_left3A_843 : vector<16xi32> -> vector<16xf32>
      %add3A_845 = arith.addf %bitcast_convert_type3A_840, %bitcast_convert_type3A_844 : vector<16xf32>
      %and3A_846 = arith.andi %get3A_833, %broadcast_in_dim3A_3 : vector<16xi32>
      %bitcast_convert_type3A_847 = tpu.bitcast %and3A_846 : vector<16xi32> -> vector<16xf32>
      %and3A_848 = arith.andi %get3A_836, %broadcast_in_dim3A_3 : vector<16xi32>
      %bitcast_convert_type3A_849 = tpu.bitcast %and3A_848 : vector<16xi32> -> vector<16xf32>
      %add3A_850 = arith.addf %bitcast_convert_type3A_847, %bitcast_convert_type3A_849 : vector<16xf32>
      %swap3A_851 = arith.index_cast %scan3A_55 : i32 to index
      %swap3A_852 = arith.constant 480 : index
      %swap3A_853 = tpu.vector_load %arg10[%swap3A_851, %swap3A_852] {strides = array<i32>} : memref<32x1024xf32, #tpu.memory_space<vmem>>, vector<16xf32>,
      tpu.vector_store %arg10[%swap3A_851, %swap3A_852], %add3A_845 {strides = array<i32>} : memref<32x1024xf32, #tpu.memory_space<vmem>>, vector<16xf32>,
      %swap3A_854 = arith.index_cast %scan3A_55 : i32 to index
      %swap3A_855 = arith.constant 992 : index
      %swap3A_856 = tpu.vector_load %arg10[%swap3A_854, %swap3A_855] {strides = array<i32>} : memref<32x1024xf32, #tpu.memory_space<vmem>>, vector<16xf32>,
      tpu.vector_store %arg10[%swap3A_854, %swap3A_855], %add3A_850 {strides = array<i32>} : memref<32x1024xf32, #tpu.memory_space<vmem>>, vector<16xf32>,
      %get3A_857 = arith.index_cast %scan3A_55 : i32 to index
      %get3A_858 = arith.constant 496 : index
      %get3A_859 = tpu.vector_load %arg8[%get3A_857, %get3A_858] {strides = array<i32>} : memref<32x512xi32, #tpu.memory_space<vmem>>, vector<16xi32>,
      %get3A_860 = arith.index_cast %scan3A_55 : i32 to index
      %get3A_861 = arith.constant 496 : index
      %get3A_862 = tpu.vector_load %arg9[%get3A_860, %get3A_861] {strides = array<i32>} : memref<32x512xi32, #tpu.memory_space<vmem>>, vector<16xi32>,
      %shift_left3A_863 = arith.constant 16 : i32
      %shift_left3A_864 = vector.broadcast %shift_left3A_863 : i32 to vector<16xi32>
      %shift_left3A_865 = arith.shli %get3A_859, %shift_left3A_864 : vector<16xi32>
      %bitcast_convert_type3A_866 = tpu.bitcast %shift_left3A_865 : vector<16xi32> -> vector<16xf32>
      %shift_left3A_867 = arith.constant 16 : i32
      %shift_left3A_868 = vector.broadcast %shift_left3A_867 : i32 to vector<16xi32>
      %shift_left3A_869 = arith.shli %get3A_862, %shift_left3A_868 : vector<16xi32>
      %bitcast_convert_type3A_870 = tpu.bitcast %shift_left3A_869 : vector<16xi32> -> vector<16xf32>
      %add3A_871 = arith.addf %bitcast_convert_type3A_866, %bitcast_convert_type3A_870 : vector<16xf32>
      %and3A_872 = arith.andi %get3A_859, %broadcast_in_dim3A_3 : vector<16xi32>
      %bitcast_convert_type3A_873 = tpu.bitcast %and3A_872 : vector<16xi32> -> vector<16xf32>
      %and3A_874 = arith.andi %get3A_862, %broadcast_in_dim3A_3 : vector<16xi32>
      %bitcast_convert_type3A_875 = tpu.bitcast %and3A_874 : vector<16xi32> -> vector<16xf32>
      %add3A_876 = arith.addf %bitcast_convert_type3A_873, %bitcast_convert_type3A_875 : vector<16xf32>
      %swap3A_877 = arith.index_cast %scan3A_55 : i32 to index
      %swap3A_878 = arith.constant 496 : index
      %swap3A_879 = tpu.vector_load %arg10[%swap3A_877, %swap3A_878] {strides = array<i32>} : memref<32x1024xf32, #tpu.memory_space<vmem>>, vector<16xf32>,
      tpu.vector_store %arg10[%swap3A_877, %swap3A_878], %add3A_871 {strides = array<i32>} : memref<32x1024xf32, #tpu.memory_space<vmem>>, vector<16xf32>,
      %swap3A_880 = arith.index_cast %scan3A_55 : i32 to index
      %swap3A_881 = arith.constant 1008 : index
      %swap3A_882 = tpu.vector_load %arg10[%swap3A_880, %swap3A_881] {strides = array<i32>} : memref<32x1024xf32, #tpu.memory_space<vmem>>, vector<16xf32>,
      tpu.vector_store %arg10[%swap3A_880, %swap3A_881], %add3A_876 {strides = array<i32>} : memref<32x1024xf32, #tpu.memory_space<vmem>>, vector<16xf32>,
    }
    %scan3A_52 = arith.constant 32 : i32
    %add3A_53 = arith.constant 32 : i32
    %add3A_54 = arith.addi %mul3A_2, %add3A_53 : i32
    "tpu.region"() ({
      %run_scoped3A = tpu.sem_alloc : memref<!tpu.dma_semaphore, #tpu.memory_space<semaphore_mem>>
      %dma_start3A_55 = arith.constant 0 : i32
      %dma_start3A_56 = tpu.memref_slice %arg5[%add3A_54, %dma_start3A_55] : memref<2048x1024xf32, #tpu.memory_space<hbm>> -> memref<32x1024xf32, #tpu.memory_space<hbm>>
      %dma_start3A_57 = arith.constant 0 : i32
      %dma_start3A_58 = tpu.memref_slice %arg5[%add3A_54, %dma_start3A_57] : memref<2048x1024xf32, #tpu.memory_space<hbm>> -> memref<32x1024xf32, #tpu.memory_space<hbm>>
      tpu.enqueue_dma source(%arg10 : memref<32x1024xf32, #tpu.memory_space<vmem>>) target(%dma_start3A_58 : memref<32x1024xf32, #tpu.memory_space<hbm>>) target_semaphore(%run_scoped3A : memref<!tpu.dma_semaphore, #tpu.memory_space<semaphore_mem>>)
      %dma_wait3A_59 = arith.constant 0 : i32
      %dma_wait3A_60 = tpu.memref_slice %arg5[%add3A_54, %dma_wait3A_59] : memref<2048x1024xf32, #tpu.memory_space<hbm>> -> memref<32x1024xf32, #tpu.memory_space<hbm>>
      %dma_wait3A_61 = arith.constant 0 : i32
      %dma_wait3A_62 = tpu.memref_slice %arg5[%add3A_54, %dma_wait3A_61] : memref<2048x1024xf32, #tpu.memory_space<hbm>> -> memref<32x1024xf32, #tpu.memory_space<hbm>>
      tpu.wait_dma2 semaphore(%run_scoped3A : memref<!tpu.dma_semaphore, #tpu.memory_space<semaphore_mem>>) src(%arg10 : memref<32x1024xf32, #tpu.memory_space<vmem>>) dst(%dma_wait3A_62 : memref<32x1024xf32, #tpu.memory_space<hbm>>)
      tpu.yield
    }) : () -> ()
    return
  }
}

module attributes {stable_mosaic.version = 14 : i64} {
  func.func @_gate_body(%arg0: memref<2048x1024xf32, #tpu.memory_space<vmem>>, %arg1: memref<8x1024xf32, #tpu.memory_space<vmem>>, %arg2: memref<2048x1xi32, #tpu.memory_space<vmem>>, %arg3: memref<2048x1xi32, #tpu.memory_space<vmem>>, %arg4: memref<2048x1xf32, #tpu.memory_space<vmem>>, %arg5: memref<2048x1xf32, #tpu.memory_space<vmem>>, %arg6: memref<3x23xi32, #tpu.memory_space<vmem>>, %arg7: memref<2048x512xi32, #tpu.memory_space<vmem>>) attributes {dimension_semantics = [], scalar_prefetch = 0 : i64, scratch_operands = 0 : i64, tpu.core_type = #tpu.core_type<tc>} {
    %get3A = arith.constant 0 : index
    %get3A_0 = arith.constant 0 : index
    %get3A_1 = vector.load %arg0[%get3A, %get3A_0] : memref<2048x1024xf32, #tpu.memory_space<vmem>>, vector<2048x1024xf32>
    %slice3A = vector.extract_strided_slice %get3A_1 {offsets = [0, 0], sizes = [2048, 512], strides = [1, 1]} : vector<2048x1024xf32> to vector<2048x512xf32>
    %bitcast_convert_type3A = tpu.bitcast %slice3A : vector<2048x512xf32> -> vector<2048x512xi32>
    %add3A = arith.constant 32767 : i32
    %add3A_2 = vector.broadcast %add3A : i32 to vector<2048x512xi32>
    %add3A_3 = arith.addi %bitcast_convert_type3A, %add3A_2 : vector<2048x512xi32>
    %shift_right_logical3A = arith.constant 16 : i32
    %shift_right_logical3A_4 = vector.broadcast %shift_right_logical3A : i32 to vector<2048x512xi32>
    %shift_right_logical3A_5 = arith.shrui %bitcast_convert_type3A, %shift_right_logical3A_4 : vector<2048x512xi32>
    %and3A = arith.constant 1 : i32
    %and3A_6 = vector.broadcast %and3A : i32 to vector<2048x512xi32>
    %and3A_7 = arith.andi %shift_right_logical3A_5, %and3A_6 : vector<2048x512xi32>
    %add3A_8 = arith.addi %add3A_3, %and3A_7 : vector<2048x512xi32>
    %slice3A_9 = vector.extract_strided_slice %get3A_1 {offsets = [0, 512], sizes = [2048, 512], strides = [1, 1]} : vector<2048x1024xf32> to vector<2048x512xf32>
    %bitcast_convert_type3A_10 = tpu.bitcast %slice3A_9 : vector<2048x512xf32> -> vector<2048x512xi32>
    %add3A_11 = arith.constant 32767 : i32
    %add3A_12 = vector.broadcast %add3A_11 : i32 to vector<2048x512xi32>
    %add3A_13 = arith.addi %bitcast_convert_type3A_10, %add3A_12 : vector<2048x512xi32>
    %shift_right_logical3A_14 = arith.constant 16 : i32
    %shift_right_logical3A_15 = vector.broadcast %shift_right_logical3A_14 : i32 to vector<2048x512xi32>
    %shift_right_logical3A_16 = arith.shrui %bitcast_convert_type3A_10, %shift_right_logical3A_15 : vector<2048x512xi32>
    %and3A_17 = arith.constant 1 : i32
    %and3A_18 = vector.broadcast %and3A_17 : i32 to vector<2048x512xi32>
    %and3A_19 = arith.andi %shift_right_logical3A_16, %and3A_18 : vector<2048x512xi32>
    %add3A_20 = arith.addi %add3A_13, %and3A_19 : vector<2048x512xi32>
    %and3A_21 = arith.constant -65536 : i32
    %and3A_22 = vector.broadcast %and3A_21 : i32 to vector<2048x512xi32>
    %and3A_23 = arith.andi %add3A_20, %and3A_22 : vector<2048x512xi32>
    %shift_right_logical3A_24 = arith.constant 16 : i32
    %shift_right_logical3A_25 = vector.broadcast %shift_right_logical3A_24 : i32 to vector<2048x512xi32>
    %shift_right_logical3A_26 = arith.shrui %add3A_8, %shift_right_logical3A_25 : vector<2048x512xi32>
    %and3A_27 = arith.constant 65535 : i32
    %and3A_28 = vector.broadcast %and3A_27 : i32 to vector<2048x512xi32>
    %and3A_29 = arith.andi %shift_right_logical3A_26, %and3A_28 : vector<2048x512xi32>
    %or3A = arith.ori %and3A_23, %and3A_29 : vector<2048x512xi32>
    %swap3A = arith.constant 0 : index
    %swap3A_30 = arith.constant 0 : index
    %swap3A_31 = vector.load %arg7[%swap3A, %swap3A_30] : memref<2048x512xi32, #tpu.memory_space<vmem>>, vector<2048x512xi32>
    tpu.vector_store %arg7[%swap3A, %swap3A_30], %or3A {strides = array<i32>} : memref<2048x512xi32, #tpu.memory_space<vmem>>, vector<2048x512xi32>,
    %get3A_32 = arith.constant 0 : index
    %get3A_33 = arith.constant 0 : index
    %get3A_34 = vector.load %arg1[%get3A_32, %get3A_33] : memref<8x1024xf32, #tpu.memory_space<vmem>>, vector<8x1024xf32>
    %dot_general3A = arith.constant dense<0.000000e+00> : vector<2048x8xf32>
    %dot_general3A_35 = tpu.matmul %get3A_1, %get3A_34, %dot_general3A {dimension_numbers = #tpu.dot_dimension_numbers<[1], [1], [0], [0], [0, 0, 1, 0], [], []>, transpose_lhs_hint = false} : vector<2048x1024xf32>, vector<8x1024xf32>, vector<2048x8xf32> -> vector<2048x8xf32>
    %iota3A = tpu.iota {dimensions = array<i32: 1>} : vector<2048x8xi32>
    %reduce_max3A = arith.constant dense<0xFF800000> : vector<2048xf32>
    %reduce_max3A_36 = vector.multi_reduction <maximumf>, %dot_general3A_35, %reduce_max3A [1] : vector<2048x8xf32> to vector<2048xf32>
    %broadcast_in_dim3A = vector.shape_cast %reduce_max3A_36 : vector<2048xf32> to vector<2048x1xf32>
    %eq3A = vector.broadcast %broadcast_in_dim3A : vector<2048x1xf32> to vector<2048x8xf32>
    %eq3A_37 = arith.cmpf oeq, %dot_general3A_35, %eq3A : vector<2048x8xf32>
    %jit3A = arith.constant 8 : i32
    %broadcast_in_dim3A_38 = vector.broadcast %jit3A : i32 to vector<2048x8xi32>
    %select_n3A = arith.select %eq3A_37, %iota3A, %broadcast_in_dim3A_38 : vector<2048x8xi1>, vector<2048x8xi32>
    %reduce_min3A = arith.constant dense<2147483647> : vector<2048xi32>
    %reduce_min3A_39 = vector.multi_reduction <minsi>, %select_n3A, %reduce_min3A [1] : vector<2048x8xi32> to vector<2048xi32>
    %broadcast_in_dim3A_40 = vector.shape_cast %reduce_min3A_39 : vector<2048xi32> to vector<2048x1xi32>
    %eq3A_41 = vector.broadcast %broadcast_in_dim3A_40 : vector<2048x1xi32> to vector<2048x8xi32>
    %eq3A_42 = arith.cmpi eq, %iota3A, %eq3A_41 : vector<2048x8xi32>
    %convert_element_type3A = arith.extui %eq3A_42 : vector<2048x8xi1> to vector<2048x8xi32>
    %convert_element_type3A_43 = arith.sitofp %convert_element_type3A : vector<2048x8xi32> to vector<2048x8xf32>
    %eq3A_44 = vector.broadcast %broadcast_in_dim3A_40 : vector<2048x1xi32> to vector<2048x8xi32>
    %eq3A_45 = arith.cmpi eq, %iota3A, %eq3A_44 : vector<2048x8xi32>
    %jit3A_46 = arith.constant 0xFF800000 : f32
    %broadcast_in_dim3A_47 = vector.broadcast %jit3A_46 : f32 to vector<2048x8xf32>
    %select_n3A_48 = arith.select %eq3A_45, %broadcast_in_dim3A_47, %dot_general3A_35 : vector<2048x8xi1>, vector<2048x8xf32>
    %reduce_max3A_49 = arith.constant dense<0xFF800000> : vector<2048xf32>
    %reduce_max3A_50 = vector.multi_reduction <maximumf>, %select_n3A_48, %reduce_max3A_49 [1] : vector<2048x8xf32> to vector<2048xf32>
    %broadcast_in_dim3A_51 = vector.shape_cast %reduce_max3A_50 : vector<2048xf32> to vector<2048x1xf32>
    %eq3A_52 = vector.broadcast %broadcast_in_dim3A_51 : vector<2048x1xf32> to vector<2048x8xf32>
    %eq3A_53 = arith.cmpf oeq, %select_n3A_48, %eq3A_52 : vector<2048x8xf32>
    %jit3A_54 = arith.constant 8 : i32
    %broadcast_in_dim3A_55 = vector.broadcast %jit3A_54 : i32 to vector<2048x8xi32>
    %select_n3A_56 = arith.select %eq3A_53, %iota3A, %broadcast_in_dim3A_55 : vector<2048x8xi1>, vector<2048x8xi32>
    %reduce_min3A_57 = arith.constant dense<2147483647> : vector<2048xi32>
    %reduce_min3A_58 = vector.multi_reduction <minsi>, %select_n3A_56, %reduce_min3A_57 [1] : vector<2048x8xi32> to vector<2048xi32>
    %broadcast_in_dim3A_59 = vector.shape_cast %reduce_min3A_58 : vector<2048xi32> to vector<2048x1xi32>
    %eq3A_60 = vector.broadcast %broadcast_in_dim3A_59 : vector<2048x1xi32> to vector<2048x8xi32>
    %eq3A_61 = arith.cmpi eq, %iota3A, %eq3A_60 : vector<2048x8xi32>
    %convert_element_type3A_62 = arith.extui %eq3A_61 : vector<2048x8xi1> to vector<2048x8xi32>
    %convert_element_type3A_63 = arith.sitofp %convert_element_type3A_62 : vector<2048x8xi32> to vector<2048x8xf32>
    %sub3A = arith.subf %broadcast_in_dim3A_51, %broadcast_in_dim3A : vector<2048x1xf32>
    %exp3A = math.exp %sub3A : vector<2048x1xf32>
    %add3A_64 = arith.constant 1.000000e+00 : f32
    %add3A_65 = vector.broadcast %add3A_64 : f32 to vector<2048x1xf32>
    %add3A_66 = arith.addf %add3A_65, %exp3A : vector<2048x1xf32>
    %div3A = arith.constant 1.000000e+00 : f32
    %div3A_67 = vector.broadcast %div3A : f32 to vector<2048x1xf32>
    %div3A_68 = arith.divf %div3A_67, %add3A_66 : vector<2048x1xf32>
    %broadcast_in_dim3A_69 = arith.constant 0.000000e+00 : f32
    %broadcast_in_dim3A_70 = vector.broadcast %broadcast_in_dim3A_69 : f32 to vector<1x8xf32>
    %slice3A_71 = vector.extract_strided_slice %convert_element_type3A_43 {offsets = [0, 0], sizes = [2047, 8], strides = [1, 1]} : vector<2048x8xf32> to vector<2047x8xf32>
    %concatenate3A = tpu.concatenate %broadcast_in_dim3A_70, %slice3A_71 in 0 : vector<1x8xf32>, vector<2047x8xf32> -> vector<2048x8xf32>
    %add3A_72 = arith.addf %convert_element_type3A_43, %concatenate3A : vector<2048x8xf32>
    %broadcast_in_dim3A_73 = arith.constant 0.000000e+00 : f32
    %broadcast_in_dim3A_74 = vector.broadcast %broadcast_in_dim3A_73 : f32 to vector<2x8xf32>
    %slice3A_75 = vector.extract_strided_slice %add3A_72 {offsets = [0, 0], sizes = [2046, 8], strides = [1, 1]} : vector<2048x8xf32> to vector<2046x8xf32>
    %concatenate3A_76 = tpu.concatenate %broadcast_in_dim3A_74, %slice3A_75 in 0 : vector<2x8xf32>, vector<2046x8xf32> -> vector<2048x8xf32>
    %add3A_77 = arith.addf %add3A_72, %concatenate3A_76 : vector<2048x8xf32>
    %broadcast_in_dim3A_78 = arith.constant 0.000000e+00 : f32
    %broadcast_in_dim3A_79 = vector.broadcast %broadcast_in_dim3A_78 : f32 to vector<4x8xf32>
    %slice3A_80 = vector.extract_strided_slice %add3A_77 {offsets = [0, 0], sizes = [2044, 8], strides = [1, 1]} : vector<2048x8xf32> to vector<2044x8xf32>
    %concatenate3A_81 = tpu.concatenate %broadcast_in_dim3A_79, %slice3A_80 in 0 : vector<4x8xf32>, vector<2044x8xf32> -> vector<2048x8xf32>
    %add3A_82 = arith.addf %add3A_77, %concatenate3A_81 : vector<2048x8xf32>
    %broadcast_in_dim3A_83 = arith.constant 0.000000e+00 : f32
    %broadcast_in_dim3A_84 = vector.broadcast %broadcast_in_dim3A_83 : f32 to vector<8x8xf32>
    %slice3A_85 = vector.extract_strided_slice %add3A_82 {offsets = [0, 0], sizes = [2040, 8], strides = [1, 1]} : vector<2048x8xf32> to vector<2040x8xf32>
    %concatenate3A_86 = tpu.concatenate %broadcast_in_dim3A_84, %slice3A_85 in 0 : vector<8x8xf32>, vector<2040x8xf32> -> vector<2048x8xf32>
    %add3A_87 = arith.addf %add3A_82, %concatenate3A_86 : vector<2048x8xf32>
    %broadcast_in_dim3A_88 = arith.constant 0.000000e+00 : f32
    %broadcast_in_dim3A_89 = vector.broadcast %broadcast_in_dim3A_88 : f32 to vector<16x8xf32>
    %slice3A_90 = vector.extract_strided_slice %add3A_87 {offsets = [0, 0], sizes = [2032, 8], strides = [1, 1]} : vector<2048x8xf32> to vector<2032x8xf32>
    %concatenate3A_91 = tpu.concatenate %broadcast_in_dim3A_89, %slice3A_90 in 0 : vector<16x8xf32>, vector<2032x8xf32> -> vector<2048x8xf32>
    %add3A_92 = arith.addf %add3A_87, %concatenate3A_91 : vector<2048x8xf32>
    %broadcast_in_dim3A_93 = arith.constant 0.000000e+00 : f32
    %broadcast_in_dim3A_94 = vector.broadcast %broadcast_in_dim3A_93 : f32 to vector<32x8xf32>
    %slice3A_95 = vector.extract_strided_slice %add3A_92 {offsets = [0, 0], sizes = [2016, 8], strides = [1, 1]} : vector<2048x8xf32> to vector<2016x8xf32>
    %concatenate3A_96 = tpu.concatenate %broadcast_in_dim3A_94, %slice3A_95 in 0 : vector<32x8xf32>, vector<2016x8xf32> -> vector<2048x8xf32>
    %add3A_97 = arith.addf %add3A_92, %concatenate3A_96 : vector<2048x8xf32>
    %broadcast_in_dim3A_98 = arith.constant 0.000000e+00 : f32
    %broadcast_in_dim3A_99 = vector.broadcast %broadcast_in_dim3A_98 : f32 to vector<64x8xf32>
    %slice3A_100 = vector.extract_strided_slice %add3A_97 {offsets = [0, 0], sizes = [1984, 8], strides = [1, 1]} : vector<2048x8xf32> to vector<1984x8xf32>
    %concatenate3A_101 = tpu.concatenate %broadcast_in_dim3A_99, %slice3A_100 in 0 : vector<64x8xf32>, vector<1984x8xf32> -> vector<2048x8xf32>
    %add3A_102 = arith.addf %add3A_97, %concatenate3A_101 : vector<2048x8xf32>
    %broadcast_in_dim3A_103 = arith.constant 0.000000e+00 : f32
    %broadcast_in_dim3A_104 = vector.broadcast %broadcast_in_dim3A_103 : f32 to vector<128x8xf32>
    %slice3A_105 = vector.extract_strided_slice %add3A_102 {offsets = [0, 0], sizes = [1920, 8], strides = [1, 1]} : vector<2048x8xf32> to vector<1920x8xf32>
    %concatenate3A_106 = tpu.concatenate %broadcast_in_dim3A_104, %slice3A_105 in 0 : vector<128x8xf32>, vector<1920x8xf32> -> vector<2048x8xf32>
    %add3A_107 = arith.addf %add3A_102, %concatenate3A_106 : vector<2048x8xf32>
    %broadcast_in_dim3A_108 = arith.constant 0.000000e+00 : f32
    %broadcast_in_dim3A_109 = vector.broadcast %broadcast_in_dim3A_108 : f32 to vector<256x8xf32>
    %slice3A_110 = vector.extract_strided_slice %add3A_107 {offsets = [0, 0], sizes = [1792, 8], strides = [1, 1]} : vector<2048x8xf32> to vector<1792x8xf32>
    %concatenate3A_111 = tpu.concatenate %broadcast_in_dim3A_109, %slice3A_110 in 0 : vector<256x8xf32>, vector<1792x8xf32> -> vector<2048x8xf32>
    %add3A_112 = arith.addf %add3A_107, %concatenate3A_111 : vector<2048x8xf32>
    %broadcast_in_dim3A_113 = arith.constant 0.000000e+00 : f32
    %broadcast_in_dim3A_114 = vector.broadcast %broadcast_in_dim3A_113 : f32 to vector<512x8xf32>
    %slice3A_115 = vector.extract_strided_slice %add3A_112 {offsets = [0, 0], sizes = [1536, 8], strides = [1, 1]} : vector<2048x8xf32> to vector<1536x8xf32>
    %concatenate3A_116 = tpu.concatenate %broadcast_in_dim3A_114, %slice3A_115 in 0 : vector<512x8xf32>, vector<1536x8xf32> -> vector<2048x8xf32>
    %add3A_117 = arith.addf %add3A_112, %concatenate3A_116 : vector<2048x8xf32>
    %broadcast_in_dim3A_118 = arith.constant 0.000000e+00 : f32
    %broadcast_in_dim3A_119 = vector.broadcast %broadcast_in_dim3A_118 : f32 to vector<1024x8xf32>
    %slice3A_120 = vector.extract_strided_slice %add3A_117 {offsets = [0, 0], sizes = [1024, 8], strides = [1, 1]} : vector<2048x8xf32> to vector<1024x8xf32>
    %concatenate3A_121 = tpu.concatenate %broadcast_in_dim3A_119, %slice3A_120 in 0 : vector<1024x8xf32>, vector<1024x8xf32> -> vector<2048x8xf32>
    %add3A_122 = arith.addf %add3A_117, %concatenate3A_121 : vector<2048x8xf32>
    %slice3A_123 = vector.extract_strided_slice %add3A_122 {offsets = [2047, 0], sizes = [1, 8], strides = [1, 1]} : vector<2048x8xf32> to vector<1x8xf32>
    %broadcast_in_dim3A_124 = arith.constant 0.000000e+00 : f32
    %broadcast_in_dim3A_125 = vector.broadcast %broadcast_in_dim3A_124 : f32 to vector<1x8xf32>
    %slice3A_126 = vector.extract_strided_slice %convert_element_type3A_63 {offsets = [0, 0], sizes = [2047, 8], strides = [1, 1]} : vector<2048x8xf32> to vector<2047x8xf32>
    %concatenate3A_127 = tpu.concatenate %broadcast_in_dim3A_125, %slice3A_126 in 0 : vector<1x8xf32>, vector<2047x8xf32> -> vector<2048x8xf32>
    %add3A_128 = arith.addf %convert_element_type3A_63, %concatenate3A_127 : vector<2048x8xf32>
    %broadcast_in_dim3A_129 = arith.constant 0.000000e+00 : f32
    %broadcast_in_dim3A_130 = vector.broadcast %broadcast_in_dim3A_129 : f32 to vector<2x8xf32>
    %slice3A_131 = vector.extract_strided_slice %add3A_128 {offsets = [0, 0], sizes = [2046, 8], strides = [1, 1]} : vector<2048x8xf32> to vector<2046x8xf32>
    %concatenate3A_132 = tpu.concatenate %broadcast_in_dim3A_130, %slice3A_131 in 0 : vector<2x8xf32>, vector<2046x8xf32> -> vector<2048x8xf32>
    %add3A_133 = arith.addf %add3A_128, %concatenate3A_132 : vector<2048x8xf32>
    %broadcast_in_dim3A_134 = arith.constant 0.000000e+00 : f32
    %broadcast_in_dim3A_135 = vector.broadcast %broadcast_in_dim3A_134 : f32 to vector<4x8xf32>
    %slice3A_136 = vector.extract_strided_slice %add3A_133 {offsets = [0, 0], sizes = [2044, 8], strides = [1, 1]} : vector<2048x8xf32> to vector<2044x8xf32>
    %concatenate3A_137 = tpu.concatenate %broadcast_in_dim3A_135, %slice3A_136 in 0 : vector<4x8xf32>, vector<2044x8xf32> -> vector<2048x8xf32>
    %add3A_138 = arith.addf %add3A_133, %concatenate3A_137 : vector<2048x8xf32>
    %broadcast_in_dim3A_139 = arith.constant 0.000000e+00 : f32
    %broadcast_in_dim3A_140 = vector.broadcast %broadcast_in_dim3A_139 : f32 to vector<8x8xf32>
    %slice3A_141 = vector.extract_strided_slice %add3A_138 {offsets = [0, 0], sizes = [2040, 8], strides = [1, 1]} : vector<2048x8xf32> to vector<2040x8xf32>
    %concatenate3A_142 = tpu.concatenate %broadcast_in_dim3A_140, %slice3A_141 in 0 : vector<8x8xf32>, vector<2040x8xf32> -> vector<2048x8xf32>
    %add3A_143 = arith.addf %add3A_138, %concatenate3A_142 : vector<2048x8xf32>
    %broadcast_in_dim3A_144 = arith.constant 0.000000e+00 : f32
    %broadcast_in_dim3A_145 = vector.broadcast %broadcast_in_dim3A_144 : f32 to vector<16x8xf32>
    %slice3A_146 = vector.extract_strided_slice %add3A_143 {offsets = [0, 0], sizes = [2032, 8], strides = [1, 1]} : vector<2048x8xf32> to vector<2032x8xf32>
    %concatenate3A_147 = tpu.concatenate %broadcast_in_dim3A_145, %slice3A_146 in 0 : vector<16x8xf32>, vector<2032x8xf32> -> vector<2048x8xf32>
    %add3A_148 = arith.addf %add3A_143, %concatenate3A_147 : vector<2048x8xf32>
    %broadcast_in_dim3A_149 = arith.constant 0.000000e+00 : f32
    %broadcast_in_dim3A_150 = vector.broadcast %broadcast_in_dim3A_149 : f32 to vector<32x8xf32>
    %slice3A_151 = vector.extract_strided_slice %add3A_148 {offsets = [0, 0], sizes = [2016, 8], strides = [1, 1]} : vector<2048x8xf32> to vector<2016x8xf32>
    %concatenate3A_152 = tpu.concatenate %broadcast_in_dim3A_150, %slice3A_151 in 0 : vector<32x8xf32>, vector<2016x8xf32> -> vector<2048x8xf32>
    %add3A_153 = arith.addf %add3A_148, %concatenate3A_152 : vector<2048x8xf32>
    %broadcast_in_dim3A_154 = arith.constant 0.000000e+00 : f32
    %broadcast_in_dim3A_155 = vector.broadcast %broadcast_in_dim3A_154 : f32 to vector<64x8xf32>
    %slice3A_156 = vector.extract_strided_slice %add3A_153 {offsets = [0, 0], sizes = [1984, 8], strides = [1, 1]} : vector<2048x8xf32> to vector<1984x8xf32>
    %concatenate3A_157 = tpu.concatenate %broadcast_in_dim3A_155, %slice3A_156 in 0 : vector<64x8xf32>, vector<1984x8xf32> -> vector<2048x8xf32>
    %add3A_158 = arith.addf %add3A_153, %concatenate3A_157 : vector<2048x8xf32>
    %broadcast_in_dim3A_159 = arith.constant 0.000000e+00 : f32
    %broadcast_in_dim3A_160 = vector.broadcast %broadcast_in_dim3A_159 : f32 to vector<128x8xf32>
    %slice3A_161 = vector.extract_strided_slice %add3A_158 {offsets = [0, 0], sizes = [1920, 8], strides = [1, 1]} : vector<2048x8xf32> to vector<1920x8xf32>
    %concatenate3A_162 = tpu.concatenate %broadcast_in_dim3A_160, %slice3A_161 in 0 : vector<128x8xf32>, vector<1920x8xf32> -> vector<2048x8xf32>
    %add3A_163 = arith.addf %add3A_158, %concatenate3A_162 : vector<2048x8xf32>
    %broadcast_in_dim3A_164 = arith.constant 0.000000e+00 : f32
    %broadcast_in_dim3A_165 = vector.broadcast %broadcast_in_dim3A_164 : f32 to vector<256x8xf32>
    %slice3A_166 = vector.extract_strided_slice %add3A_163 {offsets = [0, 0], sizes = [1792, 8], strides = [1, 1]} : vector<2048x8xf32> to vector<1792x8xf32>
    %concatenate3A_167 = tpu.concatenate %broadcast_in_dim3A_165, %slice3A_166 in 0 : vector<256x8xf32>, vector<1792x8xf32> -> vector<2048x8xf32>
    %add3A_168 = arith.addf %add3A_163, %concatenate3A_167 : vector<2048x8xf32>
    %broadcast_in_dim3A_169 = arith.constant 0.000000e+00 : f32
    %broadcast_in_dim3A_170 = vector.broadcast %broadcast_in_dim3A_169 : f32 to vector<512x8xf32>
    %slice3A_171 = vector.extract_strided_slice %add3A_168 {offsets = [0, 0], sizes = [1536, 8], strides = [1, 1]} : vector<2048x8xf32> to vector<1536x8xf32>
    %concatenate3A_172 = tpu.concatenate %broadcast_in_dim3A_170, %slice3A_171 in 0 : vector<512x8xf32>, vector<1536x8xf32> -> vector<2048x8xf32>
    %add3A_173 = arith.addf %add3A_168, %concatenate3A_172 : vector<2048x8xf32>
    %broadcast_in_dim3A_174 = arith.constant 0.000000e+00 : f32
    %broadcast_in_dim3A_175 = vector.broadcast %broadcast_in_dim3A_174 : f32 to vector<1024x8xf32>
    %slice3A_176 = vector.extract_strided_slice %add3A_173 {offsets = [0, 0], sizes = [1024, 8], strides = [1, 1]} : vector<2048x8xf32> to vector<1024x8xf32>
    %concatenate3A_177 = tpu.concatenate %broadcast_in_dim3A_175, %slice3A_176 in 0 : vector<1024x8xf32>, vector<1024x8xf32> -> vector<2048x8xf32>
    %add3A_178 = arith.addf %add3A_173, %concatenate3A_177 : vector<2048x8xf32>
    %slice3A_179 = vector.extract_strided_slice %add3A_178 {offsets = [2047, 0], sizes = [1, 8], strides = [1, 1]} : vector<2048x8xf32> to vector<1x8xf32>
    %sub3A_180 = arith.subf %add3A_122, %convert_element_type3A_43 : vector<2048x8xf32>
    %mul3A = arith.mulf %sub3A_180, %convert_element_type3A_43 : vector<2048x8xf32>
    %reduce_sum3A = arith.constant dense<0.000000e+00> : vector<2048xf32>
    %reduce_sum3A_181 = vector.multi_reduction <add>, %mul3A, %reduce_sum3A [1] : vector<2048x8xf32> to vector<2048xf32>
    %broadcast_in_dim3A_182 = vector.shape_cast %reduce_sum3A_181 : vector<2048xf32> to vector<2048x1xf32>
    %sub3A_183 = arith.subf %add3A_178, %convert_element_type3A_63 : vector<2048x8xf32>
    %add3A_184 = vector.broadcast %slice3A_123 : vector<1x8xf32> to vector<2048x8xf32>
    %add3A_185 = arith.addf %sub3A_183, %add3A_184 : vector<2048x8xf32>
    %mul3A_186 = arith.mulf %add3A_185, %convert_element_type3A_63 : vector<2048x8xf32>
    %reduce_sum3A_187 = arith.constant dense<0.000000e+00> : vector<2048xf32>
    %reduce_sum3A_188 = vector.multi_reduction <add>, %mul3A_186, %reduce_sum3A_187 [1] : vector<2048x8xf32> to vector<2048xf32>
    %broadcast_in_dim3A_189 = vector.shape_cast %reduce_sum3A_188 : vector<2048xf32> to vector<2048x1xf32>
    %add3A_190 = arith.addf %slice3A_123, %slice3A_179 : vector<1x8xf32>
    %add3A_191 = arith.constant 2.550000e+02 : f32
    %add3A_192 = vector.broadcast %add3A_191 : f32 to vector<1x8xf32>
    %add3A_193 = arith.addf %add3A_190, %add3A_192 : vector<1x8xf32>
    %div3A_194 = arith.constant 2.560000e+02 : f32
    %div3A_195 = vector.broadcast %div3A_194 : f32 to vector<1x8xf32>
    %div3A_196 = arith.divf %add3A_193, %div3A_195 : vector<1x8xf32>
    %floor3A = math.floor %div3A_196 : vector<1x8xf32>
    %mul3A_197 = arith.constant 2.560000e+02 : f32
    %mul3A_198 = vector.broadcast %mul3A_197 : f32 to vector<1x8xf32>
    %mul3A_199 = arith.mulf %floor3A, %mul3A_198 : vector<1x8xf32>
    %iota3A_200 = tpu.iota {dimensions = array<i32: 0>} : vector<8x8xi32>
    %iota3A_201 = tpu.iota {dimensions = array<i32: 1>} : vector<8x8xi32>
    %lt3A = arith.cmpi slt, %iota3A_200, %iota3A_201 : vector<8x8xi32>
    %convert_element_type3A_202 = arith.extui %lt3A : vector<8x8xi1> to vector<8x8xi32>
    %convert_element_type3A_203 = arith.sitofp %convert_element_type3A_202 : vector<8x8xi32> to vector<8x8xf32>
    %dot_general3A_204 = arith.constant dense<0.000000e+00> : vector<1x8xf32>
    %dot_general3A_205 = tpu.matmul %mul3A_199, %convert_element_type3A_203, %dot_general3A_204 {dimension_numbers = #tpu.dot_dimension_numbers<[1], [0], [0], [1], [0, 0, 1, 1], [], []>, transpose_lhs_hint = false} : vector<1x8xf32>, vector<8x8xf32>, vector<1x8xf32> -> vector<1x8xf32>
    %mul3A_206 = vector.broadcast %dot_general3A_205 : vector<1x8xf32> to vector<2048x8xf32>
    %mul3A_207 = arith.mulf %mul3A_206, %convert_element_type3A_43 : vector<2048x8xf32>
    %reduce_sum3A_208 = arith.constant dense<0.000000e+00> : vector<2048xf32>
    %reduce_sum3A_209 = vector.multi_reduction <add>, %mul3A_207, %reduce_sum3A_208 [1] : vector<2048x8xf32> to vector<2048xf32>
    %broadcast_in_dim3A_210 = vector.shape_cast %reduce_sum3A_209 : vector<2048xf32> to vector<2048x1xf32>
    %add3A_211 = arith.addf %broadcast_in_dim3A_210, %broadcast_in_dim3A_182 : vector<2048x1xf32>
    %convert_element_type3A_212 = arith.fptosi %add3A_211 : vector<2048x1xf32> to vector<2048x1xi32>
    %swap3A_213 = arith.constant 0 : index
    %swap3A_214 = arith.constant 0 : index
    %swap3A_215 = vector.load %arg2[%swap3A_213, %swap3A_214] : memref<2048x1xi32, #tpu.memory_space<vmem>>, vector<2048x1xi32>
    tpu.vector_store %arg2[%swap3A_213, %swap3A_214], %convert_element_type3A_212 {strides = array<i32>} : memref<2048x1xi32, #tpu.memory_space<vmem>>, vector<2048x1xi32>,
    %mul3A_216 = vector.broadcast %dot_general3A_205 : vector<1x8xf32> to vector<2048x8xf32>
    %mul3A_217 = arith.mulf %mul3A_216, %convert_element_type3A_63 : vector<2048x8xf32>
    %reduce_sum3A_218 = arith.constant dense<0.000000e+00> : vector<2048xf32>
    %reduce_sum3A_219 = vector.multi_reduction <add>, %mul3A_217, %reduce_sum3A_218 [1] : vector<2048x8xf32> to vector<2048xf32>
    %broadcast_in_dim3A_220 = vector.shape_cast %reduce_sum3A_219 : vector<2048xf32> to vector<2048x1xf32>
    %add3A_221 = arith.addf %broadcast_in_dim3A_220, %broadcast_in_dim3A_189 : vector<2048x1xf32>
    %convert_element_type3A_222 = arith.fptosi %add3A_221 : vector<2048x1xf32> to vector<2048x1xi32>
    %swap3A_223 = arith.constant 0 : index
    %swap3A_224 = arith.constant 0 : index
    %swap3A_225 = vector.load %arg3[%swap3A_223, %swap3A_224] : memref<2048x1xi32, #tpu.memory_space<vmem>>, vector<2048x1xi32>
    tpu.vector_store %arg3[%swap3A_223, %swap3A_224], %convert_element_type3A_222 {strides = array<i32>} : memref<2048x1xi32, #tpu.memory_space<vmem>>, vector<2048x1xi32>,
    %swap3A_226 = arith.constant 0 : index
    %swap3A_227 = arith.constant 0 : index
    %swap3A_228 = vector.load %arg4[%swap3A_226, %swap3A_227] : memref<2048x1xf32, #tpu.memory_space<vmem>>, vector<2048x1xf32>
    tpu.vector_store %arg4[%swap3A_226, %swap3A_227], %div3A_68 {strides = array<i32>} : memref<2048x1xf32, #tpu.memory_space<vmem>>, vector<2048x1xf32>,
    %sub3A_229 = arith.constant 1.000000e+00 : f32
    %sub3A_230 = vector.broadcast %sub3A_229 : f32 to vector<2048x1xf32>
    %sub3A_231 = arith.subf %sub3A_230, %div3A_68 : vector<2048x1xf32>
    %swap3A_232 = arith.constant 0 : index
    %swap3A_233 = arith.constant 0 : index
    %swap3A_234 = vector.load %arg5[%swap3A_232, %swap3A_233] : memref<2048x1xf32, #tpu.memory_space<vmem>>, vector<2048x1xf32>
    tpu.vector_store %arg5[%swap3A_232, %swap3A_233], %sub3A_231 {strides = array<i32>} : memref<2048x1xf32, #tpu.memory_space<vmem>>, vector<2048x1xf32>,
    %mul3A_235 = arith.constant 3.906250e-03 : f32
    %mul3A_236 = vector.broadcast %mul3A_235 : f32 to vector<1x8xf32>
    %mul3A_237 = arith.mulf %mul3A_199, %mul3A_236 : vector<1x8xf32>
    %le3A = arith.cmpi sle, %iota3A_200, %iota3A_201 : vector<8x8xi32>
    %convert_element_type3A_238 = arith.extui %le3A : vector<8x8xi1> to vector<8x8xi32>
    %convert_element_type3A_239 = arith.sitofp %convert_element_type3A_238 : vector<8x8xi32> to vector<8x8xf32>
    %dot_general3A_240 = arith.constant dense<0.000000e+00> : vector<1x8xf32>
    %dot_general3A_241 = tpu.matmul %mul3A_237, %convert_element_type3A_239, %dot_general3A_240 {dimension_numbers = #tpu.dot_dimension_numbers<[1], [0], [0], [1], [0, 0, 1, 1], [], []>, transpose_lhs_hint = false} : vector<1x8xf32>, vector<8x8xf32>, vector<1x8xf32> -> vector<1x8xf32>
    %reduce_sum3A_242 = arith.constant dense<0.000000e+00> : vector<1xf32>
    %reduce_sum3A_243 = vector.multi_reduction <add>, %mul3A_237, %reduce_sum3A_242 [1] : vector<1x8xf32> to vector<1xf32>
    %broadcast_in_dim3A_244 = vector.shape_cast %reduce_sum3A_243 : vector<1xf32> to vector<1x1xf32>
    %convert_element_type3A_245 = arith.fptosi %broadcast_in_dim3A_244 : vector<1x1xf32> to vector<1x1xi32>
    %iota3A_246 = tpu.iota {dimensions = array<i32: 1>} : vector<1x23xi32>
    %sub3A_247 = arith.constant 1 : i32
    %sub3A_248 = vector.broadcast %sub3A_247 : i32 to vector<1x1xi32>
    %sub3A_249 = arith.subi %convert_element_type3A_245, %sub3A_248 : vector<1x1xi32>
    %min3A = vector.broadcast %sub3A_249 : vector<1x1xi32> to vector<1x23xi32>
    %min3A_250 = arith.minsi %iota3A_246, %min3A : vector<1x23xi32>
    %broadcast_in_dim3A_251 = arith.constant 0 : i32
    %broadcast_in_dim3A_252 = vector.broadcast %broadcast_in_dim3A_251 : i32 to vector<1x23xi32>
    %slice3A_253 = vector.extract_strided_slice %dot_general3A_241 {offsets = [0, 0], sizes = [1, 1], strides = [1, 1]} : vector<1x8xf32> to vector<1x1xf32>
    %convert_element_type3A_254 = arith.fptosi %slice3A_253 : vector<1x1xf32> to vector<1x1xi32>
    %le3A_255 = vector.broadcast %convert_element_type3A_254 : vector<1x1xi32> to vector<1x23xi32>
    %le3A_256 = arith.cmpi sle, %le3A_255, %min3A_250 : vector<1x23xi32>
    %convert_element_type3A_257 = arith.extui %le3A_256 : vector<1x23xi1> to vector<1x23xi32>
    %add3A_258 = arith.addi %broadcast_in_dim3A_252, %convert_element_type3A_257 : vector<1x23xi32>
    %slice3A_259 = vector.extract_strided_slice %dot_general3A_241 {offsets = [0, 1], sizes = [1, 1], strides = [1, 1]} : vector<1x8xf32> to vector<1x1xf32>
    %convert_element_type3A_260 = arith.fptosi %slice3A_259 : vector<1x1xf32> to vector<1x1xi32>
    %le3A_261 = vector.broadcast %convert_element_type3A_260 : vector<1x1xi32> to vector<1x23xi32>
    %le3A_262 = arith.cmpi sle, %le3A_261, %min3A_250 : vector<1x23xi32>
    %convert_element_type3A_263 = arith.extui %le3A_262 : vector<1x23xi1> to vector<1x23xi32>
    %add3A_264 = arith.addi %add3A_258, %convert_element_type3A_263 : vector<1x23xi32>
    %slice3A_265 = vector.extract_strided_slice %dot_general3A_241 {offsets = [0, 2], sizes = [1, 1], strides = [1, 1]} : vector<1x8xf32> to vector<1x1xf32>
    %convert_element_type3A_266 = arith.fptosi %slice3A_265 : vector<1x1xf32> to vector<1x1xi32>
    %le3A_267 = vector.broadcast %convert_element_type3A_266 : vector<1x1xi32> to vector<1x23xi32>
    %le3A_268 = arith.cmpi sle, %le3A_267, %min3A_250 : vector<1x23xi32>
    %convert_element_type3A_269 = arith.extui %le3A_268 : vector<1x23xi1> to vector<1x23xi32>
    %add3A_270 = arith.addi %add3A_264, %convert_element_type3A_269 : vector<1x23xi32>
    %slice3A_271 = vector.extract_strided_slice %dot_general3A_241 {offsets = [0, 3], sizes = [1, 1], strides = [1, 1]} : vector<1x8xf32> to vector<1x1xf32>
    %convert_element_type3A_272 = arith.fptosi %slice3A_271 : vector<1x1xf32> to vector<1x1xi32>
    %le3A_273 = vector.broadcast %convert_element_type3A_272 : vector<1x1xi32> to vector<1x23xi32>
    %le3A_274 = arith.cmpi sle, %le3A_273, %min3A_250 : vector<1x23xi32>
    %convert_element_type3A_275 = arith.extui %le3A_274 : vector<1x23xi1> to vector<1x23xi32>
    %add3A_276 = arith.addi %add3A_270, %convert_element_type3A_275 : vector<1x23xi32>
    %slice3A_277 = vector.extract_strided_slice %dot_general3A_241 {offsets = [0, 4], sizes = [1, 1], strides = [1, 1]} : vector<1x8xf32> to vector<1x1xf32>
    %convert_element_type3A_278 = arith.fptosi %slice3A_277 : vector<1x1xf32> to vector<1x1xi32>
    %le3A_279 = vector.broadcast %convert_element_type3A_278 : vector<1x1xi32> to vector<1x23xi32>
    %le3A_280 = arith.cmpi sle, %le3A_279, %min3A_250 : vector<1x23xi32>
    %convert_element_type3A_281 = arith.extui %le3A_280 : vector<1x23xi1> to vector<1x23xi32>
    %add3A_282 = arith.addi %add3A_276, %convert_element_type3A_281 : vector<1x23xi32>
    %slice3A_283 = vector.extract_strided_slice %dot_general3A_241 {offsets = [0, 5], sizes = [1, 1], strides = [1, 1]} : vector<1x8xf32> to vector<1x1xf32>
    %convert_element_type3A_284 = arith.fptosi %slice3A_283 : vector<1x1xf32> to vector<1x1xi32>
    %le3A_285 = vector.broadcast %convert_element_type3A_284 : vector<1x1xi32> to vector<1x23xi32>
    %le3A_286 = arith.cmpi sle, %le3A_285, %min3A_250 : vector<1x23xi32>
    %convert_element_type3A_287 = arith.extui %le3A_286 : vector<1x23xi1> to vector<1x23xi32>
    %add3A_288 = arith.addi %add3A_282, %convert_element_type3A_287 : vector<1x23xi32>
    %slice3A_289 = vector.extract_strided_slice %dot_general3A_241 {offsets = [0, 6], sizes = [1, 1], strides = [1, 1]} : vector<1x8xf32> to vector<1x1xf32>
    %convert_element_type3A_290 = arith.fptosi %slice3A_289 : vector<1x1xf32> to vector<1x1xi32>
    %le3A_291 = vector.broadcast %convert_element_type3A_290 : vector<1x1xi32> to vector<1x23xi32>
    %le3A_292 = arith.cmpi sle, %le3A_291, %min3A_250 : vector<1x23xi32>
    %convert_element_type3A_293 = arith.extui %le3A_292 : vector<1x23xi1> to vector<1x23xi32>
    %add3A_294 = arith.addi %add3A_288, %convert_element_type3A_293 : vector<1x23xi32>
    %slice3A_295 = vector.extract_strided_slice %dot_general3A_241 {offsets = [0, 7], sizes = [1, 1], strides = [1, 1]} : vector<1x8xf32> to vector<1x1xf32>
    %convert_element_type3A_296 = arith.fptosi %slice3A_295 : vector<1x1xf32> to vector<1x1xi32>
    %le3A_297 = vector.broadcast %convert_element_type3A_296 : vector<1x1xi32> to vector<1x23xi32>
    %le3A_298 = arith.cmpi sle, %le3A_297, %min3A_250 : vector<1x23xi32>
    %convert_element_type3A_299 = arith.extui %le3A_298 : vector<1x23xi1> to vector<1x23xi32>
    %add3A_300 = arith.addi %add3A_294, %convert_element_type3A_299 : vector<1x23xi32>
    %swap3A_301 = arith.constant 0 : index
    %swap3A_302 = arith.constant 0 : index
    %swap3A_303 = vector.load %arg6[%swap3A_301, %swap3A_302] : memref<3x23xi32, #tpu.memory_space<vmem>>, vector<1x23xi32>
    tpu.vector_store %arg6[%swap3A_301, %swap3A_302], %min3A_250 {strides = array<i32>} : memref<3x23xi32, #tpu.memory_space<vmem>>, vector<1x23xi32>,
    %swap3A_304 = arith.constant 1 : index
    %swap3A_305 = arith.constant 0 : index
    %swap3A_306 = vector.load %arg6[%swap3A_304, %swap3A_305] : memref<3x23xi32, #tpu.memory_space<vmem>>, vector<1x23xi32>
    tpu.vector_store %arg6[%swap3A_304, %swap3A_305], %add3A_300 {strides = array<i32>} : memref<3x23xi32, #tpu.memory_space<vmem>>, vector<1x23xi32>,
    %lt3A_307 = vector.broadcast %convert_element_type3A_245 : vector<1x1xi32> to vector<1x23xi32>
    %lt3A_308 = arith.cmpi slt, %iota3A_246, %lt3A_307 : vector<1x23xi32>
    %convert_element_type3A_309 = arith.extui %lt3A_308 : vector<1x23xi1> to vector<1x23xi32>
    %swap3A_310 = arith.constant 2 : index
    %swap3A_311 = arith.constant 0 : index
    %swap3A_312 = vector.load %arg6[%swap3A_310, %swap3A_311] : memref<3x23xi32, #tpu.memory_space<vmem>>, vector<1x23xi32>
    tpu.vector_store %arg6[%swap3A_310, %swap3A_311], %convert_element_type3A_309 {strides = array<i32>} : memref<3x23xi32, #tpu.memory_space<vmem>>, vector<1x23xi32>,
    return
  }
}

module attributes {stable_mosaic.version = 14 : i64} {
  func.func @_ffn_body(%arg0: i32, %arg1: memref<3x23xi32, #tpu.memory_space<smem>>, %arg2: memref<256x512xi32, #tpu.memory_space<vmem>>, %arg3: memref<1x512x1024xf32, #tpu.memory_space<vmem>>, %arg4: memref<1x512x1024xf32, #tpu.memory_space<vmem>>, %arg5: memref<1x512x1024xf32, #tpu.memory_space<vmem>>, %arg6: memref<256x1xf32, #tpu.memory_space<vmem>>, %arg7: memref<256x512xi32, #tpu.memory_space<vmem>>) attributes {dimension_semantics = [#tpu.dimension_semantics<arbitrary>], iteration_bounds = array<i64: 23>, scalar_prefetch = 1 : i64, scratch_operands = 0 : i64, tpu.core_type = #tpu.core_type<tc>, window_params = [{transform_indices = @transform_0, window_bounds = array<i64: 256, 512>}, {transform_indices = @transform_1, window_bounds = array<i64: 1, 512, 1024>}, {transform_indices = @transform_2, window_bounds = array<i64: 1, 512, 1024>}, {transform_indices = @transform_3, window_bounds = array<i64: 1, 512, 1024>}, {transform_indices = @transform_4, window_bounds = array<i64: 256, 1>}, {transform_indices = @transform_5, window_bounds = array<i64: 256, 512>}]} {
    %get3A = arith.constant 2 : index
    %get3A_0 = arith.index_cast %arg0 : i32 to index
    %get3A_1 = memref.load %arg1[%get3A, %get3A_0] : memref<3x23xi32, #tpu.memory_space<smem>>
    %eq3A = arith.constant 1 : i32
    %eq3A_2 = arith.cmpi eq, %get3A_1, %eq3A : i32
    %convert_element_type3A = arith.extui %eq3A_2 : i1 to i32
    %cond3A = arith.constant 0 : i32
    %cond3A_3 = arith.cmpi ne, %convert_element_type3A, %cond3A : i32
    scf.if %cond3A_3 {
      %get3A_4 = arith.constant 0 : index
      %get3A_5 = arith.constant 0 : index
      %get3A_6 = vector.load %arg2[%get3A_4, %get3A_5] : memref<256x512xi32, #tpu.memory_space<vmem>>, vector<256x512xi32>
      %shift_left3A = arith.constant 16 : i32
      %shift_left3A_7 = vector.broadcast %shift_left3A : i32 to vector<256x512xi32>
      %shift_left3A_8 = arith.shli %get3A_6, %shift_left3A_7 : vector<256x512xi32>
      %bitcast_convert_type3A = tpu.bitcast %shift_left3A_8 : vector<256x512xi32> -> vector<256x512xf32>
      %convert_element_type3A_9 = arith.truncf %bitcast_convert_type3A : vector<256x512xf32> to vector<256x512xbf16>
      %and3A = arith.constant -65536 : i32
      %and3A_10 = vector.broadcast %and3A : i32 to vector<256x512xi32>
      %and3A_11 = arith.andi %get3A_6, %and3A_10 : vector<256x512xi32>
      %bitcast_convert_type3A_12 = tpu.bitcast %and3A_11 : vector<256x512xi32> -> vector<256x512xf32>
      %convert_element_type3A_13 = arith.truncf %bitcast_convert_type3A_12 : vector<256x512xf32> to vector<256x512xbf16>
      %get3A_14 = arith.constant 0 : index
      %get3A_15 = arith.constant 0 : index
      %get3A_16 = arith.constant 0 : index
      %get3A_17 = vector.load %arg3[%get3A_14, %get3A_15, %get3A_16] : memref<1x512x1024xf32, #tpu.memory_space<vmem>>, vector<1x512x1024xf32>
      %get3A_18 = vector.shape_cast %get3A_17 : vector<1x512x1024xf32> to vector<512x1024xf32>
      %convert_element_type3A_19 = arith.truncf %get3A_18 : vector<512x1024xf32> to vector<512x1024xbf16>
      %get3A_20 = arith.constant 0 : index
      %get3A_21 = arith.constant 0 : index
      %get3A_22 = arith.constant 0 : index
      %get3A_23 = vector.load %arg5[%get3A_20, %get3A_21, %get3A_22] : memref<1x512x1024xf32, #tpu.memory_space<vmem>>, vector<1x512x1024xf32>
      %get3A_24 = vector.shape_cast %get3A_23 : vector<1x512x1024xf32> to vector<512x1024xf32>
      %convert_element_type3A_25 = arith.truncf %get3A_24 : vector<512x1024xf32> to vector<512x1024xbf16>
      %get3A_26 = arith.constant 0 : index
      %get3A_27 = arith.constant 0 : index
      %get3A_28 = arith.constant 0 : index
      %get3A_29 = vector.load %arg4[%get3A_26, %get3A_27, %get3A_28] : memref<1x512x1024xf32, #tpu.memory_space<vmem>>, vector<1x512x1024xf32>
      %get3A_30 = vector.shape_cast %get3A_29 : vector<1x512x1024xf32> to vector<512x1024xf32>
      %convert_element_type3A_31 = arith.truncf %get3A_30 : vector<512x1024xf32> to vector<512x1024xbf16>
      %slice3A = vector.extract_strided_slice %convert_element_type3A_19 {offsets = [0, 0], sizes = [512, 512], strides = [1, 1]} : vector<512x1024xbf16> to vector<512x512xbf16>
      %dot_general3A = arith.constant dense<0.000000e+00> : vector<256x512xf32>
      %dot_general3A_32 = tpu.matmul %convert_element_type3A_9, %slice3A, %dot_general3A {dimension_numbers = #tpu.dot_dimension_numbers<[1], [1], [0], [0], [0, 0, 1, 0], [], []>, transpose_lhs_hint = false} : vector<256x512xbf16>, vector<512x512xbf16>, vector<256x512xf32> -> vector<256x512xf32>
      %slice3A_33 = vector.extract_strided_slice %convert_element_type3A_19 {offsets = [0, 512], sizes = [512, 512], strides = [1, 1]} : vector<512x1024xbf16> to vector<512x512xbf16>
      %dot_general3A_34 = arith.constant dense<0.000000e+00> : vector<256x512xf32>
      %dot_general3A_35 = tpu.matmul %convert_element_type3A_13, %slice3A_33, %dot_general3A_34 {dimension_numbers = #tpu.dot_dimension_numbers<[1], [1], [0], [0], [0, 0, 1, 0], [], []>, transpose_lhs_hint = false} : vector<256x512xbf16>, vector<512x512xbf16>, vector<256x512xf32> -> vector<256x512xf32>
      %add3A = arith.addf %dot_general3A_32, %dot_general3A_35 : vector<256x512xf32>
      %slice3A_36 = vector.extract_strided_slice %convert_element_type3A_25 {offsets = [0, 0], sizes = [512, 512], strides = [1, 1]} : vector<512x1024xbf16> to vector<512x512xbf16>
      %dot_general3A_37 = arith.constant dense<0.000000e+00> : vector<256x512xf32>
      %dot_general3A_38 = tpu.matmul %convert_element_type3A_9, %slice3A_36, %dot_general3A_37 {dimension_numbers = #tpu.dot_dimension_numbers<[1], [1], [0], [0], [0, 0, 1, 0], [], []>, transpose_lhs_hint = false} : vector<256x512xbf16>, vector<512x512xbf16>, vector<256x512xf32> -> vector<256x512xf32>
      %slice3A_39 = vector.extract_strided_slice %convert_element_type3A_25 {offsets = [0, 512], sizes = [512, 512], strides = [1, 1]} : vector<512x1024xbf16> to vector<512x512xbf16>
      %dot_general3A_40 = arith.constant dense<0.000000e+00> : vector<256x512xf32>
      %dot_general3A_41 = tpu.matmul %convert_element_type3A_13, %slice3A_39, %dot_general3A_40 {dimension_numbers = #tpu.dot_dimension_numbers<[1], [1], [0], [0], [0, 0, 1, 0], [], []>, transpose_lhs_hint = false} : vector<256x512xbf16>, vector<512x512xbf16>, vector<256x512xf32> -> vector<256x512xf32>
      %add3A_42 = arith.addf %dot_general3A_38, %dot_general3A_41 : vector<256x512xf32>
      %logistic3A = arith.negf %add3A : vector<256x512xf32>
      %logistic3A_43 = math.exp %logistic3A : vector<256x512xf32>
      %logistic3A_44 = arith.constant 1.000000e+00 : f32
      %logistic3A_45 = vector.broadcast %logistic3A_44 : f32 to vector<256x512xf32>
      %logistic3A_46 = arith.addf %logistic3A_45, %logistic3A_43 : vector<256x512xf32>
      %logistic3A_47 = arith.divf %logistic3A_45, %logistic3A_46 : vector<256x512xf32>
      %mul3A = arith.mulf %add3A, %logistic3A_47 : vector<256x512xf32>
      %mul3A_48 = arith.mulf %mul3A, %add3A_42 : vector<256x512xf32>
      %convert_element_type3A_49 = arith.truncf %mul3A_48 : vector<256x512xf32> to vector<256x512xbf16>
      %dot_general3A_50 = arith.constant dense<0.000000e+00> : vector<256x1024xf32>
      %dot_general3A_51 = tpu.matmul %convert_element_type3A_49, %convert_element_type3A_31, %dot_general3A_50 {dimension_numbers = #tpu.dot_dimension_numbers<[1], [0], [0], [1], [0, 0, 1, 1], [], []>, transpose_lhs_hint = false} : vector<256x512xbf16>, vector<512x1024xbf16>, vector<256x1024xf32> -> vector<256x1024xf32>
      %get3A_52 = arith.constant 0 : index
      %get3A_53 = arith.constant 0 : index
      %get3A_54 = vector.load %arg6[%get3A_52, %get3A_53] : memref<256x1xf32, #tpu.memory_space<vmem>>, vector<256x1xf32>
      %mul3A_55 = vector.broadcast %get3A_54 : vector<256x1xf32> to vector<256x1024xf32>
      %mul3A_56 = arith.mulf %dot_general3A_51, %mul3A_55 : vector<256x1024xf32>
      %slice3A_57 = vector.extract_strided_slice %mul3A_56 {offsets = [0, 0], sizes = [256, 512], strides = [1, 1]} : vector<256x1024xf32> to vector<256x512xf32>
      %bitcast_convert_type3A_58 = tpu.bitcast %slice3A_57 : vector<256x512xf32> -> vector<256x512xi32>
      %add3A_59 = arith.constant 32767 : i32
      %add3A_60 = vector.broadcast %add3A_59 : i32 to vector<256x512xi32>
      %add3A_61 = arith.addi %bitcast_convert_type3A_58, %add3A_60 : vector<256x512xi32>
      %shift_right_logical3A = arith.constant 16 : i32
      %shift_right_logical3A_62 = vector.broadcast %shift_right_logical3A : i32 to vector<256x512xi32>
      %shift_right_logical3A_63 = arith.shrui %bitcast_convert_type3A_58, %shift_right_logical3A_62 : vector<256x512xi32>
      %and3A_64 = arith.constant 1 : i32
      %and3A_65 = vector.broadcast %and3A_64 : i32 to vector<256x512xi32>
      %and3A_66 = arith.andi %shift_right_logical3A_63, %and3A_65 : vector<256x512xi32>
      %add3A_67 = arith.addi %add3A_61, %and3A_66 : vector<256x512xi32>
      %slice3A_68 = vector.extract_strided_slice %mul3A_56 {offsets = [0, 512], sizes = [256, 512], strides = [1, 1]} : vector<256x1024xf32> to vector<256x512xf32>
      %bitcast_convert_type3A_69 = tpu.bitcast %slice3A_68 : vector<256x512xf32> -> vector<256x512xi32>
      %add3A_70 = arith.constant 32767 : i32
      %add3A_71 = vector.broadcast %add3A_70 : i32 to vector<256x512xi32>
      %add3A_72 = arith.addi %bitcast_convert_type3A_69, %add3A_71 : vector<256x512xi32>
      %shift_right_logical3A_73 = arith.constant 16 : i32
      %shift_right_logical3A_74 = vector.broadcast %shift_right_logical3A_73 : i32 to vector<256x512xi32>
      %shift_right_logical3A_75 = arith.shrui %bitcast_convert_type3A_69, %shift_right_logical3A_74 : vector<256x512xi32>
      %and3A_76 = arith.constant 1 : i32
      %and3A_77 = vector.broadcast %and3A_76 : i32 to vector<256x512xi32>
      %and3A_78 = arith.andi %shift_right_logical3A_75, %and3A_77 : vector<256x512xi32>
      %add3A_79 = arith.addi %add3A_72, %and3A_78 : vector<256x512xi32>
      %and3A_80 = arith.constant -65536 : i32
      %and3A_81 = vector.broadcast %and3A_80 : i32 to vector<256x512xi32>
      %and3A_82 = arith.andi %add3A_79, %and3A_81 : vector<256x512xi32>
      %shift_right_logical3A_83 = arith.constant 16 : i32
      %shift_right_logical3A_84 = vector.broadcast %shift_right_logical3A_83 : i32 to vector<256x512xi32>
      %shift_right_logical3A_85 = arith.shrui %add3A_67, %shift_right_logical3A_84 : vector<256x512xi32>
      %and3A_86 = arith.constant 65535 : i32
      %and3A_87 = vector.broadcast %and3A_86 : i32 to vector<256x512xi32>
      %and3A_88 = arith.andi %shift_right_logical3A_85, %and3A_87 : vector<256x512xi32>
      %or3A = arith.ori %and3A_82, %and3A_88 : vector<256x512xi32>
      %swap3A = arith.constant 0 : index
      %swap3A_89 = arith.constant 0 : index
      %swap3A_90 = vector.load %arg7[%swap3A, %swap3A_89] : memref<256x512xi32, #tpu.memory_space<vmem>>, vector<256x512xi32>
      tpu.vector_store %arg7[%swap3A, %swap3A_89], %or3A {strides = array<i32>} : memref<256x512xi32, #tpu.memory_space<vmem>>, vector<256x512xi32>,
    } else {
    }
    return
  }
  func.func @transform_0(%arg0: i32, %arg1: memref<3x23xi32, #tpu.memory_space<smem>>) -> (i32, i32) {
    %get3A = arith.constant 0 : index
    %get3A_0 = arith.index_cast %arg0 : i32 to index
    %get3A_1 = memref.load %arg1[%get3A, %get3A_0] : memref<3x23xi32, #tpu.memory_space<smem>>
    %c0_i32 = arith.constant 0 : i32
    %c0_i32_2 = arith.constant 0 : i32
    return %get3A_1, %c0_i32 : i32, i32
  }
  func.func @transform_1(%arg0: i32, %arg1: memref<3x23xi32, #tpu.memory_space<smem>>) -> (i32, i32, i32) {
    %get3A = arith.constant 1 : index
    %get3A_0 = arith.index_cast %arg0 : i32 to index
    %get3A_1 = memref.load %arg1[%get3A, %get3A_0] : memref<3x23xi32, #tpu.memory_space<smem>>
    %c0_i32 = arith.constant 0 : i32
    %c0_i32_2 = arith.constant 0 : i32
    %c0_i32_3 = arith.constant 0 : i32
    return %get3A_1, %c0_i32, %c0_i32_2 : i32, i32, i32
  }
  func.func @transform_2(%arg0: i32, %arg1: memref<3x23xi32, #tpu.memory_space<smem>>) -> (i32, i32, i32) {
    %get3A = arith.constant 1 : index
    %get3A_0 = arith.index_cast %arg0 : i32 to index
    %get3A_1 = memref.load %arg1[%get3A, %get3A_0] : memref<3x23xi32, #tpu.memory_space<smem>>
    %c0_i32 = arith.constant 0 : i32
    %c0_i32_2 = arith.constant 0 : i32
    %c0_i32_3 = arith.constant 0 : i32
    return %get3A_1, %c0_i32, %c0_i32_2 : i32, i32, i32
  }
  func.func @transform_3(%arg0: i32, %arg1: memref<3x23xi32, #tpu.memory_space<smem>>) -> (i32, i32, i32) {
    %get3A = arith.constant 1 : index
    %get3A_0 = arith.index_cast %arg0 : i32 to index
    %get3A_1 = memref.load %arg1[%get3A, %get3A_0] : memref<3x23xi32, #tpu.memory_space<smem>>
    %c0_i32 = arith.constant 0 : i32
    %c0_i32_2 = arith.constant 0 : i32
    %c0_i32_3 = arith.constant 0 : i32
    return %get3A_1, %c0_i32, %c0_i32_2 : i32, i32, i32
  }
  func.func @transform_4(%arg0: i32, %arg1: memref<3x23xi32, #tpu.memory_space<smem>>) -> (i32, i32) {
    %get3A = arith.constant 0 : index
    %get3A_0 = arith.index_cast %arg0 : i32 to index
    %get3A_1 = memref.load %arg1[%get3A, %get3A_0] : memref<3x23xi32, #tpu.memory_space<smem>>
    %c0_i32 = arith.constant 0 : i32
    %c0_i32_2 = arith.constant 0 : i32
    return %get3A_1, %c0_i32 : i32, i32
  }
  func.func @transform_5(%arg0: i32, %arg1: memref<3x23xi32, #tpu.memory_space<smem>>) -> (i32, i32) {
    %get3A = arith.constant 0 : index
    %get3A_0 = arith.index_cast %arg0 : i32 to index
    %get3A_1 = memref.load %arg1[%get3A, %get3A_0] : memref<3x23xi32, #tpu.memory_space<smem>>
    %c0_i32 = arith.constant 0 : i32
    %c0_i32_2 = arith.constant 0 : i32
    return %get3A_1, %c0_i32 : i32, i32
  }
}

</mosaic_0001>

<sc_bundles>
// kernel: kernel.6.cloned.1.call-start
scs
__scs_entry_jumppad:
0x0: {  	(pc) =	sbr.rel $0x88, $3  }
0x1: {  	(tag) =	ssettag $0x0;
	lr =	simm.s32 $0x1  }
0x2: {  	[smem:$0x3F9C] =	sst lr;
	_ =	strace $0xD0000000  }
0x3: {  	_ = 	snop  }
0x4: {  	_ = 	snop  }
0x5: {  	_ = 	snop  }
0x6: {  	_ = 	snop  }
0x7: {  	_ = 	snop  }
__scs_overlays_trampoline_lowered:
0x8: {  	[smem:$0x3FAB] =	sst s0  }
0x9: {  	[smem:$0x3FAC] =	sst s1  }
0xa: {  	[smem:$0x3FAD] =	sst s2  }
0xb: {  	[smem:$0x3FAE] =	sst s3  }
0xc: {  	[smem:$0x3FAF] =	sst s4  }
0xd: {  	[smem:$0x3FB0] =	sst s5  }
0xe: {  	[smem:$0x3FB1] =	sst s6  }
0xf: {  	[smem:$0x3FB2] =	sst s7  }
0x10: {  	[smem:$0x3FB3] =	sst s8  }
0x11: {  	[smem:$0x3FB4] =	sst s9;
	s0 =	simm.s32 @!p0 $0x0  }
0x12: {  	s1 =	sld [smem:$0x3F9A];
	s0 =	simm.s32 @p0 $0x1  }
0x13: {  	[smem:$0x3FB5] =	sst s0;
	s0 =	simm.s32 @!p1 $0x0  }
0x14: {  	s2 =	sld [smem:$0x3F99];
	s0 =	simm.s32 @p1 $0x1  }
0x15: {  	[smem:$0x3FB6] =	sst s0;
	s0 =	simm.s32 @!p2 $0x0  }
0x16: {  	s3 =	sld [smem:$0x3FDB];
	s0 =	simm.s32 @p2 $0x1  }
0x17: {  	s4 =	simm.s32 $0x1BF5;
	[smem:$0x3FB8] =	sst s0  }
0x18: {  	s0 =	sld [smem:$0x3F9B];
	_ =	swait.ge [sflag:s4], $0x0  }
0x19: {  	s7 =	sld [smem:$0x3F9C]  }
0x1a: {  	s8 =	sadd.s32 $0xFFFFE003, lr  }
0x1b: {  	s9 =	sadd.s32 $0xFFFFFEF7, lr;
	s5 =	simm.s32 $0xFFFFFFFF;
	p2 =	slt.u32 s8, $0xFFFFF086  }
0x1c: {  	p1 =	slt.u32 s9, $0xF7A;
	s5 =	simm.s32 @!p2 $0x0  }
0x1d: {  	s5 =	simm.s32 @p1 $0x1;
	p0 =	seq.s32 s7, s2  }
0x1e: {  	s7 =	smul.u32 @!p0 $0xF7A, s2;
	p2 =	seq.s32 @!p0 s5, $0x0  }
0x1f: {  	s9 =	smul.u32 $0xF7A, s1;
	s8 =	simm.s32 @!p0 $0x1BF5;
	p2 =	por !p2, p0  }
0x20: {  	[sflag:s8] =	ssyncset.s32 @!p0 $0xFFFFF086;
	s6 =	sadd.s32 @!p0 s3, s7;
	s7 =	simm.s32 @!p0 $0x108  }
0x21: {  	s3 =	sadd.s32 s3, s9;
	s6 =	sadd.s32 @!p0 $0x88, s6;
	s7 =	simm.s32 @p2 $0x1082  }
0x22: {  	[simem:s7], [sflag:s8] =	dma.local @!p0 [hbm:s6], $0xF7A  }
0x23: {  	s9 =	sor.u32 $0xD0000000, s2;
	s6 =	simm.s32 $0x108;
	_ =	swait.ge @!p0 [sflag:s8], $0x0  }
0x24: {  	s3 =	sadd.s32 $0x88, s3;
	s6 =	simm.s32 @!p1 $0x1082;
	[sflag:s4] =	ssyncset.s32 $0xFFFFF086  }
0x25: {  	[simem:s6], [sflag:s4] =	dma.local [hbm:s3], $0xF7A  }
0x26: {  	[smem:$0x3F9C] =	sst s1;
	(tag) =	ssettag s2;
	_ =	strace s9  }
0x27: {  	s1 =	sld [smem:$0x3FAC]  }
0x28: {  	s2 =	sld [smem:$0x3FAD]  }
0x29: {  	s4 =	sld [smem:$0x3FAF]  }
0x2a: {  	p0 =	seq.s32 s5, $0x0;
	s5 =	sld [smem:$0x3FB0]  }
0x2b: {  	s6 =	sld [smem:$0x3FB1]  }
0x2c: {  	s7 =	sld [smem:$0x3FB2]  }
0x2d: {  	s3 =	simm.s32 $0x108;
	s8 =	sld [smem:$0x3FB3]  }
0x2e: {  	s3 =	simm.s32 @!p0 $0x1082;
	s9 =	sld [smem:$0x3FB4]  }
0x2f: {  	lr =	sadd.s32 s0, s3;
	s0 =	sld [smem:$0x3FAB]  }
0x30: {  	s3 =	sld [smem:$0x3FAE]  }
0x31: {  	[smem:$0x3FB7] =	sst s10  }
0x32: {  	s10 =	sld [smem:$0x3FB5];
	_ =	sdelay $0x3  }
0x33: {  	p0 =	seq.s32 s10, $0x1;
	s10 =	sld [smem:$0x3FB7];
	_ =	sdelay $0x3  }
0x34: {  	[smem:$0x3FB7] =	sst s10  }
0x35: {  	s10 =	sld [smem:$0x3FB6];
	_ =	sdelay $0x3  }
0x36: {  	p1 =	seq.s32 s10, $0x1;
	s10 =	sld [smem:$0x3FB7];
	_ =	sdelay $0x3  }
0x37: {  	[smem:$0x3FB7] =	sst s10  }
0x38: {  	s10 =	sld [smem:$0x3FB8]  }
0x39: {  	_ = 	snop;
	(pc) =	sbr.ind lr, $3  }
0x3a: {  	_ = 	snop  }
0x3b: {  	_ = 	snop  }
0x3c: {  	p2 =	seq.s32 s10, $0x1;
	s10 =	sld [smem:$0x3FB7]  }
0x3d: {  	_ =	shalt  }
0x3e: {  	_ =	shalt  }
0x3f: {  	_ =	shalt  }
0x40: {  	_ =	shalt  }
0x41: {  	_ =	shalt  }
0x42: {  	_ =	shalt  }
0x43: {  	_ =	shalt  }
0x44: {  	_ =	shalt  }
0x45: {  	_ =	shalt  }
0x46: {  	_ =	shalt  }
0x47: {  	_ =	shalt  }
0x48: {  	_ =	shalt  }
0x49: {  	_ =	shalt  }
0x4a: {  	_ =	shalt  }
0x4b: {  	_ =	shalt  }
0x4c: {  	_ =	shalt  }
0x4d: {  	_ =	shalt  }
0x4e: {  	_ =	shalt  }
0x4f: {  	_ =	shalt  }
0x50: {  	_ =	shalt  }
0x51: {  	_ =	shalt  }
0x52: {  	_ =	shalt  }
0x53: {  	_ =	shalt  }
0x54: {  	_ =	shalt  }
0x55: {  	_ =	shalt  }
0x56: {  	_ =	shalt  }
0x57: {  	_ =	shalt  }
0x58: {  	_ =	shalt  }
0x59: {  	_ =	shalt  }
0x5a: {  	_ =	shalt  }
0x5b: {  	_ =	shalt  }
0x5c: {  	_ =	shalt  }
0x5d: {  	_ =	shalt  }
0x5e: {  	_ =	shalt  }
0x5f: {  	_ =	shalt  }
0x60: {  	_ =	shalt  }
0x61: {  	_ =	shalt  }
0x62: {  	_ =	shalt  }
0x63: {  	_ =	shalt  }
0x64: {  	_ =	shalt  }
0x65: {  	_ =	shalt  }
0x66: {  	_ =	shalt  }
0x67: {  	_ =	shalt  }
0x68: {  	_ =	shalt  }
0x69: {  	_ =	shalt  }
0x6a: {  	_ =	shalt  }
0x6b: {  	_ =	shalt  }
0x6c: {  	_ =	shalt  }
0x6d: {  	_ =	shalt  }
0x6e: {  	_ =	shalt  }
0x6f: {  	_ =	shalt  }
0x70: {  	_ =	shalt  }
0x71: {  	_ =	shalt  }
0x72: {  	_ =	shalt  }
0x73: {  	_ =	shalt  }
0x74: {  	_ =	shalt  }
0x75: {  	_ =	shalt  }
0x76: {  	_ =	shalt  }
0x77: {  	_ =	shalt  }
0x78: {  	_ =	shalt  }
0x79: {  	_ =	shalt  }
0x7a: {  	_ =	shalt  }
0x7b: {  	_ =	shalt  }
0x7c: {  	_ =	shalt  }
0x7d: {  	_ =	shalt  }
0x7e: {  	_ =	shalt  }
0x7f: {  	_ =	shalt  }
0x80: {  	_ =	shalt  }
0x81: {  	_ =	shalt  }
0x82: {  	_ =	shalt  }
0x83: {  	_ =	shalt  }
0x84: {  	_ =	shalt  }
0x85: {  	_ =	shalt  }
0x86: {  	_ =	shalt  }
0x87: {  	_ =	shalt  }
.Lfunc_end0:
.L_simem_size_0:
called_computation_lowered:
.L_overlay_start_0:
0x88: {  	s2 =	sld [smem:$0x3FD9]  }
0x89: {  	s3 =	sld [smem:$0x3FFE];
	_ =	sdelay $0x1  }
0x8a: {  	s1 =	srdreg.scid  }
0x8b: {  	s0 =	sand.u32 $0x1, s1  }
0x8c: {  	s17 =	sshll.u32 s0, $0xA;
	s2 =	sadd.s32 s3, s2  }
0x8d: {  	s2 =	sadd.s32 s2, s17  }
0x8e: {  	[smem:$0x3FC3] =	sst s2  }
0x8f: {  	_ = 	snop  }
0x90: {  	s2 =	sld [smem:$0x3FD0];
	(tm) =	ssettm $0x1  }
0x91: {  	s18 =	sld [smem:$0x3FFB];
	_ =	sdelay $0x3  }
0x92: {  	_ =	strace s18  }
0x93: {  	s3 =	sld [smem:$0x3FFC];
	_ =	sdelay $0x3  }
0x94: {  	_ =	strace s3  }
0x95: {  	s3 =	sld [smem:$0x3FFD];
	_ =	sdelay $0x3  }
0x96: {  	_ =	strace s3  }
0x97: {  	_ =	strace $0x8FFFFFFF  }
0x98: {  	s19 =	sld [smem:$0x3FDB];
	_ =	sdelay $0x1  }
0x99: {  	s4 =	simm.s32 $_scs_section_size  }
0x9a: {  	s5 =	simm.s32 $_size__tile_overlayer_lowered;
	s6 =	simm.s32 $_tile_overlayer_lowered  }
0x9b: {  	s22 =	simm.s32 $0x1BFF;
	s21 =	sshll.u32 s6, $0x1;
	s3 =	sadd.s32 s4, s19  }
0x9c: {  	s7 =	simm.s32 $0x0;
	s20 =	sshll.u32 s5, $0x1;
	s5 =	sadd.s32 s21, s3  }
0x9d: {  	[timem:s7], [sflag:s22] =	dma.local [hbm:s5], s20  }
0x9e: {  	_ =	swait.ge [sflag:s22], s20  }
0x9f: {  	s4 =	ssub.s32 $0x0, s20;
	[sflag:s22] =	ssyncset.done $0x0  }
0xa0: {  	[sflag:s22] =	ssyncadd.s32 s4;
	_ =	sdelay $0x1  }
0xa1: {  	s23 =	simm.s32 $0x1B8B  }
0xa2: {  	_ =	swait.ge [sflag:s23], $0x1  }
0xa3: {  	[sflag:s23] =	ssyncset.done $0x0  }
0xa4: {  	s25 =	simm.s32 $0x1B8E;
	s24 =	sld [smem:$0x3FFE];
	[sflag:s23] =	ssyncadd.s32 $0xFFFFFFFF  }
0xa5: {  	s26 =	simm.s32 $execute0_lowered;
	[smem:$0x3FD2] =	sst s25  }
0xa6: {  	s5 =	sshll.u32 s26, $0x1;
	_ =	strace $0x80000046;
	[dreg:$0x1] =	wrdreg $0xFFFFFFFF  }
0xa7: {  	s28 =	simm.s32 $_size_execute0_lowered;
	s3 =	sadd.s32 s3, s5;
	[dreg:$0x0] =	wrdreg $0x0  }
0xa8: {  	s5 =	sshll.u32 s28, $0x1;
	[dreg:$0x2] =	wrdreg s3  }
0xa9: {  	[dreg:$0x3] =	wrdreg s5  }
0xaa: {  	[dreg:$0x4] =	wrdreg $0xC0  }
0xab: {  	_ =	task [dreg:s7], $0x5FFFF  }
0xac: {  	[dreg:$0x1] =	wrdreg $0xFFFFFFFF  }
0xad: {  	[dreg:$0x0] =	wrdreg $0x60  }
0xae: {  	[dreg:$0x2] =	wrdreg s2  }
0xaf: {  	[dreg:$0x3] =	wrdreg s24  }
0xb0: {  	[dreg:$0x4] =	wrdreg $0x9  }
0xb1: {  	_ =	task.clear_ibuf [dreg:s7], $0x5FFFF;
	_ =	strace $0x90000046  }
0xb2: {  	s29 =	simm.s32 $0x9;
	_ =	strace $0x80000048  }
0xb3: {  	_ =	swait.ge [sflag:s29], $0x1  }
0xb4: {  	[sflag:s29] =	ssyncadd.s32 $0xFFFFFFFF  }
0xb5: {  	_ =	strace $0x90000048  }
0xb6: {  	_ =	sfence  }
0xb7: {  	s30 =	sld [smem:$0x0];
	_ =	sdelay $0x2  }
0xb8: {  	s31 =	sshll.u32 s1, $0xD;
	s1 =	sshrl.u32 s1, $0x2  }
0xb9: {  	s3 =	sand.u32 $0x4000, s31;
	s1 =	sadd.s32 s1, s30  }
0xba: {  	s0 =	sor.u32 s3, s0;
	s1 =	sshll.u32 s1, $0x11  }
0xbb: {  	s0 =	sor.u32 s1, s0  }
0xbc: {  	s0 =	sadd.s32 $0x8F2B, s0  }
0xbd: {  	[sflag:s0] =	ssyncadd.remote.s32 $0x1  }
0xbe: {  	_ =	sfence.sel $0xFFFF  }
0xbf: {  	[dreg:$0x0] =	wrdreg $0xFFFFFFFF;
	(pc) =	sbr.abs _section_cstart, $3  }
0xc0: {  	[dreg:$0x1] =	wrdreg $0xFFFFFFFF  }
0xc1: {  	_ =	task.clear_ibuf [dreg:s7], $0x2FFFF;
	_ =	strace $0x9FFFFFFF  }
0xc2: {  	(tm) =	ssettm $0x7FFFFFFF  }
0xc3: {  	_ =	shalt  }
tec
execute0_lowered:
.L_overlay_start_1:
0x0: {  	(tag) =	ssettag $0x1  }
0x1: {  	s2 =	rddreg [dreg:$0x0]  }
0x2: {  	s0 =	srdreg.scid;
	s1 =	stileid.u32  }
0x3: {  	s7 =	rddreg [dreg:$0x1];
	s4 =	simm.s32 $0x0;
	s30 =	simm.s32 $0x1800  }
0x4: {  	s31 =	simm.s32 $0x5000;
	s28 =	simm.s32 $0x7800;
	s29 =	simm.s32 $0x8000  }
0x5: {  	s9 =	simm.s32 $0xA800;
	s10 =	simm.s32 $0xB000;
	s0 =	sand.u32 $0x1, s0  }
0x6: {  	s1 =	sshll.u32 s1, $0x1;
	[smem:$0x7FF] =	sst s4;
	s3 =	sadd.s32 $0x200, s7  }
0x7: {  	s13 =	sadd.s32 $0x400, s7;
	_ =	strace $0x80000047;
	[dreg:$0x3] =	wrdreg s3  }
0x8: {  	s6 =	sadd.s32 $0x600, s7;
	s12 =	sadd.s32 $0x100, s2;
	[dreg:$0x4] =	wrdreg s13  }
0x9: {  	s1 =	sor.u32 s0, s1;
	s0 =	ssub.s32 $0x2, s0;
	[dreg:$0x5] =	wrdreg s6  }
0xa: {  	s6 =	simm.s32 $0x9000;
	s5 =	smul.u32 $0xC0, s1;
	s15 =	sshrl.u32 s0, $0x1  }
0xb: {  	s13 =	simm.s32 $0x0;
	s1 =	smul.u32 $0x3000, s1;
	s0 =	ssub.s32 s0, s15  }
0xc: {  	s15 =	simm.s32 $0xC000;
	s14 =	sshrl.u32 s5, $0x3;
	s16 =	sadd.s32 $0x1800, s5  }
0xd: {  	s11 =	sor.u32 $0x20, s5;
	s17 =	sadd.s32 $0x40, s5;
	s21 =	sadd.s32 $0x60, s5  }
0xe: {  	s22 =	sadd.s32 $0x80, s5;
	s8 =	sadd.s32 $0xA0, s5;
	[dreg:$0x7] =	wrdreg s16  }
0xf: {  	s0 =	smax.u32 s0, $0x1;
	s3 =	sadd.s32 s14, s7;
	[dreg:$0x8] =	wrdreg s17  }
0x10: {  	s7 =	sadd.s32 $0xC00, s7;
	s18 =	sshll.u32 s11, $0x6;
	[dreg:$0xb] =	wrdreg s21  }
0x11: {  	s20 =	sshll.u32 s17, $0x6;
	s23 =	sshll.u32 s21, $0x6;
	[dreg:$0xd] =	wrdreg s22  }
0x12: {  	s24 =	sshll.u32 s22, $0x6;
	[dreg:$0xe] =	wrdreg s8;
	s26 =	sshll.u32 s8, $0x6  }
0x13: {  	[dreg:$0x12] =	wrdreg s0;
	s8 =	simm.s32 $0xA000;
	s3 =	sadd.s32 $0x800, s3  }
0x14: {  	s14 =	simm.s32 $0xB800;
	s1 =	sadd.s32 s7, s1;
	[dreg:$0x6] =	wrdreg s3  }
0x15: {  	s17 =	simm.s32 $0xC800;
	s19 =	sadd.s32 s7, s18;
	[dreg:$0x9] =	wrdreg s1  }
0x16: {  	s21 =	simm.s32 $0x2;
	s25 =	sadd.s32 s7, s24;
	[dreg:$0xa] =	wrdreg s19  }
0x17: {  	s1 =	sadd.s32 s7, s20;
	[dreg:$0x10] =	wrdreg s25;
	s25 =	simm.s32 $0x3  }
0x18: {  	v0 =	vlaneseq.u32;
	s3 =	simm.s32 $0x8800;
	[dreg:$0xc] =	wrdreg s1;
	s1 =	sadd.s32 s7, s23  }
0x19: {  	v1 =	vimm.f32 $0.0e+00;
	vm0 =	vmmov $0xffff;
	v3 =	vshrl.u32 v0, $0x3;
	s20 =	simm.s32 $0x1;
	[dreg:$0xf] =	wrdreg s1;
	s1 =	sadd.s32 s7, s26  }
0x1a: {  	v2 =	vand.u32 $0x7, v0;
	v4 =	vor.u32 $0x8, v0;
	v3 =	vmul.u32 $0x8, v3;
	s26 =	simm.s32 $0x7000;
	s7 =	simm.s32 $0x9800;
	[dreg:$0x11] =	wrdreg s1  }
.LBB2_1:
0x1b: {  	s0 =	rddreg [dreg:$0x1];
	s1 =	simm.s32 $0x3000  }
0x1c: {  	[tilespmem:s1], [sflag:$0x3] =	stream.linear.gather [hbm4b:s0+s4], $0x800, $0x38;
	[tilespmem:$0xD000] =	vst v63  }
0x1d: {  	_ =	swait.ge [sflag:s25], $0x800  }
0x1e: {  	[sflag:s25] =	ssyncset.done $0x0  }
0x1f: {  	s24 =	simm.s32 $0x3800;
	s23 =	rddreg [dreg:$0x3];
	[sflag:s25] =	ssyncadd.s32 $0xFFFFF800  }
0x20: {  	[tilespmem:s24], [sflag:$0x3] =	stream.linear.gather [hbm4b:s23+s4], $0x800, $0x38;
	[tilespmem:$0xD000] =	vst v63  }
0x21: {  	_ =	swait.ge [sflag:s25], $0x800  }
0x22: {  	[sflag:s25] =	ssyncset.done $0x0  }
0x23: {  	s16 =	simm.s32 $0x4000;
	s1 =	rddreg [dreg:$0x4];
	[sflag:s25] =	ssyncadd.s32 $0xFFFFF800  }
0x24: {  	[tilespmem:s16], [sflag:$0x3] =	stream.linear.gather [hbm4b:s1+s4], $0x800, $0x38;
	[tilespmem:$0xD000] =	vst v63  }
0x25: {  	_ =	swait.ge [sflag:s25], $0x800  }
0x26: {  	[sflag:s25] =	ssyncset.done $0x0  }
0x27: {  	s19 =	simm.s32 $0x4800;
	s18 =	rddreg [dreg:$0x5];
	[sflag:s25] =	ssyncadd.s32 $0xFFFFF800  }
0x28: {  	[tilespmem:s19], [sflag:$0x3] =	stream.linear.gather [hbm4b:s18+s4], $0x800, $0x38;
	[tilespmem:$0xD000] =	vst v63  }
0x29: {  	_ =	swait.ge [sflag:s25], $0x800  }
0x2a: {  	v5 =	vor.u32 s4, v0;
	[sflag:s25] =	ssyncset.done $0x0  }
0x2b: {  	s22 =	simm.s32 $0x10;
	v5 =	vand.u32 $0x7CF, v5;
	s16 =	simm.s32 $0x20;
	[sflag:s25] =	ssyncadd.s32 $0xFFFFF800  }
0x2c: {  	s19 =	simm.s32 $0x1820;
	[tilespmem:s16+$0xFFFFFFE0] =	vst v5;
	v5 =	vor.u32 s22, v0  }
0x2d: {  	s23 =	simm.s32 $0x20;
	[tilespmem:s19+$0xFFFFFFE0] =	vst v1;
	v5 =	vand.u32 $0x7DF, v5  }
0x2e: {  	[tilespmem:s16+$0xFFFFFFF0] =	vst v5;
	v5 =	vor.u32 s23, v0  }
0x2f: {  	s24 =	simm.s32 $0x30;
	[tilespmem:s19+$0xFFFFFFF0] =	vst v1;
	v5 =	vand.u32 $0x7EF, v5  }
0x30: {  	[tilespmem:s16+$0x0] =	vst v5;
	v5 =	vor.u32 s24, v0  }
0x31: {  	s0 =	simm.s32 $0x40;
	s1 =	simm.s32 $0x0;
	s22 =	simm.s32 $0xFFFFFFFC;
	[tilespmem:s19+$0x0] =	vst v1;
	v5 =	vand.u32 $0x7FF, v5  }
.LBB2_2:
0x32: {  	v6 =	vor.u32 s0, v0;
	[tilespmem:s16+$0x10] =	vst v5;
	s23 =	simm.s32 $0x3020;
	s18 =	simm.s32 $0x4020  }
0x33: {  	s24 =	sadd.s32 $0x10, s0;
	s16 =	sadd.s32 $0x40, s16;
	s1 =	sadd.s32 $0x4, s1;
	v5 =	vand.u32 $0x7CF, v6;
	[tilespmem:s19+$0x10] =	vst v1  }
0x34: {  	s19 =	sadd.s32 $0x40, s19;
	p0 =	slt.u32 s1, $0x17C;
	[tilespmem:s16+$0xFFFFFFE0] =	vst v5;
	v5 =	vor.u32 s24, v0  }
.Ltmp0:
0x35: {  	s24 =	sadd.s32 $0x20, s0;
	[tilespmem:s19+$0xFFFFFFE0] =	vst v1;
	v5 =	vand.u32 $0x7DF, v5;
	(pc) =	sbr.rel @p0 .LBB2_2-.Ltmp0, $4  }
0x36: {  	[tilespmem:s16+$0xFFFFFFF0] =	vst v5;
	v5 =	vor.u32 s24, v0  }
0x37: {  	s24 =	sadd.s32 $0x30, s0;
	[tilespmem:s19+$0xFFFFFFF0] =	vst v1;
	v5 =	vand.u32 $0x7EF, v5  }
0x38: {  	[tilespmem:s16+$0x0] =	vst v5;
	v5 =	vor.u32 s24, v0  }
0x39: {  	s0 =	sadd.s32 $0x40, s0;
	[tilespmem:s19+$0x0] =	vst v1;
	v5 =	vand.u32 $0x7FF, v5  }
0x3a: {  	[tilespmem:s16+$0x10] =	vst v5  }
0x3b: {  	s16 =	simm.s32 $0x0;
	[tilespmem:s19+$0x10] =	vst v1;
	s19 =	simm.s32 $0x0  }
.LBB2_4:
0x3c: {  	v5 =	vld [tilespmem:s23+$0xFFFFFFE0];
	_ =	sdelay $0x6  }
0x3d: {  	v6 =	vor.u32 s19, v0  }
0x3e: {  	[tilespmem:v5+s16+$0x0] =	vst.idx.msk $0xffff, v6  }
0x3f: {  	v5 =	vld [tilespmem:s23+$0xFFFFFFE0];
	_ =	sdelay $0x2  }
0x40: {  	v6 =	vld [tilespmem:s18+$0xFFFFFFE0];
	_ =	sdelay $0x4  }
0x41: {  	[tilespmem:v5+s30+$0x0] =	vst.idx.msk $0xffff, v6  }
0x42: {  	v5 =	vld [tilespmem:s23+$0xFFFFFFF0];
	_ =	sdelay $0x5  }
0x43: {  	s0 =	sadd.s32 $0x10, s19  }
0x44: {  	v6 =	vor.u32 s0, v0  }
0x45: {  	[tilespmem:v5+s16+$0x0] =	vst.idx.msk $0xffff, v6  }
0x46: {  	v5 =	vld [tilespmem:s23+$0xFFFFFFF0];
	_ =	sdelay $0x2  }
0x47: {  	v6 =	vld [tilespmem:s18+$0xFFFFFFF0];
	_ =	sdelay $0x4  }
0x48: {  	[tilespmem:v5+s30+$0x0] =	vst.idx.msk $0xffff, v6  }
0x49: {  	v5 =	vld [tilespmem:s23+$0x0];
	_ =	sdelay $0x5  }
0x4a: {  	s1 =	sadd.s32 $0x20, s19  }
0x4b: {  	v6 =	vor.u32 s1, v0  }
0x4c: {  	[tilespmem:v5+s16+$0x0] =	vst.idx.msk $0xffff, v6  }
0x4d: {  	v5 =	vld [tilespmem:s23+$0x0];
	_ =	sdelay $0x2  }
0x4e: {  	v6 =	vld [tilespmem:s18+$0x0];
	_ =	sdelay $0x4  }
0x4f: {  	[tilespmem:v5+s30+$0x0] =	vst.idx.msk $0xffff, v6  }
0x50: {  	v5 =	vld [tilespmem:s23+$0x10];
	_ =	sdelay $0x5  }
0x51: {  	s24 =	sadd.s32 $0x30, s19  }
0x52: {  	v6 =	vor.u32 s24, v0  }
0x53: {  	[tilespmem:v5+s16+$0x0] =	vst.idx.msk $0xffff, v6  }
0x54: {  	v5 =	vld [tilespmem:s23+$0x10];
	_ =	sdelay $0x1  }
0x55: {  	s22 =	sadd.s32 $0x4, s22  }
0x56: {  	p0 =	slt.u32 s22, $0x7C;
	v6 =	vld [tilespmem:s18+$0x10]  }
.Ltmp1:
0x57: {  	_ = 	snop;
	(pc) =	sbr.rel @p0 .LBB2_4-.Ltmp1, $3  }
0x58: {  	_ =	sdelay $0x1  }
0x59: {  	s19 =	sadd.s32 $0x40, s19;
	s0 =	simm.s32 $0x3820;
	s1 =	simm.s32 $0xFFFFFFFC  }
0x5a: {  	s24 =	simm.s32 $0x4820;
	s23 =	sadd.s32 $0x40, s23;
	s18 =	sadd.s32 $0x40, s18;
	[tilespmem:v5+s30+$0x0] =	vst.idx.msk $0xffff, v6  }
.LBB2_5:
0x5b: {  	v5 =	vld [tilespmem:s0+$0xFFFFFFE0];
	_ =	sdelay $0x6  }
0x5c: {  	v6 =	vor.u32 s16, v0  }
0x5d: {  	[tilespmem:v5+s4+$0x0] =	vst.idx.msk $0xffff, v6  }
0x5e: {  	v5 =	vld [tilespmem:s0+$0xFFFFFFE0];
	_ =	sdelay $0x2  }
0x5f: {  	v6 =	vld [tilespmem:s24+$0xFFFFFFE0];
	_ =	sdelay $0x4  }
0x60: {  	[tilespmem:v5+s30+$0x0] =	vst.idx.msk $0xffff, v6  }
0x61: {  	v5 =	vld [tilespmem:s0+$0xFFFFFFF0];
	_ =	sdelay $0x5  }
0x62: {  	s18 =	sadd.s32 $0x10, s16  }
0x63: {  	v6 =	vor.u32 s18, v0  }
0x64: {  	[tilespmem:v5+s4+$0x0] =	vst.idx.msk $0xffff, v6  }
0x65: {  	v5 =	vld [tilespmem:s0+$0xFFFFFFF0];
	_ =	sdelay $0x2  }
0x66: {  	v6 =	vld [tilespmem:s24+$0xFFFFFFF0];
	_ =	sdelay $0x4  }
0x67: {  	[tilespmem:v5+s30+$0x0] =	vst.idx.msk $0xffff, v6  }
0x68: {  	v5 =	vld [tilespmem:s0+$0x0];
	_ =	sdelay $0x5  }
0x69: {  	s22 =	sadd.s32 $0x20, s16  }
0x6a: {  	v6 =	vor.u32 s22, v0  }
0x6b: {  	[tilespmem:v5+s4+$0x0] =	vst.idx.msk $0xffff, v6  }
0x6c: {  	v5 =	vld [tilespmem:s0+$0x0];
	_ =	sdelay $0x2  }
0x6d: {  	v6 =	vld [tilespmem:s24+$0x0];
	_ =	sdelay $0x4  }
0x6e: {  	[tilespmem:v5+s30+$0x0] =	vst.idx.msk $0xffff, v6  }
0x6f: {  	v5 =	vld [tilespmem:s0+$0x10];
	_ =	sdelay $0x5  }
0x70: {  	s23 =	sadd.s32 $0x30, s16  }
0x71: {  	v6 =	vor.u32 s23, v0  }
0x72: {  	[tilespmem:v5+s4+$0x0] =	vst.idx.msk $0xffff, v6  }
0x73: {  	v5 =	vld [tilespmem:s0+$0x10];
	_ =	sdelay $0x1  }
0x74: {  	s1 =	sadd.s32 $0x4, s1  }
0x75: {  	p0 =	slt.u32 s1, $0x7C;
	v6 =	vld [tilespmem:s24+$0x10]  }
.Ltmp2:
0x76: {  	_ = 	snop;
	(pc) =	sbr.rel @p0 .LBB2_5-.Ltmp2, $2  }
0x77: {  	_ =	sdelay $0x2  }
0x78: {  	s16 =	sadd.s32 $0x40, s16;
	s0 =	sadd.s32 $0x40, s0;
	s24 =	sadd.s32 $0x40, s24;
	[tilespmem:v5+s30+$0x0] =	vst.idx.msk $0xffff, v6  }
0x79: {  	s0 =	rddreg [dreg:$0x6]  }
0x7a: {  	s1 =	rddreg [dreg:$0x7]  }
0x7b: {  	[hbm4b:s0+s4] =	stream.linear.scatter [tilespmem:s1], [sflag:$0x3], $0xC0, $0x38;
	[tilespmem:$0xD000] =	vst v63  }
0x7c: {  	_ =	swait.ge [sflag:s25], $0xC0  }
0x7d: {  	[sflag:s25] =	ssyncset.done $0x0  }
0x7e: {  	[sflag:s25] =	ssyncadd.s32 $0xFFFFFF40  }
0x7f: {  	v5 =	vld [tilespmem:s5+$0x0];
	_ =	sdelay $0x4  }
0x80: {  	v6 =	vshll.u32 v5, $0x2  }
0x81: {  	v5 =	vand.u32 $0x7, v5;
	v6 =	vand.u32 $0xFFFFFFE0, v6  }
0x82: {  	v5 =	vor.u32 v5, v6  }
0x83: {  	v6 =	vperm.xlane v5, v2;
	_ =	sdelay $0x1  }
0x84: {  	v6 =	vadd.s32 v3, v6;
	_ =	sdelay $0x1  }
0x85: {  	v5 =	vperm.xlane v5, v4;
	_ =	sdelay $0x1  }
0x86: {  	v5 =	vadd.s32 v3, v5  }
0x87: {  	[tilespmem:s31], [sflag:$0x1] =	stream.indirect_vreg.gather [hbm4b:s2+s4], $0x80, v6, vm0, $0xb8;
	[tilespmem:$0xD000] =	vst v63  }
0x88: {  	s1 =	simm.s32 $0x5800  }
0x89: {  	[tilespmem:s1], [sflag:$0x1] =	stream.indirect_vreg.gather [hbm4b:s12+s4], $0x80, v6, vm0, $0xb8;
	[tilespmem:$0xD000] =	vst v63  }
0x8a: {  	s16 =	simm.s32 $0x6000  }
0x8b: {  	[tilespmem:s16], [sflag:$0x1] =	stream.indirect_vreg.gather [hbm4b:s2+s4], $0x80, v5, vm0, $0xb8;
	[tilespmem:$0xD000] =	vst v63  }
0x8c: {  	s18 =	simm.s32 $0x6800  }
0x8d: {  	[tilespmem:s18], [sflag:$0x1] =	stream.indirect_vreg.gather [hbm4b:s12+s4], $0x80, v5, vm0, $0xb8;
	[tilespmem:$0xD000] =	vst v63  }
0x8e: {  	v5 =	vld [tilespmem:s5+$0x10];
	_ =	sdelay $0x4  }
0x8f: {  	v6 =	vshll.u32 v5, $0x2  }
0x90: {  	v5 =	vand.u32 $0x7, v5;
	v6 =	vand.u32 $0xFFFFFFE0, v6  }
0x91: {  	v5 =	vor.u32 v5, v6  }
0x92: {  	v6 =	vperm.xlane v5, v2;
	_ =	sdelay $0x1  }
0x93: {  	v6 =	vadd.s32 v3, v6;
	_ =	sdelay $0x1  }
0x94: {  	v5 =	vperm.xlane v5, v4;
	_ =	sdelay $0x1  }
0x95: {  	v5 =	vadd.s32 v3, v5  }
0x96: {  	[tilespmem:s26], [sflag:$0x1] =	stream.indirect_vreg.gather [hbm4b:s2+s4], $0x80, v6, vm0, $0xb8;
	[tilespmem:$0xD000] =	vst v63  }
0x97: {  	_ = 	snop  }
0x98: {  	[tilespmem:s28], [sflag:$0x1] =	stream.indirect_vreg.gather [hbm4b:s12+s4], $0x80, v6, vm0, $0xb8;
	[tilespmem:$0xD000] =	vst v63  }
0x99: {  	_ = 	snop  }
0x9a: {  	[tilespmem:s29], [sflag:$0x1] =	stream.indirect_vreg.gather [hbm4b:s2+s4], $0x80, v5, vm0, $0xb8;
	[tilespmem:$0xD000] =	vst v63  }
0x9b: {  	_ = 	snop  }
0x9c: {  	[tilespmem:s3], [sflag:$0x1] =	stream.indirect_vreg.gather [hbm4b:s12+s4], $0x80, v5, vm0, $0xb8;
	[tilespmem:$0xD000] =	vst v63  }
0x9d: {  	v5 =	vld [tilespmem:s11+$0x0];
	_ =	sdelay $0x4  }
0x9e: {  	v6 =	vshll.u32 v5, $0x2  }
0x9f: {  	v5 =	vand.u32 $0x7, v5;
	v6 =	vand.u32 $0xFFFFFFE0, v6  }
0xa0: {  	v5 =	vor.u32 v5, v6  }
0xa1: {  	v6 =	vperm.xlane v5, v2;
	_ =	sdelay $0x1  }
0xa2: {  	v6 =	vadd.s32 v3, v6;
	_ =	sdelay $0x1  }
0xa3: {  	v5 =	vperm.xlane v5, v4;
	_ =	sdelay $0x1  }
0xa4: {  	v5 =	vadd.s32 v3, v5  }
0xa5: {  	[tilespmem:s6], [sflag:$0x2] =	stream.indirect_vreg.gather [hbm4b:s2+s4], $0x80, v6, vm0, $0xb8;
	[tilespmem:$0xD000] =	vst v63  }
0xa6: {  	_ = 	snop  }
0xa7: {  	[tilespmem:s7], [sflag:$0x2] =	stream.indirect_vreg.gather [hbm4b:s12+s4], $0x80, v6, vm0, $0xb8;
	[tilespmem:$0xD000] =	vst v63  }
0xa8: {  	_ = 	snop  }
0xa9: {  	[tilespmem:s8], [sflag:$0x2] =	stream.indirect_vreg.gather [hbm4b:s2+s4], $0x80, v5, vm0, $0xb8;
	[tilespmem:$0xD000] =	vst v63  }
0xaa: {  	_ = 	snop  }
0xab: {  	[tilespmem:s9], [sflag:$0x2] =	stream.indirect_vreg.gather [hbm4b:s12+s4], $0x80, v5, vm0, $0xb8;
	[tilespmem:$0xD000] =	vst v63  }
0xac: {  	v5 =	vld [tilespmem:s11+$0x10];
	_ =	sdelay $0x4  }
0xad: {  	v6 =	vshll.u32 v5, $0x2  }
0xae: {  	v5 =	vand.u32 $0x7, v5;
	v6 =	vand.u32 $0xFFFFFFE0, v6  }
0xaf: {  	v5 =	vor.u32 v5, v6  }
0xb0: {  	v6 =	vperm.xlane v5, v2;
	_ =	sdelay $0x1  }
0xb1: {  	v6 =	vadd.s32 v3, v6;
	_ =	sdelay $0x1  }
0xb2: {  	v5 =	vperm.xlane v5, v4;
	_ =	sdelay $0x1  }
0xb3: {  	v5 =	vadd.s32 v3, v5  }
0xb4: {  	[tilespmem:s10], [sflag:$0x2] =	stream.indirect_vreg.gather [hbm4b:s2+s4], $0x80, v6, vm0, $0xb8;
	[tilespmem:$0xD000] =	vst v63  }
0xb5: {  	_ = 	snop  }
0xb6: {  	[tilespmem:s14], [sflag:$0x2] =	stream.indirect_vreg.gather [hbm4b:s12+s4], $0x80, v6, vm0, $0xb8;
	[tilespmem:$0xD000] =	vst v63  }
0xb7: {  	_ = 	snop  }
0xb8: {  	[tilespmem:s15], [sflag:$0x2] =	stream.indirect_vreg.gather [hbm4b:s2+s4], $0x80, v5, vm0, $0xb8;
	[tilespmem:$0xD000] =	vst v63  }
0xb9: {  	_ = 	snop  }
0xba: {  	[tilespmem:s17], [sflag:$0x2] =	stream.indirect_vreg.gather [hbm4b:s12+s4], $0x80, v5, vm0, $0xb8;
	[tilespmem:$0xD000] =	vst v63  }
0xbb: {  	_ =	swait.ge [sflag:s20], $0x4000  }
0xbc: {  	[sflag:s20] =	ssyncset.done $0x0  }
0xbd: {  	s24 =	rddreg [dreg:$0x9];
	[sflag:s20] =	ssyncadd.s32 $0xFFFFC000  }
0xbe: {  	[hbm4b:s24+s4] =	stream.linear.scatter [tilespmem:s31], [sflag:$0x3], $0x4000, $0x38;
	[tilespmem:$0xD000] =	vst v63  }
0xbf: {  	_ =	swait.ge [sflag:s25], $0x4000  }
0xc0: {  	[sflag:s25] =	ssyncset.done $0x0  }
0xc1: {  	[sflag:s25] =	ssyncadd.s32 $0xFFFFC000  }
0xc2: {  	v5 =	vld [tilespmem:s5+$0x40];
	_ =	sdelay $0x4  }
0xc3: {  	v6 =	vshll.u32 v5, $0x2  }
0xc4: {  	v5 =	vand.u32 $0x7, v5;
	v6 =	vand.u32 $0xFFFFFFE0, v6  }
0xc5: {  	v5 =	vor.u32 v5, v6  }
0xc6: {  	v6 =	vperm.xlane v5, v2;
	_ =	sdelay $0x1  }
0xc7: {  	v6 =	vadd.s32 v3, v6;
	_ =	sdelay $0x1  }
0xc8: {  	v5 =	vperm.xlane v5, v4;
	_ =	sdelay $0x1  }
0xc9: {  	v5 =	vadd.s32 v3, v5  }
0xca: {  	[tilespmem:s31], [sflag:$0x1] =	stream.indirect_vreg.gather [hbm4b:s2+s4], $0x80, v6, vm0, $0xb8;
	[tilespmem:$0xD000] =	vst v63  }
0xcb: {  	_ = 	snop  }
0xcc: {  	[tilespmem:s1], [sflag:$0x1] =	stream.indirect_vreg.gather [hbm4b:s12+s4], $0x80, v6, vm0, $0xb8;
	[tilespmem:$0xD000] =	vst v63  }
0xcd: {  	_ = 	snop  }
0xce: {  	[tilespmem:s16], [sflag:$0x1] =	stream.indirect_vreg.gather [hbm4b:s2+s4], $0x80, v5, vm0, $0xb8;
	[tilespmem:$0xD000] =	vst v63  }
0xcf: {  	s19 =	rddreg [dreg:$0x8]  }
0xd0: {  	[tilespmem:s18], [sflag:$0x1] =	stream.indirect_vreg.gather [hbm4b:s12+s4], $0x80, v5, vm0, $0xb8;
	[tilespmem:$0xD000] =	vst v63  }
0xd1: {  	v5 =	vld [tilespmem:s19+$0x10];
	_ =	sdelay $0x4  }
0xd2: {  	v6 =	vshll.u32 v5, $0x2  }
0xd3: {  	v5 =	vand.u32 $0x7, v5;
	v6 =	vand.u32 $0xFFFFFFE0, v6  }
0xd4: {  	v5 =	vor.u32 v5, v6  }
0xd5: {  	v6 =	vperm.xlane v5, v2;
	_ =	sdelay $0x1  }
0xd6: {  	v6 =	vadd.s32 v3, v6;
	_ =	sdelay $0x1  }
0xd7: {  	v5 =	vperm.xlane v5, v4;
	_ =	sdelay $0x1  }
0xd8: {  	v5 =	vadd.s32 v3, v5  }
0xd9: {  	[tilespmem:s26], [sflag:$0x1] =	stream.indirect_vreg.gather [hbm4b:s2+s4], $0x80, v6, vm0, $0xb8;
	[tilespmem:$0xD000] =	vst v63  }
0xda: {  	_ = 	snop  }
0xdb: {  	[tilespmem:s28], [sflag:$0x1] =	stream.indirect_vreg.gather [hbm4b:s12+s4], $0x80, v6, vm0, $0xb8;
	[tilespmem:$0xD000] =	vst v63  }
0xdc: {  	_ = 	snop  }
0xdd: {  	[tilespmem:s29], [sflag:$0x1] =	stream.indirect_vreg.gather [hbm4b:s2+s4], $0x80, v5, vm0, $0xb8;
	[tilespmem:$0xD000] =	vst v63  }
0xde: {  	_ = 	snop  }
0xdf: {  	[tilespmem:s3], [sflag:$0x1] =	stream.indirect_vreg.gather [hbm4b:s12+s4], $0x80, v5, vm0, $0xb8;
	[tilespmem:$0xD000] =	vst v63  }
0xe0: {  	_ =	swait.ge [sflag:s21], $0x4000  }
0xe1: {  	[sflag:s21] =	ssyncset.done $0x0  }
0xe2: {  	s22 =	rddreg [dreg:$0xa];
	[sflag:s21] =	ssyncadd.s32 $0xFFFFC000  }
0xe3: {  	[hbm4b:s22+s4] =	stream.linear.scatter [tilespmem:s6], [sflag:$0x3], $0x4000, $0x38;
	[tilespmem:$0xD000] =	vst v63  }
0xe4: {  	_ =	swait.ge [sflag:s25], $0x4000  }
0xe5: {  	[sflag:s25] =	ssyncset.done $0x0  }
0xe6: {  	[sflag:s25] =	ssyncadd.s32 $0xFFFFC000  }
0xe7: {  	v5 =	vld [tilespmem:s5+$0x60];
	_ =	sdelay $0x4  }
0xe8: {  	v6 =	vshll.u32 v5, $0x2  }
0xe9: {  	v5 =	vand.u32 $0x7, v5;
	v6 =	vand.u32 $0xFFFFFFE0, v6  }
0xea: {  	v5 =	vor.u32 v5, v6  }
0xeb: {  	v6 =	vperm.xlane v5, v2;
	_ =	sdelay $0x1  }
0xec: {  	v6 =	vadd.s32 v3, v6;
	_ =	sdelay $0x1  }
0xed: {  	v5 =	vperm.xlane v5, v4;
	_ =	sdelay $0x1  }
0xee: {  	v5 =	vadd.s32 v3, v5  }
0xef: {  	[tilespmem:s6], [sflag:$0x2] =	stream.indirect_vreg.gather [hbm4b:s2+s4], $0x80, v6, vm0, $0xb8;
	[tilespmem:$0xD000] =	vst v63  }
0xf0: {  	_ = 	snop  }
0xf1: {  	[tilespmem:s7], [sflag:$0x2] =	stream.indirect_vreg.gather [hbm4b:s12+s4], $0x80, v6, vm0, $0xb8;
	[tilespmem:$0xD000] =	vst v63  }
0xf2: {  	_ = 	snop  }
0xf3: {  	[tilespmem:s8], [sflag:$0x2] =	stream.indirect_vreg.gather [hbm4b:s2+s4], $0x80, v5, vm0, $0xb8;
	[tilespmem:$0xD000] =	vst v63  }
0xf4: {  	s23 =	rddreg [dreg:$0xb]  }
0xf5: {  	[tilespmem:s9], [sflag:$0x2] =	stream.indirect_vreg.gather [hbm4b:s12+s4], $0x80, v5, vm0, $0xb8;
	[tilespmem:$0xD000] =	vst v63  }
0xf6: {  	v5 =	vld [tilespmem:s23+$0x10];
	_ =	sdelay $0x4  }
0xf7: {  	v6 =	vshll.u32 v5, $0x2  }
0xf8: {  	v5 =	vand.u32 $0x7, v5;
	v6 =	vand.u32 $0xFFFFFFE0, v6  }
0xf9: {  	v5 =	vor.u32 v5, v6  }
0xfa: {  	v6 =	vperm.xlane v5, v2;
	_ =	sdelay $0x1  }
0xfb: {  	v6 =	vadd.s32 v3, v6;
	_ =	sdelay $0x1  }
0xfc: {  	v5 =	vperm.xlane v5, v4;
	_ =	sdelay $0x1  }
0xfd: {  	v5 =	vadd.s32 v3, v5  }
0xfe: {  	[tilespmem:s10], [sflag:$0x2] =	stream.indirect_vreg.gather [hbm4b:s2+s4], $0x80, v6, vm0, $0xb8;
	[tilespmem:$0xD000] =	vst v63  }
0xff: {  	_ = 	snop  }
0x100: {  	[tilespmem:s14], [sflag:$0x2] =	stream.indirect_vreg.gather [hbm4b:s12+s4], $0x80, v6, vm0, $0xb8;
	[tilespmem:$0xD000] =	vst v63  }
0x101: {  	_ = 	snop  }
0x102: {  	[tilespmem:s15], [sflag:$0x2] =	stream.indirect_vreg.gather [hbm4b:s2+s4], $0x80, v5, vm0, $0xb8;
	[tilespmem:$0xD000] =	vst v63  }
0x103: {  	_ = 	snop  }
0x104: {  	[tilespmem:s17], [sflag:$0x2] =	stream.indirect_vreg.gather [hbm4b:s12+s4], $0x80, v5, vm0, $0xb8;
	[tilespmem:$0xD000] =	vst v63  }
0x105: {  	_ =	swait.ge [sflag:s20], $0x4000  }
0x106: {  	[sflag:s20] =	ssyncset.done $0x0  }
0x107: {  	s24 =	rddreg [dreg:$0xc];
	[sflag:s20] =	ssyncadd.s32 $0xFFFFC000  }
0x108: {  	[hbm4b:s24+s4] =	stream.linear.scatter [tilespmem:s31], [sflag:$0x3], $0x4000, $0x38;
	[tilespmem:$0xD000] =	vst v63  }
0x109: {  	_ =	swait.ge [sflag:s25], $0x4000  }
0x10a: {  	[sflag:s25] =	ssyncset.done $0x0  }
0x10b: {  	[sflag:s25] =	ssyncadd.s32 $0xFFFFC000  }
0x10c: {  	v5 =	vld [tilespmem:s5+$0x80];
	_ =	sdelay $0x4  }
0x10d: {  	v6 =	vshll.u32 v5, $0x2  }
0x10e: {  	v5 =	vand.u32 $0x7, v5;
	v6 =	vand.u32 $0xFFFFFFE0, v6  }
0x10f: {  	v5 =	vor.u32 v5, v6  }
0x110: {  	v6 =	vperm.xlane v5, v2;
	_ =	sdelay $0x1  }
0x111: {  	v6 =	vadd.s32 v3, v6;
	_ =	sdelay $0x1  }
0x112: {  	v5 =	vperm.xlane v5, v4;
	_ =	sdelay $0x1  }
0x113: {  	v5 =	vadd.s32 v3, v5  }
0x114: {  	[tilespmem:s31], [sflag:$0x1] =	stream.indirect_vreg.gather [hbm4b:s2+s4], $0x80, v6, vm0, $0xb8;
	[tilespmem:$0xD000] =	vst v63  }
0x115: {  	_ = 	snop  }
0x116: {  	[tilespmem:s1], [sflag:$0x1] =	stream.indirect_vreg.gather [hbm4b:s12+s4], $0x80, v6, vm0, $0xb8;
	[tilespmem:$0xD000] =	vst v63  }
0x117: {  	_ = 	snop  }
0x118: {  	[tilespmem:s16], [sflag:$0x1] =	stream.indirect_vreg.gather [hbm4b:s2+s4], $0x80, v5, vm0, $0xb8;
	[tilespmem:$0xD000] =	vst v63  }
0x119: {  	s16 =	rddreg [dreg:$0xd]  }
0x11a: {  	[tilespmem:s18], [sflag:$0x1] =	stream.indirect_vreg.gather [hbm4b:s12+s4], $0x80, v5, vm0, $0xb8;
	[tilespmem:$0xD000] =	vst v63  }
0x11b: {  	v5 =	vld [tilespmem:s16+$0x10];
	_ =	sdelay $0x4  }
0x11c: {  	v6 =	vshll.u32 v5, $0x2  }
0x11d: {  	v5 =	vand.u32 $0x7, v5;
	v6 =	vand.u32 $0xFFFFFFE0, v6  }
0x11e: {  	v5 =	vor.u32 v5, v6  }
0x11f: {  	v6 =	vperm.xlane v5, v2;
	_ =	sdelay $0x1  }
0x120: {  	v6 =	vadd.s32 v3, v6;
	_ =	sdelay $0x1  }
0x121: {  	v5 =	vperm.xlane v5, v4;
	_ =	sdelay $0x1  }
0x122: {  	v5 =	vadd.s32 v3, v5  }
0x123: {  	[tilespmem:s26], [sflag:$0x1] =	stream.indirect_vreg.gather [hbm4b:s2+s4], $0x80, v6, vm0, $0xb8;
	[tilespmem:$0xD000] =	vst v63  }
0x124: {  	_ = 	snop  }
0x125: {  	[tilespmem:s28], [sflag:$0x1] =	stream.indirect_vreg.gather [hbm4b:s12+s4], $0x80, v6, vm0, $0xb8;
	[tilespmem:$0xD000] =	vst v63  }
0x126: {  	_ = 	snop  }
0x127: {  	[tilespmem:s29], [sflag:$0x1] =	stream.indirect_vreg.gather [hbm4b:s2+s4], $0x80, v5, vm0, $0xb8;
	[tilespmem:$0xD000] =	vst v63  }
0x128: {  	_ = 	snop  }
0x129: {  	[tilespmem:s3], [sflag:$0x1] =	stream.indirect_vreg.gather [hbm4b:s12+s4], $0x80, v5, vm0, $0xb8;
	[tilespmem:$0xD000] =	vst v63  }
0x12a: {  	_ =	swait.ge [sflag:s21], $0x4000  }
0x12b: {  	[sflag:s21] =	ssyncset.done $0x0  }
0x12c: {  	s18 =	rddreg [dreg:$0xf];
	[sflag:s21] =	ssyncadd.s32 $0xFFFFC000  }
0x12d: {  	[hbm4b:s18+s4] =	stream.linear.scatter [tilespmem:s6], [sflag:$0x3], $0x4000, $0x38;
	[tilespmem:$0xD000] =	vst v63  }
0x12e: {  	_ =	swait.ge [sflag:s25], $0x4000  }
0x12f: {  	[sflag:s25] =	ssyncset.done $0x0  }
0x130: {  	[sflag:s25] =	ssyncadd.s32 $0xFFFFC000  }
0x131: {  	v5 =	vld [tilespmem:s5+$0xA0];
	_ =	sdelay $0x4  }
0x132: {  	v6 =	vshll.u32 v5, $0x2  }
0x133: {  	v5 =	vand.u32 $0x7, v5;
	v6 =	vand.u32 $0xFFFFFFE0, v6  }
0x134: {  	v5 =	vor.u32 v5, v6  }
0x135: {  	v6 =	vperm.xlane v5, v2;
	_ =	sdelay $0x1  }
0x136: {  	v6 =	vadd.s32 v3, v6;
	_ =	sdelay $0x1  }
0x137: {  	v5 =	vperm.xlane v5, v4;
	_ =	sdelay $0x1  }
0x138: {  	v5 =	vadd.s32 v3, v5  }
0x139: {  	[tilespmem:s6], [sflag:$0x2] =	stream.indirect_vreg.gather [hbm4b:s2+s4], $0x80, v6, vm0, $0xb8;
	[tilespmem:$0xD000] =	vst v63  }
0x13a: {  	_ = 	snop  }
0x13b: {  	[tilespmem:s7], [sflag:$0x2] =	stream.indirect_vreg.gather [hbm4b:s12+s4], $0x80, v6, vm0, $0xb8;
	[tilespmem:$0xD000] =	vst v63  }
0x13c: {  	_ = 	snop  }
0x13d: {  	[tilespmem:s8], [sflag:$0x2] =	stream.indirect_vreg.gather [hbm4b:s2+s4], $0x80, v5, vm0, $0xb8;
	[tilespmem:$0xD000] =	vst v63  }
0x13e: {  	s19 =	rddreg [dreg:$0xe]  }
0x13f: {  	[tilespmem:s9], [sflag:$0x2] =	stream.indirect_vreg.gather [hbm4b:s12+s4], $0x80, v5, vm0, $0xb8;
	[tilespmem:$0xD000] =	vst v63  }
0x140: {  	v5 =	vld [tilespmem:s19+$0x10];
	_ =	sdelay $0x4  }
0x141: {  	v6 =	vshll.u32 v5, $0x2  }
0x142: {  	v5 =	vand.u32 $0x7, v5;
	v6 =	vand.u32 $0xFFFFFFE0, v6  }
0x143: {  	v5 =	vor.u32 v5, v6  }
0x144: {  	v6 =	vperm.xlane v5, v2;
	_ =	sdelay $0x1  }
0x145: {  	v6 =	vadd.s32 v3, v6;
	_ =	sdelay $0x1  }
0x146: {  	v5 =	vperm.xlane v5, v4;
	_ =	sdelay $0x1  }
0x147: {  	v5 =	vadd.s32 v3, v5  }
0x148: {  	[tilespmem:s10], [sflag:$0x2] =	stream.indirect_vreg.gather [hbm4b:s2+s4], $0x80, v6, vm0, $0xb8;
	[tilespmem:$0xD000] =	vst v63  }
0x149: {  	_ = 	snop  }
0x14a: {  	[tilespmem:s14], [sflag:$0x2] =	stream.indirect_vreg.gather [hbm4b:s12+s4], $0x80, v6, vm0, $0xb8;
	[tilespmem:$0xD000] =	vst v63  }
0x14b: {  	_ = 	snop  }
0x14c: {  	[tilespmem:s15], [sflag:$0x2] =	stream.indirect_vreg.gather [hbm4b:s2+s4], $0x80, v5, vm0, $0xb8;
	[tilespmem:$0xD000] =	vst v63  }
0x14d: {  	_ = 	snop  }
0x14e: {  	[tilespmem:s17], [sflag:$0x2] =	stream.indirect_vreg.gather [hbm4b:s12+s4], $0x80, v5, vm0, $0xb8;
	[tilespmem:$0xD000] =	vst v63  }
0x14f: {  	_ =	swait.ge [sflag:s20], $0x4000  }
0x150: {  	[sflag:s20] =	ssyncset.done $0x0  }
0x151: {  	s22 =	rddreg [dreg:$0x10];
	[sflag:s20] =	ssyncadd.s32 $0xFFFFC000  }
0x152: {  	[hbm4b:s22+s4] =	stream.linear.scatter [tilespmem:s31], [sflag:$0x3], $0x4000, $0x38;
	[tilespmem:$0xD000] =	vst v63  }
0x153: {  	_ =	swait.ge [sflag:s25], $0x4000  }
0x154: {  	[sflag:s25] =	ssyncset.done $0x0  }
0x155: {  	[sflag:s25] =	ssyncadd.s32 $0xFFFFC000  }
0x156: {  	_ =	swait.ge [sflag:s21], $0x4000  }
0x157: {  	[sflag:s21] =	ssyncset.done $0x0  }
0x158: {  	s23 =	rddreg [dreg:$0x11];
	[sflag:s21] =	ssyncadd.s32 $0xFFFFC000  }
0x159: {  	[hbm4b:s23+s4] =	stream.linear.scatter [tilespmem:s6], [sflag:$0x3], $0x4000, $0x38;
	[tilespmem:$0xD000] =	vst v63  }
0x15a: {  	_ =	swait.ge [sflag:s25], $0x4000  }
0x15b: {  	s13 =	sadd.s32 $0x1, s13;
	s24 =	rddreg [dreg:$0x12]  }
0x15c: {  	p0 =	sne.s32 s13, s24  }
.Ltmp3:
0x15d: {  	_ = 	snop;
	(pc) =	sbr.rel @p0 .LBB2_1-.Ltmp3, $3  }
0x15e: {  	_ =	sdelay $0x1  }
0x15f: {  	[sflag:s25] =	ssyncset.done $0x0  }
0x160: {  	[sflag:s25] =	ssyncadd.s32 $0xFFFFC000  }
0x161: {  	_ =	sfence.sel $0x180000  }
0x162: {  	[bflag:$0x0] =	sbarrier.arrive $0xFFFF  }
0x163: {  	_ =	strace $0x90000047  }
0x164: {  	s0 =	stileid.u32;
	[bflag:$0x2] =	sbarrier.arrive $0xFFFF  }
0x165: {  	p0 =	sne.s32 s0, $0x0;
	s0 =	rddreg [dreg:$0x2]  }
0x166: {  	s0 =	sadd.s32 @!p0 $0x100000, s0  }
0x167: {  	[sflag:s0] =	ssyncadd.tile.s32 @!p0 $0x1;
	_ =	shalt  }
.Lfunc_end2:
_tile_overlayer_lowered:
.L_overlay_start_2:
0x168: {  	(tag) =	ssettag $0x2  }
0x169: {  	s0 =	rddreg [dreg:$0x0];
	s2 =	stileid.u32  }
0x16a: {  	s1 =	rddreg [dreg:$0x1];
	p0 =	sne.s32 s2, $0x0  }
0x16b: {  	s3 =	rddreg [dreg:$0x2];
	[bflag:$0x3] =	sbarrier.arrive $0xFFFF;
	s2 =	simm.s32 @!p0 $0x1C03  }
0x16c: {  	[timem:s3], [sflag:s2] =	dma.local @!p0 [hbm:s0], s1  }
0x16d: {  	s0 =	simm.s32 @!p0 $0x3  }
0x16e: {  	_ =	swait.ge @!p0 [sflag:s0], s1  }
0x16f: {  	s1 =	ssub.s32 @!p0 $0x0, s1;
	[sflag:s0] =	ssyncset.done @!p0 $0x0  }
0x170: {  	[sflag:s0] =	ssyncadd.s32 @!p0 s1  }
0x171: {  	[bflag:$0x3] =	sbarrier.arrive $0xFFFF  }
0x172: {  	_ =	shalt  }

// kernel: kernel.9.cloned.1.call-start
scs
__scs_entry_jumppad:
0x0: {  	(pc) =	sbr.rel $0x88, $3  }
0x1: {  	(tag) =	ssettag $0x0;
	lr =	simm.s32 $0x1  }
0x2: {  	[smem:$0x3F9C] =	sst lr;
	_ =	strace $0xD0000000  }
0x3: {  	_ = 	snop  }
0x4: {  	_ = 	snop  }
0x5: {  	_ = 	snop  }
0x6: {  	_ = 	snop  }
0x7: {  	_ = 	snop  }
__scs_overlays_trampoline_lowered:
0x8: {  	[smem:$0x3FAB] =	sst s0  }
0x9: {  	[smem:$0x3FAC] =	sst s1  }
0xa: {  	[smem:$0x3FAD] =	sst s2  }
0xb: {  	[smem:$0x3FAE] =	sst s3  }
0xc: {  	[smem:$0x3FAF] =	sst s4  }
0xd: {  	[smem:$0x3FB0] =	sst s5  }
0xe: {  	[smem:$0x3FB1] =	sst s6  }
0xf: {  	[smem:$0x3FB2] =	sst s7  }
0x10: {  	[smem:$0x3FB3] =	sst s8  }
0x11: {  	[smem:$0x3FB4] =	sst s9;
	s0 =	simm.s32 @!p0 $0x0  }
0x12: {  	s1 =	sld [smem:$0x3F9A];
	s0 =	simm.s32 @p0 $0x1  }
0x13: {  	[smem:$0x3FB5] =	sst s0;
	s0 =	simm.s32 @!p1 $0x0  }
0x14: {  	s2 =	sld [smem:$0x3F99];
	s0 =	simm.s32 @p1 $0x1  }
0x15: {  	[smem:$0x3FB6] =	sst s0;
	s0 =	simm.s32 @!p2 $0x0  }
0x16: {  	s3 =	sld [smem:$0x3FDB];
	s0 =	simm.s32 @p2 $0x1  }
0x17: {  	s4 =	simm.s32 $0x1BF5;
	[smem:$0x3FB8] =	sst s0  }
0x18: {  	s0 =	sld [smem:$0x3F9B];
	_ =	swait.ge [sflag:s4], $0x0  }
0x19: {  	s7 =	sld [smem:$0x3F9C]  }
0x1a: {  	s8 =	sadd.s32 $0xFFFFE003, lr  }
0x1b: {  	s9 =	sadd.s32 $0xFFFFFEF7, lr;
	s5 =	simm.s32 $0xFFFFFFFF;
	p2 =	slt.u32 s8, $0xFFFFF086  }
0x1c: {  	p1 =	slt.u32 s9, $0xF7A;
	s5 =	simm.s32 @!p2 $0x0  }
0x1d: {  	s5 =	simm.s32 @p1 $0x1;
	p0 =	seq.s32 s7, s2  }
0x1e: {  	s7 =	smul.u32 @!p0 $0xF7A, s2;
	p2 =	seq.s32 @!p0 s5, $0x0  }
0x1f: {  	s9 =	smul.u32 $0xF7A, s1;
	s8 =	simm.s32 @!p0 $0x1BF5;
	p2 =	por !p2, p0  }
0x20: {  	[sflag:s8] =	ssyncset.s32 @!p0 $0xFFFFF086;
	s6 =	sadd.s32 @!p0 s3, s7;
	s7 =	simm.s32 @!p0 $0x108  }
0x21: {  	s3 =	sadd.s32 s3, s9;
	s6 =	sadd.s32 @!p0 $0x88, s6;
	s7 =	simm.s32 @p2 $0x1082  }
0x22: {  	[simem:s7], [sflag:s8] =	dma.local @!p0 [hbm:s6], $0xF7A  }
0x23: {  	s9 =	sor.u32 $0xD0000000, s2;
	s6 =	simm.s32 $0x108;
	_ =	swait.ge @!p0 [sflag:s8], $0x0  }
0x24: {  	s3 =	sadd.s32 $0x88, s3;
	s6 =	simm.s32 @!p1 $0x1082;
	[sflag:s4] =	ssyncset.s32 $0xFFFFF086  }
0x25: {  	[simem:s6], [sflag:s4] =	dma.local [hbm:s3], $0xF7A  }
0x26: {  	[smem:$0x3F9C] =	sst s1;
	(tag) =	ssettag s2;
	_ =	strace s9  }
0x27: {  	s1 =	sld [smem:$0x3FAC]  }
0x28: {  	s2 =	sld [smem:$0x3FAD]  }
0x29: {  	s4 =	sld [smem:$0x3FAF]  }
0x2a: {  	p0 =	seq.s32 s5, $0x0;
	s5 =	sld [smem:$0x3FB0]  }
0x2b: {  	s6 =	sld [smem:$0x3FB1]  }
0x2c: {  	s7 =	sld [smem:$0x3FB2]  }
0x2d: {  	s3 =	simm.s32 $0x108;
	s8 =	sld [smem:$0x3FB3]  }
0x2e: {  	s3 =	simm.s32 @!p0 $0x1082;
	s9 =	sld [smem:$0x3FB4]  }
0x2f: {  	lr =	sadd.s32 s0, s3;
	s0 =	sld [smem:$0x3FAB]  }
0x30: {  	s3 =	sld [smem:$0x3FAE]  }
0x31: {  	[smem:$0x3FB7] =	sst s10  }
0x32: {  	s10 =	sld [smem:$0x3FB5];
	_ =	sdelay $0x3  }
0x33: {  	p0 =	seq.s32 s10, $0x1;
	s10 =	sld [smem:$0x3FB7];
	_ =	sdelay $0x3  }
0x34: {  	[smem:$0x3FB7] =	sst s10  }
0x35: {  	s10 =	sld [smem:$0x3FB6];
	_ =	sdelay $0x3  }
0x36: {  	p1 =	seq.s32 s10, $0x1;
	s10 =	sld [smem:$0x3FB7];
	_ =	sdelay $0x3  }
0x37: {  	[smem:$0x3FB7] =	sst s10  }
0x38: {  	s10 =	sld [smem:$0x3FB8]  }
0x39: {  	_ = 	snop;
	(pc) =	sbr.ind lr, $3  }
0x3a: {  	_ = 	snop  }
0x3b: {  	_ = 	snop  }
0x3c: {  	p2 =	seq.s32 s10, $0x1;
	s10 =	sld [smem:$0x3FB7]  }
0x3d: {  	_ =	shalt  }
0x3e: {  	_ =	shalt  }
0x3f: {  	_ =	shalt  }
0x40: {  	_ =	shalt  }
0x41: {  	_ =	shalt  }
0x42: {  	_ =	shalt  }
0x43: {  	_ =	shalt  }
0x44: {  	_ =	shalt  }
0x45: {  	_ =	shalt  }
0x46: {  	_ =	shalt  }
0x47: {  	_ =	shalt  }
0x48: {  	_ =	shalt  }
0x49: {  	_ =	shalt  }
0x4a: {  	_ =	shalt  }
0x4b: {  	_ =	shalt  }
0x4c: {  	_ =	shalt  }
0x4d: {  	_ =	shalt  }
0x4e: {  	_ =	shalt  }
0x4f: {  	_ =	shalt  }
0x50: {  	_ =	shalt  }
0x51: {  	_ =	shalt  }
0x52: {  	_ =	shalt  }
0x53: {  	_ =	shalt  }
0x54: {  	_ =	shalt  }
0x55: {  	_ =	shalt  }
0x56: {  	_ =	shalt  }
0x57: {  	_ =	shalt  }
0x58: {  	_ =	shalt  }
0x59: {  	_ =	shalt  }
0x5a: {  	_ =	shalt  }
0x5b: {  	_ =	shalt  }
0x5c: {  	_ =	shalt  }
0x5d: {  	_ =	shalt  }
0x5e: {  	_ =	shalt  }
0x5f: {  	_ =	shalt  }
0x60: {  	_ =	shalt  }
0x61: {  	_ =	shalt  }
0x62: {  	_ =	shalt  }
0x63: {  	_ =	shalt  }
0x64: {  	_ =	shalt  }
0x65: {  	_ =	shalt  }
0x66: {  	_ =	shalt  }
0x67: {  	_ =	shalt  }
0x68: {  	_ =	shalt  }
0x69: {  	_ =	shalt  }
0x6a: {  	_ =	shalt  }
0x6b: {  	_ =	shalt  }
0x6c: {  	_ =	shalt  }
0x6d: {  	_ =	shalt  }
0x6e: {  	_ =	shalt  }
0x6f: {  	_ =	shalt  }
0x70: {  	_ =	shalt  }
0x71: {  	_ =	shalt  }
0x72: {  	_ =	shalt  }
0x73: {  	_ =	shalt  }
0x74: {  	_ =	shalt  }
0x75: {  	_ =	shalt  }
0x76: {  	_ =	shalt  }
0x77: {  	_ =	shalt  }
0x78: {  	_ =	shalt  }
0x79: {  	_ =	shalt  }
0x7a: {  	_ =	shalt  }
0x7b: {  	_ =	shalt  }
0x7c: {  	_ =	shalt  }
0x7d: {  	_ =	shalt  }
0x7e: {  	_ =	shalt  }
0x7f: {  	_ =	shalt  }
0x80: {  	_ =	shalt  }
0x81: {  	_ =	shalt  }
0x82: {  	_ =	shalt  }
0x83: {  	_ =	shalt  }
0x84: {  	_ =	shalt  }
0x85: {  	_ =	shalt  }
0x86: {  	_ =	shalt  }
0x87: {  	_ =	shalt  }
.Lfunc_end0:
.L_simem_size_0:
called_computation.1_lowered:
.L_overlay_start_0:
0x88: {  	s2 =	sld [smem:$0x3FD9]  }
0x89: {  	s3 =	sld [smem:$0x3FFE];
	_ =	sdelay $0x1  }
0x8a: {  	s1 =	srdreg.scid  }
0x8b: {  	s0 =	sand.u32 $0x1, s1  }
0x8c: {  	s17 =	sshll.u32 s0, $0xA;
	s2 =	sadd.s32 s3, s2  }
0x8d: {  	s2 =	sadd.s32 s2, s17  }
0x8e: {  	[smem:$0x3FC3] =	sst s2  }
0x8f: {  	_ = 	snop  }
0x90: {  	s2 =	sld [smem:$0x3FD0];
	(tm) =	ssettm $0x1  }
0x91: {  	s18 =	sld [smem:$0x3FFB];
	_ =	sdelay $0x3  }
0x92: {  	_ =	strace s18  }
0x93: {  	s3 =	sld [smem:$0x3FFC];
	_ =	sdelay $0x3  }
0x94: {  	_ =	strace s3  }
0x95: {  	s3 =	sld [smem:$0x3FFD];
	_ =	sdelay $0x3  }
0x96: {  	_ =	strace s3  }
0x97: {  	_ =	strace $0x8FFFFFFF  }
0x98: {  	s19 =	sld [smem:$0x3FDB];
	_ =	sdelay $0x1  }
0x99: {  	s4 =	simm.s32 $_scs_section_size  }
0x9a: {  	s5 =	simm.s32 $_size__tile_overlayer_lowered;
	s6 =	simm.s32 $_tile_overlayer_lowered  }
0x9b: {  	s22 =	simm.s32 $0x1BFF;
	s21 =	sshll.u32 s6, $0x1;
	s3 =	sadd.s32 s4, s19  }
0x9c: {  	s7 =	simm.s32 $0x0;
	s20 =	sshll.u32 s5, $0x1;
	s5 =	sadd.s32 s21, s3  }
0x9d: {  	[timem:s7], [sflag:s22] =	dma.local [hbm:s5], s20  }
0x9e: {  	_ =	swait.ge [sflag:s22], s20  }
0x9f: {  	s4 =	ssub.s32 $0x0, s20;
	[sflag:s22] =	ssyncset.done $0x0  }
0xa0: {  	[sflag:s22] =	ssyncadd.s32 s4;
	_ =	sdelay $0x1  }
0xa1: {  	s23 =	simm.s32 $0x1B8B  }
0xa2: {  	_ =	swait.ge [sflag:s23], $0x1  }
0xa3: {  	[sflag:s23] =	ssyncset.done $0x0  }
0xa4: {  	s25 =	simm.s32 $0x1B8E;
	s24 =	sld [smem:$0x3FFE];
	[sflag:s23] =	ssyncadd.s32 $0xFFFFFFFF  }
0xa5: {  	s26 =	simm.s32 $execute0_lowered;
	[smem:$0x3FD2] =	sst s25  }
0xa6: {  	s5 =	sshll.u32 s26, $0x1;
	_ =	strace $0x80000049;
	[dreg:$0x1] =	wrdreg $0xFFFFFFFF  }
0xa7: {  	s28 =	simm.s32 $_size_execute0_lowered;
	s3 =	sadd.s32 s3, s5;
	[dreg:$0x0] =	wrdreg $0x0  }
0xa8: {  	s5 =	sshll.u32 s28, $0x1;
	[dreg:$0x2] =	wrdreg s3  }
0xa9: {  	[dreg:$0x3] =	wrdreg s5  }
0xaa: {  	[dreg:$0x4] =	wrdreg $0xC0  }
0xab: {  	_ =	task [dreg:s7], $0x5FFFF  }
0xac: {  	[dreg:$0x1] =	wrdreg $0xFFFFFFFF  }
0xad: {  	[dreg:$0x0] =	wrdreg $0x60  }
0xae: {  	[dreg:$0x2] =	wrdreg s24  }
0xaf: {  	[dreg:$0x3] =	wrdreg s2  }
0xb0: {  	[dreg:$0x4] =	wrdreg $0x9  }
0xb1: {  	_ =	task.clear_ibuf [dreg:s7], $0x5FFFF;
	_ =	strace $0x90000049  }
0xb2: {  	s29 =	simm.s32 $0x9;
	_ =	strace $0x8000004B  }
0xb3: {  	_ =	swait.ge [sflag:s29], $0x1  }
0xb4: {  	[sflag:s29] =	ssyncadd.s32 $0xFFFFFFFF  }
0xb5: {  	_ =	strace $0x9000004B  }
0xb6: {  	_ =	sfence  }
0xb7: {  	s30 =	sld [smem:$0x0];
	_ =	sdelay $0x2  }
0xb8: {  	s31 =	sshll.u32 s1, $0xD;
	s1 =	sshrl.u32 s1, $0x2  }
0xb9: {  	s3 =	sand.u32 $0x4000, s31;
	s1 =	sadd.s32 s1, s30  }
0xba: {  	s0 =	sor.u32 s3, s0;
	s1 =	sshll.u32 s1, $0x11  }
0xbb: {  	s0 =	sor.u32 s1, s0  }
0xbc: {  	s0 =	sadd.s32 $0x8F2B, s0  }
0xbd: {  	[sflag:s0] =	ssyncadd.remote.s32 $0x1  }
0xbe: {  	_ =	sfence.sel $0xFFFF  }
0xbf: {  	[dreg:$0x0] =	wrdreg $0xFFFFFFFF;
	(pc) =	sbr.abs _section_cstart, $3  }
0xc0: {  	[dreg:$0x1] =	wrdreg $0xFFFFFFFF  }
0xc1: {  	_ =	task.clear_ibuf [dreg:s7], $0x2FFFF;
	_ =	strace $0x9FFFFFFF  }
0xc2: {  	(tm) =	ssettm $0x7FFFFFFF  }
0xc3: {  	_ =	shalt  }
tec
execute0_lowered:
.L_overlay_start_1:
0x0: {  	(tag) =	ssettag $0x1  }
0x1: {  	s0 =	rddreg [dreg:$0x0]  }
0x2: {  	s1 =	rddreg [dreg:$0x1]  }
0x3: {  	s3 =	srdreg.scid;
	s2 =	simm.s32 $0x0;
	s4 =	stileid.u32  }
0x4: {  	s10 =	simm.s32 $0x3;
	s15 =	simm.s32 $0x1900;
	s16 =	simm.s32 $0x2100  }
0x5: {  	s17 =	simm.s32 $0x2900;
	s18 =	simm.s32 $0x3100;
	s19 =	simm.s32 $0x3900  }
0x6: {  	s20 =	simm.s32 $0x4100;
	s21 =	simm.s32 $0x4900;
	s22 =	simm.s32 $0x5100  }
0x7: {  	s23 =	simm.s32 $0x5900;
	s24 =	simm.s32 $0x6100;
	s28 =	simm.s32 $0x7900  }
0x8: {  	s29 =	simm.s32 $0x1;
	s30 =	simm.s32 $0x2;
	s31 =	simm.s32 $0x8100  }
0x9: {  	s3 =	sand.u32 $0x1, s3;
	[smem:$0x7FF] =	sst s2;
	s4 =	sshll.u32 s4, $0x7  }
0xa: {  	s5 =	sshll.u32 s3, $0x6;
	_ =	strace $0x8000004A;
	s6 =	ssub.s32 $0x2, s3  }
0xb: {  	s3 =	sadd.s32 $0x400, s0;
	s5 =	sor.u32 s5, s4;
	s25 =	sshrl.u32 s6, $0x1  }
0xc: {  	s7 =	sshrl.u32 s5, $0x3;
	s9 =	ssub.s32 s6, s25;
	s26 =	sshll.u32 s5, $0x7  }
0xd: {  	v2 =	vlaneseq.u32;
	s6 =	sadd.s32 $0x500, s0;
	s25 =	simm.s32 $0x6900;
	s4 =	sadd.s32 s0, s7  }
0xe: {  	vm0 =	vmmov $0xffff;
	v1 =	vshrl.u32 v2, $0x3;
	s7 =	sadd.s32 s1, s26;
	s9 =	smax.u32 s9, $0x1;
	s26 =	simm.s32 $0x7100  }
0xf: {  	v0 =	vand.u32 $0x7, v2;
	v2 =	vor.u32 $0x8, v2;
	v1 =	vmul.u32 $0x8, v1;
	s0 =	simm.s32 $0x0;
	s5 =	sadd.s32 $0x200, s4;
	s8 =	sadd.s32 $0x1000, s7  }
.LBB2_1:
0x10: {  	[tilespmem:s2], [sflag:$0x3] =	stream.linear.gather [hbm4b:s4+s2], $0x40, $0x38;
	[tilespmem:$0x10100] =	vst v63  }
0x11: {  	_ =	swait.ge [sflag:s10], $0x40  }
0x12: {  	[sflag:s10] =	ssyncset.done $0x0  }
0x13: {  	s1 =	simm.s32 $0x80;
	[sflag:s10] =	ssyncadd.s32 $0xFFFFFFC0  }
0x14: {  	[tilespmem:s1], [sflag:$0x3] =	stream.linear.gather [hbm4b:s5+s2], $0x40, $0x38;
	[tilespmem:$0x10100] =	vst v63  }
0x15: {  	_ =	swait.ge [sflag:s10], $0x40  }
0x16: {  	[sflag:s10] =	ssyncset.done $0x0  }
0x17: {  	[sflag:s10] =	ssyncadd.s32 $0xFFFFFFC0  }
0x18: {  	v3 =	vld [tilespmem:$0x0];
	_ =	sdelay $0x4  }
0x19: {  	v4 =	vshll.u32 v3, $0x2  }
0x1a: {  	v3 =	vand.u32 $0x7, v3;
	v4 =	vand.u32 $0xFFFFFFE0, v4  }
0x1b: {  	v3 =	vor.u32 v3, v4  }
0x1c: {  	v4 =	vperm.xlane v3, v0;
	_ =	sdelay $0x1  }
0x1d: {  	v4 =	vadd.s32 v1, v4;
	_ =	sdelay $0x1  }
0x1e: {  	v3 =	vperm.xlane v3, v2;
	_ =	sdelay $0x1  }
0x1f: {  	s12 =	simm.s32 $0x100;
	v3 =	vadd.s32 v1, v3  }
0x20: {  	[tilespmem:s12], [sflag:$0x1] =	stream.indirect_vreg.gather [hbm4b:s3+s2], $0x80, v4, vm0, $0xb8;
	[tilespmem:$0x10100] =	vst v63  }
0x21: {  	s13 =	simm.s32 $0x900  }
0x22: {  	[tilespmem:s13], [sflag:$0x1] =	stream.indirect_vreg.gather [hbm4b:s6+s2], $0x80, v4, vm0, $0xb8;
	[tilespmem:$0x10100] =	vst v63  }
0x23: {  	s14 =	simm.s32 $0x1100  }
0x24: {  	[tilespmem:s14], [sflag:$0x1] =	stream.indirect_vreg.gather [hbm4b:s3+s2], $0x80, v3, vm0, $0xb8;
	[tilespmem:$0x10100] =	vst v63  }
0x25: {  	_ = 	snop  }
0x26: {  	[tilespmem:s15], [sflag:$0x1] =	stream.indirect_vreg.gather [hbm4b:s6+s2], $0x80, v3, vm0, $0xb8;
	[tilespmem:$0x10100] =	vst v63  }
0x27: {  	v3 =	vld [tilespmem:$0x10];
	_ =	sdelay $0x4  }
0x28: {  	v61 =	vshll.u32 v3, $0x2  }
0x29: {  	v3 =	vand.u32 $0x7, v3;
	v4 =	vand.u32 $0xFFFFFFE0, v61  }
0x2a: {  	v3 =	vor.u32 v3, v4  }
0x2b: {  	v4 =	vperm.xlane v3, v0;
	_ =	sdelay $0x1  }
0x2c: {  	v4 =	vadd.s32 v1, v4;
	_ =	sdelay $0x1  }
0x2d: {  	v3 =	vperm.xlane v3, v2;
	_ =	sdelay $0x1  }
0x2e: {  	v3 =	vadd.s32 v1, v3  }
0x2f: {  	[tilespmem:s16], [sflag:$0x1] =	stream.indirect_vreg.gather [hbm4b:s3+s2], $0x80, v4, vm0, $0xb8;
	[tilespmem:$0x10100] =	vst v63  }
0x30: {  	_ = 	snop  }
0x31: {  	[tilespmem:s17], [sflag:$0x1] =	stream.indirect_vreg.gather [hbm4b:s6+s2], $0x80, v4, vm0, $0xb8;
	[tilespmem:$0x10100] =	vst v63  }
0x32: {  	_ = 	snop  }
0x33: {  	[tilespmem:s18], [sflag:$0x1] =	stream.indirect_vreg.gather [hbm4b:s3+s2], $0x80, v3, vm0, $0xb8;
	[tilespmem:$0x10100] =	vst v63  }
0x34: {  	_ = 	snop  }
0x35: {  	[tilespmem:s19], [sflag:$0x1] =	stream.indirect_vreg.gather [hbm4b:s6+s2], $0x80, v3, vm0, $0xb8;
	[tilespmem:$0x10100] =	vst v63  }
0x36: {  	v3 =	vld [tilespmem:$0x80];
	_ =	sdelay $0x4  }
0x37: {  	v62 =	vshll.u32 v3, $0x2  }
0x38: {  	v3 =	vand.u32 $0x7, v3;
	v4 =	vand.u32 $0xFFFFFFE0, v62  }
0x39: {  	v3 =	vor.u32 v3, v4  }
0x3a: {  	v4 =	vperm.xlane v3, v0;
	_ =	sdelay $0x1  }
0x3b: {  	v4 =	vadd.s32 v1, v4;
	_ =	sdelay $0x1  }
0x3c: {  	v3 =	vperm.xlane v3, v2;
	_ =	sdelay $0x1  }
0x3d: {  	v3 =	vadd.s32 v1, v3  }
0x3e: {  	[tilespmem:s20], [sflag:$0x2] =	stream.indirect_vreg.gather [hbm4b:s3+s2], $0x80, v4, vm0, $0xb8;
	[tilespmem:$0x10100] =	vst v63  }
0x3f: {  	_ = 	snop  }
0x40: {  	[tilespmem:s21], [sflag:$0x2] =	stream.indirect_vreg.gather [hbm4b:s6+s2], $0x80, v4, vm0, $0xb8;
	[tilespmem:$0x10100] =	vst v63  }
0x41: {  	_ = 	snop  }
0x42: {  	[tilespmem:s22], [sflag:$0x2] =	stream.indirect_vreg.gather [hbm4b:s3+s2], $0x80, v3, vm0, $0xb8;
	[tilespmem:$0x10100] =	vst v63  }
0x43: {  	_ = 	snop  }
0x44: {  	[tilespmem:s23], [sflag:$0x2] =	stream.indirect_vreg.gather [hbm4b:s6+s2], $0x80, v3, vm0, $0xb8;
	[tilespmem:$0x10100] =	vst v63  }
0x45: {  	v3 =	vld [tilespmem:$0x90];
	_ =	sdelay $0x4  }
0x46: {  	v63 =	vshll.u32 v3, $0x2  }
0x47: {  	v3 =	vand.u32 $0x7, v3;
	v4 =	vand.u32 $0xFFFFFFE0, v63  }
0x48: {  	v3 =	vor.u32 v3, v4  }
0x49: {  	v4 =	vperm.xlane v3, v0;
	_ =	sdelay $0x1  }
0x4a: {  	v4 =	vadd.s32 v1, v4;
	_ =	sdelay $0x1  }
0x4b: {  	v3 =	vperm.xlane v3, v2;
	_ =	sdelay $0x1  }
0x4c: {  	v3 =	vadd.s32 v1, v3  }
0x4d: {  	[tilespmem:s24], [sflag:$0x2] =	stream.indirect_vreg.gather [hbm4b:s3+s2], $0x80, v4, vm0, $0xb8;
	[tilespmem:$0x10100] =	vst v63  }
0x4e: {  	_ = 	snop  }
0x4f: {  	[tilespmem:s25], [sflag:$0x2] =	stream.indirect_vreg.gather [hbm4b:s6+s2], $0x80, v4, vm0, $0xb8;
	[tilespmem:$0x10100] =	vst v63  }
0x50: {  	_ = 	snop  }
0x51: {  	[tilespmem:s26], [sflag:$0x2] =	stream.indirect_vreg.gather [hbm4b:s3+s2], $0x80, v3, vm0, $0xb8;
	[tilespmem:$0x10100] =	vst v63  }
0x52: {  	_ = 	snop  }
0x53: {  	[tilespmem:s28], [sflag:$0x2] =	stream.indirect_vreg.gather [hbm4b:s6+s2], $0x80, v3, vm0, $0xb8;
	[tilespmem:$0x10100] =	vst v63  }
0x54: {  	_ =	swait.ge [sflag:s29], $0x4000  }
0x55: {  	[sflag:s29] =	ssyncset.done $0x0  }
0x56: {  	[sflag:s29] =	ssyncadd.s32 $0xFFFFC000  }
0x57: {  	_ =	swait.ge [sflag:s30], $0x4000  }
0x58: {  	[sflag:s30] =	ssyncset.done $0x0  }
0x59: {  	s11 =	simm.s32 $0x0;
	s1 =	simm.s32 $0x0;
	[sflag:s30] =	ssyncadd.s32 $0xFFFFC000  }
.LBB2_2:
0x5a: {  	s12 =	sshll.u32 s11, $0x9  }
0x5b: {  	s13 =	sand.u32 $0x380, s1;
	s12 =	sand.u32 $0xFFFFF000, s12  }
0x5c: {  	s12 =	sor.u32 s13, s12  }
0x5d: {  	v3 =	vld [tilespmem:s12+$0x100]  }
0x5e: {  	v4 =	vld [tilespmem:s12+$0x4100];
	_ =	sdelay $0x4  }
0x5f: {  	s14 =	sshll.u32 s11, $0xA;
	v5 =	vshll.u32 v3, $0x10;
	v6 =	vshll.u32 v4, $0x10  }
0x60: {  	s14 =	sand.u32 $0x3FFFE000, s14;
	v3 =	vand.u32 $0xFFFF0000, v3;
	v4 =	vand.u32 $0xFFFF0000, v4;
	v5 =	vadd.f32 v6, v5  }
0x61: {  	s13 =	sor.u32 s13, s14;
	v3 =	vadd.f32 v4, v3  }
0x62: {  	[tilespmem:s13+$0x8100] =	vst v5  }
0x63: {  	[tilespmem:s13+$0x9100] =	vst v3  }
0x64: {  	v3 =	vld [tilespmem:s12+$0x110]  }
0x65: {  	v26 =	vld [tilespmem:s12+$0x4110];
	_ =	sdelay $0x4  }
0x66: {  	v27 =	vshll.u32 v3, $0x10;
	v28 =	vshll.u32 v26, $0x10  }
0x67: {  	v3 =	vand.u32 $0xFFFF0000, v3;
	v4 =	vand.u32 $0xFFFF0000, v26;
	v5 =	vadd.f32 v28, v27  }
0x68: {  	v3 =	vadd.f32 v4, v3  }
0x69: {  	[tilespmem:s13+$0x8110] =	vst v5  }
0x6a: {  	[tilespmem:s13+$0x9110] =	vst v3  }
0x6b: {  	v3 =	vld [tilespmem:s12+$0x120]  }
0x6c: {  	v29 =	vld [tilespmem:s12+$0x4120];
	_ =	sdelay $0x4  }
0x6d: {  	v30 =	vshll.u32 v3, $0x10;
	v31 =	vshll.u32 v29, $0x10  }
0x6e: {  	v3 =	vand.u32 $0xFFFF0000, v3;
	v4 =	vand.u32 $0xFFFF0000, v29;
	v5 =	vadd.f32 v31, v30  }
0x6f: {  	v3 =	vadd.f32 v4, v3  }
0x70: {  	[tilespmem:s13+$0x8120] =	vst v5  }
0x71: {  	[tilespmem:s13+$0x9120] =	vst v3  }
0x72: {  	v3 =	vld [tilespmem:s12+$0x130]  }
0x73: {  	v32 =	vld [tilespmem:s12+$0x4130];
	_ =	sdelay $0x4  }
0x74: {  	v33 =	vshll.u32 v3, $0x10;
	v34 =	vshll.u32 v32, $0x10  }
0x75: {  	v3 =	vand.u32 $0xFFFF0000, v3;
	v4 =	vand.u32 $0xFFFF0000, v32;
	v5 =	vadd.f32 v34, v33  }
0x76: {  	v3 =	vadd.f32 v4, v3  }
0x77: {  	[tilespmem:s13+$0x8130] =	vst v5  }
0x78: {  	[tilespmem:s13+$0x9130] =	vst v3  }
0x79: {  	v3 =	vld [tilespmem:s12+$0x140]  }
0x7a: {  	v35 =	vld [tilespmem:s12+$0x4140];
	_ =	sdelay $0x4  }
0x7b: {  	v36 =	vshll.u32 v3, $0x10;
	v37 =	vshll.u32 v35, $0x10  }
0x7c: {  	v3 =	vand.u32 $0xFFFF0000, v3;
	v4 =	vand.u32 $0xFFFF0000, v35;
	v5 =	vadd.f32 v37, v36  }
0x7d: {  	v3 =	vadd.f32 v4, v3  }
0x7e: {  	[tilespmem:s13+$0x8140] =	vst v5  }
0x7f: {  	[tilespmem:s13+$0x9140] =	vst v3  }
0x80: {  	v3 =	vld [tilespmem:s12+$0x150]  }
0x81: {  	v38 =	vld [tilespmem:s12+$0x4150];
	_ =	sdelay $0x4  }
0x82: {  	v39 =	vshll.u32 v3, $0x10;
	v40 =	vshll.u32 v38, $0x10  }
0x83: {  	v3 =	vand.u32 $0xFFFF0000, v3;
	v4 =	vand.u32 $0xFFFF0000, v38;
	v5 =	vadd.f32 v40, v39  }
0x84: {  	v3 =	vadd.f32 v4, v3  }
0x85: {  	[tilespmem:s13+$0x8150] =	vst v5  }
0x86: {  	[tilespmem:s13+$0x9150] =	vst v3  }
0x87: {  	v3 =	vld [tilespmem:s12+$0x160]  }
0x88: {  	v41 =	vld [tilespmem:s12+$0x4160];
	_ =	sdelay $0x4  }
0x89: {  	v42 =	vshll.u32 v3, $0x10;
	v43 =	vshll.u32 v41, $0x10  }
0x8a: {  	v3 =	vand.u32 $0xFFFF0000, v3;
	v4 =	vand.u32 $0xFFFF0000, v41;
	v5 =	vadd.f32 v43, v42  }
0x8b: {  	v3 =	vadd.f32 v4, v3  }
0x8c: {  	[tilespmem:s13+$0x8160] =	vst v5  }
0x8d: {  	[tilespmem:s13+$0x9160] =	vst v3  }
0x8e: {  	v3 =	vld [tilespmem:s12+$0x170]  }
0x8f: {  	v44 =	vld [tilespmem:s12+$0x4170];
	_ =	sdelay $0x4  }
0x90: {  	v45 =	vshll.u32 v3, $0x10;
	v46 =	vshll.u32 v44, $0x10  }
0x91: {  	v3 =	vand.u32 $0xFFFF0000, v3;
	v4 =	vand.u32 $0xFFFF0000, v44;
	v5 =	vadd.f32 v46, v45  }
0x92: {  	v3 =	vadd.f32 v4, v3  }
0x93: {  	[tilespmem:s13+$0x8170] =	vst v5  }
0x94: {  	[tilespmem:s13+$0x9170] =	vst v3  }
0x95: {  	v3 =	vld [tilespmem:s12+$0x500]  }
0x96: {  	v47 =	vld [tilespmem:s12+$0x4500];
	_ =	sdelay $0x4  }
0x97: {  	v48 =	vshll.u32 v3, $0x10;
	v49 =	vshll.u32 v47, $0x10  }
0x98: {  	v3 =	vand.u32 $0xFFFF0000, v3;
	v4 =	vand.u32 $0xFFFF0000, v47;
	v5 =	vadd.f32 v49, v48  }
0x99: {  	v3 =	vadd.f32 v4, v3  }
0x9a: {  	[tilespmem:s13+$0x8500] =	vst v5  }
0x9b: {  	[tilespmem:s13+$0x9500] =	vst v3  }
0x9c: {  	v3 =	vld [tilespmem:s12+$0x510]  }
0x9d: {  	v50 =	vld [tilespmem:s12+$0x4510];
	_ =	sdelay $0x4  }
0x9e: {  	v51 =	vshll.u32 v3, $0x10;
	v52 =	vshll.u32 v50, $0x10  }
0x9f: {  	v3 =	vand.u32 $0xFFFF0000, v3;
	v4 =	vand.u32 $0xFFFF0000, v50;
	v5 =	vadd.f32 v52, v51  }
0xa0: {  	v3 =	vadd.f32 v4, v3  }
0xa1: {  	[tilespmem:s13+$0x8510] =	vst v5  }
0xa2: {  	[tilespmem:s13+$0x9510] =	vst v3  }
0xa3: {  	v3 =	vld [tilespmem:s12+$0x520]  }
0xa4: {  	v53 =	vld [tilespmem:s12+$0x4520];
	_ =	sdelay $0x4  }
0xa5: {  	v54 =	vshll.u32 v3, $0x10;
	v55 =	vshll.u32 v53, $0x10  }
0xa6: {  	v3 =	vand.u32 $0xFFFF0000, v3;
	v4 =	vand.u32 $0xFFFF0000, v53;
	v5 =	vadd.f32 v55, v54  }
0xa7: {  	v3 =	vadd.f32 v4, v3  }
0xa8: {  	[tilespmem:s13+$0x8520] =	vst v5  }
0xa9: {  	[tilespmem:s13+$0x9520] =	vst v3  }
0xaa: {  	v3 =	vld [tilespmem:s12+$0x530]  }
0xab: {  	v56 =	vld [tilespmem:s12+$0x4530];
	_ =	sdelay $0x4  }
0xac: {  	v57 =	vshll.u32 v3, $0x10;
	v58 =	vshll.u32 v56, $0x10  }
0xad: {  	v3 =	vand.u32 $0xFFFF0000, v3;
	v4 =	vand.u32 $0xFFFF0000, v56;
	v5 =	vadd.f32 v58, v57  }
0xae: {  	v3 =	vadd.f32 v4, v3  }
0xaf: {  	[tilespmem:s13+$0x8530] =	vst v5  }
0xb0: {  	[tilespmem:s13+$0x9530] =	vst v3  }
0xb1: {  	v3 =	vld [tilespmem:s12+$0x540]  }
0xb2: {  	v59 =	vld [tilespmem:s12+$0x4540];
	_ =	sdelay $0x4  }
0xb3: {  	v60 =	vshll.u32 v3, $0x10;
	v61 =	vshll.u32 v59, $0x10  }
0xb4: {  	v3 =	vand.u32 $0xFFFF0000, v3;
	v4 =	vand.u32 $0xFFFF0000, v59;
	v5 =	vadd.f32 v61, v60  }
0xb5: {  	v3 =	vadd.f32 v4, v3  }
0xb6: {  	[tilespmem:s13+$0x8540] =	vst v5  }
0xb7: {  	[tilespmem:s13+$0x9540] =	vst v3  }
0xb8: {  	v3 =	vld [tilespmem:s12+$0x550]  }
0xb9: {  	v62 =	vld [tilespmem:s12+$0x4550];
	_ =	sdelay $0x4  }
0xba: {  	v63 =	vshll.u32 v3, $0x10;
	v9 =	vshll.u32 v62, $0x10  }
0xbb: {  	v3 =	vand.u32 $0xFFFF0000, v3;
	v4 =	vand.u32 $0xFFFF0000, v62;
	v5 =	vadd.f32 v9, v63  }
0xbc: {  	v3 =	vadd.f32 v4, v3  }
0xbd: {  	[tilespmem:s13+$0x8550] =	vst v5  }
0xbe: {  	[tilespmem:s13+$0x9550] =	vst v3  }
0xbf: {  	v3 =	vld [tilespmem:s12+$0x560]  }
0xc0: {  	v10 =	vld [tilespmem:s12+$0x4560];
	_ =	sdelay $0x4  }
0xc1: {  	v11 =	vshll.u32 v3, $0x10;
	v12 =	vshll.u32 v10, $0x10  }
0xc2: {  	v3 =	vand.u32 $0xFFFF0000, v3;
	v4 =	vand.u32 $0xFFFF0000, v10;
	v5 =	vadd.f32 v12, v11  }
0xc3: {  	v3 =	vadd.f32 v4, v3  }
0xc4: {  	[tilespmem:s13+$0x8560] =	vst v5  }
0xc5: {  	[tilespmem:s13+$0x9560] =	vst v3  }
0xc6: {  	v3 =	vld [tilespmem:s12+$0x570]  }
0xc7: {  	v13 =	vld [tilespmem:s12+$0x4570];
	_ =	sdelay $0x4  }
0xc8: {  	v14 =	vshll.u32 v3, $0x10;
	v15 =	vshll.u32 v13, $0x10  }
0xc9: {  	v3 =	vand.u32 $0xFFFF0000, v3;
	v4 =	vand.u32 $0xFFFF0000, v13;
	v5 =	vadd.f32 v15, v14  }
0xca: {  	v3 =	vadd.f32 v4, v3  }
0xcb: {  	[tilespmem:s13+$0x8570] =	vst v5  }
0xcc: {  	[tilespmem:s13+$0x9570] =	vst v3  }
0xcd: {  	v3 =	vld [tilespmem:s12+$0x900]  }
0xce: {  	v16 =	vld [tilespmem:s12+$0x4900];
	_ =	sdelay $0x4  }
0xcf: {  	v17 =	vshll.u32 v3, $0x10;
	v18 =	vshll.u32 v16, $0x10  }
0xd0: {  	v3 =	vand.u32 $0xFFFF0000, v3;
	v4 =	vand.u32 $0xFFFF0000, v16;
	v5 =	vadd.f32 v18, v17  }
0xd1: {  	v3 =	vadd.f32 v4, v3  }
0xd2: {  	[tilespmem:s13+$0x8900] =	vst v5  }
0xd3: {  	[tilespmem:s13+$0x9900] =	vst v3  }
0xd4: {  	v3 =	vld [tilespmem:s12+$0x910]  }
0xd5: {  	v19 =	vld [tilespmem:s12+$0x4910];
	_ =	sdelay $0x4  }
0xd6: {  	v20 =	vshll.u32 v3, $0x10;
	v21 =	vshll.u32 v19, $0x10  }
0xd7: {  	v3 =	vand.u32 $0xFFFF0000, v3;
	v4 =	vand.u32 $0xFFFF0000, v19;
	v5 =	vadd.f32 v21, v20  }
0xd8: {  	v3 =	vadd.f32 v4, v3  }
0xd9: {  	[tilespmem:s13+$0x8910] =	vst v5  }
0xda: {  	[tilespmem:s13+$0x9910] =	vst v3  }
0xdb: {  	v3 =	vld [tilespmem:s12+$0x920]  }
0xdc: {  	v22 =	vld [tilespmem:s12+$0x4920];
	_ =	sdelay $0x4  }
0xdd: {  	v23 =	vshll.u32 v3, $0x10;
	v24 =	vshll.u32 v22, $0x10  }
0xde: {  	v3 =	vand.u32 $0xFFFF0000, v3;
	v4 =	vand.u32 $0xFFFF0000, v22;
	v5 =	vadd.f32 v24, v23  }
0xdf: {  	v3 =	vadd.f32 v4, v3  }
0xe0: {  	[tilespmem:s13+$0x8920] =	vst v5  }
0xe1: {  	[tilespmem:s13+$0x9920] =	vst v3  }
0xe2: {  	v3 =	vld [tilespmem:s12+$0x930]  }
0xe3: {  	v25 =	vld [tilespmem:s12+$0x4930];
	_ =	sdelay $0x4  }
0xe4: {  	v26 =	vshll.u32 v3, $0x10;
	v27 =	vshll.u32 v25, $0x10  }
0xe5: {  	v3 =	vand.u32 $0xFFFF0000, v3;
	v4 =	vand.u32 $0xFFFF0000, v25;
	v5 =	vadd.f32 v27, v26  }
0xe6: {  	v3 =	vadd.f32 v4, v3  }
0xe7: {  	[tilespmem:s13+$0x8930] =	vst v5  }
0xe8: {  	[tilespmem:s13+$0x9930] =	vst v3  }
0xe9: {  	v3 =	vld [tilespmem:s12+$0x940]  }
0xea: {  	v28 =	vld [tilespmem:s12+$0x4940];
	_ =	sdelay $0x4  }
0xeb: {  	v29 =	vshll.u32 v3, $0x10;
	v30 =	vshll.u32 v28, $0x10  }
0xec: {  	v3 =	vand.u32 $0xFFFF0000, v3;
	v4 =	vand.u32 $0xFFFF0000, v28;
	v5 =	vadd.f32 v30, v29  }
0xed: {  	v3 =	vadd.f32 v4, v3  }
0xee: {  	[tilespmem:s13+$0x8940] =	vst v5  }
0xef: {  	[tilespmem:s13+$0x9940] =	vst v3  }
0xf0: {  	v3 =	vld [tilespmem:s12+$0x950]  }
0xf1: {  	v31 =	vld [tilespmem:s12+$0x4950];
	_ =	sdelay $0x4  }
0xf2: {  	v32 =	vshll.u32 v3, $0x10;
	v33 =	vshll.u32 v31, $0x10  }
0xf3: {  	v3 =	vand.u32 $0xFFFF0000, v3;
	v4 =	vand.u32 $0xFFFF0000, v31;
	v5 =	vadd.f32 v33, v32  }
0xf4: {  	v3 =	vadd.f32 v4, v3  }
0xf5: {  	[tilespmem:s13+$0x8950] =	vst v5  }
0xf6: {  	[tilespmem:s13+$0x9950] =	vst v3  }
0xf7: {  	v3 =	vld [tilespmem:s12+$0x960]  }
0xf8: {  	v34 =	vld [tilespmem:s12+$0x4960];
	_ =	sdelay $0x4  }
0xf9: {  	v35 =	vshll.u32 v3, $0x10;
	v36 =	vshll.u32 v34, $0x10  }
0xfa: {  	v3 =	vand.u32 $0xFFFF0000, v3;
	v4 =	vand.u32 $0xFFFF0000, v34;
	v5 =	vadd.f32 v36, v35  }
0xfb: {  	v3 =	vadd.f32 v4, v3  }
0xfc: {  	[tilespmem:s13+$0x8960] =	vst v5  }
0xfd: {  	[tilespmem:s13+$0x9960] =	vst v3  }
0xfe: {  	v3 =	vld [tilespmem:s12+$0x970]  }
0xff: {  	v37 =	vld [tilespmem:s12+$0x4970];
	_ =	sdelay $0x4  }
0x100: {  	v38 =	vshll.u32 v3, $0x10;
	v39 =	vshll.u32 v37, $0x10  }
0x101: {  	v3 =	vand.u32 $0xFFFF0000, v3;
	v4 =	vand.u32 $0xFFFF0000, v37;
	v5 =	vadd.f32 v39, v38  }
0x102: {  	v3 =	vadd.f32 v4, v3  }
0x103: {  	[tilespmem:s13+$0x8970] =	vst v5  }
0x104: {  	[tilespmem:s13+$0x9970] =	vst v3  }
0x105: {  	v3 =	vld [tilespmem:s12+$0xD00]  }
0x106: {  	v40 =	vld [tilespmem:s12+$0x4D00];
	_ =	sdelay $0x4  }
0x107: {  	v41 =	vshll.u32 v3, $0x10;
	v42 =	vshll.u32 v40, $0x10  }
0x108: {  	v3 =	vand.u32 $0xFFFF0000, v3;
	v4 =	vand.u32 $0xFFFF0000, v40;
	v5 =	vadd.f32 v42, v41  }
0x109: {  	v3 =	vadd.f32 v4, v3  }
0x10a: {  	[tilespmem:s13+$0x8D00] =	vst v5  }
0x10b: {  	[tilespmem:s13+$0x9D00] =	vst v3  }
0x10c: {  	v3 =	vld [tilespmem:s12+$0xD10]  }
0x10d: {  	v43 =	vld [tilespmem:s12+$0x4D10];
	_ =	sdelay $0x4  }
0x10e: {  	v44 =	vshll.u32 v3, $0x10;
	v45 =	vshll.u32 v43, $0x10  }
0x10f: {  	v3 =	vand.u32 $0xFFFF0000, v3;
	v4 =	vand.u32 $0xFFFF0000, v43;
	v5 =	vadd.f32 v45, v44  }
0x110: {  	v3 =	vadd.f32 v4, v3  }
0x111: {  	[tilespmem:s13+$0x8D10] =	vst v5  }
0x112: {  	[tilespmem:s13+$0x9D10] =	vst v3  }
0x113: {  	v3 =	vld [tilespmem:s12+$0xD20]  }
0x114: {  	v46 =	vld [tilespmem:s12+$0x4D20];
	_ =	sdelay $0x4  }
0x115: {  	v47 =	vshll.u32 v3, $0x10;
	v48 =	vshll.u32 v46, $0x10  }
0x116: {  	v3 =	vand.u32 $0xFFFF0000, v3;
	v4 =	vand.u32 $0xFFFF0000, v46;
	v5 =	vadd.f32 v48, v47  }
0x117: {  	v3 =	vadd.f32 v4, v3  }
0x118: {  	[tilespmem:s13+$0x8D20] =	vst v5  }
0x119: {  	[tilespmem:s13+$0x9D20] =	vst v3  }
0x11a: {  	v3 =	vld [tilespmem:s12+$0xD30]  }
0x11b: {  	v49 =	vld [tilespmem:s12+$0x4D30];
	_ =	sdelay $0x4  }
0x11c: {  	v50 =	vshll.u32 v3, $0x10;
	v51 =	vshll.u32 v49, $0x10  }
0x11d: {  	v3 =	vand.u32 $0xFFFF0000, v3;
	v4 =	vand.u32 $0xFFFF0000, v49;
	v5 =	vadd.f32 v51, v50  }
0x11e: {  	v3 =	vadd.f32 v4, v3  }
0x11f: {  	[tilespmem:s13+$0x8D30] =	vst v5  }
0x120: {  	[tilespmem:s13+$0x9D30] =	vst v3  }
0x121: {  	v3 =	vld [tilespmem:s12+$0xD40]  }
0x122: {  	v52 =	vld [tilespmem:s12+$0x4D40];
	_ =	sdelay $0x4  }
0x123: {  	v53 =	vshll.u32 v3, $0x10;
	v54 =	vshll.u32 v52, $0x10  }
0x124: {  	v3 =	vand.u32 $0xFFFF0000, v3;
	v4 =	vand.u32 $0xFFFF0000, v52;
	v5 =	vadd.f32 v54, v53  }
0x125: {  	v3 =	vadd.f32 v4, v3  }
0x126: {  	[tilespmem:s13+$0x8D40] =	vst v5  }
0x127: {  	[tilespmem:s13+$0x9D40] =	vst v3  }
0x128: {  	v3 =	vld [tilespmem:s12+$0xD50]  }
0x129: {  	v55 =	vld [tilespmem:s12+$0x4D50];
	_ =	sdelay $0x4  }
0x12a: {  	v56 =	vshll.u32 v3, $0x10;
	v57 =	vshll.u32 v55, $0x10  }
0x12b: {  	v3 =	vand.u32 $0xFFFF0000, v3;
	v4 =	vand.u32 $0xFFFF0000, v55;
	v5 =	vadd.f32 v57, v56  }
0x12c: {  	v3 =	vadd.f32 v4, v3  }
0x12d: {  	[tilespmem:s13+$0x8D50] =	vst v5  }
0x12e: {  	[tilespmem:s13+$0x9D50] =	vst v3  }
0x12f: {  	v3 =	vld [tilespmem:s12+$0xD60]  }
0x130: {  	v58 =	vld [tilespmem:s12+$0x4D60];
	_ =	sdelay $0x4  }
0x131: {  	v59 =	vshll.u32 v3, $0x10;
	v60 =	vshll.u32 v58, $0x10  }
0x132: {  	v3 =	vand.u32 $0xFFFF0000, v3;
	v4 =	vand.u32 $0xFFFF0000, v58;
	v5 =	vadd.f32 v60, v59  }
0x133: {  	v3 =	vadd.f32 v4, v3  }
0x134: {  	[tilespmem:s13+$0x8D60] =	vst v5  }
0x135: {  	[tilespmem:s13+$0x9D60] =	vst v3  }
0x136: {  	v3 =	vld [tilespmem:s12+$0xD70]  }
0x137: {  	v61 =	vld [tilespmem:s12+$0x4D70];
	_ =	sdelay $0x3  }
0x138: {  	p0 =	sne.s32 s11, $0x1F  }
.Ltmp0:
0x139: {  	v62 =	vshll.u32 v3, $0x10;
	v63 =	vshll.u32 v61, $0x10;
	(pc) =	sbr.rel @p0 .LBB2_2-.Ltmp0, $4  }
0x13a: {  	v3 =	vand.u32 $0xFFFF0000, v3;
	v4 =	vand.u32 $0xFFFF0000, v61;
	v5 =	vadd.f32 v63, v62  }
0x13b: {  	v3 =	vadd.f32 v4, v3  }
0x13c: {  	[tilespmem:s13+$0x8D70] =	vst v5  }
0x13d: {  	s1 =	sadd.s32 $0x80, s1;
	s11 =	sadd.s32 $0x1, s11;
	[tilespmem:s13+$0x9D70] =	vst v3  }
0x13e: {  	s1 =	simm.s32 $0x0  }
0x13f: {  	[hbm4b:s7+s1] =	stream.linear.scatter [tilespmem:s31], [sflag:$0x3], $0x8000, $0x38;
	[tilespmem:$0x10100] =	vst v63  }
0x140: {  	_ =	swait.ge [sflag:s10], $0x8000  }
0x141: {  	[sflag:s10] =	ssyncset.done $0x0  }
0x142: {  	[sflag:s10] =	ssyncadd.s32 $0xFFFF8000  }
0x143: {  	v3 =	vld [tilespmem:$0x20];
	_ =	sdelay $0x4  }
0x144: {  	v4 =	vshll.u32 v3, $0x2  }
0x145: {  	v3 =	vand.u32 $0x7, v3;
	v4 =	vand.u32 $0xFFFFFFE0, v4  }
0x146: {  	v3 =	vor.u32 v3, v4  }
0x147: {  	v4 =	vperm.xlane v3, v0;
	_ =	sdelay $0x1  }
0x148: {  	v4 =	vadd.s32 v1, v4;
	_ =	sdelay $0x1  }
0x149: {  	v3 =	vperm.xlane v3, v2;
	_ =	sdelay $0x1  }
0x14a: {  	s11 =	simm.s32 $0x100;
	v3 =	vadd.s32 v1, v3  }
0x14b: {  	[tilespmem:s11], [sflag:$0x1] =	stream.indirect_vreg.gather [hbm4b:s3+s1], $0x80, v4, vm0, $0xb8;
	[tilespmem:$0x10100] =	vst v63  }
0x14c: {  	s13 =	simm.s32 $0x900  }
0x14d: {  	[tilespmem:s13], [sflag:$0x1] =	stream.indirect_vreg.gather [hbm4b:s6+s1], $0x80, v4, vm0, $0xb8;
	[tilespmem:$0x10100] =	vst v63  }
0x14e: {  	s14 =	simm.s32 $0x1100  }
0x14f: {  	[tilespmem:s14], [sflag:$0x1] =	stream.indirect_vreg.gather [hbm4b:s3+s1], $0x80, v3, vm0, $0xb8;
	[tilespmem:$0x10100] =	vst v63  }
0x150: {  	_ = 	snop  }
0x151: {  	[tilespmem:s15], [sflag:$0x1] =	stream.indirect_vreg.gather [hbm4b:s6+s1], $0x80, v3, vm0, $0xb8;
	[tilespmem:$0x10100] =	vst v63  }
0x152: {  	v3 =	vld [tilespmem:$0x30];
	_ =	sdelay $0x4  }
0x153: {  	v61 =	vshll.u32 v3, $0x2  }
0x154: {  	v3 =	vand.u32 $0x7, v3;
	v4 =	vand.u32 $0xFFFFFFE0, v61  }
0x155: {  	v3 =	vor.u32 v3, v4  }
0x156: {  	v4 =	vperm.xlane v3, v0;
	_ =	sdelay $0x1  }
0x157: {  	v4 =	vadd.s32 v1, v4;
	_ =	sdelay $0x1  }
0x158: {  	v3 =	vperm.xlane v3, v2;
	_ =	sdelay $0x1  }
0x159: {  	v3 =	vadd.s32 v1, v3  }
0x15a: {  	[tilespmem:s16], [sflag:$0x1] =	stream.indirect_vreg.gather [hbm4b:s3+s1], $0x80, v4, vm0, $0xb8;
	[tilespmem:$0x10100] =	vst v63  }
0x15b: {  	_ = 	snop  }
0x15c: {  	[tilespmem:s17], [sflag:$0x1] =	stream.indirect_vreg.gather [hbm4b:s6+s1], $0x80, v4, vm0, $0xb8;
	[tilespmem:$0x10100] =	vst v63  }
0x15d: {  	_ = 	snop  }
0x15e: {  	[tilespmem:s18], [sflag:$0x1] =	stream.indirect_vreg.gather [hbm4b:s3+s1], $0x80, v3, vm0, $0xb8;
	[tilespmem:$0x10100] =	vst v63  }
0x15f: {  	_ = 	snop  }
0x160: {  	[tilespmem:s19], [sflag:$0x1] =	stream.indirect_vreg.gather [hbm4b:s6+s1], $0x80, v3, vm0, $0xb8;
	[tilespmem:$0x10100] =	vst v63  }
0x161: {  	v3 =	vld [tilespmem:$0xA0];
	_ =	sdelay $0x4  }
0x162: {  	v62 =	vshll.u32 v3, $0x2  }
0x163: {  	v3 =	vand.u32 $0x7, v3;
	v4 =	vand.u32 $0xFFFFFFE0, v62  }
0x164: {  	v3 =	vor.u32 v3, v4  }
0x165: {  	v4 =	vperm.xlane v3, v0;
	_ =	sdelay $0x1  }
0x166: {  	v4 =	vadd.s32 v1, v4;
	_ =	sdelay $0x1  }
0x167: {  	v3 =	vperm.xlane v3, v2;
	_ =	sdelay $0x1  }
0x168: {  	v3 =	vadd.s32 v1, v3  }
0x169: {  	[tilespmem:s20], [sflag:$0x2] =	stream.indirect_vreg.gather [hbm4b:s3+s1], $0x80, v4, vm0, $0xb8;
	[tilespmem:$0x10100] =	vst v63  }
0x16a: {  	_ = 	snop  }
0x16b: {  	[tilespmem:s21], [sflag:$0x2] =	stream.indirect_vreg.gather [hbm4b:s6+s1], $0x80, v4, vm0, $0xb8;
	[tilespmem:$0x10100] =	vst v63  }
0x16c: {  	_ = 	snop  }
0x16d: {  	[tilespmem:s22], [sflag:$0x2] =	stream.indirect_vreg.gather [hbm4b:s3+s1], $0x80, v3, vm0, $0xb8;
	[tilespmem:$0x10100] =	vst v63  }
0x16e: {  	_ = 	snop  }
0x16f: {  	[tilespmem:s23], [sflag:$0x2] =	stream.indirect_vreg.gather [hbm4b:s6+s1], $0x80, v3, vm0, $0xb8;
	[tilespmem:$0x10100] =	vst v63  }
0x170: {  	v3 =	vld [tilespmem:$0xB0];
	_ =	sdelay $0x4  }
0x171: {  	v63 =	vshll.u32 v3, $0x2  }
0x172: {  	v3 =	vand.u32 $0x7, v3;
	v4 =	vand.u32 $0xFFFFFFE0, v63  }
0x173: {  	v3 =	vor.u32 v3, v4  }
0x174: {  	v4 =	vperm.xlane v3, v0;
	_ =	sdelay $0x1  }
0x175: {  	v4 =	vadd.s32 v1, v4;
	_ =	sdelay $0x1  }
0x176: {  	v3 =	vperm.xlane v3, v2;
	_ =	sdelay $0x1  }
0x177: {  	v3 =	vadd.s32 v1, v3  }
0x178: {  	[tilespmem:s24], [sflag:$0x2] =	stream.indirect_vreg.gather [hbm4b:s3+s1], $0x80, v4, vm0, $0xb8;
	[tilespmem:$0x10100] =	vst v63  }
0x179: {  	_ = 	snop  }
0x17a: {  	[tilespmem:s25], [sflag:$0x2] =	stream.indirect_vreg.gather [hbm4b:s6+s1], $0x80, v4, vm0, $0xb8;
	[tilespmem:$0x10100] =	vst v63  }
0x17b: {  	_ = 	snop  }
0x17c: {  	[tilespmem:s26], [sflag:$0x2] =	stream.indirect_vreg.gather [hbm4b:s3+s1], $0x80, v3, vm0, $0xb8;
	[tilespmem:$0x10100] =	vst v63  }
0x17d: {  	_ = 	snop  }
0x17e: {  	[tilespmem:s28], [sflag:$0x2] =	stream.indirect_vreg.gather [hbm4b:s6+s1], $0x80, v3, vm0, $0xb8;
	[tilespmem:$0x10100] =	vst v63  }
0x17f: {  	_ =	swait.ge [sflag:s29], $0x4000  }
0x180: {  	[sflag:s29] =	ssyncset.done $0x0  }
0x181: {  	[sflag:s29] =	ssyncadd.s32 $0xFFFFC000  }
0x182: {  	_ =	swait.ge [sflag:s30], $0x4000  }
0x183: {  	[sflag:s30] =	ssyncset.done $0x0  }
0x184: {  	s11 =	simm.s32 $0x0;
	[sflag:s30] =	ssyncadd.s32 $0xFFFFC000  }
.LBB2_4:
0x185: {  	s12 =	sshll.u32 s11, $0x9  }
0x186: {  	s13 =	sand.u32 $0x380, s1;
	s12 =	sand.u32 $0xFFFFF000, s12  }
0x187: {  	s12 =	sor.u32 s13, s12  }
0x188: {  	v3 =	vld [tilespmem:s12+$0x100]  }
0x189: {  	v4 =	vld [tilespmem:s12+$0x4100];
	_ =	sdelay $0x4  }
0x18a: {  	s14 =	sshll.u32 s11, $0xA;
	v5 =	vshll.u32 v3, $0x10;
	v6 =	vshll.u32 v4, $0x10  }
0x18b: {  	s14 =	sand.u32 $0x3FFFE000, s14;
	v3 =	vand.u32 $0xFFFF0000, v3;
	v4 =	vand.u32 $0xFFFF0000, v4;
	v5 =	vadd.f32 v6, v5  }
0x18c: {  	s13 =	sor.u32 s13, s14;
	v3 =	vadd.f32 v4, v3  }
0x18d: {  	[tilespmem:s13+$0x8100] =	vst v5  }
0x18e: {  	[tilespmem:s13+$0x9100] =	vst v3  }
0x18f: {  	v3 =	vld [tilespmem:s12+$0x110]  }
0x190: {  	v26 =	vld [tilespmem:s12+$0x4110];
	_ =	sdelay $0x4  }
0x191: {  	v27 =	vshll.u32 v3, $0x10;
	v28 =	vshll.u32 v26, $0x10  }
0x192: {  	v3 =	vand.u32 $0xFFFF0000, v3;
	v4 =	vand.u32 $0xFFFF0000, v26;
	v5 =	vadd.f32 v28, v27  }
0x193: {  	v3 =	vadd.f32 v4, v3  }
0x194: {  	[tilespmem:s13+$0x8110] =	vst v5  }
0x195: {  	[tilespmem:s13+$0x9110] =	vst v3  }
0x196: {  	v3 =	vld [tilespmem:s12+$0x120]  }
0x197: {  	v29 =	vld [tilespmem:s12+$0x4120];
	_ =	sdelay $0x4  }
0x198: {  	v30 =	vshll.u32 v3, $0x10;
	v31 =	vshll.u32 v29, $0x10  }
0x199: {  	v3 =	vand.u32 $0xFFFF0000, v3;
	v4 =	vand.u32 $0xFFFF0000, v29;
	v5 =	vadd.f32 v31, v30  }
0x19a: {  	v3 =	vadd.f32 v4, v3  }
0x19b: {  	[tilespmem:s13+$0x8120] =	vst v5  }
0x19c: {  	[tilespmem:s13+$0x9120] =	vst v3  }
0x19d: {  	v3 =	vld [tilespmem:s12+$0x130]  }
0x19e: {  	v32 =	vld [tilespmem:s12+$0x4130];
	_ =	sdelay $0x4  }
0x19f: {  	v33 =	vshll.u32 v3, $0x10;
	v34 =	vshll.u32 v32, $0x10  }
0x1a0: {  	v3 =	vand.u32 $0xFFFF0000, v3;
	v4 =	vand.u32 $0xFFFF0000, v32;
	v5 =	vadd.f32 v34, v33  }
0x1a1: {  	v3 =	vadd.f32 v4, v3  }
0x1a2: {  	[tilespmem:s13+$0x8130] =	vst v5  }
0x1a3: {  	[tilespmem:s13+$0x9130] =	vst v3  }
0x1a4: {  	v3 =	vld [tilespmem:s12+$0x140]  }
0x1a5: {  	v35 =	vld [tilespmem:s12+$0x4140];
	_ =	sdelay $0x4  }
0x1a6: {  	v36 =	vshll.u32 v3, $0x10;
	v37 =	vshll.u32 v35, $0x10  }
0x1a7: {  	v3 =	vand.u32 $0xFFFF0000, v3;
	v4 =	vand.u32 $0xFFFF0000, v35;
	v5 =	vadd.f32 v37, v36  }
0x1a8: {  	v3 =	vadd.f32 v4, v3  }
0x1a9: {  	[tilespmem:s13+$0x8140] =	vst v5  }
0x1aa: {  	[tilespmem:s13+$0x9140] =	vst v3  }
0x1ab: {  	v3 =	vld [tilespmem:s12+$0x150]  }
0x1ac: {  	v38 =	vld [tilespmem:s12+$0x4150];
	_ =	sdelay $0x4  }
0x1ad: {  	v39 =	vshll.u32 v3, $0x10;
	v40 =	vshll.u32 v38, $0x10  }
0x1ae: {  	v3 =	vand.u32 $0xFFFF0000, v3;
	v4 =	vand.u32 $0xFFFF0000, v38;
	v5 =	vadd.f32 v40, v39  }
0x1af: {  	v3 =	vadd.f32 v4, v3  }
0x1b0: {  	[tilespmem:s13+$0x8150] =	vst v5  }
0x1b1: {  	[tilespmem:s13+$0x9150] =	vst v3  }
0x1b2: {  	v3 =	vld [tilespmem:s12+$0x160]  }
0x1b3: {  	v41 =	vld [tilespmem:s12+$0x4160];
	_ =	sdelay $0x4  }
0x1b4: {  	v42 =	vshll.u32 v3, $0x10;
	v43 =	vshll.u32 v41, $0x10  }
0x1b5: {  	v3 =	vand.u32 $0xFFFF0000, v3;
	v4 =	vand.u32 $0xFFFF0000, v41;
	v5 =	vadd.f32 v43, v42  }
0x1b6: {  	v3 =	vadd.f32 v4, v3  }
0x1b7: {  	[tilespmem:s13+$0x8160] =	vst v5  }
0x1b8: {  	[tilespmem:s13+$0x9160] =	vst v3  }
0x1b9: {  	v3 =	vld [tilespmem:s12+$0x170]  }
0x1ba: {  	v44 =	vld [tilespmem:s12+$0x4170];
	_ =	sdelay $0x4  }
0x1bb: {  	v45 =	vshll.u32 v3, $0x10;
	v46 =	vshll.u32 v44, $0x10  }
0x1bc: {  	v3 =	vand.u32 $0xFFFF0000, v3;
	v4 =	vand.u32 $0xFFFF0000, v44;
	v5 =	vadd.f32 v46, v45  }
0x1bd: {  	v3 =	vadd.f32 v4, v3  }
0x1be: {  	[tilespmem:s13+$0x8170] =	vst v5  }
0x1bf: {  	[tilespmem:s13+$0x9170] =	vst v3  }
0x1c0: {  	v3 =	vld [tilespmem:s12+$0x500]  }
0x1c1: {  	v47 =	vld [tilespmem:s12+$0x4500];
	_ =	sdelay $0x4  }
0x1c2: {  	v48 =	vshll.u32 v3, $0x10;
	v49 =	vshll.u32 v47, $0x10  }
0x1c3: {  	v3 =	vand.u32 $0xFFFF0000, v3;
	v4 =	vand.u32 $0xFFFF0000, v47;
	v5 =	vadd.f32 v49, v48  }
0x1c4: {  	v3 =	vadd.f32 v4, v3  }
0x1c5: {  	[tilespmem:s13+$0x8500] =	vst v5  }
0x1c6: {  	[tilespmem:s13+$0x9500] =	vst v3  }
0x1c7: {  	v3 =	vld [tilespmem:s12+$0x510]  }
0x1c8: {  	v50 =	vld [tilespmem:s12+$0x4510];
	_ =	sdelay $0x4  }
0x1c9: {  	v51 =	vshll.u32 v3, $0x10;
	v52 =	vshll.u32 v50, $0x10  }
0x1ca: {  	v3 =	vand.u32 $0xFFFF0000, v3;
	v4 =	vand.u32 $0xFFFF0000, v50;
	v5 =	vadd.f32 v52, v51  }
0x1cb: {  	v3 =	vadd.f32 v4, v3  }
0x1cc: {  	[tilespmem:s13+$0x8510] =	vst v5  }
0x1cd: {  	[tilespmem:s13+$0x9510] =	vst v3  }
0x1ce: {  	v3 =	vld [tilespmem:s12+$0x520]  }
0x1cf: {  	v53 =	vld [tilespmem:s12+$0x4520];
	_ =	sdelay $0x4  }
0x1d0: {  	v54 =	vshll.u32 v3, $0x10;
	v55 =	vshll.u32 v53, $0x10  }
0x1d1: {  	v3 =	vand.u32 $0xFFFF0000, v3;
	v4 =	vand.u32 $0xFFFF0000, v53;
	v5 =	vadd.f32 v55, v54  }
0x1d2: {  	v3 =	vadd.f32 v4, v3  }
0x1d3: {  	[tilespmem:s13+$0x8520] =	vst v5  }
0x1d4: {  	[tilespmem:s13+$0x9520] =	vst v3  }
0x1d5: {  	v3 =	vld [tilespmem:s12+$0x530]  }
0x1d6: {  	v56 =	vld [tilespmem:s12+$0x4530];
	_ =	sdelay $0x4  }
0x1d7: {  	v57 =	vshll.u32 v3, $0x10;
	v58 =	vshll.u32 v56, $0x10  }
0x1d8: {  	v3 =	vand.u32 $0xFFFF0000, v3;
	v4 =	vand.u32 $0xFFFF0000, v56;
	v5 =	vadd.f32 v58, v57  }
0x1d9: {  	v3 =	vadd.f32 v4, v3  }
0x1da: {  	[tilespmem:s13+$0x8530] =	vst v5  }
0x1db: {  	[tilespmem:s13+$0x9530] =	vst v3  }
0x1dc: {  	v3 =	vld [tilespmem:s12+$0x540]  }
0x1dd: {  	v59 =	vld [tilespmem:s12+$0x4540];
	_ =	sdelay $0x4  }
0x1de: {  	v60 =	vshll.u32 v3, $0x10;
	v61 =	vshll.u32 v59, $0x10  }
0x1df: {  	v3 =	vand.u32 $0xFFFF0000, v3;
	v4 =	vand.u32 $0xFFFF0000, v59;
	v5 =	vadd.f32 v61, v60  }
0x1e0: {  	v3 =	vadd.f32 v4, v3  }
0x1e1: {  	[tilespmem:s13+$0x8540] =	vst v5  }
0x1e2: {  	[tilespmem:s13+$0x9540] =	vst v3  }
0x1e3: {  	v3 =	vld [tilespmem:s12+$0x550]  }
0x1e4: {  	v62 =	vld [tilespmem:s12+$0x4550];
	_ =	sdelay $0x4  }
0x1e5: {  	v63 =	vshll.u32 v3, $0x10;
	v9 =	vshll.u32 v62, $0x10  }
0x1e6: {  	v3 =	vand.u32 $0xFFFF0000, v3;
	v4 =	vand.u32 $0xFFFF0000, v62;
	v5 =	vadd.f32 v9, v63  }
0x1e7: {  	v3 =	vadd.f32 v4, v3  }
0x1e8: {  	[tilespmem:s13+$0x8550] =	vst v5  }
0x1e9: {  	[tilespmem:s13+$0x9550] =	vst v3  }
0x1ea: {  	v3 =	vld [tilespmem:s12+$0x560]  }
0x1eb: {  	v10 =	vld [tilespmem:s12+$0x4560];
	_ =	sdelay $0x4  }
0x1ec: {  	v11 =	vshll.u32 v3, $0x10;
	v12 =	vshll.u32 v10, $0x10  }
0x1ed: {  	v3 =	vand.u32 $0xFFFF0000, v3;
	v4 =	vand.u32 $0xFFFF0000, v10;
	v5 =	vadd.f32 v12, v11  }
0x1ee: {  	v3 =	vadd.f32 v4, v3  }
0x1ef: {  	[tilespmem:s13+$0x8560] =	vst v5  }
0x1f0: {  	[tilespmem:s13+$0x9560] =	vst v3  }
0x1f1: {  	v3 =	vld [tilespmem:s12+$0x570]  }
0x1f2: {  	v13 =	vld [tilespmem:s12+$0x4570];
	_ =	sdelay $0x4  }
0x1f3: {  	v14 =	vshll.u32 v3, $0x10;
	v15 =	vshll.u32 v13, $0x10  }
0x1f4: {  	v3 =	vand.u32 $0xFFFF0000, v3;
	v4 =	vand.u32 $0xFFFF0000, v13;
	v5 =	vadd.f32 v15, v14  }
0x1f5: {  	v3 =	vadd.f32 v4, v3  }
0x1f6: {  	[tilespmem:s13+$0x8570] =	vst v5  }
0x1f7: {  	[tilespmem:s13+$0x9570] =	vst v3  }
0x1f8: {  	v3 =	vld [tilespmem:s12+$0x900]  }
0x1f9: {  	v16 =	vld [tilespmem:s12+$0x4900];
	_ =	sdelay $0x4  }
0x1fa: {  	v17 =	vshll.u32 v3, $0x10;
	v18 =	vshll.u32 v16, $0x10  }
0x1fb: {  	v3 =	vand.u32 $0xFFFF0000, v3;
	v4 =	vand.u32 $0xFFFF0000, v16;
	v5 =	vadd.f32 v18, v17  }
0x1fc: {  	v3 =	vadd.f32 v4, v3  }
0x1fd: {  	[tilespmem:s13+$0x8900] =	vst v5  }
0x1fe: {  	[tilespmem:s13+$0x9900] =	vst v3  }
0x1ff: {  	v3 =	vld [tilespmem:s12+$0x910]  }
0x200: {  	v19 =	vld [tilespmem:s12+$0x4910];
	_ =	sdelay $0x4  }
0x201: {  	v20 =	vshll.u32 v3, $0x10;
	v21 =	vshll.u32 v19, $0x10  }
0x202: {  	v3 =	vand.u32 $0xFFFF0000, v3;
	v4 =	vand.u32 $0xFFFF0000, v19;
	v5 =	vadd.f32 v21, v20  }
0x203: {  	v3 =	vadd.f32 v4, v3  }
0x204: {  	[tilespmem:s13+$0x8910] =	vst v5  }
0x205: {  	[tilespmem:s13+$0x9910] =	vst v3  }
0x206: {  	v3 =	vld [tilespmem:s12+$0x920]  }
0x207: {  	v22 =	vld [tilespmem:s12+$0x4920];
	_ =	sdelay $0x4  }
0x208: {  	v23 =	vshll.u32 v3, $0x10;
	v24 =	vshll.u32 v22, $0x10  }
0x209: {  	v3 =	vand.u32 $0xFFFF0000, v3;
	v4 =	vand.u32 $0xFFFF0000, v22;
	v5 =	vadd.f32 v24, v23  }
0x20a: {  	v3 =	vadd.f32 v4, v3  }
0x20b: {  	[tilespmem:s13+$0x8920] =	vst v5  }
0x20c: {  	[tilespmem:s13+$0x9920] =	vst v3  }
0x20d: {  	v3 =	vld [tilespmem:s12+$0x930]  }
0x20e: {  	v25 =	vld [tilespmem:s12+$0x4930];
	_ =	sdelay $0x4  }
0x20f: {  	v26 =	vshll.u32 v3, $0x10;
	v27 =	vshll.u32 v25, $0x10  }
0x210: {  	v3 =	vand.u32 $0xFFFF0000, v3;
	v4 =	vand.u32 $0xFFFF0000, v25;
	v5 =	vadd.f32 v27, v26  }
0x211: {  	v3 =	vadd.f32 v4, v3  }
0x212: {  	[tilespmem:s13+$0x8930] =	vst v5  }
0x213: {  	[tilespmem:s13+$0x9930] =	vst v3  }
0x214: {  	v3 =	vld [tilespmem:s12+$0x940]  }
0x215: {  	v28 =	vld [tilespmem:s12+$0x4940];
	_ =	sdelay $0x4  }
0x216: {  	v29 =	vshll.u32 v3, $0x10;
	v30 =	vshll.u32 v28, $0x10  }
0x217: {  	v3 =	vand.u32 $0xFFFF0000, v3;
	v4 =	vand.u32 $0xFFFF0000, v28;
	v5 =	vadd.f32 v30, v29  }
0x218: {  	v3 =	vadd.f32 v4, v3  }
0x219: {  	[tilespmem:s13+$0x8940] =	vst v5  }
0x21a: {  	[tilespmem:s13+$0x9940] =	vst v3  }
0x21b: {  	v3 =	vld [tilespmem:s12+$0x950]  }
0x21c: {  	v31 =	vld [tilespmem:s12+$0x4950];
	_ =	sdelay $0x4  }
0x21d: {  	v32 =	vshll.u32 v3, $0x10;
	v33 =	vshll.u32 v31, $0x10  }
0x21e: {  	v3 =	vand.u32 $0xFFFF0000, v3;
	v4 =	vand.u32 $0xFFFF0000, v31;
	v5 =	vadd.f32 v33, v32  }
0x21f: {  	v3 =	vadd.f32 v4, v3  }
0x220: {  	[tilespmem:s13+$0x8950] =	vst v5  }
0x221: {  	[tilespmem:s13+$0x9950] =	vst v3  }
0x222: {  	v3 =	vld [tilespmem:s12+$0x960]  }
0x223: {  	v34 =	vld [tilespmem:s12+$0x4960];
	_ =	sdelay $0x4  }
0x224: {  	v35 =	vshll.u32 v3, $0x10;
	v36 =	vshll.u32 v34, $0x10  }
0x225: {  	v3 =	vand.u32 $0xFFFF0000, v3;
	v4 =	vand.u32 $0xFFFF0000, v34;
	v5 =	vadd.f32 v36, v35  }
0x226: {  	v3 =	vadd.f32 v4, v3  }
0x227: {  	[tilespmem:s13+$0x8960] =	vst v5  }
0x228: {  	[tilespmem:s13+$0x9960] =	vst v3  }
0x229: {  	v3 =	vld [tilespmem:s12+$0x970]  }
0x22a: {  	v37 =	vld [tilespmem:s12+$0x4970];
	_ =	sdelay $0x4  }
0x22b: {  	v38 =	vshll.u32 v3, $0x10;
	v39 =	vshll.u32 v37, $0x10  }
0x22c: {  	v3 =	vand.u32 $0xFFFF0000, v3;
	v4 =	vand.u32 $0xFFFF0000, v37;
	v5 =	vadd.f32 v39, v38  }
0x22d: {  	v3 =	vadd.f32 v4, v3  }
0x22e: {  	[tilespmem:s13+$0x8970] =	vst v5  }
0x22f: {  	[tilespmem:s13+$0x9970] =	vst v3  }
0x230: {  	v3 =	vld [tilespmem:s12+$0xD00]  }
0x231: {  	v40 =	vld [tilespmem:s12+$0x4D00];
	_ =	sdelay $0x4  }
0x232: {  	v41 =	vshll.u32 v3, $0x10;
	v42 =	vshll.u32 v40, $0x10  }
0x233: {  	v3 =	vand.u32 $0xFFFF0000, v3;
	v4 =	vand.u32 $0xFFFF0000, v40;
	v5 =	vadd.f32 v42, v41  }
0x234: {  	v3 =	vadd.f32 v4, v3  }
0x235: {  	[tilespmem:s13+$0x8D00] =	vst v5  }
0x236: {  	[tilespmem:s13+$0x9D00] =	vst v3  }
0x237: {  	v3 =	vld [tilespmem:s12+$0xD10]  }
0x238: {  	v43 =	vld [tilespmem:s12+$0x4D10];
	_ =	sdelay $0x4  }
0x239: {  	v44 =	vshll.u32 v3, $0x10;
	v45 =	vshll.u32 v43, $0x10  }
0x23a: {  	v3 =	vand.u32 $0xFFFF0000, v3;
	v4 =	vand.u32 $0xFFFF0000, v43;
	v5 =	vadd.f32 v45, v44  }
0x23b: {  	v3 =	vadd.f32 v4, v3  }
0x23c: {  	[tilespmem:s13+$0x8D10] =	vst v5  }
0x23d: {  	[tilespmem:s13+$0x9D10] =	vst v3  }
0x23e: {  	v3 =	vld [tilespmem:s12+$0xD20]  }
0x23f: {  	v46 =	vld [tilespmem:s12+$0x4D20];
	_ =	sdelay $0x4  }
0x240: {  	v47 =	vshll.u32 v3, $0x10;
	v48 =	vshll.u32 v46, $0x10  }
0x241: {  	v3 =	vand.u32 $0xFFFF0000, v3;
	v4 =	vand.u32 $0xFFFF0000, v46;
	v5 =	vadd.f32 v48, v47  }
0x242: {  	v3 =	vadd.f32 v4, v3  }
0x243: {  	[tilespmem:s13+$0x8D20] =	vst v5  }
0x244: {  	[tilespmem:s13+$0x9D20] =	vst v3  }
0x245: {  	v3 =	vld [tilespmem:s12+$0xD30]  }
0x246: {  	v49 =	vld [tilespmem:s12+$0x4D30];
	_ =	sdelay $0x4  }
0x247: {  	v50 =	vshll.u32 v3, $0x10;
	v51 =	vshll.u32 v49, $0x10  }
0x248: {  	v3 =	vand.u32 $0xFFFF0000, v3;
	v4 =	vand.u32 $0xFFFF0000, v49;
	v5 =	vadd.f32 v51, v50  }
0x249: {  	v3 =	vadd.f32 v4, v3  }
0x24a: {  	[tilespmem:s13+$0x8D30] =	vst v5  }
0x24b: {  	[tilespmem:s13+$0x9D30] =	vst v3  }
0x24c: {  	v3 =	vld [tilespmem:s12+$0xD40]  }
0x24d: {  	v52 =	vld [tilespmem:s12+$0x4D40];
	_ =	sdelay $0x4  }
0x24e: {  	v53 =	vshll.u32 v3, $0x10;
	v54 =	vshll.u32 v52, $0x10  }
0x24f: {  	v3 =	vand.u32 $0xFFFF0000, v3;
	v4 =	vand.u32 $0xFFFF0000, v52;
	v5 =	vadd.f32 v54, v53  }
0x250: {  	v3 =	vadd.f32 v4, v3  }
0x251: {  	[tilespmem:s13+$0x8D40] =	vst v5  }
0x252: {  	[tilespmem:s13+$0x9D40] =	vst v3  }
0x253: {  	v3 =	vld [tilespmem:s12+$0xD50]  }
0x254: {  	v55 =	vld [tilespmem:s12+$0x4D50];
	_ =	sdelay $0x4  }
0x255: {  	v56 =	vshll.u32 v3, $0x10;
	v57 =	vshll.u32 v55, $0x10  }
0x256: {  	v3 =	vand.u32 $0xFFFF0000, v3;
	v4 =	vand.u32 $0xFFFF0000, v55;
	v5 =	vadd.f32 v57, v56  }
0x257: {  	v3 =	vadd.f32 v4, v3  }
0x258: {  	[tilespmem:s13+$0x8D50] =	vst v5  }
0x259: {  	[tilespmem:s13+$0x9D50] =	vst v3  }
0x25a: {  	v3 =	vld [tilespmem:s12+$0xD60]  }
0x25b: {  	v58 =	vld [tilespmem:s12+$0x4D60];
	_ =	sdelay $0x4  }
0x25c: {  	v59 =	vshll.u32 v3, $0x10;
	v60 =	vshll.u32 v58, $0x10  }
0x25d: {  	v3 =	vand.u32 $0xFFFF0000, v3;
	v4 =	vand.u32 $0xFFFF0000, v58;
	v5 =	vadd.f32 v60, v59  }
0x25e: {  	v3 =	vadd.f32 v4, v3  }
0x25f: {  	[tilespmem:s13+$0x8D60] =	vst v5  }
0x260: {  	[tilespmem:s13+$0x9D60] =	vst v3  }
0x261: {  	v3 =	vld [tilespmem:s12+$0xD70]  }
0x262: {  	v61 =	vld [tilespmem:s12+$0x4D70];
	_ =	sdelay $0x3  }
0x263: {  	p0 =	sne.s32 s11, $0x1F  }
.Ltmp1:
0x264: {  	v62 =	vshll.u32 v3, $0x10;
	v63 =	vshll.u32 v61, $0x10;
	(pc) =	sbr.rel @p0 .LBB2_4-.Ltmp1, $4  }
0x265: {  	v3 =	vand.u32 $0xFFFF0000, v3;
	v4 =	vand.u32 $0xFFFF0000, v61;
	v5 =	vadd.f32 v63, v62  }
0x266: {  	v3 =	vadd.f32 v4, v3  }
0x267: {  	[tilespmem:s13+$0x8D70] =	vst v5  }
0x268: {  	s1 =	sadd.s32 $0x80, s1;
	s11 =	sadd.s32 $0x1, s11;
	[tilespmem:s13+$0x9D70] =	vst v3  }
0x269: {  	s0 =	sadd.s32 $0x1, s0  }
0x26a: {  	p0 =	sne.s32 s0, s9  }
.Ltmp2:
0x26b: {  	_ = 	snop;
	(pc) =	sbr.rel @p0 .LBB2_1-.Ltmp2, $4  }
0x26c: {  	[hbm4b:s8+s2] =	stream.linear.scatter [tilespmem:s31], [sflag:$0x3], $0x8000, $0x38;
	[tilespmem:$0x10100] =	vst v63  }
0x26d: {  	_ =	swait.ge [sflag:s10], $0x8000  }
0x26e: {  	[sflag:s10] =	ssyncset.done $0x0  }
0x26f: {  	[sflag:s10] =	ssyncadd.s32 $0xFFFF8000  }
0x270: {  	_ =	sfence.sel $0x180000  }
0x271: {  	[bflag:$0x0] =	sbarrier.arrive $0xFFFF  }
0x272: {  	_ =	strace $0x9000004A  }
0x273: {  	s0 =	stileid.u32;
	[bflag:$0x2] =	sbarrier.arrive $0xFFFF  }
0x274: {  	p0 =	sne.s32 s0, $0x0;
	s0 =	rddreg [dreg:$0x2]  }
0x275: {  	s0 =	sadd.s32 @!p0 $0x100000, s0  }
0x276: {  	[sflag:s0] =	ssyncadd.tile.s32 @!p0 $0x1;
	_ =	shalt  }
.Lfunc_end2:
_tile_overlayer_lowered:
.L_overlay_start_2:
0x277: {  	(tag) =	ssettag $0x2  }
0x278: {  	s0 =	rddreg [dreg:$0x0];
	s2 =	stileid.u32  }
0x279: {  	s1 =	rddreg [dreg:$0x1];
	p0 =	sne.s32 s2, $0x0  }
0x27a: {  	s3 =	rddreg [dreg:$0x2];
	[bflag:$0x3] =	sbarrier.arrive $0xFFFF;
	s2 =	simm.s32 @!p0 $0x1C03  }
0x27b: {  	[timem:s3], [sflag:s2] =	dma.local @!p0 [hbm:s0], s1  }
0x27c: {  	s0 =	simm.s32 @!p0 $0x3  }
0x27d: {  	_ =	swait.ge @!p0 [sflag:s0], s1  }
0x27e: {  	s1 =	ssub.s32 @!p0 $0x0, s1;
	[sflag:s0] =	ssyncset.done @!p0 $0x0  }
0x27f: {  	[sflag:s0] =	ssyncadd.s32 @!p0 s1  }
0x280: {  	[bflag:$0x3] =	sbarrier.arrive $0xFFFF  }
0x281: {  	_ =	shalt  }

</sc_bundles>
